<compile_context>
chip_gen: v7x
topology: tpu7x:2x2x1
jax: 0.10.2.dev20260603
libtpu: 0.0.44.dev20260713+nightly
codegen_flags: <defaults>
</compile_context>

<pallas_src>
import functools

import jax
import jax.numpy as jnp
from jax import lax
from jax.experimental import pallas as pl
from jax.experimental.pallas import tpu as pltpu
from jax.experimental.pallas import tpu_sc as plsc

NX = NY = NZ = 256
NXYZ = NX * NY * NZ
N_POINTS = 524288
NW = 32
PTS_PER_W = N_POINTS // NW
C = 128
G = C // 16
NCHUNK = PTS_PER_W // C
NSLOT = 32

_SLOTS = (
    [(c, d, e) for (c, d) in ((1, 1), (1, 2), (2, 1), (2, 2)) for e in range(4)]
    + [(c, d, e) for c in (0, 3) for d in (1, 2) for e in (1, 2)]
    + [(c, d, e) for c in (1, 2) for d in (0, 3) for e in (1, 2)]
)
assert len(_SLOTS) == NSLOT
_D2_CORNERS = ((1, 1, 1), (2, 1, 1), (1, 2, 1), (1, 1, 2),
               (2, 1, 2), (1, 2, 2), (2, 2, 1), (2, 2, 2))


def _make_sc_call():
    mesh = plsc.VectorSubcoreMesh(core_axis_name="c", subcore_axis_name="s")

    @functools.partial(
        pl.kernel,
        out_type=jax.ShapeDtypeStruct((N_POINTS,), jnp.float32),
        mesh=mesh,
        compiler_params=pltpu.CompilerParams(needs_layout_passes=False,
                                             use_tc_tiling_on_sc=False),
        scratch_types=[
            pltpu.VMEM((384,), jnp.float32),
            pltpu.VMEM((32,), jnp.float32),
            pltpu.VMEM((PTS_PER_W,), jnp.float32),
            pltpu.VMEM((PTS_PER_W,), jnp.float32),
            pltpu.VMEM((PTS_PER_W,), jnp.float32),
            pltpu.VMEM((PTS_PER_W,), jnp.float32),
            pltpu.VMEM((PTS_PER_W,), jnp.float32),
            pltpu.VMEM((NSLOT, C), jnp.int32),
            pltpu.VMEM((NSLOT, C), jnp.int32),
            pltpu.VMEM((NSLOT, C), jnp.float32),
            pltpu.VMEM((NSLOT, C), jnp.float32),
            pltpu.VMEM((4, C), jnp.float32),
            pltpu.VMEM((4, C), jnp.float32),
            pltpu.SemaphoreType.DMA,
            pltpu.SemaphoreType.DMA,
        ],
    )
    def body(xs_hbm, ys_hbm, zs_hbm, phi_hbm, tb_hbm, xg_hbm, cst_hbm,
             out_hbm, coord_v, cst_v, xv, yv, zv, pv, rv,
             idx_a, idx_b, val_a, val_b, frac_a, frac_b, sem_a, sem_b):
        wid = lax.axis_index("s") * 2 + lax.axis_index("c")
        tbase = wid * PTS_PER_W
        pltpu.sync_copy(xg_hbm, coord_v)
        pltpu.sync_copy(cst_hbm, cst_v)
        pltpu.sync_copy(xs_hbm.at[pl.ds(tbase, PTS_PER_W)], xv)
        pltpu.sync_copy(ys_hbm.at[pl.ds(tbase, PTS_PER_W)], yv)
        pltpu.sync_copy(zs_hbm.at[pl.ds(tbase, PTS_PER_W)], zv)
        pltpu.sync_copy(phi_hbm.at[pl.ds(tbase, PTS_PER_W)], pv)
        xg0 = cst_v[pl.ds(0, 16)]
        dxv = cst_v[pl.ds(16, 16)]

        def axis_calc(p):
            t = (p - xg0) / dxv
            i = t.astype(jnp.int32)
            i = jnp.clip(i, 2, 256)
            ci = plsc.load_gather(coord_v, [i])
            ci1 = plsc.load_gather(coord_v, [i + 1])
            fd = (p - ci) / (ci1 - ci)
            a = i - 1
            return fd, (a - 1, a, jnp.minimum(a + 1, NX - 1),
                        jnp.minimum(a + 2, NX - 1))

        def fire(t, idx_v, frac_v, sem):
            def grp(g, carry):
                sl = pl.ds(g * 16, 16)
                psl = pl.ds(t * C + g * 16, 16)
                fx, xi = axis_calc(xv[psl])
                fy, yi = axis_calc(yv[psl])
                fz, zi = axis_calc(zv[psl])
                off = jnp.where(pv[psl] >= 0.0, jnp.int32(NXYZ), jnp.int32(0))
                frac_v[0, sl] = fx
                frac_v[1, sl] = fy
                frac_v[2, sl] = fz
                cols = {}
                for (c, d, _e) in _SLOTS:
                    if (c, d) not in cols:
                        cols[(c, d)] = (xi[c] * NY + yi[d]) * NZ + off
                for s, (c, d, e) in enumerate(_SLOTS):
                    idx_v[s, sl] = cols[(c, d)] + zi[e]
                return carry
            lax.fori_loop(0, G, grp, 0)
            for s in range(NSLOT):
                pltpu.async_copy(tb_hbm.at[idx_v.at[s]], val_v_of[id(idx_v)].at[s], sem)

        val_v_of = {id(idx_a): val_a, id(idx_b): val_b}

        def drain(idx_v, sem):
            val_v = val_v_of[id(idx_v)]
            for s in range(NSLOT):
                pltpu.make_async_copy(tb_hbm.at[idx_v.at[s]],
                                      val_v.at[s], sem).wait()

        def math(t, idx_v, frac_v):
            val_v = val_v_of[id(idx_v)]

            def grp(g, carry):
                sl = pl.ds(g * 16, 16)
                fx = frac_v[0, sl]
                fy = frac_v[1, sl]
                fz = frac_v[2, sl]
                v = {cde: val_v[s, sl] for s, cde in enumerate(_SLOTS)}
                c00 = v[1, 1, 1] * (1.0 - fx) + v[2, 1, 1] * fx
                c01 = v[1, 1, 2] * (1.0 - fx) + v[2, 1, 2] * fx
                c10 = v[1, 2, 1] * (1.0 - fx) + v[2, 2, 1] * fx
                c11 = v[1, 2, 2] * (1.0 - fx) + v[2, 2, 2] * fx
                c0 = c00 * (1.0 - fy) + c10 * fy
                c1 = c01 * (1.0 - fy) + c11 * fy
                cval = c0 * (1.0 - fz) + c1 * fz
                mdx = mdy = mdz = None
                for (c, d, e) in _D2_CORNERS:
                    d2x = jnp.abs(v[c + 1, d, e] - 2.0 * v[c, d, e]
                                  + v[c - 1, d, e])
                    d2y = jnp.abs(v[c, d + 1, e] - 2.0 * v[c, d, e]
                                  + v[c, d - 1, e])
                    d2z = jnp.abs(v[c, d, e + 1] - 2.0 * v[c, d, e]
                                  + v[c, d, e - 1])
                    mdx = d2x if mdx is None else jnp.minimum(mdx, d2x)
                    mdy = d2y if mdy is None else jnp.minimum(mdy, d2y)
                    mdz = d2z if mdz is None else jnp.minimum(mdz, d2z)
                cval = (cval
                        - mdx * 0.5 * fx * (1.0 - fx)
                        - mdy * 0.5 * fy * (1.0 - fy)
                        - mdz * 0.5 * fz * (1.0 - fz))
                rv[pl.ds(t * C + g * 16, 16)] = cval
                return carry
            lax.fori_loop(0, G, grp, 0)

        fire(0, idx_a, frac_a, sem_a)

        def pipe(k, carry):
            te = 2 * k
            fire(te + 1, idx_b, frac_b, sem_b)
            drain(idx_a, sem_a)
            math(te, idx_a, frac_a)

            @pl.when(k < NCHUNK // 2 - 1)
            def _():
                fire(te + 2, idx_a, frac_a, sem_a)

            drain(idx_b, sem_b)
            math(te + 1, idx_b, frac_b)
            return carry

        lax.fori_loop(0, NCHUNK // 2, pipe, 0)
        pltpu.sync_copy(rv, out_hbm.at[pl.ds(tbase, PTS_PER_W)])

    return body


_SC_CALL = _make_sc_call()


def kernel(r, phi_r, trainables_m, trainables_p):
    xc = jnp.linspace(-1.0, 1.0, NX, dtype=jnp.float32)
    dx = xc[1] - xc[0]
    xg = jnp.concatenate([xc[:1] - dx, xc, xc[-1:] + dx])
    xg = jnp.pad(xg, (0, 384 - NX - 2))
    tb = jnp.concatenate([trainables_m.reshape(-1), trainables_p.reshape(-1)])
    cst = jnp.concatenate([jnp.full((16,), xg[0]), jnp.full((16,), dx)])
    rt = r.T
    return _SC_CALL(rt[0], rt[1], rt[2], phi_r, tb, xg, cst)

# --- scband reference (transcript-rebuilt; emitter-appended) ---
"""Pipeline reference for scband-discrete-29678224015561 (READ-ONLY COPY).

The authoritative reference and input builder live on the scoring server;
editing this copy changes nothing except your own understanding.
"""

import jax, jax.numpy as jnp
import numpy as np

NX, NY, NZ = 256, 256, 256
XMIN, XMAX = -1.0, 1.0
YMIN, YMAX = -1.0, 1.0
ZMIN, ZMAX = -1.0, 1.0
N_POINTS = 524288


def add_ghost_layer_3d(x, y, z, c):
    dx = x[1] - x[0]
    dy = y[1] - y[0]
    dz = z[1] - z[0]
    x_ = jnp.concatenate([x[:1] - dx, x, x[-1:] + dx])
    y_ = jnp.concatenate([y[:1] - dy, y, y[-1:] + dy])
    z_ = jnp.concatenate([z[:1] - dz, z, z[-1:] + dz])
    c_ = jnp.pad(c, ((1, 1), (1, 1), (1, 1)), mode='edge')
    return x_, y_, z_, c_


def make_interp(c, xo, yo, zo):
    c_cube_ = c.reshape((xo.shape[0], yo.shape[0], zo.shape[0]))
    x, y, z, c_cube = add_ghost_layer_3d(xo, yo, zo, c_cube_)
    dx = x[1] - x[0]
    dy = y[1] - y[0]
    dz = z[1] - z[0]

    def single_cell_interp(point):
        x_p, y_p, z_p = point[0], point[1], point[2]
        i = ((x_p - x[0]) / dx).astype(jnp.int32)
        j = ((y_p - y[0]) / dy).astype(jnp.int32)
        k = ((z_p - z[0]) / dz).astype(jnp.int32)
        i = jnp.clip(i, 2, x.shape[0] - 2)
        j = jnp.clip(j, 2, y.shape[0] - 2)
        k = jnp.clip(k, 2, z.shape[0] - 2)
        c_000 = c_cube[i, j, k]
        c_100 = c_cube[i + 1, j, k]
        c_010 = c_cube[i, j + 1, k]
        c_001 = c_cube[i, j, k + 1]
        c_110 = c_cube[i + 1, j + 1, k]
        c_101 = c_cube[i + 1, j, k + 1]
        c_011 = c_cube[i, j + 1, k + 1]
        c_111 = c_cube[i + 1, j + 1, k + 1]
        dxl = x[i + 1] - x[i]
        dyl = y[j + 1] - y[j]
        dzl = z[k + 1] - z[k]
        x_d = (x_p - x[i]) / dxl
        y_d = (y_p - y[j]) / dyl
        z_d = (z_p - z[k]) / dzl
        c_00 = c_000 * (1.0 - x_d) + c_100 * x_d
        c_01 = c_001 * (1.0 - x_d) + c_101 * x_d
        c_10 = c_010 * (1.0 - x_d) + c_110 * x_d
        c_11 = c_011 * (1.0 - x_d) + c_111 * x_d
        c_0 = c_00 * (1.0 - y_d) + c_10 * y_d
        c_1 = c_01 * (1.0 - y_d) + c_11 * y_d
        cval = c_0 * (1.0 - z_d) + c_1 * z_d

        def d2(di, dj, dk):
            ii = i + di
            jj = j + dj
            kk = k + dk
            d2x = c_cube[ii + 1, jj, kk] - 2 * c_cube[ii, jj, kk] + c_cube[ii - 1, jj, kk]
            d2y = c_cube[ii, jj + 1, kk] - 2 * c_cube[ii, jj, kk] + c_cube[ii, jj - 1, kk]
            d2z = c_cube[ii, jj, kk + 1] - 2 * c_cube[ii, jj, kk] + c_cube[ii, jj, kk - 1]
            return d2x, d2y, d2z

        offs = [(0, 0, 0), (1, 0, 0), (0, 1, 0), (0, 0, 1), (1, 0, 1), (0, 1, 1), (1, 1, 0), (1, 1, 1)]
        d2xs, d2ys, d2zs = [], [], []
        for o in offs:
            a, b, cc = d2(*o)
            d2xs.append(jnp.abs(a))
            d2ys.append(jnp.abs(b))
            d2zs.append(jnp.abs(cc))
        d2c_dxx = jnp.min(jnp.stack(d2xs))
        d2c_dyy = jnp.min(jnp.stack(d2ys))
        d2c_dzz = jnp.min(jnp.stack(d2zs))
        cval = cval - d2c_dxx * 0.5 * x_d * (1.0 - x_d) - d2c_dyy * 0.5 * y_d * (1.0 - y_d) - d2c_dzz * 0.5 * z_d * (1.0 - z_d)
        return cval

    return single_cell_interp


def setup_inputs(seed: int = 0) -> dict:
    key = jax.random.key(seed)
    k1, k2, k3, k4 = jax.random.split(key, 4)
    r = jax.random.uniform(k1, (N_POINTS, 3), dtype=jnp.float32, minval=XMIN, maxval=XMAX)
    phi_r = jax.random.normal(k2, (N_POINTS,), dtype=jnp.float32)
    trainables_m = jax.random.normal(k3, (NX, NY, NZ), dtype=jnp.float32)
    trainables_p = jax.random.normal(k4, (NX, NY, NZ), dtype=jnp.float32)
    return {"r": r, "phi_r": phi_r, "trainables_m": trainables_m, "trainables_p": trainables_p}


def reference(r, phi_r, trainables_m, trainables_p):
    xc = jnp.linspace(XMIN, XMAX, NX, dtype=jnp.float32)
    yc = jnp.linspace(YMIN, YMAX, NY, dtype=jnp.float32)
    zc = jnp.linspace(ZMIN, ZMAX, NZ, dtype=jnp.float32)
    interp_m_fn = make_interp(trainables_m, xc, yc, zc)
    interp_p_fn = make_interp(trainables_p, xc, yc, zc)
    vm = jax.vmap(interp_m_fn)(r)
    vp = jax.vmap(interp_p_fn)(r)
    return jnp.where(phi_r >= 0, vp, vm)

if __name__ == "__main__":
    import jax
    _d = setup_inputs()
    print(jax.jit(kernel)(*tuple(_d.values())))

</pallas_src>

<mosaic_0001>
#map = affine_map<(d0, d1) -> (0)>
module attributes {stable_mosaic.version = 14 : i64} {
  func.func @body(%arg0: i32, %arg1: i32, %arg2: memref<524288xf32, #tpu.memory_space<hbm>>, %arg3: memref<524288xf32, #tpu.memory_space<hbm>>, %arg4: memref<524288xf32, #tpu.memory_space<hbm>>, %arg5: memref<524288xf32, #tpu.memory_space<hbm>>, %arg6: memref<33554432xf32, #tpu.memory_space<hbm>>, %arg7: memref<384xf32, #tpu.memory_space<hbm>>, %arg8: memref<32xf32, #tpu.memory_space<hbm>>, %arg9: memref<524288xf32, #tpu.memory_space<hbm>>, %arg10: memref<384xf32, #tpu.memory_space<vmem>>, %arg11: memref<32xf32, #tpu.memory_space<vmem>>, %arg12: memref<16384xf32, #tpu.memory_space<vmem>>, %arg13: memref<16384xf32, #tpu.memory_space<vmem>>, %arg14: memref<16384xf32, #tpu.memory_space<vmem>>, %arg15: memref<16384xf32, #tpu.memory_space<vmem>>, %arg16: memref<16384xf32, #tpu.memory_space<vmem>>, %arg17: memref<32x128xi32, #tpu.memory_space<vmem>>, %arg18: memref<32x128xi32, #tpu.memory_space<vmem>>, %arg19: memref<32x128xf32, #tpu.memory_space<vmem>>, %arg20: memref<32x128xf32, #tpu.memory_space<vmem>>, %arg21: memref<4x128xf32, #tpu.memory_space<vmem>>, %arg22: memref<4x128xf32, #tpu.memory_space<vmem>>, %arg23: memref<!tpu.dma_semaphore, #tpu.memory_space<semaphore_mem>>, %arg24: memref<!tpu.dma_semaphore, #tpu.memory_space<semaphore_mem>>) attributes {dimension_semantics = [#tpu.dimension_semantics<core_parallel>, #tpu.dimension_semantics<subcore_parallel>], iteration_bounds = array<i64: 2, 16>, scalar_prefetch = 0 : i64, scratch_operands = 15 : i64, tpu.core_type = #tpu.core_type<sc_vector_subcore>, window_params = [{transform_indices = #map}, {transform_indices = #map}, {transform_indices = #map}, {transform_indices = #map}, {transform_indices = #map}, {transform_indices = #map}, {transform_indices = #map}, {transform_indices = #map}]} {
    %mul3A = arith.constant 2 : i32
    %mul3A_0 = arith.muli %arg1, %mul3A : i32
    %add3A = arith.addi %mul3A_0, %arg0 : i32
    %mul3A_1 = arith.constant 16384 : i32
    %mul3A_2 = arith.muli %add3A, %mul3A_1 : i32
    "tpu.region"() ({
      %run_scoped3A = tpu.sem_alloc : memref<!tpu.dma_semaphore, #tpu.memory_space<semaphore_mem>>
      tpu.enqueue_dma source(%arg7 : memref<384xf32, #tpu.memory_space<hbm>>) target(%arg10 : memref<384xf32, #tpu.memory_space<vmem>>) target_semaphore(%run_scoped3A : memref<!tpu.dma_semaphore, #tpu.memory_space<semaphore_mem>>)
      tpu.wait_dma2 semaphore(%run_scoped3A : memref<!tpu.dma_semaphore, #tpu.memory_space<semaphore_mem>>) src(%arg7 : memref<384xf32, #tpu.memory_space<hbm>>) dst(%arg10 : memref<384xf32, #tpu.memory_space<vmem>>)
      tpu.yield
    }) : () -> ()
    "tpu.region"() ({
      %run_scoped3A = tpu.sem_alloc : memref<!tpu.dma_semaphore, #tpu.memory_space<semaphore_mem>>
      tpu.enqueue_dma source(%arg8 : memref<32xf32, #tpu.memory_space<hbm>>) target(%arg11 : memref<32xf32, #tpu.memory_space<vmem>>) target_semaphore(%run_scoped3A : memref<!tpu.dma_semaphore, #tpu.memory_space<semaphore_mem>>)
      tpu.wait_dma2 semaphore(%run_scoped3A : memref<!tpu.dma_semaphore, #tpu.memory_space<semaphore_mem>>) src(%arg8 : memref<32xf32, #tpu.memory_space<hbm>>) dst(%arg11 : memref<32xf32, #tpu.memory_space<vmem>>)
      tpu.yield
    }) : () -> ()
    "tpu.region"() ({
      %run_scoped3A = tpu.sem_alloc : memref<!tpu.dma_semaphore, #tpu.memory_space<semaphore_mem>>
      %dma_start3A_336 = tpu.memref_slice %arg2[%mul3A_2] : memref<524288xf32, #tpu.memory_space<hbm>> -> memref<16384xf32, #tpu.memory_space<hbm>>
      %dma_start3A_337 = tpu.memref_slice %arg2[%mul3A_2] : memref<524288xf32, #tpu.memory_space<hbm>> -> memref<16384xf32, #tpu.memory_space<hbm>>
      tpu.enqueue_dma source(%dma_start3A_337 : memref<16384xf32, #tpu.memory_space<hbm>>) target(%arg12 : memref<16384xf32, #tpu.memory_space<vmem>>) target_semaphore(%run_scoped3A : memref<!tpu.dma_semaphore, #tpu.memory_space<semaphore_mem>>)
      %dma_wait3A = tpu.memref_slice %arg2[%mul3A_2] : memref<524288xf32, #tpu.memory_space<hbm>> -> memref<16384xf32, #tpu.memory_space<hbm>>
      %dma_wait3A_338 = tpu.memref_slice %arg2[%mul3A_2] : memref<524288xf32, #tpu.memory_space<hbm>> -> memref<16384xf32, #tpu.memory_space<hbm>>
      tpu.wait_dma2 semaphore(%run_scoped3A : memref<!tpu.dma_semaphore, #tpu.memory_space<semaphore_mem>>) src(%dma_wait3A_338 : memref<16384xf32, #tpu.memory_space<hbm>>) dst(%arg12 : memref<16384xf32, #tpu.memory_space<vmem>>)
      tpu.yield
    }) : () -> ()
    "tpu.region"() ({
      %run_scoped3A = tpu.sem_alloc : memref<!tpu.dma_semaphore, #tpu.memory_space<semaphore_mem>>
      %dma_start3A_336 = tpu.memref_slice %arg3[%mul3A_2] : memref<524288xf32, #tpu.memory_space<hbm>> -> memref<16384xf32, #tpu.memory_space<hbm>>
      %dma_start3A_337 = tpu.memref_slice %arg3[%mul3A_2] : memref<524288xf32, #tpu.memory_space<hbm>> -> memref<16384xf32, #tpu.memory_space<hbm>>
      tpu.enqueue_dma source(%dma_start3A_337 : memref<16384xf32, #tpu.memory_space<hbm>>) target(%arg13 : memref<16384xf32, #tpu.memory_space<vmem>>) target_semaphore(%run_scoped3A : memref<!tpu.dma_semaphore, #tpu.memory_space<semaphore_mem>>)
      %dma_wait3A = tpu.memref_slice %arg3[%mul3A_2] : memref<524288xf32, #tpu.memory_space<hbm>> -> memref<16384xf32, #tpu.memory_space<hbm>>
      %dma_wait3A_338 = tpu.memref_slice %arg3[%mul3A_2] : memref<524288xf32, #tpu.memory_space<hbm>> -> memref<16384xf32, #tpu.memory_space<hbm>>
      tpu.wait_dma2 semaphore(%run_scoped3A : memref<!tpu.dma_semaphore, #tpu.memory_space<semaphore_mem>>) src(%dma_wait3A_338 : memref<16384xf32, #tpu.memory_space<hbm>>) dst(%arg13 : memref<16384xf32, #tpu.memory_space<vmem>>)
      tpu.yield
    }) : () -> ()
    "tpu.region"() ({
      %run_scoped3A = tpu.sem_alloc : memref<!tpu.dma_semaphore, #tpu.memory_space<semaphore_mem>>
      %dma_start3A_336 = tpu.memref_slice %arg4[%mul3A_2] : memref<524288xf32, #tpu.memory_space<hbm>> -> memref<16384xf32, #tpu.memory_space<hbm>>
      %dma_start3A_337 = tpu.memref_slice %arg4[%mul3A_2] : memref<524288xf32, #tpu.memory_space<hbm>> -> memref<16384xf32, #tpu.memory_space<hbm>>
      tpu.enqueue_dma source(%dma_start3A_337 : memref<16384xf32, #tpu.memory_space<hbm>>) target(%arg14 : memref<16384xf32, #tpu.memory_space<vmem>>) target_semaphore(%run_scoped3A : memref<!tpu.dma_semaphore, #tpu.memory_space<semaphore_mem>>)
      %dma_wait3A = tpu.memref_slice %arg4[%mul3A_2] : memref<524288xf32, #tpu.memory_space<hbm>> -> memref<16384xf32, #tpu.memory_space<hbm>>
      %dma_wait3A_338 = tpu.memref_slice %arg4[%mul3A_2] : memref<524288xf32, #tpu.memory_space<hbm>> -> memref<16384xf32, #tpu.memory_space<hbm>>
      tpu.wait_dma2 semaphore(%run_scoped3A : memref<!tpu.dma_semaphore, #tpu.memory_space<semaphore_mem>>) src(%dma_wait3A_338 : memref<16384xf32, #tpu.memory_space<hbm>>) dst(%arg14 : memref<16384xf32, #tpu.memory_space<vmem>>)
      tpu.yield
    }) : () -> ()
    "tpu.region"() ({
      %run_scoped3A = tpu.sem_alloc : memref<!tpu.dma_semaphore, #tpu.memory_space<semaphore_mem>>
      %dma_start3A_336 = tpu.memref_slice %arg5[%mul3A_2] : memref<524288xf32, #tpu.memory_space<hbm>> -> memref<16384xf32, #tpu.memory_space<hbm>>
      %dma_start3A_337 = tpu.memref_slice %arg5[%mul3A_2] : memref<524288xf32, #tpu.memory_space<hbm>> -> memref<16384xf32, #tpu.memory_space<hbm>>
      tpu.enqueue_dma source(%dma_start3A_337 : memref<16384xf32, #tpu.memory_space<hbm>>) target(%arg15 : memref<16384xf32, #tpu.memory_space<vmem>>) target_semaphore(%run_scoped3A : memref<!tpu.dma_semaphore, #tpu.memory_space<semaphore_mem>>)
      %dma_wait3A = tpu.memref_slice %arg5[%mul3A_2] : memref<524288xf32, #tpu.memory_space<hbm>> -> memref<16384xf32, #tpu.memory_space<hbm>>
      %dma_wait3A_338 = tpu.memref_slice %arg5[%mul3A_2] : memref<524288xf32, #tpu.memory_space<hbm>> -> memref<16384xf32, #tpu.memory_space<hbm>>
      tpu.wait_dma2 semaphore(%run_scoped3A : memref<!tpu.dma_semaphore, #tpu.memory_space<semaphore_mem>>) src(%dma_wait3A_338 : memref<16384xf32, #tpu.memory_space<hbm>>) dst(%arg15 : memref<16384xf32, #tpu.memory_space<vmem>>)
      tpu.yield
    }) : () -> ()
    %get3A = arith.constant 0 : index
    %get3A_3 = tpu.vector_load %arg11[%get3A] {strides = array<i32>} : memref<32xf32, #tpu.memory_space<vmem>>, vector<16xf32>,
    %get3A_4 = arith.constant 16 : index
    %get3A_5 = tpu.vector_load %arg11[%get3A_4] {strides = array<i32>} : memref<32xf32, #tpu.memory_space<vmem>>, vector<16xf32>,
    %scan3A = arith.constant 0 : i32
    %scan3A_6 = arith.constant 0 : i32
    %scan3A_7 = arith.constant 8 : i32
    %scan3A_8 = arith.addi %scan3A_6, %scan3A_7 : i32
    %scan3A_9 = arith.constant 1 : i32
    scf.for %scan3A_336 = %scan3A_6 to %scan3A_8 step %scan3A_9  : i32 {
      %mul3A_337 = arith.constant 16 : i32
      %mul3A_338 = arith.muli %scan3A_336, %mul3A_337 : i32
      %mul3A_339 = arith.constant 16 : i32
      %mul3A_340 = arith.muli %scan3A_336, %mul3A_339 : i32
      %add3A_341 = arith.constant 0 : i32
      %add3A_342 = arith.addi %add3A_341, %mul3A_340 : i32
      %get3A_343 = arith.index_cast %add3A_342 : i32 to index
      %get3A_344 = tpu.vector_load %arg12[%get3A_343] {strides = array<i32>} : memref<16384xf32, #tpu.memory_space<vmem>>, vector<16xf32>,
      %sub3A = arith.subf %get3A_344, %get3A_3 : vector<16xf32>
      %div3A = arith.divf %sub3A, %get3A_5 : vector<16xf32>
      %convert_element_type3A = arith.fptosi %div3A : vector<16xf32> to vector<16xi32>
      %jit3A = arith.constant 2 : i32
      %jit3A_345 = arith.constant 256 : i32
      %max3A = vector.broadcast %jit3A : i32 to vector<16xi32>
      %max3A_346 = arith.maxsi %max3A, %convert_element_type3A : vector<16xi32>
      %min3A = vector.broadcast %jit3A_345 : i32 to vector<16xi32>
      %min3A_347 = arith.minsi %min3A, %max3A_346 : vector<16xi32>
      %gather3A = tpu.vector_load_idx %arg10[%min3A_347] : memref<384xf32, #tpu.memory_space<vmem>>[vector<16xi32>], vector<16xf32>,
      %add3A_348 = arith.constant 1 : i32
      %add3A_349 = vector.broadcast %add3A_348 : i32 to vector<16xi32>
      %add3A_350 = arith.addi %min3A_347, %add3A_349 : vector<16xi32>
      %gather3A_351 = tpu.vector_load_idx %arg10[%add3A_350] : memref<384xf32, #tpu.memory_space<vmem>>[vector<16xi32>], vector<16xf32>,
      %sub3A_352 = arith.subf %get3A_344, %gather3A : vector<16xf32>
      %sub3A_353 = arith.subf %gather3A_351, %gather3A : vector<16xf32>
      %div3A_354 = arith.divf %sub3A_352, %sub3A_353 : vector<16xf32>
      %sub3A_355 = arith.constant 1 : i32
      %sub3A_356 = vector.broadcast %sub3A_355 : i32 to vector<16xi32>
      %sub3A_357 = arith.subi %min3A_347, %sub3A_356 : vector<16xi32>
      %sub3A_358 = arith.constant 1 : i32
      %sub3A_359 = vector.broadcast %sub3A_358 : i32 to vector<16xi32>
      %sub3A_360 = arith.subi %sub3A_357, %sub3A_359 : vector<16xi32>
      %add3A_361 = arith.constant 1 : i32
      %add3A_362 = vector.broadcast %add3A_361 : i32 to vector<16xi32>
      %add3A_363 = arith.addi %sub3A_357, %add3A_362 : vector<16xi32>
      %min3A_364 = arith.constant 255 : i32
      %min3A_365 = vector.broadcast %min3A_364 : i32 to vector<16xi32>
      %min3A_366 = arith.minsi %add3A_363, %min3A_365 : vector<16xi32>
      %add3A_367 = arith.constant 2 : i32
      %add3A_368 = vector.broadcast %add3A_367 : i32 to vector<16xi32>
      %add3A_369 = arith.addi %sub3A_357, %add3A_368 : vector<16xi32>
      %min3A_370 = arith.constant 255 : i32
      %min3A_371 = vector.broadcast %min3A_370 : i32 to vector<16xi32>
      %min3A_372 = arith.minsi %add3A_369, %min3A_371 : vector<16xi32>
      %get3A_373 = arith.index_cast %add3A_342 : i32 to index
      %get3A_374 = tpu.vector_load %arg13[%get3A_373] {strides = array<i32>} : memref<16384xf32, #tpu.memory_space<vmem>>, vector<16xf32>,
      %sub3A_375 = arith.subf %get3A_374, %get3A_3 : vector<16xf32>
      %div3A_376 = arith.divf %sub3A_375, %get3A_5 : vector<16xf32>
      %convert_element_type3A_377 = arith.fptosi %div3A_376 : vector<16xf32> to vector<16xi32>
      %jit3A_378 = arith.constant 2 : i32
      %jit3A_379 = arith.constant 256 : i32
      %max3A_380 = vector.broadcast %jit3A_378 : i32 to vector<16xi32>
      %max3A_381 = arith.maxsi %max3A_380, %convert_element_type3A_377 : vector<16xi32>
      %min3A_382 = vector.broadcast %jit3A_379 : i32 to vector<16xi32>
      %min3A_383 = arith.minsi %min3A_382, %max3A_381 : vector<16xi32>
      %gather3A_384 = tpu.vector_load_idx %arg10[%min3A_383] : memref<384xf32, #tpu.memory_space<vmem>>[vector<16xi32>], vector<16xf32>,
      %add3A_385 = arith.constant 1 : i32
      %add3A_386 = vector.broadcast %add3A_385 : i32 to vector<16xi32>
      %add3A_387 = arith.addi %min3A_383, %add3A_386 : vector<16xi32>
      %gather3A_388 = tpu.vector_load_idx %arg10[%add3A_387] : memref<384xf32, #tpu.memory_space<vmem>>[vector<16xi32>], vector<16xf32>,
      %sub3A_389 = arith.subf %get3A_374, %gather3A_384 : vector<16xf32>
      %sub3A_390 = arith.subf %gather3A_388, %gather3A_384 : vector<16xf32>
      %div3A_391 = arith.divf %sub3A_389, %sub3A_390 : vector<16xf32>
      %sub3A_392 = arith.constant 1 : i32
      %sub3A_393 = vector.broadcast %sub3A_392 : i32 to vector<16xi32>
      %sub3A_394 = arith.subi %min3A_383, %sub3A_393 : vector<16xi32>
      %sub3A_395 = arith.constant 1 : i32
      %sub3A_396 = vector.broadcast %sub3A_395 : i32 to vector<16xi32>
      %sub3A_397 = arith.subi %sub3A_394, %sub3A_396 : vector<16xi32>
      %add3A_398 = arith.constant 1 : i32
      %add3A_399 = vector.broadcast %add3A_398 : i32 to vector<16xi32>
      %add3A_400 = arith.addi %sub3A_394, %add3A_399 : vector<16xi32>
      %min3A_401 = arith.constant 255 : i32
      %min3A_402 = vector.broadcast %min3A_401 : i32 to vector<16xi32>
      %min3A_403 = arith.minsi %add3A_400, %min3A_402 : vector<16xi32>
      %add3A_404 = arith.constant 2 : i32
      %add3A_405 = vector.broadcast %add3A_404 : i32 to vector<16xi32>
      %add3A_406 = arith.addi %sub3A_394, %add3A_405 : vector<16xi32>
      %min3A_407 = arith.constant 255 : i32
      %min3A_408 = vector.broadcast %min3A_407 : i32 to vector<16xi32>
      %min3A_409 = arith.minsi %add3A_406, %min3A_408 : vector<16xi32>
      %get3A_410 = arith.index_cast %add3A_342 : i32 to index
      %get3A_411 = tpu.vector_load %arg14[%get3A_410] {strides = array<i32>} : memref<16384xf32, #tpu.memory_space<vmem>>, vector<16xf32>,
      %sub3A_412 = arith.subf %get3A_411, %get3A_3 : vector<16xf32>
      %div3A_413 = arith.divf %sub3A_412, %get3A_5 : vector<16xf32>
      %convert_element_type3A_414 = arith.fptosi %div3A_413 : vector<16xf32> to vector<16xi32>
      %jit3A_415 = arith.constant 2 : i32
      %jit3A_416 = arith.constant 256 : i32
      %max3A_417 = vector.broadcast %jit3A_415 : i32 to vector<16xi32>
      %max3A_418 = arith.maxsi %max3A_417, %convert_element_type3A_414 : vector<16xi32>
      %min3A_419 = vector.broadcast %jit3A_416 : i32 to vector<16xi32>
      %min3A_420 = arith.minsi %min3A_419, %max3A_418 : vector<16xi32>
      %gather3A_421 = tpu.vector_load_idx %arg10[%min3A_420] : memref<384xf32, #tpu.memory_space<vmem>>[vector<16xi32>], vector<16xf32>,
      %add3A_422 = arith.constant 1 : i32
      %add3A_423 = vector.broadcast %add3A_422 : i32 to vector<16xi32>
      %add3A_424 = arith.addi %min3A_420, %add3A_423 : vector<16xi32>
      %gather3A_425 = tpu.vector_load_idx %arg10[%add3A_424] : memref<384xf32, #tpu.memory_space<vmem>>[vector<16xi32>], vector<16xf32>,
      %sub3A_426 = arith.subf %get3A_411, %gather3A_421 : vector<16xf32>
      %sub3A_427 = arith.subf %gather3A_425, %gather3A_421 : vector<16xf32>
      %div3A_428 = arith.divf %sub3A_426, %sub3A_427 : vector<16xf32>
      %sub3A_429 = arith.constant 1 : i32
      %sub3A_430 = vector.broadcast %sub3A_429 : i32 to vector<16xi32>
      %sub3A_431 = arith.subi %min3A_420, %sub3A_430 : vector<16xi32>
      %sub3A_432 = arith.constant 1 : i32
      %sub3A_433 = vector.broadcast %sub3A_432 : i32 to vector<16xi32>
      %sub3A_434 = arith.subi %sub3A_431, %sub3A_433 : vector<16xi32>
      %add3A_435 = arith.constant 1 : i32
      %add3A_436 = vector.broadcast %add3A_435 : i32 to vector<16xi32>
      %add3A_437 = arith.addi %sub3A_431, %add3A_436 : vector<16xi32>
      %min3A_438 = arith.constant 255 : i32
      %min3A_439 = vector.broadcast %min3A_438 : i32 to vector<16xi32>
      %min3A_440 = arith.minsi %add3A_437, %min3A_439 : vector<16xi32>
      %add3A_441 = arith.constant 2 : i32
      %add3A_442 = vector.broadcast %add3A_441 : i32 to vector<16xi32>
      %add3A_443 = arith.addi %sub3A_431, %add3A_442 : vector<16xi32>
      %min3A_444 = arith.constant 255 : i32
      %min3A_445 = vector.broadcast %min3A_444 : i32 to vector<16xi32>
      %min3A_446 = arith.minsi %add3A_443, %min3A_445 : vector<16xi32>
      %get3A_447 = arith.index_cast %add3A_342 : i32 to index
      %get3A_448 = tpu.vector_load %arg15[%get3A_447] {strides = array<i32>} : memref<16384xf32, #tpu.memory_space<vmem>>, vector<16xf32>,
      %ge3A = arith.constant 0.000000e+00 : f32
      %ge3A_449 = vector.broadcast %ge3A : f32 to vector<16xf32>
      %ge3A_450 = arith.cmpf oge, %get3A_448, %ge3A_449 : vector<16xf32>
      %jit3A_451 = arith.constant 16777216 : i32
      %jit3A_452 = arith.constant 0 : i32
      %broadcast_in_dim3A = vector.broadcast %jit3A_451 : i32 to vector<16xi32>
      %broadcast_in_dim3A_453 = vector.broadcast %jit3A_452 : i32 to vector<16xi32>
      %select_n3A = arith.select %ge3A_450, %broadcast_in_dim3A, %broadcast_in_dim3A_453 : vector<16xi1>, vector<16xi32>
      %swap3A = arith.constant 0 : i32
      %swap3A_454 = arith.index_cast %swap3A : i32 to index
      %swap3A_455 = arith.index_cast %mul3A_338 : i32 to index
      %swap3A_456 = tpu.vector_load %arg21[%swap3A_454, %swap3A_455] {strides = array<i32>} : memref<4x128xf32, #tpu.memory_space<vmem>>, vector<16xf32>,
      tpu.vector_store %arg21[%swap3A_454, %swap3A_455], %div3A_354 {strides = array<i32>} : memref<4x128xf32, #tpu.memory_space<vmem>>, vector<16xf32>,
      %swap3A_457 = arith.constant 1 : i32
      %swap3A_458 = arith.index_cast %swap3A_457 : i32 to index
      %swap3A_459 = arith.index_cast %mul3A_338 : i32 to index
      %swap3A_460 = tpu.vector_load %arg21[%swap3A_458, %swap3A_459] {strides = array<i32>} : memref<4x128xf32, #tpu.memory_space<vmem>>, vector<16xf32>,
      tpu.vector_store %arg21[%swap3A_458, %swap3A_459], %div3A_391 {strides = array<i32>} : memref<4x128xf32, #tpu.memory_space<vmem>>, vector<16xf32>,
      %swap3A_461 = arith.constant 2 : i32
      %swap3A_462 = arith.index_cast %swap3A_461 : i32 to index
      %swap3A_463 = arith.index_cast %mul3A_338 : i32 to index
      %swap3A_464 = tpu.vector_load %arg21[%swap3A_462, %swap3A_463] {strides = array<i32>} : memref<4x128xf32, #tpu.memory_space<vmem>>, vector<16xf32>,
      tpu.vector_store %arg21[%swap3A_462, %swap3A_463], %div3A_428 {strides = array<i32>} : memref<4x128xf32, #tpu.memory_space<vmem>>, vector<16xf32>,
      %mul3A_465 = arith.constant 256 : i32
      %mul3A_466 = vector.broadcast %mul3A_465 : i32 to vector<16xi32>
      %mul3A_467 = arith.muli %sub3A_357, %mul3A_466 : vector<16xi32>
      %add3A_468 = arith.addi %mul3A_467, %sub3A_394 : vector<16xi32>
      %mul3A_469 = arith.constant 256 : i32
      %mul3A_470 = vector.broadcast %mul3A_469 : i32 to vector<16xi32>
      %mul3A_471 = arith.muli %add3A_468, %mul3A_470 : vector<16xi32>
      %add3A_472 = arith.addi %mul3A_471, %select_n3A : vector<16xi32>
      %mul3A_473 = arith.constant 256 : i32
      %mul3A_474 = vector.broadcast %mul3A_473 : i32 to vector<16xi32>
      %mul3A_475 = arith.muli %sub3A_357, %mul3A_474 : vector<16xi32>
      %add3A_476 = arith.addi %mul3A_475, %min3A_403 : vector<16xi32>
      %mul3A_477 = arith.constant 256 : i32
      %mul3A_478 = vector.broadcast %mul3A_477 : i32 to vector<16xi32>
      %mul3A_479 = arith.muli %add3A_476, %mul3A_478 : vector<16xi32>
      %add3A_480 = arith.addi %mul3A_479, %select_n3A : vector<16xi32>
      %mul3A_481 = arith.constant 256 : i32
      %mul3A_482 = vector.broadcast %mul3A_481 : i32 to vector<16xi32>
      %mul3A_483 = arith.muli %min3A_366, %mul3A_482 : vector<16xi32>
      %add3A_484 = arith.addi %mul3A_483, %sub3A_394 : vector<16xi32>
      %mul3A_485 = arith.constant 256 : i32
      %mul3A_486 = vector.broadcast %mul3A_485 : i32 to vector<16xi32>
      %mul3A_487 = arith.muli %add3A_484, %mul3A_486 : vector<16xi32>
      %add3A_488 = arith.addi %mul3A_487, %select_n3A : vector<16xi32>
      %mul3A_489 = arith.constant 256 : i32
      %mul3A_490 = vector.broadcast %mul3A_489 : i32 to vector<16xi32>
      %mul3A_491 = arith.muli %min3A_366, %mul3A_490 : vector<16xi32>
      %add3A_492 = arith.addi %mul3A_491, %min3A_403 : vector<16xi32>
      %mul3A_493 = arith.constant 256 : i32
      %mul3A_494 = vector.broadcast %mul3A_493 : i32 to vector<16xi32>
      %mul3A_495 = arith.muli %add3A_492, %mul3A_494 : vector<16xi32>
      %add3A_496 = arith.addi %mul3A_495, %select_n3A : vector<16xi32>
      %mul3A_497 = arith.constant 256 : i32
      %mul3A_498 = vector.broadcast %mul3A_497 : i32 to vector<16xi32>
      %mul3A_499 = arith.muli %sub3A_360, %mul3A_498 : vector<16xi32>
      %add3A_500 = arith.addi %mul3A_499, %sub3A_394 : vector<16xi32>
      %mul3A_501 = arith.constant 256 : i32
      %mul3A_502 = vector.broadcast %mul3A_501 : i32 to vector<16xi32>
      %mul3A_503 = arith.muli %add3A_500, %mul3A_502 : vector<16xi32>
      %add3A_504 = arith.addi %mul3A_503, %select_n3A : vector<16xi32>
      %mul3A_505 = arith.constant 256 : i32
      %mul3A_506 = vector.broadcast %mul3A_505 : i32 to vector<16xi32>
      %mul3A_507 = arith.muli %sub3A_360, %mul3A_506 : vector<16xi32>
      %add3A_508 = arith.addi %mul3A_507, %min3A_403 : vector<16xi32>
      %mul3A_509 = arith.constant 256 : i32
      %mul3A_510 = vector.broadcast %mul3A_509 : i32 to vector<16xi32>
      %mul3A_511 = arith.muli %add3A_508, %mul3A_510 : vector<16xi32>
      %add3A_512 = arith.addi %mul3A_511, %select_n3A : vector<16xi32>
      %mul3A_513 = arith.constant 256 : i32
      %mul3A_514 = vector.broadcast %mul3A_513 : i32 to vector<16xi32>
      %mul3A_515 = arith.muli %min3A_372, %mul3A_514 : vector<16xi32>
      %add3A_516 = arith.addi %mul3A_515, %sub3A_394 : vector<16xi32>
      %mul3A_517 = arith.constant 256 : i32
      %mul3A_518 = vector.broadcast %mul3A_517 : i32 to vector<16xi32>
      %mul3A_519 = arith.muli %add3A_516, %mul3A_518 : vector<16xi32>
      %add3A_520 = arith.addi %mul3A_519, %select_n3A : vector<16xi32>
      %mul3A_521 = arith.constant 256 : i32
      %mul3A_522 = vector.broadcast %mul3A_521 : i32 to vector<16xi32>
      %mul3A_523 = arith.muli %min3A_372, %mul3A_522 : vector<16xi32>
      %add3A_524 = arith.addi %mul3A_523, %min3A_403 : vector<16xi32>
      %mul3A_525 = arith.constant 256 : i32
      %mul3A_526 = vector.broadcast %mul3A_525 : i32 to vector<16xi32>
      %mul3A_527 = arith.muli %add3A_524, %mul3A_526 : vector<16xi32>
      %add3A_528 = arith.addi %mul3A_527, %select_n3A : vector<16xi32>
      %mul3A_529 = arith.constant 256 : i32
      %mul3A_530 = vector.broadcast %mul3A_529 : i32 to vector<16xi32>
      %mul3A_531 = arith.muli %sub3A_357, %mul3A_530 : vector<16xi32>
      %add3A_532 = arith.addi %mul3A_531, %sub3A_397 : vector<16xi32>
      %mul3A_533 = arith.constant 256 : i32
      %mul3A_534 = vector.broadcast %mul3A_533 : i32 to vector<16xi32>
      %mul3A_535 = arith.muli %add3A_532, %mul3A_534 : vector<16xi32>
      %add3A_536 = arith.addi %mul3A_535, %select_n3A : vector<16xi32>
      %mul3A_537 = arith.constant 256 : i32
      %mul3A_538 = vector.broadcast %mul3A_537 : i32 to vector<16xi32>
      %mul3A_539 = arith.muli %sub3A_357, %mul3A_538 : vector<16xi32>
      %add3A_540 = arith.addi %mul3A_539, %min3A_409 : vector<16xi32>
      %mul3A_541 = arith.constant 256 : i32
      %mul3A_542 = vector.broadcast %mul3A_541 : i32 to vector<16xi32>
      %mul3A_543 = arith.muli %add3A_540, %mul3A_542 : vector<16xi32>
      %add3A_544 = arith.addi %mul3A_543, %select_n3A : vector<16xi32>
      %mul3A_545 = arith.constant 256 : i32
      %mul3A_546 = vector.broadcast %mul3A_545 : i32 to vector<16xi32>
      %mul3A_547 = arith.muli %min3A_366, %mul3A_546 : vector<16xi32>
      %add3A_548 = arith.addi %mul3A_547, %sub3A_397 : vector<16xi32>
      %mul3A_549 = arith.constant 256 : i32
      %mul3A_550 = vector.broadcast %mul3A_549 : i32 to vector<16xi32>
      %mul3A_551 = arith.muli %add3A_548, %mul3A_550 : vector<16xi32>
      %add3A_552 = arith.addi %mul3A_551, %select_n3A : vector<16xi32>
      %mul3A_553 = arith.constant 256 : i32
      %mul3A_554 = vector.broadcast %mul3A_553 : i32 to vector<16xi32>
      %mul3A_555 = arith.muli %min3A_366, %mul3A_554 : vector<16xi32>
      %add3A_556 = arith.addi %mul3A_555, %min3A_409 : vector<16xi32>
      %mul3A_557 = arith.constant 256 : i32
      %mul3A_558 = vector.broadcast %mul3A_557 : i32 to vector<16xi32>
      %mul3A_559 = arith.muli %add3A_556, %mul3A_558 : vector<16xi32>
      %add3A_560 = arith.addi %mul3A_559, %select_n3A : vector<16xi32>
      %add3A_561 = arith.addi %add3A_472, %sub3A_434 : vector<16xi32>
      %swap3A_562 = arith.constant 0 : i32
      %swap3A_563 = arith.index_cast %swap3A_562 : i32 to index
      %swap3A_564 = arith.index_cast %mul3A_338 : i32 to index
      %swap3A_565 = tpu.vector_load %arg17[%swap3A_563, %swap3A_564] {strides = array<i32>} : memref<32x128xi32, #tpu.memory_space<vmem>>, vector<16xi32>,
      tpu.vector_store %arg17[%swap3A_563, %swap3A_564], %add3A_561 {strides = array<i32>} : memref<32x128xi32, #tpu.memory_space<vmem>>, vector<16xi32>,
      %add3A_566 = arith.addi %add3A_472, %sub3A_431 : vector<16xi32>
      %swap3A_567 = arith.constant 1 : i32
      %swap3A_568 = arith.index_cast %swap3A_567 : i32 to index
      %swap3A_569 = arith.index_cast %mul3A_338 : i32 to index
      %swap3A_570 = tpu.vector_load %arg17[%swap3A_568, %swap3A_569] {strides = array<i32>} : memref<32x128xi32, #tpu.memory_space<vmem>>, vector<16xi32>,
      tpu.vector_store %arg17[%swap3A_568, %swap3A_569], %add3A_566 {strides = array<i32>} : memref<32x128xi32, #tpu.memory_space<vmem>>, vector<16xi32>,
      %add3A_571 = arith.addi %add3A_472, %min3A_440 : vector<16xi32>
      %swap3A_572 = arith.constant 2 : i32
      %swap3A_573 = arith.index_cast %swap3A_572 : i32 to index
      %swap3A_574 = arith.index_cast %mul3A_338 : i32 to index
      %swap3A_575 = tpu.vector_load %arg17[%swap3A_573, %swap3A_574] {strides = array<i32>} : memref<32x128xi32, #tpu.memory_space<vmem>>, vector<16xi32>,
      tpu.vector_store %arg17[%swap3A_573, %swap3A_574], %add3A_571 {strides = array<i32>} : memref<32x128xi32, #tpu.memory_space<vmem>>, vector<16xi32>,
      %add3A_576 = arith.addi %add3A_472, %min3A_446 : vector<16xi32>
      %swap3A_577 = arith.constant 3 : i32
      %swap3A_578 = arith.index_cast %swap3A_577 : i32 to index
      %swap3A_579 = arith.index_cast %mul3A_338 : i32 to index
      %swap3A_580 = tpu.vector_load %arg17[%swap3A_578, %swap3A_579] {strides = array<i32>} : memref<32x128xi32, #tpu.memory_space<vmem>>, vector<16xi32>,
      tpu.vector_store %arg17[%swap3A_578, %swap3A_579], %add3A_576 {strides = array<i32>} : memref<32x128xi32, #tpu.memory_space<vmem>>, vector<16xi32>,
      %add3A_581 = arith.addi %add3A_480, %sub3A_434 : vector<16xi32>
      %swap3A_582 = arith.constant 4 : i32
      %swap3A_583 = arith.index_cast %swap3A_582 : i32 to index
      %swap3A_584 = arith.index_cast %mul3A_338 : i32 to index
      %swap3A_585 = tpu.vector_load %arg17[%swap3A_583, %swap3A_584] {strides = array<i32>} : memref<32x128xi32, #tpu.memory_space<vmem>>, vector<16xi32>,
      tpu.vector_store %arg17[%swap3A_583, %swap3A_584], %add3A_581 {strides = array<i32>} : memref<32x128xi32, #tpu.memory_space<vmem>>, vector<16xi32>,
      %add3A_586 = arith.addi %add3A_480, %sub3A_431 : vector<16xi32>
      %swap3A_587 = arith.constant 5 : i32
      %swap3A_588 = arith.index_cast %swap3A_587 : i32 to index
      %swap3A_589 = arith.index_cast %mul3A_338 : i32 to index
      %swap3A_590 = tpu.vector_load %arg17[%swap3A_588, %swap3A_589] {strides = array<i32>} : memref<32x128xi32, #tpu.memory_space<vmem>>, vector<16xi32>,
      tpu.vector_store %arg17[%swap3A_588, %swap3A_589], %add3A_586 {strides = array<i32>} : memref<32x128xi32, #tpu.memory_space<vmem>>, vector<16xi32>,
      %add3A_591 = arith.addi %add3A_480, %min3A_440 : vector<16xi32>
      %swap3A_592 = arith.constant 6 : i32
      %swap3A_593 = arith.index_cast %swap3A_592 : i32 to index
      %swap3A_594 = arith.index_cast %mul3A_338 : i32 to index
      %swap3A_595 = tpu.vector_load %arg17[%swap3A_593, %swap3A_594] {strides = array<i32>} : memref<32x128xi32, #tpu.memory_space<vmem>>, vector<16xi32>,
      tpu.vector_store %arg17[%swap3A_593, %swap3A_594], %add3A_591 {strides = array<i32>} : memref<32x128xi32, #tpu.memory_space<vmem>>, vector<16xi32>,
      %add3A_596 = arith.addi %add3A_480, %min3A_446 : vector<16xi32>
      %swap3A_597 = arith.constant 7 : i32
      %swap3A_598 = arith.index_cast %swap3A_597 : i32 to index
      %swap3A_599 = arith.index_cast %mul3A_338 : i32 to index
      %swap3A_600 = tpu.vector_load %arg17[%swap3A_598, %swap3A_599] {strides = array<i32>} : memref<32x128xi32, #tpu.memory_space<vmem>>, vector<16xi32>,
      tpu.vector_store %arg17[%swap3A_598, %swap3A_599], %add3A_596 {strides = array<i32>} : memref<32x128xi32, #tpu.memory_space<vmem>>, vector<16xi32>,
      %add3A_601 = arith.addi %add3A_488, %sub3A_434 : vector<16xi32>
      %swap3A_602 = arith.constant 8 : i32
      %swap3A_603 = arith.index_cast %swap3A_602 : i32 to index
      %swap3A_604 = arith.index_cast %mul3A_338 : i32 to index
      %swap3A_605 = tpu.vector_load %arg17[%swap3A_603, %swap3A_604] {strides = array<i32>} : memref<32x128xi32, #tpu.memory_space<vmem>>, vector<16xi32>,
      tpu.vector_store %arg17[%swap3A_603, %swap3A_604], %add3A_601 {strides = array<i32>} : memref<32x128xi32, #tpu.memory_space<vmem>>, vector<16xi32>,
      %add3A_606 = arith.addi %add3A_488, %sub3A_431 : vector<16xi32>
      %swap3A_607 = arith.constant 9 : i32
      %swap3A_608 = arith.index_cast %swap3A_607 : i32 to index
      %swap3A_609 = arith.index_cast %mul3A_338 : i32 to index
      %swap3A_610 = tpu.vector_load %arg17[%swap3A_608, %swap3A_609] {strides = array<i32>} : memref<32x128xi32, #tpu.memory_space<vmem>>, vector<16xi32>,
      tpu.vector_store %arg17[%swap3A_608, %swap3A_609], %add3A_606 {strides = array<i32>} : memref<32x128xi32, #tpu.memory_space<vmem>>, vector<16xi32>,
      %add3A_611 = arith.addi %add3A_488, %min3A_440 : vector<16xi32>
      %swap3A_612 = arith.constant 10 : i32
      %swap3A_613 = arith.index_cast %swap3A_612 : i32 to index
      %swap3A_614 = arith.index_cast %mul3A_338 : i32 to index
      %swap3A_615 = tpu.vector_load %arg17[%swap3A_613, %swap3A_614] {strides = array<i32>} : memref<32x128xi32, #tpu.memory_space<vmem>>, vector<16xi32>,
      tpu.vector_store %arg17[%swap3A_613, %swap3A_614], %add3A_611 {strides = array<i32>} : memref<32x128xi32, #tpu.memory_space<vmem>>, vector<16xi32>,
      %add3A_616 = arith.addi %add3A_488, %min3A_446 : vector<16xi32>
      %swap3A_617 = arith.constant 11 : i32
      %swap3A_618 = arith.index_cast %swap3A_617 : i32 to index
      %swap3A_619 = arith.index_cast %mul3A_338 : i32 to index
      %swap3A_620 = tpu.vector_load %arg17[%swap3A_618, %swap3A_619] {strides = array<i32>} : memref<32x128xi32, #tpu.memory_space<vmem>>, vector<16xi32>,
      tpu.vector_store %arg17[%swap3A_618, %swap3A_619], %add3A_616 {strides = array<i32>} : memref<32x128xi32, #tpu.memory_space<vmem>>, vector<16xi32>,
      %add3A_621 = arith.addi %add3A_496, %sub3A_434 : vector<16xi32>
      %swap3A_622 = arith.constant 12 : i32
      %swap3A_623 = arith.index_cast %swap3A_622 : i32 to index
      %swap3A_624 = arith.index_cast %mul3A_338 : i32 to index
      %swap3A_625 = tpu.vector_load %arg17[%swap3A_623, %swap3A_624] {strides = array<i32>} : memref<32x128xi32, #tpu.memory_space<vmem>>, vector<16xi32>,
      tpu.vector_store %arg17[%swap3A_623, %swap3A_624], %add3A_621 {strides = array<i32>} : memref<32x128xi32, #tpu.memory_space<vmem>>, vector<16xi32>,
      %add3A_626 = arith.addi %add3A_496, %sub3A_431 : vector<16xi32>
      %swap3A_627 = arith.constant 13 : i32
      %swap3A_628 = arith.index_cast %swap3A_627 : i32 to index
      %swap3A_629 = arith.index_cast %mul3A_338 : i32 to index
      %swap3A_630 = tpu.vector_load %arg17[%swap3A_628, %swap3A_629] {strides = array<i32>} : memref<32x128xi32, #tpu.memory_space<vmem>>, vector<16xi32>,
      tpu.vector_store %arg17[%swap3A_628, %swap3A_629], %add3A_626 {strides = array<i32>} : memref<32x128xi32, #tpu.memory_space<vmem>>, vector<16xi32>,
      %add3A_631 = arith.addi %add3A_496, %min3A_440 : vector<16xi32>
      %swap3A_632 = arith.constant 14 : i32
      %swap3A_633 = arith.index_cast %swap3A_632 : i32 to index
      %swap3A_634 = arith.index_cast %mul3A_338 : i32 to index
      %swap3A_635 = tpu.vector_load %arg17[%swap3A_633, %swap3A_634] {strides = array<i32>} : memref<32x128xi32, #tpu.memory_space<vmem>>, vector<16xi32>,
      tpu.vector_store %arg17[%swap3A_633, %swap3A_634], %add3A_631 {strides = array<i32>} : memref<32x128xi32, #tpu.memory_space<vmem>>, vector<16xi32>,
      %add3A_636 = arith.addi %add3A_496, %min3A_446 : vector<16xi32>
      %swap3A_637 = arith.constant 15 : i32
      %swap3A_638 = arith.index_cast %swap3A_637 : i32 to index
      %swap3A_639 = arith.index_cast %mul3A_338 : i32 to index
      %swap3A_640 = tpu.vector_load %arg17[%swap3A_638, %swap3A_639] {strides = array<i32>} : memref<32x128xi32, #tpu.memory_space<vmem>>, vector<16xi32>,
      tpu.vector_store %arg17[%swap3A_638, %swap3A_639], %add3A_636 {strides = array<i32>} : memref<32x128xi32, #tpu.memory_space<vmem>>, vector<16xi32>,
      %add3A_641 = arith.addi %add3A_504, %sub3A_431 : vector<16xi32>
      %swap3A_642 = arith.constant 16 : i32
      %swap3A_643 = arith.index_cast %swap3A_642 : i32 to index
      %swap3A_644 = arith.index_cast %mul3A_338 : i32 to index
      %swap3A_645 = tpu.vector_load %arg17[%swap3A_643, %swap3A_644] {strides = array<i32>} : memref<32x128xi32, #tpu.memory_space<vmem>>, vector<16xi32>,
      tpu.vector_store %arg17[%swap3A_643, %swap3A_644], %add3A_641 {strides = array<i32>} : memref<32x128xi32, #tpu.memory_space<vmem>>, vector<16xi32>,
      %add3A_646 = arith.addi %add3A_504, %min3A_440 : vector<16xi32>
      %swap3A_647 = arith.constant 17 : i32
      %swap3A_648 = arith.index_cast %swap3A_647 : i32 to index
      %swap3A_649 = arith.index_cast %mul3A_338 : i32 to index
      %swap3A_650 = tpu.vector_load %arg17[%swap3A_648, %swap3A_649] {strides = array<i32>} : memref<32x128xi32, #tpu.memory_space<vmem>>, vector<16xi32>,
      tpu.vector_store %arg17[%swap3A_648, %swap3A_649], %add3A_646 {strides = array<i32>} : memref<32x128xi32, #tpu.memory_space<vmem>>, vector<16xi32>,
      %add3A_651 = arith.addi %add3A_512, %sub3A_431 : vector<16xi32>
      %swap3A_652 = arith.constant 18 : i32
      %swap3A_653 = arith.index_cast %swap3A_652 : i32 to index
      %swap3A_654 = arith.index_cast %mul3A_338 : i32 to index
      %swap3A_655 = tpu.vector_load %arg17[%swap3A_653, %swap3A_654] {strides = array<i32>} : memref<32x128xi32, #tpu.memory_space<vmem>>, vector<16xi32>,
      tpu.vector_store %arg17[%swap3A_653, %swap3A_654], %add3A_651 {strides = array<i32>} : memref<32x128xi32, #tpu.memory_space<vmem>>, vector<16xi32>,
      %add3A_656 = arith.addi %add3A_512, %min3A_440 : vector<16xi32>
      %swap3A_657 = arith.constant 19 : i32
      %swap3A_658 = arith.index_cast %swap3A_657 : i32 to index
      %swap3A_659 = arith.index_cast %mul3A_338 : i32 to index
      %swap3A_660 = tpu.vector_load %arg17[%swap3A_658, %swap3A_659] {strides = array<i32>} : memref<32x128xi32, #tpu.memory_space<vmem>>, vector<16xi32>,
      tpu.vector_store %arg17[%swap3A_658, %swap3A_659], %add3A_656 {strides = array<i32>} : memref<32x128xi32, #tpu.memory_space<vmem>>, vector<16xi32>,
      %add3A_661 = arith.addi %add3A_520, %sub3A_431 : vector<16xi32>
      %swap3A_662 = arith.constant 20 : i32
      %swap3A_663 = arith.index_cast %swap3A_662 : i32 to index
      %swap3A_664 = arith.index_cast %mul3A_338 : i32 to index
      %swap3A_665 = tpu.vector_load %arg17[%swap3A_663, %swap3A_664] {strides = array<i32>} : memref<32x128xi32, #tpu.memory_space<vmem>>, vector<16xi32>,
      tpu.vector_store %arg17[%swap3A_663, %swap3A_664], %add3A_661 {strides = array<i32>} : memref<32x128xi32, #tpu.memory_space<vmem>>, vector<16xi32>,
      %add3A_666 = arith.addi %add3A_520, %min3A_440 : vector<16xi32>
      %swap3A_667 = arith.constant 21 : i32
      %swap3A_668 = arith.index_cast %swap3A_667 : i32 to index
      %swap3A_669 = arith.index_cast %mul3A_338 : i32 to index
      %swap3A_670 = tpu.vector_load %arg17[%swap3A_668, %swap3A_669] {strides = array<i32>} : memref<32x128xi32, #tpu.memory_space<vmem>>, vector<16xi32>,
      tpu.vector_store %arg17[%swap3A_668, %swap3A_669], %add3A_666 {strides = array<i32>} : memref<32x128xi32, #tpu.memory_space<vmem>>, vector<16xi32>,
      %add3A_671 = arith.addi %add3A_528, %sub3A_431 : vector<16xi32>
      %swap3A_672 = arith.constant 22 : i32
      %swap3A_673 = arith.index_cast %swap3A_672 : i32 to index
      %swap3A_674 = arith.index_cast %mul3A_338 : i32 to index
      %swap3A_675 = tpu.vector_load %arg17[%swap3A_673, %swap3A_674] {strides = array<i32>} : memref<32x128xi32, #tpu.memory_space<vmem>>, vector<16xi32>,
      tpu.vector_store %arg17[%swap3A_673, %swap3A_674], %add3A_671 {strides = array<i32>} : memref<32x128xi32, #tpu.memory_space<vmem>>, vector<16xi32>,
      %add3A_676 = arith.addi %add3A_528, %min3A_440 : vector<16xi32>
      %swap3A_677 = arith.constant 23 : i32
      %swap3A_678 = arith.index_cast %swap3A_677 : i32 to index
      %swap3A_679 = arith.index_cast %mul3A_338 : i32 to index
      %swap3A_680 = tpu.vector_load %arg17[%swap3A_678, %swap3A_679] {strides = array<i32>} : memref<32x128xi32, #tpu.memory_space<vmem>>, vector<16xi32>,
      tpu.vector_store %arg17[%swap3A_678, %swap3A_679], %add3A_676 {strides = array<i32>} : memref<32x128xi32, #tpu.memory_space<vmem>>, vector<16xi32>,
      %add3A_681 = arith.addi %add3A_536, %sub3A_431 : vector<16xi32>
      %swap3A_682 = arith.constant 24 : i32
      %swap3A_683 = arith.index_cast %swap3A_682 : i32 to index
      %swap3A_684 = arith.index_cast %mul3A_338 : i32 to index
      %swap3A_685 = tpu.vector_load %arg17[%swap3A_683, %swap3A_684] {strides = array<i32>} : memref<32x128xi32, #tpu.memory_space<vmem>>, vector<16xi32>,
      tpu.vector_store %arg17[%swap3A_683, %swap3A_684], %add3A_681 {strides = array<i32>} : memref<32x128xi32, #tpu.memory_space<vmem>>, vector<16xi32>,
      %add3A_686 = arith.addi %add3A_536, %min3A_440 : vector<16xi32>
      %swap3A_687 = arith.constant 25 : i32
      %swap3A_688 = arith.index_cast %swap3A_687 : i32 to index
      %swap3A_689 = arith.index_cast %mul3A_338 : i32 to index
      %swap3A_690 = tpu.vector_load %arg17[%swap3A_688, %swap3A_689] {strides = array<i32>} : memref<32x128xi32, #tpu.memory_space<vmem>>, vector<16xi32>,
      tpu.vector_store %arg17[%swap3A_688, %swap3A_689], %add3A_686 {strides = array<i32>} : memref<32x128xi32, #tpu.memory_space<vmem>>, vector<16xi32>,
      %add3A_691 = arith.addi %add3A_544, %sub3A_431 : vector<16xi32>
      %swap3A_692 = arith.constant 26 : i32
      %swap3A_693 = arith.index_cast %swap3A_692 : i32 to index
      %swap3A_694 = arith.index_cast %mul3A_338 : i32 to index
      %swap3A_695 = tpu.vector_load %arg17[%swap3A_693, %swap3A_694] {strides = array<i32>} : memref<32x128xi32, #tpu.memory_space<vmem>>, vector<16xi32>,
      tpu.vector_store %arg17[%swap3A_693, %swap3A_694], %add3A_691 {strides = array<i32>} : memref<32x128xi32, #tpu.memory_space<vmem>>, vector<16xi32>,
      %add3A_696 = arith.addi %add3A_544, %min3A_440 : vector<16xi32>
      %swap3A_697 = arith.constant 27 : i32
      %swap3A_698 = arith.index_cast %swap3A_697 : i32 to index
      %swap3A_699 = arith.index_cast %mul3A_338 : i32 to index
      %swap3A_700 = tpu.vector_load %arg17[%swap3A_698, %swap3A_699] {strides = array<i32>} : memref<32x128xi32, #tpu.memory_space<vmem>>, vector<16xi32>,
      tpu.vector_store %arg17[%swap3A_698, %swap3A_699], %add3A_696 {strides = array<i32>} : memref<32x128xi32, #tpu.memory_space<vmem>>, vector<16xi32>,
      %add3A_701 = arith.addi %add3A_552, %sub3A_431 : vector<16xi32>
      %swap3A_702 = arith.constant 28 : i32
      %swap3A_703 = arith.index_cast %swap3A_702 : i32 to index
      %swap3A_704 = arith.index_cast %mul3A_338 : i32 to index
      %swap3A_705 = tpu.vector_load %arg17[%swap3A_703, %swap3A_704] {strides = array<i32>} : memref<32x128xi32, #tpu.memory_space<vmem>>, vector<16xi32>,
      tpu.vector_store %arg17[%swap3A_703, %swap3A_704], %add3A_701 {strides = array<i32>} : memref<32x128xi32, #tpu.memory_space<vmem>>, vector<16xi32>,
      %add3A_706 = arith.addi %add3A_552, %min3A_440 : vector<16xi32>
      %swap3A_707 = arith.constant 29 : i32
      %swap3A_708 = arith.index_cast %swap3A_707 : i32 to index
      %swap3A_709 = arith.index_cast %mul3A_338 : i32 to index
      %swap3A_710 = tpu.vector_load %arg17[%swap3A_708, %swap3A_709] {strides = array<i32>} : memref<32x128xi32, #tpu.memory_space<vmem>>, vector<16xi32>,
      tpu.vector_store %arg17[%swap3A_708, %swap3A_709], %add3A_706 {strides = array<i32>} : memref<32x128xi32, #tpu.memory_space<vmem>>, vector<16xi32>,
      %add3A_711 = arith.addi %add3A_560, %sub3A_431 : vector<16xi32>
      %swap3A_712 = arith.constant 30 : i32
      %swap3A_713 = arith.index_cast %swap3A_712 : i32 to index
      %swap3A_714 = arith.index_cast %mul3A_338 : i32 to index
      %swap3A_715 = tpu.vector_load %arg17[%swap3A_713, %swap3A_714] {strides = array<i32>} : memref<32x128xi32, #tpu.memory_space<vmem>>, vector<16xi32>,
      tpu.vector_store %arg17[%swap3A_713, %swap3A_714], %add3A_711 {strides = array<i32>} : memref<32x128xi32, #tpu.memory_space<vmem>>, vector<16xi32>,
      %add3A_716 = arith.addi %add3A_560, %min3A_440 : vector<16xi32>
      %swap3A_717 = arith.constant 31 : i32
      %swap3A_718 = arith.index_cast %swap3A_717 : i32 to index
      %swap3A_719 = arith.index_cast %mul3A_338 : i32 to index
      %swap3A_720 = tpu.vector_load %arg17[%swap3A_718, %swap3A_719] {strides = array<i32>} : memref<32x128xi32, #tpu.memory_space<vmem>>, vector<16xi32>,
      tpu.vector_store %arg17[%swap3A_718, %swap3A_719], %add3A_716 {strides = array<i32>} : memref<32x128xi32, #tpu.memory_space<vmem>>, vector<16xi32>,
    }
    %scan3A_10 = arith.constant 8 : i32
    %dma_start3A = arith.constant 0 : i32
    %dma_start3A_11 = arith.constant 0 : i32
    %dma_start3A_12 = arith.constant 0 : i32
    %dma_start3A_13 = tpu.memref_slice %arg19[%dma_start3A_11, %dma_start3A_12] : memref<32x128xf32, #tpu.memory_space<vmem>> -> memref<1x128xf32, #tpu.memory_space<vmem>>
    %dma_start3A_14 = tpu.memref_squeeze %dma_start3A_13 : memref<1x128xf32, #tpu.memory_space<vmem>> -> memref<128xf32, #tpu.memory_space<vmem>>
    %dma_start3A_15 = arith.constant 0 : i32
    %dma_start3A_16 = tpu.memref_slice %arg17[%dma_start3A, %dma_start3A_15] : memref<32x128xi32, #tpu.memory_space<vmem>> -> memref<1x128xi32, #tpu.memory_space<vmem>>
    %dma_start3A_17 = tpu.memref_squeeze %dma_start3A_16 : memref<1x128xi32, #tpu.memory_space<vmem>> -> memref<128xi32, #tpu.memory_space<vmem>>
    %dma_start3A_18 = arith.constant 0 : i32
    %dma_start3A_19 = tpu.memref_slice %arg6[%dma_start3A_18] : memref<33554432xf32, #tpu.memory_space<hbm>> -> memref<33554432xf32, #tpu.memory_space<hbm>>
    tpu.enqueue_indirect_dma source(%dma_start3A_19 : memref<33554432xf32, #tpu.memory_space<hbm>>) target(%dma_start3A_14 : memref<128xf32, #tpu.memory_space<vmem>>) offsets(%dma_start3A_17 : memref<128xi32, #tpu.memory_space<vmem>>) semaphore(%arg23 : memref<!tpu.dma_semaphore, #tpu.memory_space<semaphore_mem>>)
    %dma_start3A_20 = arith.constant 1 : i32
    %dma_start3A_21 = arith.constant 1 : i32
    %dma_start3A_22 = arith.constant 0 : i32
    %dma_start3A_23 = tpu.memref_slice %arg19[%dma_start3A_21, %dma_start3A_22] : memref<32x128xf32, #tpu.memory_space<vmem>> -> memref<1x128xf32, #tpu.memory_space<vmem>>
    %dma_start3A_24 = tpu.memref_squeeze %dma_start3A_23 : memref<1x128xf32, #tpu.memory_space<vmem>> -> memref<128xf32, #tpu.memory_space<vmem>>
    %dma_start3A_25 = arith.constant 0 : i32
    %dma_start3A_26 = tpu.memref_slice %arg17[%dma_start3A_20, %dma_start3A_25] : memref<32x128xi32, #tpu.memory_space<vmem>> -> memref<1x128xi32, #tpu.memory_space<vmem>>
    %dma_start3A_27 = tpu.memref_squeeze %dma_start3A_26 : memref<1x128xi32, #tpu.memory_space<vmem>> -> memref<128xi32, #tpu.memory_space<vmem>>
    %dma_start3A_28 = arith.constant 0 : i32
    %dma_start3A_29 = tpu.memref_slice %arg6[%dma_start3A_28] : memref<33554432xf32, #tpu.memory_space<hbm>> -> memref<33554432xf32, #tpu.memory_space<hbm>>
    tpu.enqueue_indirect_dma source(%dma_start3A_29 : memref<33554432xf32, #tpu.memory_space<hbm>>) target(%dma_start3A_24 : memref<128xf32, #tpu.memory_space<vmem>>) offsets(%dma_start3A_27 : memref<128xi32, #tpu.memory_space<vmem>>) semaphore(%arg23 : memref<!tpu.dma_semaphore, #tpu.memory_space<semaphore_mem>>)
    %dma_start3A_30 = arith.constant 2 : i32
    %dma_start3A_31 = arith.constant 2 : i32
    %dma_start3A_32 = arith.constant 0 : i32
    %dma_start3A_33 = tpu.memref_slice %arg19[%dma_start3A_31, %dma_start3A_32] : memref<32x128xf32, #tpu.memory_space<vmem>> -> memref<1x128xf32, #tpu.memory_space<vmem>>
    %dma_start3A_34 = tpu.memref_squeeze %dma_start3A_33 : memref<1x128xf32, #tpu.memory_space<vmem>> -> memref<128xf32, #tpu.memory_space<vmem>>
    %dma_start3A_35 = arith.constant 0 : i32
    %dma_start3A_36 = tpu.memref_slice %arg17[%dma_start3A_30, %dma_start3A_35] : memref<32x128xi32, #tpu.memory_space<vmem>> -> memref<1x128xi32, #tpu.memory_space<vmem>>
    %dma_start3A_37 = tpu.memref_squeeze %dma_start3A_36 : memref<1x128xi32, #tpu.memory_space<vmem>> -> memref<128xi32, #tpu.memory_space<vmem>>
    %dma_start3A_38 = arith.constant 0 : i32
    %dma_start3A_39 = tpu.memref_slice %arg6[%dma_start3A_38] : memref<33554432xf32, #tpu.memory_space<hbm>> -> memref<33554432xf32, #tpu.memory_space<hbm>>
    tpu.enqueue_indirect_dma source(%dma_start3A_39 : memref<33554432xf32, #tpu.memory_space<hbm>>) target(%dma_start3A_34 : memref<128xf32, #tpu.memory_space<vmem>>) offsets(%dma_start3A_37 : memref<128xi32, #tpu.memory_space<vmem>>) semaphore(%arg23 : memref<!tpu.dma_semaphore, #tpu.memory_space<semaphore_mem>>)
    %dma_start3A_40 = arith.constant 3 : i32
    %dma_start3A_41 = arith.constant 3 : i32
    %dma_start3A_42 = arith.constant 0 : i32
    %dma_start3A_43 = tpu.memref_slice %arg19[%dma_start3A_41, %dma_start3A_42] : memref<32x128xf32, #tpu.memory_space<vmem>> -> memref<1x128xf32, #tpu.memory_space<vmem>>
    %dma_start3A_44 = tpu.memref_squeeze %dma_start3A_43 : memref<1x128xf32, #tpu.memory_space<vmem>> -> memref<128xf32, #tpu.memory_space<vmem>>
    %dma_start3A_45 = arith.constant 0 : i32
    %dma_start3A_46 = tpu.memref_slice %arg17[%dma_start3A_40, %dma_start3A_45] : memref<32x128xi32, #tpu.memory_space<vmem>> -> memref<1x128xi32, #tpu.memory_space<vmem>>
    %dma_start3A_47 = tpu.memref_squeeze %dma_start3A_46 : memref<1x128xi32, #tpu.memory_space<vmem>> -> memref<128xi32, #tpu.memory_space<vmem>>
    %dma_start3A_48 = arith.constant 0 : i32
    %dma_start3A_49 = tpu.memref_slice %arg6[%dma_start3A_48] : memref<33554432xf32, #tpu.memory_space<hbm>> -> memref<33554432xf32, #tpu.memory_space<hbm>>
    tpu.enqueue_indirect_dma source(%dma_start3A_49 : memref<33554432xf32, #tpu.memory_space<hbm>>) target(%dma_start3A_44 : memref<128xf32, #tpu.memory_space<vmem>>) offsets(%dma_start3A_47 : memref<128xi32, #tpu.memory_space<vmem>>) semaphore(%arg23 : memref<!tpu.dma_semaphore, #tpu.memory_space<semaphore_mem>>)
    %dma_start3A_50 = arith.constant 4 : i32
    %dma_start3A_51 = arith.constant 4 : i32
    %dma_start3A_52 = arith.constant 0 : i32
    %dma_start3A_53 = tpu.memref_slice %arg19[%dma_start3A_51, %dma_start3A_52] : memref<32x128xf32, #tpu.memory_space<vmem>> -> memref<1x128xf32, #tpu.memory_space<vmem>>
    %dma_start3A_54 = tpu.memref_squeeze %dma_start3A_53 : memref<1x128xf32, #tpu.memory_space<vmem>> -> memref<128xf32, #tpu.memory_space<vmem>>
    %dma_start3A_55 = arith.constant 0 : i32
    %dma_start3A_56 = tpu.memref_slice %arg17[%dma_start3A_50, %dma_start3A_55] : memref<32x128xi32, #tpu.memory_space<vmem>> -> memref<1x128xi32, #tpu.memory_space<vmem>>
    %dma_start3A_57 = tpu.memref_squeeze %dma_start3A_56 : memref<1x128xi32, #tpu.memory_space<vmem>> -> memref<128xi32, #tpu.memory_space<vmem>>
    %dma_start3A_58 = arith.constant 0 : i32
    %dma_start3A_59 = tpu.memref_slice %arg6[%dma_start3A_58] : memref<33554432xf32, #tpu.memory_space<hbm>> -> memref<33554432xf32, #tpu.memory_space<hbm>>
    tpu.enqueue_indirect_dma source(%dma_start3A_59 : memref<33554432xf32, #tpu.memory_space<hbm>>) target(%dma_start3A_54 : memref<128xf32, #tpu.memory_space<vmem>>) offsets(%dma_start3A_57 : memref<128xi32, #tpu.memory_space<vmem>>) semaphore(%arg23 : memref<!tpu.dma_semaphore, #tpu.memory_space<semaphore_mem>>)
    %dma_start3A_60 = arith.constant 5 : i32
    %dma_start3A_61 = arith.constant 5 : i32
    %dma_start3A_62 = arith.constant 0 : i32
    %dma_start3A_63 = tpu.memref_slice %arg19[%dma_start3A_61, %dma_start3A_62] : memref<32x128xf32, #tpu.memory_space<vmem>> -> memref<1x128xf32, #tpu.memory_space<vmem>>
    %dma_start3A_64 = tpu.memref_squeeze %dma_start3A_63 : memref<1x128xf32, #tpu.memory_space<vmem>> -> memref<128xf32, #tpu.memory_space<vmem>>
    %dma_start3A_65 = arith.constant 0 : i32
    %dma_start3A_66 = tpu.memref_slice %arg17[%dma_start3A_60, %dma_start3A_65] : memref<32x128xi32, #tpu.memory_space<vmem>> -> memref<1x128xi32, #tpu.memory_space<vmem>>
    %dma_start3A_67 = tpu.memref_squeeze %dma_start3A_66 : memref<1x128xi32, #tpu.memory_space<vmem>> -> memref<128xi32, #tpu.memory_space<vmem>>
    %dma_start3A_68 = arith.constant 0 : i32
    %dma_start3A_69 = tpu.memref_slice %arg6[%dma_start3A_68] : memref<33554432xf32, #tpu.memory_space<hbm>> -> memref<33554432xf32, #tpu.memory_space<hbm>>
    tpu.enqueue_indirect_dma source(%dma_start3A_69 : memref<33554432xf32, #tpu.memory_space<hbm>>) target(%dma_start3A_64 : memref<128xf32, #tpu.memory_space<vmem>>) offsets(%dma_start3A_67 : memref<128xi32, #tpu.memory_space<vmem>>) semaphore(%arg23 : memref<!tpu.dma_semaphore, #tpu.memory_space<semaphore_mem>>)
    %dma_start3A_70 = arith.constant 6 : i32
    %dma_start3A_71 = arith.constant 6 : i32
    %dma_start3A_72 = arith.constant 0 : i32
    %dma_start3A_73 = tpu.memref_slice %arg19[%dma_start3A_71, %dma_start3A_72] : memref<32x128xf32, #tpu.memory_space<vmem>> -> memref<1x128xf32, #tpu.memory_space<vmem>>
    %dma_start3A_74 = tpu.memref_squeeze %dma_start3A_73 : memref<1x128xf32, #tpu.memory_space<vmem>> -> memref<128xf32, #tpu.memory_space<vmem>>
    %dma_start3A_75 = arith.constant 0 : i32
    %dma_start3A_76 = tpu.memref_slice %arg17[%dma_start3A_70, %dma_start3A_75] : memref<32x128xi32, #tpu.memory_space<vmem>> -> memref<1x128xi32, #tpu.memory_space<vmem>>
    %dma_start3A_77 = tpu.memref_squeeze %dma_start3A_76 : memref<1x128xi32, #tpu.memory_space<vmem>> -> memref<128xi32, #tpu.memory_space<vmem>>
    %dma_start3A_78 = arith.constant 0 : i32
    %dma_start3A_79 = tpu.memref_slice %arg6[%dma_start3A_78] : memref<33554432xf32, #tpu.memory_space<hbm>> -> memref<33554432xf32, #tpu.memory_space<hbm>>
    tpu.enqueue_indirect_dma source(%dma_start3A_79 : memref<33554432xf32, #tpu.memory_space<hbm>>) target(%dma_start3A_74 : memref<128xf32, #tpu.memory_space<vmem>>) offsets(%dma_start3A_77 : memref<128xi32, #tpu.memory_space<vmem>>) semaphore(%arg23 : memref<!tpu.dma_semaphore, #tpu.memory_space<semaphore_mem>>)
    %dma_start3A_80 = arith.constant 7 : i32
    %dma_start3A_81 = arith.constant 7 : i32
    %dma_start3A_82 = arith.constant 0 : i32
    %dma_start3A_83 = tpu.memref_slice %arg19[%dma_start3A_81, %dma_start3A_82] : memref<32x128xf32, #tpu.memory_space<vmem>> -> memref<1x128xf32, #tpu.memory_space<vmem>>
    %dma_start3A_84 = tpu.memref_squeeze %dma_start3A_83 : memref<1x128xf32, #tpu.memory_space<vmem>> -> memref<128xf32, #tpu.memory_space<vmem>>
    %dma_start3A_85 = arith.constant 0 : i32
    %dma_start3A_86 = tpu.memref_slice %arg17[%dma_start3A_80, %dma_start3A_85] : memref<32x128xi32, #tpu.memory_space<vmem>> -> memref<1x128xi32, #tpu.memory_space<vmem>>
    %dma_start3A_87 = tpu.memref_squeeze %dma_start3A_86 : memref<1x128xi32, #tpu.memory_space<vmem>> -> memref<128xi32, #tpu.memory_space<vmem>>
    %dma_start3A_88 = arith.constant 0 : i32
    %dma_start3A_89 = tpu.memref_slice %arg6[%dma_start3A_88] : memref<33554432xf32, #tpu.memory_space<hbm>> -> memref<33554432xf32, #tpu.memory_space<hbm>>
    tpu.enqueue_indirect_dma source(%dma_start3A_89 : memref<33554432xf32, #tpu.memory_space<hbm>>) target(%dma_start3A_84 : memref<128xf32, #tpu.memory_space<vmem>>) offsets(%dma_start3A_87 : memref<128xi32, #tpu.memory_space<vmem>>) semaphore(%arg23 : memref<!tpu.dma_semaphore, #tpu.memory_space<semaphore_mem>>)
    %dma_start3A_90 = arith.constant 8 : i32
    %dma_start3A_91 = arith.constant 8 : i32
    %dma_start3A_92 = arith.constant 0 : i32
    %dma_start3A_93 = tpu.memref_slice %arg19[%dma_start3A_91, %dma_start3A_92] : memref<32x128xf32, #tpu.memory_space<vmem>> -> memref<1x128xf32, #tpu.memory_space<vmem>>
    %dma_start3A_94 = tpu.memref_squeeze %dma_start3A_93 : memref<1x128xf32, #tpu.memory_space<vmem>> -> memref<128xf32, #tpu.memory_space<vmem>>
    %dma_start3A_95 = arith.constant 0 : i32
    %dma_start3A_96 = tpu.memref_slice %arg17[%dma_start3A_90, %dma_start3A_95] : memref<32x128xi32, #tpu.memory_space<vmem>> -> memref<1x128xi32, #tpu.memory_space<vmem>>
    %dma_start3A_97 = tpu.memref_squeeze %dma_start3A_96 : memref<1x128xi32, #tpu.memory_space<vmem>> -> memref<128xi32, #tpu.memory_space<vmem>>
    %dma_start3A_98 = arith.constant 0 : i32
    %dma_start3A_99 = tpu.memref_slice %arg6[%dma_start3A_98] : memref<33554432xf32, #tpu.memory_space<hbm>> -> memref<33554432xf32, #tpu.memory_space<hbm>>
    tpu.enqueue_indirect_dma source(%dma_start3A_99 : memref<33554432xf32, #tpu.memory_space<hbm>>) target(%dma_start3A_94 : memref<128xf32, #tpu.memory_space<vmem>>) offsets(%dma_start3A_97 : memref<128xi32, #tpu.memory_space<vmem>>) semaphore(%arg23 : memref<!tpu.dma_semaphore, #tpu.memory_space<semaphore_mem>>)
    %dma_start3A_100 = arith.constant 9 : i32
    %dma_start3A_101 = arith.constant 9 : i32
    %dma_start3A_102 = arith.constant 0 : i32
    %dma_start3A_103 = tpu.memref_slice %arg19[%dma_start3A_101, %dma_start3A_102] : memref<32x128xf32, #tpu.memory_space<vmem>> -> memref<1x128xf32, #tpu.memory_space<vmem>>
    %dma_start3A_104 = tpu.memref_squeeze %dma_start3A_103 : memref<1x128xf32, #tpu.memory_space<vmem>> -> memref<128xf32, #tpu.memory_space<vmem>>
    %dma_start3A_105 = arith.constant 0 : i32
    %dma_start3A_106 = tpu.memref_slice %arg17[%dma_start3A_100, %dma_start3A_105] : memref<32x128xi32, #tpu.memory_space<vmem>> -> memref<1x128xi32, #tpu.memory_space<vmem>>
    %dma_start3A_107 = tpu.memref_squeeze %dma_start3A_106 : memref<1x128xi32, #tpu.memory_space<vmem>> -> memref<128xi32, #tpu.memory_space<vmem>>
    %dma_start3A_108 = arith.constant 0 : i32
    %dma_start3A_109 = tpu.memref_slice %arg6[%dma_start3A_108] : memref<33554432xf32, #tpu.memory_space<hbm>> -> memref<33554432xf32, #tpu.memory_space<hbm>>
    tpu.enqueue_indirect_dma source(%dma_start3A_109 : memref<33554432xf32, #tpu.memory_space<hbm>>) target(%dma_start3A_104 : memref<128xf32, #tpu.memory_space<vmem>>) offsets(%dma_start3A_107 : memref<128xi32, #tpu.memory_space<vmem>>) semaphore(%arg23 : memref<!tpu.dma_semaphore, #tpu.memory_space<semaphore_mem>>)
    %dma_start3A_110 = arith.constant 10 : i32
    %dma_start3A_111 = arith.constant 10 : i32
    %dma_start3A_112 = arith.constant 0 : i32
    %dma_start3A_113 = tpu.memref_slice %arg19[%dma_start3A_111, %dma_start3A_112] : memref<32x128xf32, #tpu.memory_space<vmem>> -> memref<1x128xf32, #tpu.memory_space<vmem>>
    %dma_start3A_114 = tpu.memref_squeeze %dma_start3A_113 : memref<1x128xf32, #tpu.memory_space<vmem>> -> memref<128xf32, #tpu.memory_space<vmem>>
    %dma_start3A_115 = arith.constant 0 : i32
    %dma_start3A_116 = tpu.memref_slice %arg17[%dma_start3A_110, %dma_start3A_115] : memref<32x128xi32, #tpu.memory_space<vmem>> -> memref<1x128xi32, #tpu.memory_space<vmem>>
    %dma_start3A_117 = tpu.memref_squeeze %dma_start3A_116 : memref<1x128xi32, #tpu.memory_space<vmem>> -> memref<128xi32, #tpu.memory_space<vmem>>
    %dma_start3A_118 = arith.constant 0 : i32
    %dma_start3A_119 = tpu.memref_slice %arg6[%dma_start3A_118] : memref<33554432xf32, #tpu.memory_space<hbm>> -> memref<33554432xf32, #tpu.memory_space<hbm>>
    tpu.enqueue_indirect_dma source(%dma_start3A_119 : memref<33554432xf32, #tpu.memory_space<hbm>>) target(%dma_start3A_114 : memref<128xf32, #tpu.memory_space<vmem>>) offsets(%dma_start3A_117 : memref<128xi32, #tpu.memory_space<vmem>>) semaphore(%arg23 : memref<!tpu.dma_semaphore, #tpu.memory_space<semaphore_mem>>)
    %dma_start3A_120 = arith.constant 11 : i32
    %dma_start3A_121 = arith.constant 11 : i32
    %dma_start3A_122 = arith.constant 0 : i32
    %dma_start3A_123 = tpu.memref_slice %arg19[%dma_start3A_121, %dma_start3A_122] : memref<32x128xf32, #tpu.memory_space<vmem>> -> memref<1x128xf32, #tpu.memory_space<vmem>>
    %dma_start3A_124 = tpu.memref_squeeze %dma_start3A_123 : memref<1x128xf32, #tpu.memory_space<vmem>> -> memref<128xf32, #tpu.memory_space<vmem>>
    %dma_start3A_125 = arith.constant 0 : i32
    %dma_start3A_126 = tpu.memref_slice %arg17[%dma_start3A_120, %dma_start3A_125] : memref<32x128xi32, #tpu.memory_space<vmem>> -> memref<1x128xi32, #tpu.memory_space<vmem>>
    %dma_start3A_127 = tpu.memref_squeeze %dma_start3A_126 : memref<1x128xi32, #tpu.memory_space<vmem>> -> memref<128xi32, #tpu.memory_space<vmem>>
    %dma_start3A_128 = arith.constant 0 : i32
    %dma_start3A_129 = tpu.memref_slice %arg6[%dma_start3A_128] : memref<33554432xf32, #tpu.memory_space<hbm>> -> memref<33554432xf32, #tpu.memory_space<hbm>>
    tpu.enqueue_indirect_dma source(%dma_start3A_129 : memref<33554432xf32, #tpu.memory_space<hbm>>) target(%dma_start3A_124 : memref<128xf32, #tpu.memory_space<vmem>>) offsets(%dma_start3A_127 : memref<128xi32, #tpu.memory_space<vmem>>) semaphore(%arg23 : memref<!tpu.dma_semaphore, #tpu.memory_space<semaphore_mem>>)
    %dma_start3A_130 = arith.constant 12 : i32
    %dma_start3A_131 = arith.constant 12 : i32
    %dma_start3A_132 = arith.constant 0 : i32
    %dma_start3A_133 = tpu.memref_slice %arg19[%dma_start3A_131, %dma_start3A_132] : memref<32x128xf32, #tpu.memory_space<vmem>> -> memref<1x128xf32, #tpu.memory_space<vmem>>
    %dma_start3A_134 = tpu.memref_squeeze %dma_start3A_133 : memref<1x128xf32, #tpu.memory_space<vmem>> -> memref<128xf32, #tpu.memory_space<vmem>>
    %dma_start3A_135 = arith.constant 0 : i32
    %dma_start3A_136 = tpu.memref_slice %arg17[%dma_start3A_130, %dma_start3A_135] : memref<32x128xi32, #tpu.memory_space<vmem>> -> memref<1x128xi32, #tpu.memory_space<vmem>>
    %dma_start3A_137 = tpu.memref_squeeze %dma_start3A_136 : memref<1x128xi32, #tpu.memory_space<vmem>> -> memref<128xi32, #tpu.memory_space<vmem>>
    %dma_start3A_138 = arith.constant 0 : i32
    %dma_start3A_139 = tpu.memref_slice %arg6[%dma_start3A_138] : memref<33554432xf32, #tpu.memory_space<hbm>> -> memref<33554432xf32, #tpu.memory_space<hbm>>
    tpu.enqueue_indirect_dma source(%dma_start3A_139 : memref<33554432xf32, #tpu.memory_space<hbm>>) target(%dma_start3A_134 : memref<128xf32, #tpu.memory_space<vmem>>) offsets(%dma_start3A_137 : memref<128xi32, #tpu.memory_space<vmem>>) semaphore(%arg23 : memref<!tpu.dma_semaphore, #tpu.memory_space<semaphore_mem>>)
    %dma_start3A_140 = arith.constant 13 : i32
    %dma_start3A_141 = arith.constant 13 : i32
    %dma_start3A_142 = arith.constant 0 : i32
    %dma_start3A_143 = tpu.memref_slice %arg19[%dma_start3A_141, %dma_start3A_142] : memref<32x128xf32, #tpu.memory_space<vmem>> -> memref<1x128xf32, #tpu.memory_space<vmem>>
    %dma_start3A_144 = tpu.memref_squeeze %dma_start3A_143 : memref<1x128xf32, #tpu.memory_space<vmem>> -> memref<128xf32, #tpu.memory_space<vmem>>
    %dma_start3A_145 = arith.constant 0 : i32
    %dma_start3A_146 = tpu.memref_slice %arg17[%dma_start3A_140, %dma_start3A_145] : memref<32x128xi32, #tpu.memory_space<vmem>> -> memref<1x128xi32, #tpu.memory_space<vmem>>
    %dma_start3A_147 = tpu.memref_squeeze %dma_start3A_146 : memref<1x128xi32, #tpu.memory_space<vmem>> -> memref<128xi32, #tpu.memory_space<vmem>>
    %dma_start3A_148 = arith.constant 0 : i32
    %dma_start3A_149 = tpu.memref_slice %arg6[%dma_start3A_148] : memref<33554432xf32, #tpu.memory_space<hbm>> -> memref<33554432xf32, #tpu.memory_space<hbm>>
    tpu.enqueue_indirect_dma source(%dma_start3A_149 : memref<33554432xf32, #tpu.memory_space<hbm>>) target(%dma_start3A_144 : memref<128xf32, #tpu.memory_space<vmem>>) offsets(%dma_start3A_147 : memref<128xi32, #tpu.memory_space<vmem>>) semaphore(%arg23 : memref<!tpu.dma_semaphore, #tpu.memory_space<semaphore_mem>>)
    %dma_start3A_150 = arith.constant 14 : i32
    %dma_start3A_151 = arith.constant 14 : i32
    %dma_start3A_152 = arith.constant 0 : i32
    %dma_start3A_153 = tpu.memref_slice %arg19[%dma_start3A_151, %dma_start3A_152] : memref<32x128xf32, #tpu.memory_space<vmem>> -> memref<1x128xf32, #tpu.memory_space<vmem>>
    %dma_start3A_154 = tpu.memref_squeeze %dma_start3A_153 : memref<1x128xf32, #tpu.memory_space<vmem>> -> memref<128xf32, #tpu.memory_space<vmem>>
    %dma_start3A_155 = arith.constant 0 : i32
    %dma_start3A_156 = tpu.memref_slice %arg17[%dma_start3A_150, %dma_start3A_155] : memref<32x128xi32, #tpu.memory_space<vmem>> -> memref<1x128xi32, #tpu.memory_space<vmem>>
    %dma_start3A_157 = tpu.memref_squeeze %dma_start3A_156 : memref<1x128xi32, #tpu.memory_space<vmem>> -> memref<128xi32, #tpu.memory_space<vmem>>
    %dma_start3A_158 = arith.constant 0 : i32
    %dma_start3A_159 = tpu.memref_slice %arg6[%dma_start3A_158] : memref<33554432xf32, #tpu.memory_space<hbm>> -> memref<33554432xf32, #tpu.memory_space<hbm>>
    tpu.enqueue_indirect_dma source(%dma_start3A_159 : memref<33554432xf32, #tpu.memory_space<hbm>>) target(%dma_start3A_154 : memref<128xf32, #tpu.memory_space<vmem>>) offsets(%dma_start3A_157 : memref<128xi32, #tpu.memory_space<vmem>>) semaphore(%arg23 : memref<!tpu.dma_semaphore, #tpu.memory_space<semaphore_mem>>)
    %dma_start3A_160 = arith.constant 15 : i32
    %dma_start3A_161 = arith.constant 15 : i32
    %dma_start3A_162 = arith.constant 0 : i32
    %dma_start3A_163 = tpu.memref_slice %arg19[%dma_start3A_161, %dma_start3A_162] : memref<32x128xf32, #tpu.memory_space<vmem>> -> memref<1x128xf32, #tpu.memory_space<vmem>>
    %dma_start3A_164 = tpu.memref_squeeze %dma_start3A_163 : memref<1x128xf32, #tpu.memory_space<vmem>> -> memref<128xf32, #tpu.memory_space<vmem>>
    %dma_start3A_165 = arith.constant 0 : i32
    %dma_start3A_166 = tpu.memref_slice %arg17[%dma_start3A_160, %dma_start3A_165] : memref<32x128xi32, #tpu.memory_space<vmem>> -> memref<1x128xi32, #tpu.memory_space<vmem>>
    %dma_start3A_167 = tpu.memref_squeeze %dma_start3A_166 : memref<1x128xi32, #tpu.memory_space<vmem>> -> memref<128xi32, #tpu.memory_space<vmem>>
    %dma_start3A_168 = arith.constant 0 : i32
    %dma_start3A_169 = tpu.memref_slice %arg6[%dma_start3A_168] : memref<33554432xf32, #tpu.memory_space<hbm>> -> memref<33554432xf32, #tpu.memory_space<hbm>>
    tpu.enqueue_indirect_dma source(%dma_start3A_169 : memref<33554432xf32, #tpu.memory_space<hbm>>) target(%dma_start3A_164 : memref<128xf32, #tpu.memory_space<vmem>>) offsets(%dma_start3A_167 : memref<128xi32, #tpu.memory_space<vmem>>) semaphore(%arg23 : memref<!tpu.dma_semaphore, #tpu.memory_space<semaphore_mem>>)
    %dma_start3A_170 = arith.constant 16 : i32
    %dma_start3A_171 = arith.constant 16 : i32
    %dma_start3A_172 = arith.constant 0 : i32
    %dma_start3A_173 = tpu.memref_slice %arg19[%dma_start3A_171, %dma_start3A_172] : memref<32x128xf32, #tpu.memory_space<vmem>> -> memref<1x128xf32, #tpu.memory_space<vmem>>
    %dma_start3A_174 = tpu.memref_squeeze %dma_start3A_173 : memref<1x128xf32, #tpu.memory_space<vmem>> -> memref<128xf32, #tpu.memory_space<vmem>>
    %dma_start3A_175 = arith.constant 0 : i32
    %dma_start3A_176 = tpu.memref_slice %arg17[%dma_start3A_170, %dma_start3A_175] : memref<32x128xi32, #tpu.memory_space<vmem>> -> memref<1x128xi32, #tpu.memory_space<vmem>>
    %dma_start3A_177 = tpu.memref_squeeze %dma_start3A_176 : memref<1x128xi32, #tpu.memory_space<vmem>> -> memref<128xi32, #tpu.memory_space<vmem>>
    %dma_start3A_178 = arith.constant 0 : i32
    %dma_start3A_179 = tpu.memref_slice %arg6[%dma_start3A_178] : memref<33554432xf32, #tpu.memory_space<hbm>> -> memref<33554432xf32, #tpu.memory_space<hbm>>
    tpu.enqueue_indirect_dma source(%dma_start3A_179 : memref<33554432xf32, #tpu.memory_space<hbm>>) target(%dma_start3A_174 : memref<128xf32, #tpu.memory_space<vmem>>) offsets(%dma_start3A_177 : memref<128xi32, #tpu.memory_space<vmem>>) semaphore(%arg23 : memref<!tpu.dma_semaphore, #tpu.memory_space<semaphore_mem>>)
    %dma_start3A_180 = arith.constant 17 : i32
    %dma_start3A_181 = arith.constant 17 : i32
    %dma_start3A_182 = arith.constant 0 : i32
    %dma_start3A_183 = tpu.memref_slice %arg19[%dma_start3A_181, %dma_start3A_182] : memref<32x128xf32, #tpu.memory_space<vmem>> -> memref<1x128xf32, #tpu.memory_space<vmem>>
    %dma_start3A_184 = tpu.memref_squeeze %dma_start3A_183 : memref<1x128xf32, #tpu.memory_space<vmem>> -> memref<128xf32, #tpu.memory_space<vmem>>
    %dma_start3A_185 = arith.constant 0 : i32
    %dma_start3A_186 = tpu.memref_slice %arg17[%dma_start3A_180, %dma_start3A_185] : memref<32x128xi32, #tpu.memory_space<vmem>> -> memref<1x128xi32, #tpu.memory_space<vmem>>
    %dma_start3A_187 = tpu.memref_squeeze %dma_start3A_186 : memref<1x128xi32, #tpu.memory_space<vmem>> -> memref<128xi32, #tpu.memory_space<vmem>>
    %dma_start3A_188 = arith.constant 0 : i32
    %dma_start3A_189 = tpu.memref_slice %arg6[%dma_start3A_188] : memref<33554432xf32, #tpu.memory_space<hbm>> -> memref<33554432xf32, #tpu.memory_space<hbm>>
    tpu.enqueue_indirect_dma source(%dma_start3A_189 : memref<33554432xf32, #tpu.memory_space<hbm>>) target(%dma_start3A_184 : memref<128xf32, #tpu.memory_space<vmem>>) offsets(%dma_start3A_187 : memref<128xi32, #tpu.memory_space<vmem>>) semaphore(%arg23 : memref<!tpu.dma_semaphore, #tpu.memory_space<semaphore_mem>>)
    %dma_start3A_190 = arith.constant 18 : i32
    %dma_start3A_191 = arith.constant 18 : i32
    %dma_start3A_192 = arith.constant 0 : i32
    %dma_start3A_193 = tpu.memref_slice %arg19[%dma_start3A_191, %dma_start3A_192] : memref<32x128xf32, #tpu.memory_space<vmem>> -> memref<1x128xf32, #tpu.memory_space<vmem>>
    %dma_start3A_194 = tpu.memref_squeeze %dma_start3A_193 : memref<1x128xf32, #tpu.memory_space<vmem>> -> memref<128xf32, #tpu.memory_space<vmem>>
    %dma_start3A_195 = arith.constant 0 : i32
    %dma_start3A_196 = tpu.memref_slice %arg17[%dma_start3A_190, %dma_start3A_195] : memref<32x128xi32, #tpu.memory_space<vmem>> -> memref<1x128xi32, #tpu.memory_space<vmem>>
    %dma_start3A_197 = tpu.memref_squeeze %dma_start3A_196 : memref<1x128xi32, #tpu.memory_space<vmem>> -> memref<128xi32, #tpu.memory_space<vmem>>
    %dma_start3A_198 = arith.constant 0 : i32
    %dma_start3A_199 = tpu.memref_slice %arg6[%dma_start3A_198] : memref<33554432xf32, #tpu.memory_space<hbm>> -> memref<33554432xf32, #tpu.memory_space<hbm>>
    tpu.enqueue_indirect_dma source(%dma_start3A_199 : memref<33554432xf32, #tpu.memory_space<hbm>>) target(%dma_start3A_194 : memref<128xf32, #tpu.memory_space<vmem>>) offsets(%dma_start3A_197 : memref<128xi32, #tpu.memory_space<vmem>>) semaphore(%arg23 : memref<!tpu.dma_semaphore, #tpu.memory_space<semaphore_mem>>)
    %dma_start3A_200 = arith.constant 19 : i32
    %dma_start3A_201 = arith.constant 19 : i32
    %dma_start3A_202 = arith.constant 0 : i32
    %dma_start3A_203 = tpu.memref_slice %arg19[%dma_start3A_201, %dma_start3A_202] : memref<32x128xf32, #tpu.memory_space<vmem>> -> memref<1x128xf32, #tpu.memory_space<vmem>>
    %dma_start3A_204 = tpu.memref_squeeze %dma_start3A_203 : memref<1x128xf32, #tpu.memory_space<vmem>> -> memref<128xf32, #tpu.memory_space<vmem>>
    %dma_start3A_205 = arith.constant 0 : i32
    %dma_start3A_206 = tpu.memref_slice %arg17[%dma_start3A_200, %dma_start3A_205] : memref<32x128xi32, #tpu.memory_space<vmem>> -> memref<1x128xi32, #tpu.memory_space<vmem>>
    %dma_start3A_207 = tpu.memref_squeeze %dma_start3A_206 : memref<1x128xi32, #tpu.memory_space<vmem>> -> memref<128xi32, #tpu.memory_space<vmem>>
    %dma_start3A_208 = arith.constant 0 : i32
    %dma_start3A_209 = tpu.memref_slice %arg6[%dma_start3A_208] : memref<33554432xf32, #tpu.memory_space<hbm>> -> memref<33554432xf32, #tpu.memory_space<hbm>>
    tpu.enqueue_indirect_dma source(%dma_start3A_209 : memref<33554432xf32, #tpu.memory_space<hbm>>) target(%dma_start3A_204 : memref<128xf32, #tpu.memory_space<vmem>>) offsets(%dma_start3A_207 : memref<128xi32, #tpu.memory_space<vmem>>) semaphore(%arg23 : memref<!tpu.dma_semaphore, #tpu.memory_space<semaphore_mem>>)
    %dma_start3A_210 = arith.constant 20 : i32
    %dma_start3A_211 = arith.constant 20 : i32
    %dma_start3A_212 = arith.constant 0 : i32
    %dma_start3A_213 = tpu.memref_slice %arg19[%dma_start3A_211, %dma_start3A_212] : memref<32x128xf32, #tpu.memory_space<vmem>> -> memref<1x128xf32, #tpu.memory_space<vmem>>
    %dma_start3A_214 = tpu.memref_squeeze %dma_start3A_213 : memref<1x128xf32, #tpu.memory_space<vmem>> -> memref<128xf32, #tpu.memory_space<vmem>>
    %dma_start3A_215 = arith.constant 0 : i32
    %dma_start3A_216 = tpu.memref_slice %arg17[%dma_start3A_210, %dma_start3A_215] : memref<32x128xi32, #tpu.memory_space<vmem>> -> memref<1x128xi32, #tpu.memory_space<vmem>>
    %dma_start3A_217 = tpu.memref_squeeze %dma_start3A_216 : memref<1x128xi32, #tpu.memory_space<vmem>> -> memref<128xi32, #tpu.memory_space<vmem>>
    %dma_start3A_218 = arith.constant 0 : i32
    %dma_start3A_219 = tpu.memref_slice %arg6[%dma_start3A_218] : memref<33554432xf32, #tpu.memory_space<hbm>> -> memref<33554432xf32, #tpu.memory_space<hbm>>
    tpu.enqueue_indirect_dma source(%dma_start3A_219 : memref<33554432xf32, #tpu.memory_space<hbm>>) target(%dma_start3A_214 : memref<128xf32, #tpu.memory_space<vmem>>) offsets(%dma_start3A_217 : memref<128xi32, #tpu.memory_space<vmem>>) semaphore(%arg23 : memref<!tpu.dma_semaphore, #tpu.memory_space<semaphore_mem>>)
    %dma_start3A_220 = arith.constant 21 : i32
    %dma_start3A_221 = arith.constant 21 : i32
    %dma_start3A_222 = arith.constant 0 : i32
    %dma_start3A_223 = tpu.memref_slice %arg19[%dma_start3A_221, %dma_start3A_222] : memref<32x128xf32, #tpu.memory_space<vmem>> -> memref<1x128xf32, #tpu.memory_space<vmem>>
    %dma_start3A_224 = tpu.memref_squeeze %dma_start3A_223 : memref<1x128xf32, #tpu.memory_space<vmem>> -> memref<128xf32, #tpu.memory_space<vmem>>
    %dma_start3A_225 = arith.constant 0 : i32
    %dma_start3A_226 = tpu.memref_slice %arg17[%dma_start3A_220, %dma_start3A_225] : memref<32x128xi32, #tpu.memory_space<vmem>> -> memref<1x128xi32, #tpu.memory_space<vmem>>
    %dma_start3A_227 = tpu.memref_squeeze %dma_start3A_226 : memref<1x128xi32, #tpu.memory_space<vmem>> -> memref<128xi32, #tpu.memory_space<vmem>>
    %dma_start3A_228 = arith.constant 0 : i32
    %dma_start3A_229 = tpu.memref_slice %arg6[%dma_start3A_228] : memref<33554432xf32, #tpu.memory_space<hbm>> -> memref<33554432xf32, #tpu.memory_space<hbm>>
    tpu.enqueue_indirect_dma source(%dma_start3A_229 : memref<33554432xf32, #tpu.memory_space<hbm>>) target(%dma_start3A_224 : memref<128xf32, #tpu.memory_space<vmem>>) offsets(%dma_start3A_227 : memref<128xi32, #tpu.memory_space<vmem>>) semaphore(%arg23 : memref<!tpu.dma_semaphore, #tpu.memory_space<semaphore_mem>>)
    %dma_start3A_230 = arith.constant 22 : i32
    %dma_start3A_231 = arith.constant 22 : i32
    %dma_start3A_232 = arith.constant 0 : i32
    %dma_start3A_233 = tpu.memref_slice %arg19[%dma_start3A_231, %dma_start3A_232] : memref<32x128xf32, #tpu.memory_space<vmem>> -> memref<1x128xf32, #tpu.memory_space<vmem>>
    %dma_start3A_234 = tpu.memref_squeeze %dma_start3A_233 : memref<1x128xf32, #tpu.memory_space<vmem>> -> memref<128xf32, #tpu.memory_space<vmem>>
    %dma_start3A_235 = arith.constant 0 : i32
    %dma_start3A_236 = tpu.memref_slice %arg17[%dma_start3A_230, %dma_start3A_235] : memref<32x128xi32, #tpu.memory_space<vmem>> -> memref<1x128xi32, #tpu.memory_space<vmem>>
    %dma_start3A_237 = tpu.memref_squeeze %dma_start3A_236 : memref<1x128xi32, #tpu.memory_space<vmem>> -> memref<128xi32, #tpu.memory_space<vmem>>
    %dma_start3A_238 = arith.constant 0 : i32
    %dma_start3A_239 = tpu.memref_slice %arg6[%dma_start3A_238] : memref<33554432xf32, #tpu.memory_space<hbm>> -> memref<33554432xf32, #tpu.memory_space<hbm>>
    tpu.enqueue_indirect_dma source(%dma_start3A_239 : memref<33554432xf32, #tpu.memory_space<hbm>>) target(%dma_start3A_234 : memref<128xf32, #tpu.memory_space<vmem>>) offsets(%dma_start3A_237 : memref<128xi32, #tpu.memory_space<vmem>>) semaphore(%arg23 : memref<!tpu.dma_semaphore, #tpu.memory_space<semaphore_mem>>)
    %dma_start3A_240 = arith.constant 23 : i32
    %dma_start3A_241 = arith.constant 23 : i32
    %dma_start3A_242 = arith.constant 0 : i32
    %dma_start3A_243 = tpu.memref_slice %arg19[%dma_start3A_241, %dma_start3A_242] : memref<32x128xf32, #tpu.memory_space<vmem>> -> memref<1x128xf32, #tpu.memory_space<vmem>>
    %dma_start3A_244 = tpu.memref_squeeze %dma_start3A_243 : memref<1x128xf32, #tpu.memory_space<vmem>> -> memref<128xf32, #tpu.memory_space<vmem>>
    %dma_start3A_245 = arith.constant 0 : i32
    %dma_start3A_246 = tpu.memref_slice %arg17[%dma_start3A_240, %dma_start3A_245] : memref<32x128xi32, #tpu.memory_space<vmem>> -> memref<1x128xi32, #tpu.memory_space<vmem>>
    %dma_start3A_247 = tpu.memref_squeeze %dma_start3A_246 : memref<1x128xi32, #tpu.memory_space<vmem>> -> memref<128xi32, #tpu.memory_space<vmem>>
    %dma_start3A_248 = arith.constant 0 : i32
    %dma_start3A_249 = tpu.memref_slice %arg6[%dma_start3A_248] : memref<33554432xf32, #tpu.memory_space<hbm>> -> memref<33554432xf32, #tpu.memory_space<hbm>>
    tpu.enqueue_indirect_dma source(%dma_start3A_249 : memref<33554432xf32, #tpu.memory_space<hbm>>) target(%dma_start3A_244 : memref<128xf32, #tpu.memory_space<vmem>>) offsets(%dma_start3A_247 : memref<128xi32, #tpu.memory_space<vmem>>) semaphore(%arg23 : memref<!tpu.dma_semaphore, #tpu.memory_space<semaphore_mem>>)
    %dma_start3A_250 = arith.constant 24 : i32
    %dma_start3A_251 = arith.constant 24 : i32
    %dma_start3A_252 = arith.constant 0 : i32
    %dma_start3A_253 = tpu.memref_slice %arg19[%dma_start3A_251, %dma_start3A_252] : memref<32x128xf32, #tpu.memory_space<vmem>> -> memref<1x128xf32, #tpu.memory_space<vmem>>
    %dma_start3A_254 = tpu.memref_squeeze %dma_start3A_253 : memref<1x128xf32, #tpu.memory_space<vmem>> -> memref<128xf32, #tpu.memory_space<vmem>>
    %dma_start3A_255 = arith.constant 0 : i32
    %dma_start3A_256 = tpu.memref_slice %arg17[%dma_start3A_250, %dma_start3A_255] : memref<32x128xi32, #tpu.memory_space<vmem>> -> memref<1x128xi32, #tpu.memory_space<vmem>>
    %dma_start3A_257 = tpu.memref_squeeze %dma_start3A_256 : memref<1x128xi32, #tpu.memory_space<vmem>> -> memref<128xi32, #tpu.memory_space<vmem>>
    %dma_start3A_258 = arith.constant 0 : i32
    %dma_start3A_259 = tpu.memref_slice %arg6[%dma_start3A_258] : memref<33554432xf32, #tpu.memory_space<hbm>> -> memref<33554432xf32, #tpu.memory_space<hbm>>
    tpu.enqueue_indirect_dma source(%dma_start3A_259 : memref<33554432xf32, #tpu.memory_space<hbm>>) target(%dma_start3A_254 : memref<128xf32, #tpu.memory_space<vmem>>) offsets(%dma_start3A_257 : memref<128xi32, #tpu.memory_space<vmem>>) semaphore(%arg23 : memref<!tpu.dma_semaphore, #tpu.memory_space<semaphore_mem>>)
    %dma_start3A_260 = arith.constant 25 : i32
    %dma_start3A_261 = arith.constant 25 : i32
    %dma_start3A_262 = arith.constant 0 : i32
    %dma_start3A_263 = tpu.memref_slice %arg19[%dma_start3A_261, %dma_start3A_262] : memref<32x128xf32, #tpu.memory_space<vmem>> -> memref<1x128xf32, #tpu.memory_space<vmem>>
    %dma_start3A_264 = tpu.memref_squeeze %dma_start3A_263 : memref<1x128xf32, #tpu.memory_space<vmem>> -> memref<128xf32, #tpu.memory_space<vmem>>
    %dma_start3A_265 = arith.constant 0 : i32
    %dma_start3A_266 = tpu.memref_slice %arg17[%dma_start3A_260, %dma_start3A_265] : memref<32x128xi32, #tpu.memory_space<vmem>> -> memref<1x128xi32, #tpu.memory_space<vmem>>
    %dma_start3A_267 = tpu.memref_squeeze %dma_start3A_266 : memref<1x128xi32, #tpu.memory_space<vmem>> -> memref<128xi32, #tpu.memory_space<vmem>>
    %dma_start3A_268 = arith.constant 0 : i32
    %dma_start3A_269 = tpu.memref_slice %arg6[%dma_start3A_268] : memref<33554432xf32, #tpu.memory_space<hbm>> -> memref<33554432xf32, #tpu.memory_space<hbm>>
    tpu.enqueue_indirect_dma source(%dma_start3A_269 : memref<33554432xf32, #tpu.memory_space<hbm>>) target(%dma_start3A_264 : memref<128xf32, #tpu.memory_space<vmem>>) offsets(%dma_start3A_267 : memref<128xi32, #tpu.memory_space<vmem>>) semaphore(%arg23 : memref<!tpu.dma_semaphore, #tpu.memory_space<semaphore_mem>>)
    %dma_start3A_270 = arith.constant 26 : i32
    %dma_start3A_271 = arith.constant 26 : i32
    %dma_start3A_272 = arith.constant 0 : i32
    %dma_start3A_273 = tpu.memref_slice %arg19[%dma_start3A_271, %dma_start3A_272] : memref<32x128xf32, #tpu.memory_space<vmem>> -> memref<1x128xf32, #tpu.memory_space<vmem>>
    %dma_start3A_274 = tpu.memref_squeeze %dma_start3A_273 : memref<1x128xf32, #tpu.memory_space<vmem>> -> memref<128xf32, #tpu.memory_space<vmem>>
    %dma_start3A_275 = arith.constant 0 : i32
    %dma_start3A_276 = tpu.memref_slice %arg17[%dma_start3A_270, %dma_start3A_275] : memref<32x128xi32, #tpu.memory_space<vmem>> -> memref<1x128xi32, #tpu.memory_space<vmem>>
    %dma_start3A_277 = tpu.memref_squeeze %dma_start3A_276 : memref<1x128xi32, #tpu.memory_space<vmem>> -> memref<128xi32, #tpu.memory_space<vmem>>
    %dma_start3A_278 = arith.constant 0 : i32
    %dma_start3A_279 = tpu.memref_slice %arg6[%dma_start3A_278] : memref<33554432xf32, #tpu.memory_space<hbm>> -> memref<33554432xf32, #tpu.memory_space<hbm>>
    tpu.enqueue_indirect_dma source(%dma_start3A_279 : memref<33554432xf32, #tpu.memory_space<hbm>>) target(%dma_start3A_274 : memref<128xf32, #tpu.memory_space<vmem>>) offsets(%dma_start3A_277 : memref<128xi32, #tpu.memory_space<vmem>>) semaphore(%arg23 : memref<!tpu.dma_semaphore, #tpu.memory_space<semaphore_mem>>)
    %dma_start3A_280 = arith.constant 27 : i32
    %dma_start3A_281 = arith.constant 27 : i32
    %dma_start3A_282 = arith.constant 0 : i32
    %dma_start3A_283 = tpu.memref_slice %arg19[%dma_start3A_281, %dma_start3A_282] : memref<32x128xf32, #tpu.memory_space<vmem>> -> memref<1x128xf32, #tpu.memory_space<vmem>>
    %dma_start3A_284 = tpu.memref_squeeze %dma_start3A_283 : memref<1x128xf32, #tpu.memory_space<vmem>> -> memref<128xf32, #tpu.memory_space<vmem>>
    %dma_start3A_285 = arith.constant 0 : i32
    %dma_start3A_286 = tpu.memref_slice %arg17[%dma_start3A_280, %dma_start3A_285] : memref<32x128xi32, #tpu.memory_space<vmem>> -> memref<1x128xi32, #tpu.memory_space<vmem>>
    %dma_start3A_287 = tpu.memref_squeeze %dma_start3A_286 : memref<1x128xi32, #tpu.memory_space<vmem>> -> memref<128xi32, #tpu.memory_space<vmem>>
    %dma_start3A_288 = arith.constant 0 : i32
    %dma_start3A_289 = tpu.memref_slice %arg6[%dma_start3A_288] : memref<33554432xf32, #tpu.memory_space<hbm>> -> memref<33554432xf32, #tpu.memory_space<hbm>>
    tpu.enqueue_indirect_dma source(%dma_start3A_289 : memref<33554432xf32, #tpu.memory_space<hbm>>) target(%dma_start3A_284 : memref<128xf32, #tpu.memory_space<vmem>>) offsets(%dma_start3A_287 : memref<128xi32, #tpu.memory_space<vmem>>) semaphore(%arg23 : memref<!tpu.dma_semaphore, #tpu.memory_space<semaphore_mem>>)
    %dma_start3A_290 = arith.constant 28 : i32
    %dma_start3A_291 = arith.constant 28 : i32
    %dma_start3A_292 = arith.constant 0 : i32
    %dma_start3A_293 = tpu.memref_slice %arg19[%dma_start3A_291, %dma_start3A_292] : memref<32x128xf32, #tpu.memory_space<vmem>> -> memref<1x128xf32, #tpu.memory_space<vmem>>
    %dma_start3A_294 = tpu.memref_squeeze %dma_start3A_293 : memref<1x128xf32, #tpu.memory_space<vmem>> -> memref<128xf32, #tpu.memory_space<vmem>>
    %dma_start3A_295 = arith.constant 0 : i32
    %dma_start3A_296 = tpu.memref_slice %arg17[%dma_start3A_290, %dma_start3A_295] : memref<32x128xi32, #tpu.memory_space<vmem>> -> memref<1x128xi32, #tpu.memory_space<vmem>>
    %dma_start3A_297 = tpu.memref_squeeze %dma_start3A_296 : memref<1x128xi32, #tpu.memory_space<vmem>> -> memref<128xi32, #tpu.memory_space<vmem>>
    %dma_start3A_298 = arith.constant 0 : i32
    %dma_start3A_299 = tpu.memref_slice %arg6[%dma_start3A_298] : memref<33554432xf32, #tpu.memory_space<hbm>> -> memref<33554432xf32, #tpu.memory_space<hbm>>
    tpu.enqueue_indirect_dma source(%dma_start3A_299 : memref<33554432xf32, #tpu.memory_space<hbm>>) target(%dma_start3A_294 : memref<128xf32, #tpu.memory_space<vmem>>) offsets(%dma_start3A_297 : memref<128xi32, #tpu.memory_space<vmem>>) semaphore(%arg23 : memref<!tpu.dma_semaphore, #tpu.memory_space<semaphore_mem>>)
    %dma_start3A_300 = arith.constant 29 : i32
    %dma_start3A_301 = arith.constant 29 : i32
    %dma_start3A_302 = arith.constant 0 : i32
    %dma_start3A_303 = tpu.memref_slice %arg19[%dma_start3A_301, %dma_start3A_302] : memref<32x128xf32, #tpu.memory_space<vmem>> -> memref<1x128xf32, #tpu.memory_space<vmem>>
    %dma_start3A_304 = tpu.memref_squeeze %dma_start3A_303 : memref<1x128xf32, #tpu.memory_space<vmem>> -> memref<128xf32, #tpu.memory_space<vmem>>
    %dma_start3A_305 = arith.constant 0 : i32
    %dma_start3A_306 = tpu.memref_slice %arg17[%dma_start3A_300, %dma_start3A_305] : memref<32x128xi32, #tpu.memory_space<vmem>> -> memref<1x128xi32, #tpu.memory_space<vmem>>
    %dma_start3A_307 = tpu.memref_squeeze %dma_start3A_306 : memref<1x128xi32, #tpu.memory_space<vmem>> -> memref<128xi32, #tpu.memory_space<vmem>>
    %dma_start3A_308 = arith.constant 0 : i32
    %dma_start3A_309 = tpu.memref_slice %arg6[%dma_start3A_308] : memref<33554432xf32, #tpu.memory_space<hbm>> -> memref<33554432xf32, #tpu.memory_space<hbm>>
    tpu.enqueue_indirect_dma source(%dma_start3A_309 : memref<33554432xf32, #tpu.memory_space<hbm>>) target(%dma_start3A_304 : memref<128xf32, #tpu.memory_space<vmem>>) offsets(%dma_start3A_307 : memref<128xi32, #tpu.memory_space<vmem>>) semaphore(%arg23 : memref<!tpu.dma_semaphore, #tpu.memory_space<semaphore_mem>>)
    %dma_start3A_310 = arith.constant 30 : i32
    %dma_start3A_311 = arith.constant 30 : i32
    %dma_start3A_312 = arith.constant 0 : i32
    %dma_start3A_313 = tpu.memref_slice %arg19[%dma_start3A_311, %dma_start3A_312] : memref<32x128xf32, #tpu.memory_space<vmem>> -> memref<1x128xf32, #tpu.memory_space<vmem>>
    %dma_start3A_314 = tpu.memref_squeeze %dma_start3A_313 : memref<1x128xf32, #tpu.memory_space<vmem>> -> memref<128xf32, #tpu.memory_space<vmem>>
    %dma_start3A_315 = arith.constant 0 : i32
    %dma_start3A_316 = tpu.memref_slice %arg17[%dma_start3A_310, %dma_start3A_315] : memref<32x128xi32, #tpu.memory_space<vmem>> -> memref<1x128xi32, #tpu.memory_space<vmem>>
    %dma_start3A_317 = tpu.memref_squeeze %dma_start3A_316 : memref<1x128xi32, #tpu.memory_space<vmem>> -> memref<128xi32, #tpu.memory_space<vmem>>
    %dma_start3A_318 = arith.constant 0 : i32
    %dma_start3A_319 = tpu.memref_slice %arg6[%dma_start3A_318] : memref<33554432xf32, #tpu.memory_space<hbm>> -> memref<33554432xf32, #tpu.memory_space<hbm>>
    tpu.enqueue_indirect_dma source(%dma_start3A_319 : memref<33554432xf32, #tpu.memory_space<hbm>>) target(%dma_start3A_314 : memref<128xf32, #tpu.memory_space<vmem>>) offsets(%dma_start3A_317 : memref<128xi32, #tpu.memory_space<vmem>>) semaphore(%arg23 : memref<!tpu.dma_semaphore, #tpu.memory_space<semaphore_mem>>)
    %dma_start3A_320 = arith.constant 31 : i32
    %dma_start3A_321 = arith.constant 31 : i32
    %dma_start3A_322 = arith.constant 0 : i32
    %dma_start3A_323 = tpu.memref_slice %arg19[%dma_start3A_321, %dma_start3A_322] : memref<32x128xf32, #tpu.memory_space<vmem>> -> memref<1x128xf32, #tpu.memory_space<vmem>>
    %dma_start3A_324 = tpu.memref_squeeze %dma_start3A_323 : memref<1x128xf32, #tpu.memory_space<vmem>> -> memref<128xf32, #tpu.memory_space<vmem>>
    %dma_start3A_325 = arith.constant 0 : i32
    %dma_start3A_326 = tpu.memref_slice %arg17[%dma_start3A_320, %dma_start3A_325] : memref<32x128xi32, #tpu.memory_space<vmem>> -> memref<1x128xi32, #tpu.memory_space<vmem>>
    %dma_start3A_327 = tpu.memref_squeeze %dma_start3A_326 : memref<1x128xi32, #tpu.memory_space<vmem>> -> memref<128xi32, #tpu.memory_space<vmem>>
    %dma_start3A_328 = arith.constant 0 : i32
    %dma_start3A_329 = tpu.memref_slice %arg6[%dma_start3A_328] : memref<33554432xf32, #tpu.memory_space<hbm>> -> memref<33554432xf32, #tpu.memory_space<hbm>>
    tpu.enqueue_indirect_dma source(%dma_start3A_329 : memref<33554432xf32, #tpu.memory_space<hbm>>) target(%dma_start3A_324 : memref<128xf32, #tpu.memory_space<vmem>>) offsets(%dma_start3A_327 : memref<128xi32, #tpu.memory_space<vmem>>) semaphore(%arg23 : memref<!tpu.dma_semaphore, #tpu.memory_space<semaphore_mem>>)
    %scan3A_330 = arith.constant 0 : i32
    %scan3A_331 = arith.constant 0 : i32
    %scan3A_332 = arith.constant 64 : i32
    %scan3A_333 = arith.addi %scan3A_331, %scan3A_332 : i32
    %scan3A_334 = arith.constant 1 : i32
    scf.for %scan3A_336 = %scan3A_331 to %scan3A_333 step %scan3A_334  : i32 {
      %mul3A_337 = arith.constant 2 : i32
      %mul3A_338 = arith.muli %mul3A_337, %scan3A_336 : i32
      %add3A_339 = arith.constant 1 : i32
      %add3A_340 = arith.addi %mul3A_338, %add3A_339 : i32
      %scan3A_341 = arith.constant 0 : i32
      %scan3A_342 = arith.constant 0 : i32
      %scan3A_343 = arith.constant 8 : i32
      %scan3A_344 = arith.addi %scan3A_342, %scan3A_343 : i32
      %scan3A_345 = arith.constant 1 : i32
      scf.for %scan3A_1322 = %scan3A_342 to %scan3A_344 step %scan3A_345  : i32 {
        %mul3A_1323 = arith.constant 16 : i32
        %mul3A_1324 = arith.muli %scan3A_1322, %mul3A_1323 : i32
        %mul3A_1325 = arith.constant 128 : i32
        %mul3A_1326 = arith.muli %add3A_340, %mul3A_1325 : i32
        %mul3A_1327 = arith.constant 16 : i32
        %mul3A_1328 = arith.muli %scan3A_1322, %mul3A_1327 : i32
        %add3A_1329 = arith.addi %mul3A_1326, %mul3A_1328 : i32
        %get3A_1330 = arith.index_cast %add3A_1329 : i32 to index
        %get3A_1331 = tpu.vector_load %arg12[%get3A_1330] {strides = array<i32>} : memref<16384xf32, #tpu.memory_space<vmem>>, vector<16xf32>,
        %sub3A = arith.subf %get3A_1331, %get3A_3 : vector<16xf32>
        %div3A = arith.divf %sub3A, %get3A_5 : vector<16xf32>
        %convert_element_type3A_1332 = arith.fptosi %div3A : vector<16xf32> to vector<16xi32>
        %jit3A = arith.constant 2 : i32
        %jit3A_1333 = arith.constant 256 : i32
        %max3A = vector.broadcast %jit3A : i32 to vector<16xi32>
        %max3A_1334 = arith.maxsi %max3A, %convert_element_type3A_1332 : vector<16xi32>
        %min3A = vector.broadcast %jit3A_1333 : i32 to vector<16xi32>
        %min3A_1335 = arith.minsi %min3A, %max3A_1334 : vector<16xi32>
        %gather3A = tpu.vector_load_idx %arg10[%min3A_1335] : memref<384xf32, #tpu.memory_space<vmem>>[vector<16xi32>], vector<16xf32>,
        %add3A_1336 = arith.constant 1 : i32
        %add3A_1337 = vector.broadcast %add3A_1336 : i32 to vector<16xi32>
        %add3A_1338 = arith.addi %min3A_1335, %add3A_1337 : vector<16xi32>
        %gather3A_1339 = tpu.vector_load_idx %arg10[%add3A_1338] : memref<384xf32, #tpu.memory_space<vmem>>[vector<16xi32>], vector<16xf32>,
        %sub3A_1340 = arith.subf %get3A_1331, %gather3A : vector<16xf32>
        %sub3A_1341 = arith.subf %gather3A_1339, %gather3A : vector<16xf32>
        %div3A_1342 = arith.divf %sub3A_1340, %sub3A_1341 : vector<16xf32>
        %sub3A_1343 = arith.constant 1 : i32
        %sub3A_1344 = vector.broadcast %sub3A_1343 : i32 to vector<16xi32>
        %sub3A_1345 = arith.subi %min3A_1335, %sub3A_1344 : vector<16xi32>
        %sub3A_1346 = arith.constant 1 : i32
        %sub3A_1347 = vector.broadcast %sub3A_1346 : i32 to vector<16xi32>
        %sub3A_1348 = arith.subi %sub3A_1345, %sub3A_1347 : vector<16xi32>
        %add3A_1349 = arith.constant 1 : i32
        %add3A_1350 = vector.broadcast %add3A_1349 : i32 to vector<16xi32>
        %add3A_1351 = arith.addi %sub3A_1345, %add3A_1350 : vector<16xi32>
        %min3A_1352 = arith.constant 255 : i32
        %min3A_1353 = vector.broadcast %min3A_1352 : i32 to vector<16xi32>
        %min3A_1354 = arith.minsi %add3A_1351, %min3A_1353 : vector<16xi32>
        %add3A_1355 = arith.constant 2 : i32
        %add3A_1356 = vector.broadcast %add3A_1355 : i32 to vector<16xi32>
        %add3A_1357 = arith.addi %sub3A_1345, %add3A_1356 : vector<16xi32>
        %min3A_1358 = arith.constant 255 : i32
        %min3A_1359 = vector.broadcast %min3A_1358 : i32 to vector<16xi32>
        %min3A_1360 = arith.minsi %add3A_1357, %min3A_1359 : vector<16xi32>
        %get3A_1361 = arith.index_cast %add3A_1329 : i32 to index
        %get3A_1362 = tpu.vector_load %arg13[%get3A_1361] {strides = array<i32>} : memref<16384xf32, #tpu.memory_space<vmem>>, vector<16xf32>,
        %sub3A_1363 = arith.subf %get3A_1362, %get3A_3 : vector<16xf32>
        %div3A_1364 = arith.divf %sub3A_1363, %get3A_5 : vector<16xf32>
        %convert_element_type3A_1365 = arith.fptosi %div3A_1364 : vector<16xf32> to vector<16xi32>
        %jit3A_1366 = arith.constant 2 : i32
        %jit3A_1367 = arith.constant 256 : i32
        %max3A_1368 = vector.broadcast %jit3A_1366 : i32 to vector<16xi32>
        %max3A_1369 = arith.maxsi %max3A_1368, %convert_element_type3A_1365 : vector<16xi32>
        %min3A_1370 = vector.broadcast %jit3A_1367 : i32 to vector<16xi32>
        %min3A_1371 = arith.minsi %min3A_1370, %max3A_1369 : vector<16xi32>
        %gather3A_1372 = tpu.vector_load_idx %arg10[%min3A_1371] : memref<384xf32, #tpu.memory_space<vmem>>[vector<16xi32>], vector<16xf32>,
        %add3A_1373 = arith.constant 1 : i32
        %add3A_1374 = vector.broadcast %add3A_1373 : i32 to vector<16xi32>
        %add3A_1375 = arith.addi %min3A_1371, %add3A_1374 : vector<16xi32>
        %gather3A_1376 = tpu.vector_load_idx %arg10[%add3A_1375] : memref<384xf32, #tpu.memory_space<vmem>>[vector<16xi32>], vector<16xf32>,
        %sub3A_1377 = arith.subf %get3A_1362, %gather3A_1372 : vector<16xf32>
        %sub3A_1378 = arith.subf %gather3A_1376, %gather3A_1372 : vector<16xf32>
        %div3A_1379 = arith.divf %sub3A_1377, %sub3A_1378 : vector<16xf32>
        %sub3A_1380 = arith.constant 1 : i32
        %sub3A_1381 = vector.broadcast %sub3A_1380 : i32 to vector<16xi32>
        %sub3A_1382 = arith.subi %min3A_1371, %sub3A_1381 : vector<16xi32>
        %sub3A_1383 = arith.constant 1 : i32
        %sub3A_1384 = vector.broadcast %sub3A_1383 : i32 to vector<16xi32>
        %sub3A_1385 = arith.subi %sub3A_1382, %sub3A_1384 : vector<16xi32>
        %add3A_1386 = arith.constant 1 : i32
        %add3A_1387 = vector.broadcast %add3A_1386 : i32 to vector<16xi32>
        %add3A_1388 = arith.addi %sub3A_1382, %add3A_1387 : vector<16xi32>
        %min3A_1389 = arith.constant 255 : i32
        %min3A_1390 = vector.broadcast %min3A_1389 : i32 to vector<16xi32>
        %min3A_1391 = arith.minsi %add3A_1388, %min3A_1390 : vector<16xi32>
        %add3A_1392 = arith.constant 2 : i32
        %add3A_1393 = vector.broadcast %add3A_1392 : i32 to vector<16xi32>
        %add3A_1394 = arith.addi %sub3A_1382, %add3A_1393 : vector<16xi32>
        %min3A_1395 = arith.constant 255 : i32
        %min3A_1396 = vector.broadcast %min3A_1395 : i32 to vector<16xi32>
        %min3A_1397 = arith.minsi %add3A_1394, %min3A_1396 : vector<16xi32>
        %get3A_1398 = arith.index_cast %add3A_1329 : i32 to index
        %get3A_1399 = tpu.vector_load %arg14[%get3A_1398] {strides = array<i32>} : memref<16384xf32, #tpu.memory_space<vmem>>, vector<16xf32>,
        %sub3A_1400 = arith.subf %get3A_1399, %get3A_3 : vector<16xf32>
        %div3A_1401 = arith.divf %sub3A_1400, %get3A_5 : vector<16xf32>
        %convert_element_type3A_1402 = arith.fptosi %div3A_1401 : vector<16xf32> to vector<16xi32>
        %jit3A_1403 = arith.constant 2 : i32
        %jit3A_1404 = arith.constant 256 : i32
        %max3A_1405 = vector.broadcast %jit3A_1403 : i32 to vector<16xi32>
        %max3A_1406 = arith.maxsi %max3A_1405, %convert_element_type3A_1402 : vector<16xi32>
        %min3A_1407 = vector.broadcast %jit3A_1404 : i32 to vector<16xi32>
        %min3A_1408 = arith.minsi %min3A_1407, %max3A_1406 : vector<16xi32>
        %gather3A_1409 = tpu.vector_load_idx %arg10[%min3A_1408] : memref<384xf32, #tpu.memory_space<vmem>>[vector<16xi32>], vector<16xf32>,
        %add3A_1410 = arith.constant 1 : i32
        %add3A_1411 = vector.broadcast %add3A_1410 : i32 to vector<16xi32>
        %add3A_1412 = arith.addi %min3A_1408, %add3A_1411 : vector<16xi32>
        %gather3A_1413 = tpu.vector_load_idx %arg10[%add3A_1412] : memref<384xf32, #tpu.memory_space<vmem>>[vector<16xi32>], vector<16xf32>,
        %sub3A_1414 = arith.subf %get3A_1399, %gather3A_1409 : vector<16xf32>
        %sub3A_1415 = arith.subf %gather3A_1413, %gather3A_1409 : vector<16xf32>
        %div3A_1416 = arith.divf %sub3A_1414, %sub3A_1415 : vector<16xf32>
        %sub3A_1417 = arith.constant 1 : i32
        %sub3A_1418 = vector.broadcast %sub3A_1417 : i32 to vector<16xi32>
        %sub3A_1419 = arith.subi %min3A_1408, %sub3A_1418 : vector<16xi32>
        %sub3A_1420 = arith.constant 1 : i32
        %sub3A_1421 = vector.broadcast %sub3A_1420 : i32 to vector<16xi32>
        %sub3A_1422 = arith.subi %sub3A_1419, %sub3A_1421 : vector<16xi32>
        %add3A_1423 = arith.constant 1 : i32
        %add3A_1424 = vector.broadcast %add3A_1423 : i32 to vector<16xi32>
        %add3A_1425 = arith.addi %sub3A_1419, %add3A_1424 : vector<16xi32>
        %min3A_1426 = arith.constant 255 : i32
        %min3A_1427 = vector.broadcast %min3A_1426 : i32 to vector<16xi32>
        %min3A_1428 = arith.minsi %add3A_1425, %min3A_1427 : vector<16xi32>
        %add3A_1429 = arith.constant 2 : i32
        %add3A_1430 = vector.broadcast %add3A_1429 : i32 to vector<16xi32>
        %add3A_1431 = arith.addi %sub3A_1419, %add3A_1430 : vector<16xi32>
        %min3A_1432 = arith.constant 255 : i32
        %min3A_1433 = vector.broadcast %min3A_1432 : i32 to vector<16xi32>
        %min3A_1434 = arith.minsi %add3A_1431, %min3A_1433 : vector<16xi32>
        %get3A_1435 = arith.index_cast %add3A_1329 : i32 to index
        %get3A_1436 = tpu.vector_load %arg15[%get3A_1435] {strides = array<i32>} : memref<16384xf32, #tpu.memory_space<vmem>>, vector<16xf32>,
        %ge3A = arith.constant 0.000000e+00 : f32
        %ge3A_1437 = vector.broadcast %ge3A : f32 to vector<16xf32>
        %ge3A_1438 = arith.cmpf oge, %get3A_1436, %ge3A_1437 : vector<16xf32>
        %jit3A_1439 = arith.constant 16777216 : i32
        %jit3A_1440 = arith.constant 0 : i32
        %broadcast_in_dim3A = vector.broadcast %jit3A_1439 : i32 to vector<16xi32>
        %broadcast_in_dim3A_1441 = vector.broadcast %jit3A_1440 : i32 to vector<16xi32>
        %select_n3A = arith.select %ge3A_1438, %broadcast_in_dim3A, %broadcast_in_dim3A_1441 : vector<16xi1>, vector<16xi32>
        %swap3A = arith.constant 0 : i32
        %swap3A_1442 = arith.index_cast %swap3A : i32 to index
        %swap3A_1443 = arith.index_cast %mul3A_1324 : i32 to index
        %swap3A_1444 = tpu.vector_load %arg22[%swap3A_1442, %swap3A_1443] {strides = array<i32>} : memref<4x128xf32, #tpu.memory_space<vmem>>, vector<16xf32>,
        tpu.vector_store %arg22[%swap3A_1442, %swap3A_1443], %div3A_1342 {strides = array<i32>} : memref<4x128xf32, #tpu.memory_space<vmem>>, vector<16xf32>,
        %swap3A_1445 = arith.constant 1 : i32
        %swap3A_1446 = arith.index_cast %swap3A_1445 : i32 to index
        %swap3A_1447 = arith.index_cast %mul3A_1324 : i32 to index
        %swap3A_1448 = tpu.vector_load %arg22[%swap3A_1446, %swap3A_1447] {strides = array<i32>} : memref<4x128xf32, #tpu.memory_space<vmem>>, vector<16xf32>,
        tpu.vector_store %arg22[%swap3A_1446, %swap3A_1447], %div3A_1379 {strides = array<i32>} : memref<4x128xf32, #tpu.memory_space<vmem>>, vector<16xf32>,
        %swap3A_1449 = arith.constant 2 : i32
        %swap3A_1450 = arith.index_cast %swap3A_1449 : i32 to index
        %swap3A_1451 = arith.index_cast %mul3A_1324 : i32 to index
        %swap3A_1452 = tpu.vector_load %arg22[%swap3A_1450, %swap3A_1451] {strides = array<i32>} : memref<4x128xf32, #tpu.memory_space<vmem>>, vector<16xf32>,
        tpu.vector_store %arg22[%swap3A_1450, %swap3A_1451], %div3A_1416 {strides = array<i32>} : memref<4x128xf32, #tpu.memory_space<vmem>>, vector<16xf32>,
        %mul3A_1453 = arith.constant 256 : i32
        %mul3A_1454 = vector.broadcast %mul3A_1453 : i32 to vector<16xi32>
        %mul3A_1455 = arith.muli %sub3A_1345, %mul3A_1454 : vector<16xi32>
        %add3A_1456 = arith.addi %mul3A_1455, %sub3A_1382 : vector<16xi32>
        %mul3A_1457 = arith.constant 256 : i32
        %mul3A_1458 = vector.broadcast %mul3A_1457 : i32 to vector<16xi32>
        %mul3A_1459 = arith.muli %add3A_1456, %mul3A_1458 : vector<16xi32>
        %add3A_1460 = arith.addi %mul3A_1459, %select_n3A : vector<16xi32>
        %mul3A_1461 = arith.constant 256 : i32
        %mul3A_1462 = vector.broadcast %mul3A_1461 : i32 to vector<16xi32>
        %mul3A_1463 = arith.muli %sub3A_1345, %mul3A_1462 : vector<16xi32>
        %add3A_1464 = arith.addi %mul3A_1463, %min3A_1391 : vector<16xi32>
        %mul3A_1465 = arith.constant 256 : i32
        %mul3A_1466 = vector.broadcast %mul3A_1465 : i32 to vector<16xi32>
        %mul3A_1467 = arith.muli %add3A_1464, %mul3A_1466 : vector<16xi32>
        %add3A_1468 = arith.addi %mul3A_1467, %select_n3A : vector<16xi32>
        %mul3A_1469 = arith.constant 256 : i32
        %mul3A_1470 = vector.broadcast %mul3A_1469 : i32 to vector<16xi32>
        %mul3A_1471 = arith.muli %min3A_1354, %mul3A_1470 : vector<16xi32>
        %add3A_1472 = arith.addi %mul3A_1471, %sub3A_1382 : vector<16xi32>
        %mul3A_1473 = arith.constant 256 : i32
        %mul3A_1474 = vector.broadcast %mul3A_1473 : i32 to vector<16xi32>
        %mul3A_1475 = arith.muli %add3A_1472, %mul3A_1474 : vector<16xi32>
        %add3A_1476 = arith.addi %mul3A_1475, %select_n3A : vector<16xi32>
        %mul3A_1477 = arith.constant 256 : i32
        %mul3A_1478 = vector.broadcast %mul3A_1477 : i32 to vector<16xi32>
        %mul3A_1479 = arith.muli %min3A_1354, %mul3A_1478 : vector<16xi32>
        %add3A_1480 = arith.addi %mul3A_1479, %min3A_1391 : vector<16xi32>
        %mul3A_1481 = arith.constant 256 : i32
        %mul3A_1482 = vector.broadcast %mul3A_1481 : i32 to vector<16xi32>
        %mul3A_1483 = arith.muli %add3A_1480, %mul3A_1482 : vector<16xi32>
        %add3A_1484 = arith.addi %mul3A_1483, %select_n3A : vector<16xi32>
        %mul3A_1485 = arith.constant 256 : i32
        %mul3A_1486 = vector.broadcast %mul3A_1485 : i32 to vector<16xi32>
        %mul3A_1487 = arith.muli %sub3A_1348, %mul3A_1486 : vector<16xi32>
        %add3A_1488 = arith.addi %mul3A_1487, %sub3A_1382 : vector<16xi32>
        %mul3A_1489 = arith.constant 256 : i32
        %mul3A_1490 = vector.broadcast %mul3A_1489 : i32 to vector<16xi32>
        %mul3A_1491 = arith.muli %add3A_1488, %mul3A_1490 : vector<16xi32>
        %add3A_1492 = arith.addi %mul3A_1491, %select_n3A : vector<16xi32>
        %mul3A_1493 = arith.constant 256 : i32
        %mul3A_1494 = vector.broadcast %mul3A_1493 : i32 to vector<16xi32>
        %mul3A_1495 = arith.muli %sub3A_1348, %mul3A_1494 : vector<16xi32>
        %add3A_1496 = arith.addi %mul3A_1495, %min3A_1391 : vector<16xi32>
        %mul3A_1497 = arith.constant 256 : i32
        %mul3A_1498 = vector.broadcast %mul3A_1497 : i32 to vector<16xi32>
        %mul3A_1499 = arith.muli %add3A_1496, %mul3A_1498 : vector<16xi32>
        %add3A_1500 = arith.addi %mul3A_1499, %select_n3A : vector<16xi32>
        %mul3A_1501 = arith.constant 256 : i32
        %mul3A_1502 = vector.broadcast %mul3A_1501 : i32 to vector<16xi32>
        %mul3A_1503 = arith.muli %min3A_1360, %mul3A_1502 : vector<16xi32>
        %add3A_1504 = arith.addi %mul3A_1503, %sub3A_1382 : vector<16xi32>
        %mul3A_1505 = arith.constant 256 : i32
        %mul3A_1506 = vector.broadcast %mul3A_1505 : i32 to vector<16xi32>
        %mul3A_1507 = arith.muli %add3A_1504, %mul3A_1506 : vector<16xi32>
        %add3A_1508 = arith.addi %mul3A_1507, %select_n3A : vector<16xi32>
        %mul3A_1509 = arith.constant 256 : i32
        %mul3A_1510 = vector.broadcast %mul3A_1509 : i32 to vector<16xi32>
        %mul3A_1511 = arith.muli %min3A_1360, %mul3A_1510 : vector<16xi32>
        %add3A_1512 = arith.addi %mul3A_1511, %min3A_1391 : vector<16xi32>
        %mul3A_1513 = arith.constant 256 : i32
        %mul3A_1514 = vector.broadcast %mul3A_1513 : i32 to vector<16xi32>
        %mul3A_1515 = arith.muli %add3A_1512, %mul3A_1514 : vector<16xi32>
        %add3A_1516 = arith.addi %mul3A_1515, %select_n3A : vector<16xi32>
        %mul3A_1517 = arith.constant 256 : i32
        %mul3A_1518 = vector.broadcast %mul3A_1517 : i32 to vector<16xi32>
        %mul3A_1519 = arith.muli %sub3A_1345, %mul3A_1518 : vector<16xi32>
        %add3A_1520 = arith.addi %mul3A_1519, %sub3A_1385 : vector<16xi32>
        %mul3A_1521 = arith.constant 256 : i32
        %mul3A_1522 = vector.broadcast %mul3A_1521 : i32 to vector<16xi32>
        %mul3A_1523 = arith.muli %add3A_1520, %mul3A_1522 : vector<16xi32>
        %add3A_1524 = arith.addi %mul3A_1523, %select_n3A : vector<16xi32>
        %mul3A_1525 = arith.constant 256 : i32
        %mul3A_1526 = vector.broadcast %mul3A_1525 : i32 to vector<16xi32>
        %mul3A_1527 = arith.muli %sub3A_1345, %mul3A_1526 : vector<16xi32>
        %add3A_1528 = arith.addi %mul3A_1527, %min3A_1397 : vector<16xi32>
        %mul3A_1529 = arith.constant 256 : i32
        %mul3A_1530 = vector.broadcast %mul3A_1529 : i32 to vector<16xi32>
        %mul3A_1531 = arith.muli %add3A_1528, %mul3A_1530 : vector<16xi32>
        %add3A_1532 = arith.addi %mul3A_1531, %select_n3A : vector<16xi32>
        %mul3A_1533 = arith.constant 256 : i32
        %mul3A_1534 = vector.broadcast %mul3A_1533 : i32 to vector<16xi32>
        %mul3A_1535 = arith.muli %min3A_1354, %mul3A_1534 : vector<16xi32>
        %add3A_1536 = arith.addi %mul3A_1535, %sub3A_1385 : vector<16xi32>
        %mul3A_1537 = arith.constant 256 : i32
        %mul3A_1538 = vector.broadcast %mul3A_1537 : i32 to vector<16xi32>
        %mul3A_1539 = arith.muli %add3A_1536, %mul3A_1538 : vector<16xi32>
        %add3A_1540 = arith.addi %mul3A_1539, %select_n3A : vector<16xi32>
        %mul3A_1541 = arith.constant 256 : i32
        %mul3A_1542 = vector.broadcast %mul3A_1541 : i32 to vector<16xi32>
        %mul3A_1543 = arith.muli %min3A_1354, %mul3A_1542 : vector<16xi32>
        %add3A_1544 = arith.addi %mul3A_1543, %min3A_1397 : vector<16xi32>
        %mul3A_1545 = arith.constant 256 : i32
        %mul3A_1546 = vector.broadcast %mul3A_1545 : i32 to vector<16xi32>
        %mul3A_1547 = arith.muli %add3A_1544, %mul3A_1546 : vector<16xi32>
        %add3A_1548 = arith.addi %mul3A_1547, %select_n3A : vector<16xi32>
        %add3A_1549 = arith.addi %add3A_1460, %sub3A_1422 : vector<16xi32>
        %swap3A_1550 = arith.constant 0 : i32
        %swap3A_1551 = arith.index_cast %swap3A_1550 : i32 to index
        %swap3A_1552 = arith.index_cast %mul3A_1324 : i32 to index
        %swap3A_1553 = tpu.vector_load %arg18[%swap3A_1551, %swap3A_1552] {strides = array<i32>} : memref<32x128xi32, #tpu.memory_space<vmem>>, vector<16xi32>,
        tpu.vector_store %arg18[%swap3A_1551, %swap3A_1552], %add3A_1549 {strides = array<i32>} : memref<32x128xi32, #tpu.memory_space<vmem>>, vector<16xi32>,
        %add3A_1554 = arith.addi %add3A_1460, %sub3A_1419 : vector<16xi32>
        %swap3A_1555 = arith.constant 1 : i32
        %swap3A_1556 = arith.index_cast %swap3A_1555 : i32 to index
        %swap3A_1557 = arith.index_cast %mul3A_1324 : i32 to index
        %swap3A_1558 = tpu.vector_load %arg18[%swap3A_1556, %swap3A_1557] {strides = array<i32>} : memref<32x128xi32, #tpu.memory_space<vmem>>, vector<16xi32>,
        tpu.vector_store %arg18[%swap3A_1556, %swap3A_1557], %add3A_1554 {strides = array<i32>} : memref<32x128xi32, #tpu.memory_space<vmem>>, vector<16xi32>,
        %add3A_1559 = arith.addi %add3A_1460, %min3A_1428 : vector<16xi32>
        %swap3A_1560 = arith.constant 2 : i32
        %swap3A_1561 = arith.index_cast %swap3A_1560 : i32 to index
        %swap3A_1562 = arith.index_cast %mul3A_1324 : i32 to index
        %swap3A_1563 = tpu.vector_load %arg18[%swap3A_1561, %swap3A_1562] {strides = array<i32>} : memref<32x128xi32, #tpu.memory_space<vmem>>, vector<16xi32>,
        tpu.vector_store %arg18[%swap3A_1561, %swap3A_1562], %add3A_1559 {strides = array<i32>} : memref<32x128xi32, #tpu.memory_space<vmem>>, vector<16xi32>,
        %add3A_1564 = arith.addi %add3A_1460, %min3A_1434 : vector<16xi32>
        %swap3A_1565 = arith.constant 3 : i32
        %swap3A_1566 = arith.index_cast %swap3A_1565 : i32 to index
        %swap3A_1567 = arith.index_cast %mul3A_1324 : i32 to index
        %swap3A_1568 = tpu.vector_load %arg18[%swap3A_1566, %swap3A_1567] {strides = array<i32>} : memref<32x128xi32, #tpu.memory_space<vmem>>, vector<16xi32>,
        tpu.vector_store %arg18[%swap3A_1566, %swap3A_1567], %add3A_1564 {strides = array<i32>} : memref<32x128xi32, #tpu.memory_space<vmem>>, vector<16xi32>,
        %add3A_1569 = arith.addi %add3A_1468, %sub3A_1422 : vector<16xi32>
        %swap3A_1570 = arith.constant 4 : i32
        %swap3A_1571 = arith.index_cast %swap3A_1570 : i32 to index
        %swap3A_1572 = arith.index_cast %mul3A_1324 : i32 to index
        %swap3A_1573 = tpu.vector_load %arg18[%swap3A_1571, %swap3A_1572] {strides = array<i32>} : memref<32x128xi32, #tpu.memory_space<vmem>>, vector<16xi32>,
        tpu.vector_store %arg18[%swap3A_1571, %swap3A_1572], %add3A_1569 {strides = array<i32>} : memref<32x128xi32, #tpu.memory_space<vmem>>, vector<16xi32>,
        %add3A_1574 = arith.addi %add3A_1468, %sub3A_1419 : vector<16xi32>
        %swap3A_1575 = arith.constant 5 : i32
        %swap3A_1576 = arith.index_cast %swap3A_1575 : i32 to index
        %swap3A_1577 = arith.index_cast %mul3A_1324 : i32 to index
        %swap3A_1578 = tpu.vector_load %arg18[%swap3A_1576, %swap3A_1577] {strides = array<i32>} : memref<32x128xi32, #tpu.memory_space<vmem>>, vector<16xi32>,
        tpu.vector_store %arg18[%swap3A_1576, %swap3A_1577], %add3A_1574 {strides = array<i32>} : memref<32x128xi32, #tpu.memory_space<vmem>>, vector<16xi32>,
        %add3A_1579 = arith.addi %add3A_1468, %min3A_1428 : vector<16xi32>
        %swap3A_1580 = arith.constant 6 : i32
        %swap3A_1581 = arith.index_cast %swap3A_1580 : i32 to index
        %swap3A_1582 = arith.index_cast %mul3A_1324 : i32 to index
        %swap3A_1583 = tpu.vector_load %arg18[%swap3A_1581, %swap3A_1582] {strides = array<i32>} : memref<32x128xi32, #tpu.memory_space<vmem>>, vector<16xi32>,
        tpu.vector_store %arg18[%swap3A_1581, %swap3A_1582], %add3A_1579 {strides = array<i32>} : memref<32x128xi32, #tpu.memory_space<vmem>>, vector<16xi32>,
        %add3A_1584 = arith.addi %add3A_1468, %min3A_1434 : vector<16xi32>
        %swap3A_1585 = arith.constant 7 : i32
        %swap3A_1586 = arith.index_cast %swap3A_1585 : i32 to index
        %swap3A_1587 = arith.index_cast %mul3A_1324 : i32 to index
        %swap3A_1588 = tpu.vector_load %arg18[%swap3A_1586, %swap3A_1587] {strides = array<i32>} : memref<32x128xi32, #tpu.memory_space<vmem>>, vector<16xi32>,
        tpu.vector_store %arg18[%swap3A_1586, %swap3A_1587], %add3A_1584 {strides = array<i32>} : memref<32x128xi32, #tpu.memory_space<vmem>>, vector<16xi32>,
        %add3A_1589 = arith.addi %add3A_1476, %sub3A_1422 : vector<16xi32>
        %swap3A_1590 = arith.constant 8 : i32
        %swap3A_1591 = arith.index_cast %swap3A_1590 : i32 to index
        %swap3A_1592 = arith.index_cast %mul3A_1324 : i32 to index
        %swap3A_1593 = tpu.vector_load %arg18[%swap3A_1591, %swap3A_1592] {strides = array<i32>} : memref<32x128xi32, #tpu.memory_space<vmem>>, vector<16xi32>,
        tpu.vector_store %arg18[%swap3A_1591, %swap3A_1592], %add3A_1589 {strides = array<i32>} : memref<32x128xi32, #tpu.memory_space<vmem>>, vector<16xi32>,
        %add3A_1594 = arith.addi %add3A_1476, %sub3A_1419 : vector<16xi32>
        %swap3A_1595 = arith.constant 9 : i32
        %swap3A_1596 = arith.index_cast %swap3A_1595 : i32 to index
        %swap3A_1597 = arith.index_cast %mul3A_1324 : i32 to index
        %swap3A_1598 = tpu.vector_load %arg18[%swap3A_1596, %swap3A_1597] {strides = array<i32>} : memref<32x128xi32, #tpu.memory_space<vmem>>, vector<16xi32>,
        tpu.vector_store %arg18[%swap3A_1596, %swap3A_1597], %add3A_1594 {strides = array<i32>} : memref<32x128xi32, #tpu.memory_space<vmem>>, vector<16xi32>,
        %add3A_1599 = arith.addi %add3A_1476, %min3A_1428 : vector<16xi32>
        %swap3A_1600 = arith.constant 10 : i32
        %swap3A_1601 = arith.index_cast %swap3A_1600 : i32 to index
        %swap3A_1602 = arith.index_cast %mul3A_1324 : i32 to index
        %swap3A_1603 = tpu.vector_load %arg18[%swap3A_1601, %swap3A_1602] {strides = array<i32>} : memref<32x128xi32, #tpu.memory_space<vmem>>, vector<16xi32>,
        tpu.vector_store %arg18[%swap3A_1601, %swap3A_1602], %add3A_1599 {strides = array<i32>} : memref<32x128xi32, #tpu.memory_space<vmem>>, vector<16xi32>,
        %add3A_1604 = arith.addi %add3A_1476, %min3A_1434 : vector<16xi32>
        %swap3A_1605 = arith.constant 11 : i32
        %swap3A_1606 = arith.index_cast %swap3A_1605 : i32 to index
        %swap3A_1607 = arith.index_cast %mul3A_1324 : i32 to index
        %swap3A_1608 = tpu.vector_load %arg18[%swap3A_1606, %swap3A_1607] {strides = array<i32>} : memref<32x128xi32, #tpu.memory_space<vmem>>, vector<16xi32>,
        tpu.vector_store %arg18[%swap3A_1606, %swap3A_1607], %add3A_1604 {strides = array<i32>} : memref<32x128xi32, #tpu.memory_space<vmem>>, vector<16xi32>,
        %add3A_1609 = arith.addi %add3A_1484, %sub3A_1422 : vector<16xi32>
        %swap3A_1610 = arith.constant 12 : i32
        %swap3A_1611 = arith.index_cast %swap3A_1610 : i32 to index
        %swap3A_1612 = arith.index_cast %mul3A_1324 : i32 to index
        %swap3A_1613 = tpu.vector_load %arg18[%swap3A_1611, %swap3A_1612] {strides = array<i32>} : memref<32x128xi32, #tpu.memory_space<vmem>>, vector<16xi32>,
        tpu.vector_store %arg18[%swap3A_1611, %swap3A_1612], %add3A_1609 {strides = array<i32>} : memref<32x128xi32, #tpu.memory_space<vmem>>, vector<16xi32>,
        %add3A_1614 = arith.addi %add3A_1484, %sub3A_1419 : vector<16xi32>
        %swap3A_1615 = arith.constant 13 : i32
        %swap3A_1616 = arith.index_cast %swap3A_1615 : i32 to index
        %swap3A_1617 = arith.index_cast %mul3A_1324 : i32 to index
        %swap3A_1618 = tpu.vector_load %arg18[%swap3A_1616, %swap3A_1617] {strides = array<i32>} : memref<32x128xi32, #tpu.memory_space<vmem>>, vector<16xi32>,
        tpu.vector_store %arg18[%swap3A_1616, %swap3A_1617], %add3A_1614 {strides = array<i32>} : memref<32x128xi32, #tpu.memory_space<vmem>>, vector<16xi32>,
        %add3A_1619 = arith.addi %add3A_1484, %min3A_1428 : vector<16xi32>
        %swap3A_1620 = arith.constant 14 : i32
        %swap3A_1621 = arith.index_cast %swap3A_1620 : i32 to index
        %swap3A_1622 = arith.index_cast %mul3A_1324 : i32 to index
        %swap3A_1623 = tpu.vector_load %arg18[%swap3A_1621, %swap3A_1622] {strides = array<i32>} : memref<32x128xi32, #tpu.memory_space<vmem>>, vector<16xi32>,
        tpu.vector_store %arg18[%swap3A_1621, %swap3A_1622], %add3A_1619 {strides = array<i32>} : memref<32x128xi32, #tpu.memory_space<vmem>>, vector<16xi32>,
        %add3A_1624 = arith.addi %add3A_1484, %min3A_1434 : vector<16xi32>
        %swap3A_1625 = arith.constant 15 : i32
        %swap3A_1626 = arith.index_cast %swap3A_1625 : i32 to index
        %swap3A_1627 = arith.index_cast %mul3A_1324 : i32 to index
        %swap3A_1628 = tpu.vector_load %arg18[%swap3A_1626, %swap3A_1627] {strides = array<i32>} : memref<32x128xi32, #tpu.memory_space<vmem>>, vector<16xi32>,
        tpu.vector_store %arg18[%swap3A_1626, %swap3A_1627], %add3A_1624 {strides = array<i32>} : memref<32x128xi32, #tpu.memory_space<vmem>>, vector<16xi32>,
        %add3A_1629 = arith.addi %add3A_1492, %sub3A_1419 : vector<16xi32>
        %swap3A_1630 = arith.constant 16 : i32
        %swap3A_1631 = arith.index_cast %swap3A_1630 : i32 to index
        %swap3A_1632 = arith.index_cast %mul3A_1324 : i32 to index
        %swap3A_1633 = tpu.vector_load %arg18[%swap3A_1631, %swap3A_1632] {strides = array<i32>} : memref<32x128xi32, #tpu.memory_space<vmem>>, vector<16xi32>,
        tpu.vector_store %arg18[%swap3A_1631, %swap3A_1632], %add3A_1629 {strides = array<i32>} : memref<32x128xi32, #tpu.memory_space<vmem>>, vector<16xi32>,
        %add3A_1634 = arith.addi %add3A_1492, %min3A_1428 : vector<16xi32>
        %swap3A_1635 = arith.constant 17 : i32
        %swap3A_1636 = arith.index_cast %swap3A_1635 : i32 to index
        %swap3A_1637 = arith.index_cast %mul3A_1324 : i32 to index
        %swap3A_1638 = tpu.vector_load %arg18[%swap3A_1636, %swap3A_1637] {strides = array<i32>} : memref<32x128xi32, #tpu.memory_space<vmem>>, vector<16xi32>,
        tpu.vector_store %arg18[%swap3A_1636, %swap3A_1637], %add3A_1634 {strides = array<i32>} : memref<32x128xi32, #tpu.memory_space<vmem>>, vector<16xi32>,
        %add3A_1639 = arith.addi %add3A_1500, %sub3A_1419 : vector<16xi32>
        %swap3A_1640 = arith.constant 18 : i32
        %swap3A_1641 = arith.index_cast %swap3A_1640 : i32 to index
        %swap3A_1642 = arith.index_cast %mul3A_1324 : i32 to index
        %swap3A_1643 = tpu.vector_load %arg18[%swap3A_1641, %swap3A_1642] {strides = array<i32>} : memref<32x128xi32, #tpu.memory_space<vmem>>, vector<16xi32>,
        tpu.vector_store %arg18[%swap3A_1641, %swap3A_1642], %add3A_1639 {strides = array<i32>} : memref<32x128xi32, #tpu.memory_space<vmem>>, vector<16xi32>,
        %add3A_1644 = arith.addi %add3A_1500, %min3A_1428 : vector<16xi32>
        %swap3A_1645 = arith.constant 19 : i32
        %swap3A_1646 = arith.index_cast %swap3A_1645 : i32 to index
        %swap3A_1647 = arith.index_cast %mul3A_1324 : i32 to index
        %swap3A_1648 = tpu.vector_load %arg18[%swap3A_1646, %swap3A_1647] {strides = array<i32>} : memref<32x128xi32, #tpu.memory_space<vmem>>, vector<16xi32>,
        tpu.vector_store %arg18[%swap3A_1646, %swap3A_1647], %add3A_1644 {strides = array<i32>} : memref<32x128xi32, #tpu.memory_space<vmem>>, vector<16xi32>,
        %add3A_1649 = arith.addi %add3A_1508, %sub3A_1419 : vector<16xi32>
        %swap3A_1650 = arith.constant 20 : i32
        %swap3A_1651 = arith.index_cast %swap3A_1650 : i32 to index
        %swap3A_1652 = arith.index_cast %mul3A_1324 : i32 to index
        %swap3A_1653 = tpu.vector_load %arg18[%swap3A_1651, %swap3A_1652] {strides = array<i32>} : memref<32x128xi32, #tpu.memory_space<vmem>>, vector<16xi32>,
        tpu.vector_store %arg18[%swap3A_1651, %swap3A_1652], %add3A_1649 {strides = array<i32>} : memref<32x128xi32, #tpu.memory_space<vmem>>, vector<16xi32>,
        %add3A_1654 = arith.addi %add3A_1508, %min3A_1428 : vector<16xi32>
        %swap3A_1655 = arith.constant 21 : i32
        %swap3A_1656 = arith.index_cast %swap3A_1655 : i32 to index
        %swap3A_1657 = arith.index_cast %mul3A_1324 : i32 to index
        %swap3A_1658 = tpu.vector_load %arg18[%swap3A_1656, %swap3A_1657] {strides = array<i32>} : memref<32x128xi32, #tpu.memory_space<vmem>>, vector<16xi32>,
        tpu.vector_store %arg18[%swap3A_1656, %swap3A_1657], %add3A_1654 {strides = array<i32>} : memref<32x128xi32, #tpu.memory_space<vmem>>, vector<16xi32>,
        %add3A_1659 = arith.addi %add3A_1516, %sub3A_1419 : vector<16xi32>
        %swap3A_1660 = arith.constant 22 : i32
        %swap3A_1661 = arith.index_cast %swap3A_1660 : i32 to index
        %swap3A_1662 = arith.index_cast %mul3A_1324 : i32 to index
        %swap3A_1663 = tpu.vector_load %arg18[%swap3A_1661, %swap3A_1662] {strides = array<i32>} : memref<32x128xi32, #tpu.memory_space<vmem>>, vector<16xi32>,
        tpu.vector_store %arg18[%swap3A_1661, %swap3A_1662], %add3A_1659 {strides = array<i32>} : memref<32x128xi32, #tpu.memory_space<vmem>>, vector<16xi32>,
        %add3A_1664 = arith.addi %add3A_1516, %min3A_1428 : vector<16xi32>
        %swap3A_1665 = arith.constant 23 : i32
        %swap3A_1666 = arith.index_cast %swap3A_1665 : i32 to index
        %swap3A_1667 = arith.index_cast %mul3A_1324 : i32 to index
        %swap3A_1668 = tpu.vector_load %arg18[%swap3A_1666, %swap3A_1667] {strides = array<i32>} : memref<32x128xi32, #tpu.memory_space<vmem>>, vector<16xi32>,
        tpu.vector_store %arg18[%swap3A_1666, %swap3A_1667], %add3A_1664 {strides = array<i32>} : memref<32x128xi32, #tpu.memory_space<vmem>>, vector<16xi32>,
        %add3A_1669 = arith.addi %add3A_1524, %sub3A_1419 : vector<16xi32>
        %swap3A_1670 = arith.constant 24 : i32
        %swap3A_1671 = arith.index_cast %swap3A_1670 : i32 to index
        %swap3A_1672 = arith.index_cast %mul3A_1324 : i32 to index
        %swap3A_1673 = tpu.vector_load %arg18[%swap3A_1671, %swap3A_1672] {strides = array<i32>} : memref<32x128xi32, #tpu.memory_space<vmem>>, vector<16xi32>,
        tpu.vector_store %arg18[%swap3A_1671, %swap3A_1672], %add3A_1669 {strides = array<i32>} : memref<32x128xi32, #tpu.memory_space<vmem>>, vector<16xi32>,
        %add3A_1674 = arith.addi %add3A_1524, %min3A_1428 : vector<16xi32>
        %swap3A_1675 = arith.constant 25 : i32
        %swap3A_1676 = arith.index_cast %swap3A_1675 : i32 to index
        %swap3A_1677 = arith.index_cast %mul3A_1324 : i32 to index
        %swap3A_1678 = tpu.vector_load %arg18[%swap3A_1676, %swap3A_1677] {strides = array<i32>} : memref<32x128xi32, #tpu.memory_space<vmem>>, vector<16xi32>,
        tpu.vector_store %arg18[%swap3A_1676, %swap3A_1677], %add3A_1674 {strides = array<i32>} : memref<32x128xi32, #tpu.memory_space<vmem>>, vector<16xi32>,
        %add3A_1679 = arith.addi %add3A_1532, %sub3A_1419 : vector<16xi32>
        %swap3A_1680 = arith.constant 26 : i32
        %swap3A_1681 = arith.index_cast %swap3A_1680 : i32 to index
        %swap3A_1682 = arith.index_cast %mul3A_1324 : i32 to index
        %swap3A_1683 = tpu.vector_load %arg18[%swap3A_1681, %swap3A_1682] {strides = array<i32>} : memref<32x128xi32, #tpu.memory_space<vmem>>, vector<16xi32>,
        tpu.vector_store %arg18[%swap3A_1681, %swap3A_1682], %add3A_1679 {strides = array<i32>} : memref<32x128xi32, #tpu.memory_space<vmem>>, vector<16xi32>,
        %add3A_1684 = arith.addi %add3A_1532, %min3A_1428 : vector<16xi32>
        %swap3A_1685 = arith.constant 27 : i32
        %swap3A_1686 = arith.index_cast %swap3A_1685 : i32 to index
        %swap3A_1687 = arith.index_cast %mul3A_1324 : i32 to index
        %swap3A_1688 = tpu.vector_load %arg18[%swap3A_1686, %swap3A_1687] {strides = array<i32>} : memref<32x128xi32, #tpu.memory_space<vmem>>, vector<16xi32>,
        tpu.vector_store %arg18[%swap3A_1686, %swap3A_1687], %add3A_1684 {strides = array<i32>} : memref<32x128xi32, #tpu.memory_space<vmem>>, vector<16xi32>,
        %add3A_1689 = arith.addi %add3A_1540, %sub3A_1419 : vector<16xi32>
        %swap3A_1690 = arith.constant 28 : i32
        %swap3A_1691 = arith.index_cast %swap3A_1690 : i32 to index
        %swap3A_1692 = arith.index_cast %mul3A_1324 : i32 to index
        %swap3A_1693 = tpu.vector_load %arg18[%swap3A_1691, %swap3A_1692] {strides = array<i32>} : memref<32x128xi32, #tpu.memory_space<vmem>>, vector<16xi32>,
        tpu.vector_store %arg18[%swap3A_1691, %swap3A_1692], %add3A_1689 {strides = array<i32>} : memref<32x128xi32, #tpu.memory_space<vmem>>, vector<16xi32>,
        %add3A_1694 = arith.addi %add3A_1540, %min3A_1428 : vector<16xi32>
        %swap3A_1695 = arith.constant 29 : i32
        %swap3A_1696 = arith.index_cast %swap3A_1695 : i32 to index
        %swap3A_1697 = arith.index_cast %mul3A_1324 : i32 to index
        %swap3A_1698 = tpu.vector_load %arg18[%swap3A_1696, %swap3A_1697] {strides = array<i32>} : memref<32x128xi32, #tpu.memory_space<vmem>>, vector<16xi32>,
        tpu.vector_store %arg18[%swap3A_1696, %swap3A_1697], %add3A_1694 {strides = array<i32>} : memref<32x128xi32, #tpu.memory_space<vmem>>, vector<16xi32>,
        %add3A_1699 = arith.addi %add3A_1548, %sub3A_1419 : vector<16xi32>
        %swap3A_1700 = arith.constant 30 : i32
        %swap3A_1701 = arith.index_cast %swap3A_1700 : i32 to index
        %swap3A_1702 = arith.index_cast %mul3A_1324 : i32 to index
        %swap3A_1703 = tpu.vector_load %arg18[%swap3A_1701, %swap3A_1702] {strides = array<i32>} : memref<32x128xi32, #tpu.memory_space<vmem>>, vector<16xi32>,
        tpu.vector_store %arg18[%swap3A_1701, %swap3A_1702], %add3A_1699 {strides = array<i32>} : memref<32x128xi32, #tpu.memory_space<vmem>>, vector<16xi32>,
        %add3A_1704 = arith.addi %add3A_1548, %min3A_1428 : vector<16xi32>
        %swap3A_1705 = arith.constant 31 : i32
        %swap3A_1706 = arith.index_cast %swap3A_1705 : i32 to index
        %swap3A_1707 = arith.index_cast %mul3A_1324 : i32 to index
        %swap3A_1708 = tpu.vector_load %arg18[%swap3A_1706, %swap3A_1707] {strides = array<i32>} : memref<32x128xi32, #tpu.memory_space<vmem>>, vector<16xi32>,
        tpu.vector_store %arg18[%swap3A_1706, %swap3A_1707], %add3A_1704 {strides = array<i32>} : memref<32x128xi32, #tpu.memory_space<vmem>>, vector<16xi32>,
      }
      %scan3A_346 = arith.constant 8 : i32
      %dma_start3A_347 = arith.constant 0 : i32
      %dma_start3A_348 = arith.constant 0 : i32
      %dma_start3A_349 = arith.constant 0 : i32
      %dma_start3A_350 = tpu.memref_slice %arg20[%dma_start3A_348, %dma_start3A_349] : memref<32x128xf32, #tpu.memory_space<vmem>> -> memref<1x128xf32, #tpu.memory_space<vmem>>
      %dma_start3A_351 = tpu.memref_squeeze %dma_start3A_350 : memref<1x128xf32, #tpu.memory_space<vmem>> -> memref<128xf32, #tpu.memory_space<vmem>>
      %dma_start3A_352 = arith.constant 0 : i32
      %dma_start3A_353 = tpu.memref_slice %arg18[%dma_start3A_347, %dma_start3A_352] : memref<32x128xi32, #tpu.memory_space<vmem>> -> memref<1x128xi32, #tpu.memory_space<vmem>>
      %dma_start3A_354 = tpu.memref_squeeze %dma_start3A_353 : memref<1x128xi32, #tpu.memory_space<vmem>> -> memref<128xi32, #tpu.memory_space<vmem>>
      %dma_start3A_355 = arith.constant 0 : i32
      %dma_start3A_356 = tpu.memref_slice %arg6[%dma_start3A_355] : memref<33554432xf32, #tpu.memory_space<hbm>> -> memref<33554432xf32, #tpu.memory_space<hbm>>
      tpu.enqueue_indirect_dma source(%dma_start3A_356 : memref<33554432xf32, #tpu.memory_space<hbm>>) target(%dma_start3A_351 : memref<128xf32, #tpu.memory_space<vmem>>) offsets(%dma_start3A_354 : memref<128xi32, #tpu.memory_space<vmem>>) semaphore(%arg24 : memref<!tpu.dma_semaphore, #tpu.memory_space<semaphore_mem>>)
      %dma_start3A_357 = arith.constant 1 : i32
      %dma_start3A_358 = arith.constant 1 : i32
      %dma_start3A_359 = arith.constant 0 : i32
      %dma_start3A_360 = tpu.memref_slice %arg20[%dma_start3A_358, %dma_start3A_359] : memref<32x128xf32, #tpu.memory_space<vmem>> -> memref<1x128xf32, #tpu.memory_space<vmem>>
      %dma_start3A_361 = tpu.memref_squeeze %dma_start3A_360 : memref<1x128xf32, #tpu.memory_space<vmem>> -> memref<128xf32, #tpu.memory_space<vmem>>
      %dma_start3A_362 = arith.constant 0 : i32
      %dma_start3A_363 = tpu.memref_slice %arg18[%dma_start3A_357, %dma_start3A_362] : memref<32x128xi32, #tpu.memory_space<vmem>> -> memref<1x128xi32, #tpu.memory_space<vmem>>
      %dma_start3A_364 = tpu.memref_squeeze %dma_start3A_363 : memref<1x128xi32, #tpu.memory_space<vmem>> -> memref<128xi32, #tpu.memory_space<vmem>>
      %dma_start3A_365 = arith.constant 0 : i32
      %dma_start3A_366 = tpu.memref_slice %arg6[%dma_start3A_365] : memref<33554432xf32, #tpu.memory_space<hbm>> -> memref<33554432xf32, #tpu.memory_space<hbm>>
      tpu.enqueue_indirect_dma source(%dma_start3A_366 : memref<33554432xf32, #tpu.memory_space<hbm>>) target(%dma_start3A_361 : memref<128xf32, #tpu.memory_space<vmem>>) offsets(%dma_start3A_364 : memref<128xi32, #tpu.memory_space<vmem>>) semaphore(%arg24 : memref<!tpu.dma_semaphore, #tpu.memory_space<semaphore_mem>>)
      %dma_start3A_367 = arith.constant 2 : i32
      %dma_start3A_368 = arith.constant 2 : i32
      %dma_start3A_369 = arith.constant 0 : i32
      %dma_start3A_370 = tpu.memref_slice %arg20[%dma_start3A_368, %dma_start3A_369] : memref<32x128xf32, #tpu.memory_space<vmem>> -> memref<1x128xf32, #tpu.memory_space<vmem>>
      %dma_start3A_371 = tpu.memref_squeeze %dma_start3A_370 : memref<1x128xf32, #tpu.memory_space<vmem>> -> memref<128xf32, #tpu.memory_space<vmem>>
      %dma_start3A_372 = arith.constant 0 : i32
      %dma_start3A_373 = tpu.memref_slice %arg18[%dma_start3A_367, %dma_start3A_372] : memref<32x128xi32, #tpu.memory_space<vmem>> -> memref<1x128xi32, #tpu.memory_space<vmem>>
      %dma_start3A_374 = tpu.memref_squeeze %dma_start3A_373 : memref<1x128xi32, #tpu.memory_space<vmem>> -> memref<128xi32, #tpu.memory_space<vmem>>
      %dma_start3A_375 = arith.constant 0 : i32
      %dma_start3A_376 = tpu.memref_slice %arg6[%dma_start3A_375] : memref<33554432xf32, #tpu.memory_space<hbm>> -> memref<33554432xf32, #tpu.memory_space<hbm>>
      tpu.enqueue_indirect_dma source(%dma_start3A_376 : memref<33554432xf32, #tpu.memory_space<hbm>>) target(%dma_start3A_371 : memref<128xf32, #tpu.memory_space<vmem>>) offsets(%dma_start3A_374 : memref<128xi32, #tpu.memory_space<vmem>>) semaphore(%arg24 : memref<!tpu.dma_semaphore, #tpu.memory_space<semaphore_mem>>)
      %dma_start3A_377 = arith.constant 3 : i32
      %dma_start3A_378 = arith.constant 3 : i32
      %dma_start3A_379 = arith.constant 0 : i32
      %dma_start3A_380 = tpu.memref_slice %arg20[%dma_start3A_378, %dma_start3A_379] : memref<32x128xf32, #tpu.memory_space<vmem>> -> memref<1x128xf32, #tpu.memory_space<vmem>>
      %dma_start3A_381 = tpu.memref_squeeze %dma_start3A_380 : memref<1x128xf32, #tpu.memory_space<vmem>> -> memref<128xf32, #tpu.memory_space<vmem>>
      %dma_start3A_382 = arith.constant 0 : i32
      %dma_start3A_383 = tpu.memref_slice %arg18[%dma_start3A_377, %dma_start3A_382] : memref<32x128xi32, #tpu.memory_space<vmem>> -> memref<1x128xi32, #tpu.memory_space<vmem>>
      %dma_start3A_384 = tpu.memref_squeeze %dma_start3A_383 : memref<1x128xi32, #tpu.memory_space<vmem>> -> memref<128xi32, #tpu.memory_space<vmem>>
      %dma_start3A_385 = arith.constant 0 : i32
      %dma_start3A_386 = tpu.memref_slice %arg6[%dma_start3A_385] : memref<33554432xf32, #tpu.memory_space<hbm>> -> memref<33554432xf32, #tpu.memory_space<hbm>>
      tpu.enqueue_indirect_dma source(%dma_start3A_386 : memref<33554432xf32, #tpu.memory_space<hbm>>) target(%dma_start3A_381 : memref<128xf32, #tpu.memory_space<vmem>>) offsets(%dma_start3A_384 : memref<128xi32, #tpu.memory_space<vmem>>) semaphore(%arg24 : memref<!tpu.dma_semaphore, #tpu.memory_space<semaphore_mem>>)
      %dma_start3A_387 = arith.constant 4 : i32
      %dma_start3A_388 = arith.constant 4 : i32
      %dma_start3A_389 = arith.constant 0 : i32
      %dma_start3A_390 = tpu.memref_slice %arg20[%dma_start3A_388, %dma_start3A_389] : memref<32x128xf32, #tpu.memory_space<vmem>> -> memref<1x128xf32, #tpu.memory_space<vmem>>
      %dma_start3A_391 = tpu.memref_squeeze %dma_start3A_390 : memref<1x128xf32, #tpu.memory_space<vmem>> -> memref<128xf32, #tpu.memory_space<vmem>>
      %dma_start3A_392 = arith.constant 0 : i32
      %dma_start3A_393 = tpu.memref_slice %arg18[%dma_start3A_387, %dma_start3A_392] : memref<32x128xi32, #tpu.memory_space<vmem>> -> memref<1x128xi32, #tpu.memory_space<vmem>>
      %dma_start3A_394 = tpu.memref_squeeze %dma_start3A_393 : memref<1x128xi32, #tpu.memory_space<vmem>> -> memref<128xi32, #tpu.memory_space<vmem>>
      %dma_start3A_395 = arith.constant 0 : i32
      %dma_start3A_396 = tpu.memref_slice %arg6[%dma_start3A_395] : memref<33554432xf32, #tpu.memory_space<hbm>> -> memref<33554432xf32, #tpu.memory_space<hbm>>
      tpu.enqueue_indirect_dma source(%dma_start3A_396 : memref<33554432xf32, #tpu.memory_space<hbm>>) target(%dma_start3A_391 : memref<128xf32, #tpu.memory_space<vmem>>) offsets(%dma_start3A_394 : memref<128xi32, #tpu.memory_space<vmem>>) semaphore(%arg24 : memref<!tpu.dma_semaphore, #tpu.memory_space<semaphore_mem>>)
      %dma_start3A_397 = arith.constant 5 : i32
      %dma_start3A_398 = arith.constant 5 : i32
      %dma_start3A_399 = arith.constant 0 : i32
      %dma_start3A_400 = tpu.memref_slice %arg20[%dma_start3A_398, %dma_start3A_399] : memref<32x128xf32, #tpu.memory_space<vmem>> -> memref<1x128xf32, #tpu.memory_space<vmem>>
      %dma_start3A_401 = tpu.memref_squeeze %dma_start3A_400 : memref<1x128xf32, #tpu.memory_space<vmem>> -> memref<128xf32, #tpu.memory_space<vmem>>
      %dma_start3A_402 = arith.constant 0 : i32
      %dma_start3A_403 = tpu.memref_slice %arg18[%dma_start3A_397, %dma_start3A_402] : memref<32x128xi32, #tpu.memory_space<vmem>> -> memref<1x128xi32, #tpu.memory_space<vmem>>
      %dma_start3A_404 = tpu.memref_squeeze %dma_start3A_403 : memref<1x128xi32, #tpu.memory_space<vmem>> -> memref<128xi32, #tpu.memory_space<vmem>>
      %dma_start3A_405 = arith.constant 0 : i32
      %dma_start3A_406 = tpu.memref_slice %arg6[%dma_start3A_405] : memref<33554432xf32, #tpu.memory_space<hbm>> -> memref<33554432xf32, #tpu.memory_space<hbm>>
      tpu.enqueue_indirect_dma source(%dma_start3A_406 : memref<33554432xf32, #tpu.memory_space<hbm>>) target(%dma_start3A_401 : memref<128xf32, #tpu.memory_space<vmem>>) offsets(%dma_start3A_404 : memref<128xi32, #tpu.memory_space<vmem>>) semaphore(%arg24 : memref<!tpu.dma_semaphore, #tpu.memory_space<semaphore_mem>>)
      %dma_start3A_407 = arith.constant 6 : i32
      %dma_start3A_408 = arith.constant 6 : i32
      %dma_start3A_409 = arith.constant 0 : i32
      %dma_start3A_410 = tpu.memref_slice %arg20[%dma_start3A_408, %dma_start3A_409] : memref<32x128xf32, #tpu.memory_space<vmem>> -> memref<1x128xf32, #tpu.memory_space<vmem>>
      %dma_start3A_411 = tpu.memref_squeeze %dma_start3A_410 : memref<1x128xf32, #tpu.memory_space<vmem>> -> memref<128xf32, #tpu.memory_space<vmem>>
      %dma_start3A_412 = arith.constant 0 : i32
      %dma_start3A_413 = tpu.memref_slice %arg18[%dma_start3A_407, %dma_start3A_412] : memref<32x128xi32, #tpu.memory_space<vmem>> -> memref<1x128xi32, #tpu.memory_space<vmem>>
      %dma_start3A_414 = tpu.memref_squeeze %dma_start3A_413 : memref<1x128xi32, #tpu.memory_space<vmem>> -> memref<128xi32, #tpu.memory_space<vmem>>
      %dma_start3A_415 = arith.constant 0 : i32
      %dma_start3A_416 = tpu.memref_slice %arg6[%dma_start3A_415] : memref<33554432xf32, #tpu.memory_space<hbm>> -> memref<33554432xf32, #tpu.memory_space<hbm>>
      tpu.enqueue_indirect_dma source(%dma_start3A_416 : memref<33554432xf32, #tpu.memory_space<hbm>>) target(%dma_start3A_411 : memref<128xf32, #tpu.memory_space<vmem>>) offsets(%dma_start3A_414 : memref<128xi32, #tpu.memory_space<vmem>>) semaphore(%arg24 : memref<!tpu.dma_semaphore, #tpu.memory_space<semaphore_mem>>)
      %dma_start3A_417 = arith.constant 7 : i32
      %dma_start3A_418 = arith.constant 7 : i32
      %dma_start3A_419 = arith.constant 0 : i32
      %dma_start3A_420 = tpu.memref_slice %arg20[%dma_start3A_418, %dma_start3A_419] : memref<32x128xf32, #tpu.memory_space<vmem>> -> memref<1x128xf32, #tpu.memory_space<vmem>>
      %dma_start3A_421 = tpu.memref_squeeze %dma_start3A_420 : memref<1x128xf32, #tpu.memory_space<vmem>> -> memref<128xf32, #tpu.memory_space<vmem>>
      %dma_start3A_422 = arith.constant 0 : i32
      %dma_start3A_423 = tpu.memref_slice %arg18[%dma_start3A_417, %dma_start3A_422] : memref<32x128xi32, #tpu.memory_space<vmem>> -> memref<1x128xi32, #tpu.memory_space<vmem>>
      %dma_start3A_424 = tpu.memref_squeeze %dma_start3A_423 : memref<1x128xi32, #tpu.memory_space<vmem>> -> memref<128xi32, #tpu.memory_space<vmem>>
      %dma_start3A_425 = arith.constant 0 : i32
      %dma_start3A_426 = tpu.memref_slice %arg6[%dma_start3A_425] : memref<33554432xf32, #tpu.memory_space<hbm>> -> memref<33554432xf32, #tpu.memory_space<hbm>>
      tpu.enqueue_indirect_dma source(%dma_start3A_426 : memref<33554432xf32, #tpu.memory_space<hbm>>) target(%dma_start3A_421 : memref<128xf32, #tpu.memory_space<vmem>>) offsets(%dma_start3A_424 : memref<128xi32, #tpu.memory_space<vmem>>) semaphore(%arg24 : memref<!tpu.dma_semaphore, #tpu.memory_space<semaphore_mem>>)
      %dma_start3A_427 = arith.constant 8 : i32
      %dma_start3A_428 = arith.constant 8 : i32
      %dma_start3A_429 = arith.constant 0 : i32
      %dma_start3A_430 = tpu.memref_slice %arg20[%dma_start3A_428, %dma_start3A_429] : memref<32x128xf32, #tpu.memory_space<vmem>> -> memref<1x128xf32, #tpu.memory_space<vmem>>
      %dma_start3A_431 = tpu.memref_squeeze %dma_start3A_430 : memref<1x128xf32, #tpu.memory_space<vmem>> -> memref<128xf32, #tpu.memory_space<vmem>>
      %dma_start3A_432 = arith.constant 0 : i32
      %dma_start3A_433 = tpu.memref_slice %arg18[%dma_start3A_427, %dma_start3A_432] : memref<32x128xi32, #tpu.memory_space<vmem>> -> memref<1x128xi32, #tpu.memory_space<vmem>>
      %dma_start3A_434 = tpu.memref_squeeze %dma_start3A_433 : memref<1x128xi32, #tpu.memory_space<vmem>> -> memref<128xi32, #tpu.memory_space<vmem>>
      %dma_start3A_435 = arith.constant 0 : i32
      %dma_start3A_436 = tpu.memref_slice %arg6[%dma_start3A_435] : memref<33554432xf32, #tpu.memory_space<hbm>> -> memref<33554432xf32, #tpu.memory_space<hbm>>
      tpu.enqueue_indirect_dma source(%dma_start3A_436 : memref<33554432xf32, #tpu.memory_space<hbm>>) target(%dma_start3A_431 : memref<128xf32, #tpu.memory_space<vmem>>) offsets(%dma_start3A_434 : memref<128xi32, #tpu.memory_space<vmem>>) semaphore(%arg24 : memref<!tpu.dma_semaphore, #tpu.memory_space<semaphore_mem>>)
      %dma_start3A_437 = arith.constant 9 : i32
      %dma_start3A_438 = arith.constant 9 : i32
      %dma_start3A_439 = arith.constant 0 : i32
      %dma_start3A_440 = tpu.memref_slice %arg20[%dma_start3A_438, %dma_start3A_439] : memref<32x128xf32, #tpu.memory_space<vmem>> -> memref<1x128xf32, #tpu.memory_space<vmem>>
      %dma_start3A_441 = tpu.memref_squeeze %dma_start3A_440 : memref<1x128xf32, #tpu.memory_space<vmem>> -> memref<128xf32, #tpu.memory_space<vmem>>
      %dma_start3A_442 = arith.constant 0 : i32
      %dma_start3A_443 = tpu.memref_slice %arg18[%dma_start3A_437, %dma_start3A_442] : memref<32x128xi32, #tpu.memory_space<vmem>> -> memref<1x128xi32, #tpu.memory_space<vmem>>
      %dma_start3A_444 = tpu.memref_squeeze %dma_start3A_443 : memref<1x128xi32, #tpu.memory_space<vmem>> -> memref<128xi32, #tpu.memory_space<vmem>>
      %dma_start3A_445 = arith.constant 0 : i32
      %dma_start3A_446 = tpu.memref_slice %arg6[%dma_start3A_445] : memref<33554432xf32, #tpu.memory_space<hbm>> -> memref<33554432xf32, #tpu.memory_space<hbm>>
      tpu.enqueue_indirect_dma source(%dma_start3A_446 : memref<33554432xf32, #tpu.memory_space<hbm>>) target(%dma_start3A_441 : memref<128xf32, #tpu.memory_space<vmem>>) offsets(%dma_start3A_444 : memref<128xi32, #tpu.memory_space<vmem>>) semaphore(%arg24 : memref<!tpu.dma_semaphore, #tpu.memory_space<semaphore_mem>>)
      %dma_start3A_447 = arith.constant 10 : i32
      %dma_start3A_448 = arith.constant 10 : i32
      %dma_start3A_449 = arith.constant 0 : i32
      %dma_start3A_450 = tpu.memref_slice %arg20[%dma_start3A_448, %dma_start3A_449] : memref<32x128xf32, #tpu.memory_space<vmem>> -> memref<1x128xf32, #tpu.memory_space<vmem>>
      %dma_start3A_451 = tpu.memref_squeeze %dma_start3A_450 : memref<1x128xf32, #tpu.memory_space<vmem>> -> memref<128xf32, #tpu.memory_space<vmem>>
      %dma_start3A_452 = arith.constant 0 : i32
      %dma_start3A_453 = tpu.memref_slice %arg18[%dma_start3A_447, %dma_start3A_452] : memref<32x128xi32, #tpu.memory_space<vmem>> -> memref<1x128xi32, #tpu.memory_space<vmem>>
      %dma_start3A_454 = tpu.memref_squeeze %dma_start3A_453 : memref<1x128xi32, #tpu.memory_space<vmem>> -> memref<128xi32, #tpu.memory_space<vmem>>
      %dma_start3A_455 = arith.constant 0 : i32
      %dma_start3A_456 = tpu.memref_slice %arg6[%dma_start3A_455] : memref<33554432xf32, #tpu.memory_space<hbm>> -> memref<33554432xf32, #tpu.memory_space<hbm>>
      tpu.enqueue_indirect_dma source(%dma_start3A_456 : memref<33554432xf32, #tpu.memory_space<hbm>>) target(%dma_start3A_451 : memref<128xf32, #tpu.memory_space<vmem>>) offsets(%dma_start3A_454 : memref<128xi32, #tpu.memory_space<vmem>>) semaphore(%arg24 : memref<!tpu.dma_semaphore, #tpu.memory_space<semaphore_mem>>)
      %dma_start3A_457 = arith.constant 11 : i32
      %dma_start3A_458 = arith.constant 11 : i32
      %dma_start3A_459 = arith.constant 0 : i32
      %dma_start3A_460 = tpu.memref_slice %arg20[%dma_start3A_458, %dma_start3A_459] : memref<32x128xf32, #tpu.memory_space<vmem>> -> memref<1x128xf32, #tpu.memory_space<vmem>>
      %dma_start3A_461 = tpu.memref_squeeze %dma_start3A_460 : memref<1x128xf32, #tpu.memory_space<vmem>> -> memref<128xf32, #tpu.memory_space<vmem>>
      %dma_start3A_462 = arith.constant 0 : i32
      %dma_start3A_463 = tpu.memref_slice %arg18[%dma_start3A_457, %dma_start3A_462] : memref<32x128xi32, #tpu.memory_space<vmem>> -> memref<1x128xi32, #tpu.memory_space<vmem>>
      %dma_start3A_464 = tpu.memref_squeeze %dma_start3A_463 : memref<1x128xi32, #tpu.memory_space<vmem>> -> memref<128xi32, #tpu.memory_space<vmem>>
      %dma_start3A_465 = arith.constant 0 : i32
      %dma_start3A_466 = tpu.memref_slice %arg6[%dma_start3A_465] : memref<33554432xf32, #tpu.memory_space<hbm>> -> memref<33554432xf32, #tpu.memory_space<hbm>>
      tpu.enqueue_indirect_dma source(%dma_start3A_466 : memref<33554432xf32, #tpu.memory_space<hbm>>) target(%dma_start3A_461 : memref<128xf32, #tpu.memory_space<vmem>>) offsets(%dma_start3A_464 : memref<128xi32, #tpu.memory_space<vmem>>) semaphore(%arg24 : memref<!tpu.dma_semaphore, #tpu.memory_space<semaphore_mem>>)
      %dma_start3A_467 = arith.constant 12 : i32
      %dma_start3A_468 = arith.constant 12 : i32
      %dma_start3A_469 = arith.constant 0 : i32
      %dma_start3A_470 = tpu.memref_slice %arg20[%dma_start3A_468, %dma_start3A_469] : memref<32x128xf32, #tpu.memory_space<vmem>> -> memref<1x128xf32, #tpu.memory_space<vmem>>
      %dma_start3A_471 = tpu.memref_squeeze %dma_start3A_470 : memref<1x128xf32, #tpu.memory_space<vmem>> -> memref<128xf32, #tpu.memory_space<vmem>>
      %dma_start3A_472 = arith.constant 0 : i32
      %dma_start3A_473 = tpu.memref_slice %arg18[%dma_start3A_467, %dma_start3A_472] : memref<32x128xi32, #tpu.memory_space<vmem>> -> memref<1x128xi32, #tpu.memory_space<vmem>>
      %dma_start3A_474 = tpu.memref_squeeze %dma_start3A_473 : memref<1x128xi32, #tpu.memory_space<vmem>> -> memref<128xi32, #tpu.memory_space<vmem>>
      %dma_start3A_475 = arith.constant 0 : i32
      %dma_start3A_476 = tpu.memref_slice %arg6[%dma_start3A_475] : memref<33554432xf32, #tpu.memory_space<hbm>> -> memref<33554432xf32, #tpu.memory_space<hbm>>
      tpu.enqueue_indirect_dma source(%dma_start3A_476 : memref<33554432xf32, #tpu.memory_space<hbm>>) target(%dma_start3A_471 : memref<128xf32, #tpu.memory_space<vmem>>) offsets(%dma_start3A_474 : memref<128xi32, #tpu.memory_space<vmem>>) semaphore(%arg24 : memref<!tpu.dma_semaphore, #tpu.memory_space<semaphore_mem>>)
      %dma_start3A_477 = arith.constant 13 : i32
      %dma_start3A_478 = arith.constant 13 : i32
      %dma_start3A_479 = arith.constant 0 : i32
      %dma_start3A_480 = tpu.memref_slice %arg20[%dma_start3A_478, %dma_start3A_479] : memref<32x128xf32, #tpu.memory_space<vmem>> -> memref<1x128xf32, #tpu.memory_space<vmem>>
      %dma_start3A_481 = tpu.memref_squeeze %dma_start3A_480 : memref<1x128xf32, #tpu.memory_space<vmem>> -> memref<128xf32, #tpu.memory_space<vmem>>
      %dma_start3A_482 = arith.constant 0 : i32
      %dma_start3A_483 = tpu.memref_slice %arg18[%dma_start3A_477, %dma_start3A_482] : memref<32x128xi32, #tpu.memory_space<vmem>> -> memref<1x128xi32, #tpu.memory_space<vmem>>
      %dma_start3A_484 = tpu.memref_squeeze %dma_start3A_483 : memref<1x128xi32, #tpu.memory_space<vmem>> -> memref<128xi32, #tpu.memory_space<vmem>>
      %dma_start3A_485 = arith.constant 0 : i32
      %dma_start3A_486 = tpu.memref_slice %arg6[%dma_start3A_485] : memref<33554432xf32, #tpu.memory_space<hbm>> -> memref<33554432xf32, #tpu.memory_space<hbm>>
      tpu.enqueue_indirect_dma source(%dma_start3A_486 : memref<33554432xf32, #tpu.memory_space<hbm>>) target(%dma_start3A_481 : memref<128xf32, #tpu.memory_space<vmem>>) offsets(%dma_start3A_484 : memref<128xi32, #tpu.memory_space<vmem>>) semaphore(%arg24 : memref<!tpu.dma_semaphore, #tpu.memory_space<semaphore_mem>>)
      %dma_start3A_487 = arith.constant 14 : i32
      %dma_start3A_488 = arith.constant 14 : i32
      %dma_start3A_489 = arith.constant 0 : i32
      %dma_start3A_490 = tpu.memref_slice %arg20[%dma_start3A_488, %dma_start3A_489] : memref<32x128xf32, #tpu.memory_space<vmem>> -> memref<1x128xf32, #tpu.memory_space<vmem>>
      %dma_start3A_491 = tpu.memref_squeeze %dma_start3A_490 : memref<1x128xf32, #tpu.memory_space<vmem>> -> memref<128xf32, #tpu.memory_space<vmem>>
      %dma_start3A_492 = arith.constant 0 : i32
      %dma_start3A_493 = tpu.memref_slice %arg18[%dma_start3A_487, %dma_start3A_492] : memref<32x128xi32, #tpu.memory_space<vmem>> -> memref<1x128xi32, #tpu.memory_space<vmem>>
      %dma_start3A_494 = tpu.memref_squeeze %dma_start3A_493 : memref<1x128xi32, #tpu.memory_space<vmem>> -> memref<128xi32, #tpu.memory_space<vmem>>
      %dma_start3A_495 = arith.constant 0 : i32
      %dma_start3A_496 = tpu.memref_slice %arg6[%dma_start3A_495] : memref<33554432xf32, #tpu.memory_space<hbm>> -> memref<33554432xf32, #tpu.memory_space<hbm>>
      tpu.enqueue_indirect_dma source(%dma_start3A_496 : memref<33554432xf32, #tpu.memory_space<hbm>>) target(%dma_start3A_491 : memref<128xf32, #tpu.memory_space<vmem>>) offsets(%dma_start3A_494 : memref<128xi32, #tpu.memory_space<vmem>>) semaphore(%arg24 : memref<!tpu.dma_semaphore, #tpu.memory_space<semaphore_mem>>)
      %dma_start3A_497 = arith.constant 15 : i32
      %dma_start3A_498 = arith.constant 15 : i32
      %dma_start3A_499 = arith.constant 0 : i32
      %dma_start3A_500 = tpu.memref_slice %arg20[%dma_start3A_498, %dma_start3A_499] : memref<32x128xf32, #tpu.memory_space<vmem>> -> memref<1x128xf32, #tpu.memory_space<vmem>>
      %dma_start3A_501 = tpu.memref_squeeze %dma_start3A_500 : memref<1x128xf32, #tpu.memory_space<vmem>> -> memref<128xf32, #tpu.memory_space<vmem>>
      %dma_start3A_502 = arith.constant 0 : i32
      %dma_start3A_503 = tpu.memref_slice %arg18[%dma_start3A_497, %dma_start3A_502] : memref<32x128xi32, #tpu.memory_space<vmem>> -> memref<1x128xi32, #tpu.memory_space<vmem>>
      %dma_start3A_504 = tpu.memref_squeeze %dma_start3A_503 : memref<1x128xi32, #tpu.memory_space<vmem>> -> memref<128xi32, #tpu.memory_space<vmem>>
      %dma_start3A_505 = arith.constant 0 : i32
      %dma_start3A_506 = tpu.memref_slice %arg6[%dma_start3A_505] : memref<33554432xf32, #tpu.memory_space<hbm>> -> memref<33554432xf32, #tpu.memory_space<hbm>>
      tpu.enqueue_indirect_dma source(%dma_start3A_506 : memref<33554432xf32, #tpu.memory_space<hbm>>) target(%dma_start3A_501 : memref<128xf32, #tpu.memory_space<vmem>>) offsets(%dma_start3A_504 : memref<128xi32, #tpu.memory_space<vmem>>) semaphore(%arg24 : memref<!tpu.dma_semaphore, #tpu.memory_space<semaphore_mem>>)
      %dma_start3A_507 = arith.constant 16 : i32
      %dma_start3A_508 = arith.constant 16 : i32
      %dma_start3A_509 = arith.constant 0 : i32
      %dma_start3A_510 = tpu.memref_slice %arg20[%dma_start3A_508, %dma_start3A_509] : memref<32x128xf32, #tpu.memory_space<vmem>> -> memref<1x128xf32, #tpu.memory_space<vmem>>
      %dma_start3A_511 = tpu.memref_squeeze %dma_start3A_510 : memref<1x128xf32, #tpu.memory_space<vmem>> -> memref<128xf32, #tpu.memory_space<vmem>>
      %dma_start3A_512 = arith.constant 0 : i32
      %dma_start3A_513 = tpu.memref_slice %arg18[%dma_start3A_507, %dma_start3A_512] : memref<32x128xi32, #tpu.memory_space<vmem>> -> memref<1x128xi32, #tpu.memory_space<vmem>>
      %dma_start3A_514 = tpu.memref_squeeze %dma_start3A_513 : memref<1x128xi32, #tpu.memory_space<vmem>> -> memref<128xi32, #tpu.memory_space<vmem>>
      %dma_start3A_515 = arith.constant 0 : i32
      %dma_start3A_516 = tpu.memref_slice %arg6[%dma_start3A_515] : memref<33554432xf32, #tpu.memory_space<hbm>> -> memref<33554432xf32, #tpu.memory_space<hbm>>
      tpu.enqueue_indirect_dma source(%dma_start3A_516 : memref<33554432xf32, #tpu.memory_space<hbm>>) target(%dma_start3A_511 : memref<128xf32, #tpu.memory_space<vmem>>) offsets(%dma_start3A_514 : memref<128xi32, #tpu.memory_space<vmem>>) semaphore(%arg24 : memref<!tpu.dma_semaphore, #tpu.memory_space<semaphore_mem>>)
      %dma_start3A_517 = arith.constant 17 : i32
      %dma_start3A_518 = arith.constant 17 : i32
      %dma_start3A_519 = arith.constant 0 : i32
      %dma_start3A_520 = tpu.memref_slice %arg20[%dma_start3A_518, %dma_start3A_519] : memref<32x128xf32, #tpu.memory_space<vmem>> -> memref<1x128xf32, #tpu.memory_space<vmem>>
      %dma_start3A_521 = tpu.memref_squeeze %dma_start3A_520 : memref<1x128xf32, #tpu.memory_space<vmem>> -> memref<128xf32, #tpu.memory_space<vmem>>
      %dma_start3A_522 = arith.constant 0 : i32
      %dma_start3A_523 = tpu.memref_slice %arg18[%dma_start3A_517, %dma_start3A_522] : memref<32x128xi32, #tpu.memory_space<vmem>> -> memref<1x128xi32, #tpu.memory_space<vmem>>
      %dma_start3A_524 = tpu.memref_squeeze %dma_start3A_523 : memref<1x128xi32, #tpu.memory_space<vmem>> -> memref<128xi32, #tpu.memory_space<vmem>>
      %dma_start3A_525 = arith.constant 0 : i32
      %dma_start3A_526 = tpu.memref_slice %arg6[%dma_start3A_525] : memref<33554432xf32, #tpu.memory_space<hbm>> -> memref<33554432xf32, #tpu.memory_space<hbm>>
      tpu.enqueue_indirect_dma source(%dma_start3A_526 : memref<33554432xf32, #tpu.memory_space<hbm>>) target(%dma_start3A_521 : memref<128xf32, #tpu.memory_space<vmem>>) offsets(%dma_start3A_524 : memref<128xi32, #tpu.memory_space<vmem>>) semaphore(%arg24 : memref<!tpu.dma_semaphore, #tpu.memory_space<semaphore_mem>>)
      %dma_start3A_527 = arith.constant 18 : i32
      %dma_start3A_528 = arith.constant 18 : i32
      %dma_start3A_529 = arith.constant 0 : i32
      %dma_start3A_530 = tpu.memref_slice %arg20[%dma_start3A_528, %dma_start3A_529] : memref<32x128xf32, #tpu.memory_space<vmem>> -> memref<1x128xf32, #tpu.memory_space<vmem>>
      %dma_start3A_531 = tpu.memref_squeeze %dma_start3A_530 : memref<1x128xf32, #tpu.memory_space<vmem>> -> memref<128xf32, #tpu.memory_space<vmem>>
      %dma_start3A_532 = arith.constant 0 : i32
      %dma_start3A_533 = tpu.memref_slice %arg18[%dma_start3A_527, %dma_start3A_532] : memref<32x128xi32, #tpu.memory_space<vmem>> -> memref<1x128xi32, #tpu.memory_space<vmem>>
      %dma_start3A_534 = tpu.memref_squeeze %dma_start3A_533 : memref<1x128xi32, #tpu.memory_space<vmem>> -> memref<128xi32, #tpu.memory_space<vmem>>
      %dma_start3A_535 = arith.constant 0 : i32
      %dma_start3A_536 = tpu.memref_slice %arg6[%dma_start3A_535] : memref<33554432xf32, #tpu.memory_space<hbm>> -> memref<33554432xf32, #tpu.memory_space<hbm>>
      tpu.enqueue_indirect_dma source(%dma_start3A_536 : memref<33554432xf32, #tpu.memory_space<hbm>>) target(%dma_start3A_531 : memref<128xf32, #tpu.memory_space<vmem>>) offsets(%dma_start3A_534 : memref<128xi32, #tpu.memory_space<vmem>>) semaphore(%arg24 : memref<!tpu.dma_semaphore, #tpu.memory_space<semaphore_mem>>)
      %dma_start3A_537 = arith.constant 19 : i32
      %dma_start3A_538 = arith.constant 19 : i32
      %dma_start3A_539 = arith.constant 0 : i32
      %dma_start3A_540 = tpu.memref_slice %arg20[%dma_start3A_538, %dma_start3A_539] : memref<32x128xf32, #tpu.memory_space<vmem>> -> memref<1x128xf32, #tpu.memory_space<vmem>>
      %dma_start3A_541 = tpu.memref_squeeze %dma_start3A_540 : memref<1x128xf32, #tpu.memory_space<vmem>> -> memref<128xf32, #tpu.memory_space<vmem>>
      %dma_start3A_542 = arith.constant 0 : i32
      %dma_start3A_543 = tpu.memref_slice %arg18[%dma_start3A_537, %dma_start3A_542] : memref<32x128xi32, #tpu.memory_space<vmem>> -> memref<1x128xi32, #tpu.memory_space<vmem>>
      %dma_start3A_544 = tpu.memref_squeeze %dma_start3A_543 : memref<1x128xi32, #tpu.memory_space<vmem>> -> memref<128xi32, #tpu.memory_space<vmem>>
      %dma_start3A_545 = arith.constant 0 : i32
      %dma_start3A_546 = tpu.memref_slice %arg6[%dma_start3A_545] : memref<33554432xf32, #tpu.memory_space<hbm>> -> memref<33554432xf32, #tpu.memory_space<hbm>>
      tpu.enqueue_indirect_dma source(%dma_start3A_546 : memref<33554432xf32, #tpu.memory_space<hbm>>) target(%dma_start3A_541 : memref<128xf32, #tpu.memory_space<vmem>>) offsets(%dma_start3A_544 : memref<128xi32, #tpu.memory_space<vmem>>) semaphore(%arg24 : memref<!tpu.dma_semaphore, #tpu.memory_space<semaphore_mem>>)
      %dma_start3A_547 = arith.constant 20 : i32
      %dma_start3A_548 = arith.constant 20 : i32
      %dma_start3A_549 = arith.constant 0 : i32
      %dma_start3A_550 = tpu.memref_slice %arg20[%dma_start3A_548, %dma_start3A_549] : memref<32x128xf32, #tpu.memory_space<vmem>> -> memref<1x128xf32, #tpu.memory_space<vmem>>
      %dma_start3A_551 = tpu.memref_squeeze %dma_start3A_550 : memref<1x128xf32, #tpu.memory_space<vmem>> -> memref<128xf32, #tpu.memory_space<vmem>>
      %dma_start3A_552 = arith.constant 0 : i32
      %dma_start3A_553 = tpu.memref_slice %arg18[%dma_start3A_547, %dma_start3A_552] : memref<32x128xi32, #tpu.memory_space<vmem>> -> memref<1x128xi32, #tpu.memory_space<vmem>>
      %dma_start3A_554 = tpu.memref_squeeze %dma_start3A_553 : memref<1x128xi32, #tpu.memory_space<vmem>> -> memref<128xi32, #tpu.memory_space<vmem>>
      %dma_start3A_555 = arith.constant 0 : i32
      %dma_start3A_556 = tpu.memref_slice %arg6[%dma_start3A_555] : memref<33554432xf32, #tpu.memory_space<hbm>> -> memref<33554432xf32, #tpu.memory_space<hbm>>
      tpu.enqueue_indirect_dma source(%dma_start3A_556 : memref<33554432xf32, #tpu.memory_space<hbm>>) target(%dma_start3A_551 : memref<128xf32, #tpu.memory_space<vmem>>) offsets(%dma_start3A_554 : memref<128xi32, #tpu.memory_space<vmem>>) semaphore(%arg24 : memref<!tpu.dma_semaphore, #tpu.memory_space<semaphore_mem>>)
      %dma_start3A_557 = arith.constant 21 : i32
      %dma_start3A_558 = arith.constant 21 : i32
      %dma_start3A_559 = arith.constant 0 : i32
      %dma_start3A_560 = tpu.memref_slice %arg20[%dma_start3A_558, %dma_start3A_559] : memref<32x128xf32, #tpu.memory_space<vmem>> -> memref<1x128xf32, #tpu.memory_space<vmem>>
      %dma_start3A_561 = tpu.memref_squeeze %dma_start3A_560 : memref<1x128xf32, #tpu.memory_space<vmem>> -> memref<128xf32, #tpu.memory_space<vmem>>
      %dma_start3A_562 = arith.constant 0 : i32
      %dma_start3A_563 = tpu.memref_slice %arg18[%dma_start3A_557, %dma_start3A_562] : memref<32x128xi32, #tpu.memory_space<vmem>> -> memref<1x128xi32, #tpu.memory_space<vmem>>
      %dma_start3A_564 = tpu.memref_squeeze %dma_start3A_563 : memref<1x128xi32, #tpu.memory_space<vmem>> -> memref<128xi32, #tpu.memory_space<vmem>>
      %dma_start3A_565 = arith.constant 0 : i32
      %dma_start3A_566 = tpu.memref_slice %arg6[%dma_start3A_565] : memref<33554432xf32, #tpu.memory_space<hbm>> -> memref<33554432xf32, #tpu.memory_space<hbm>>
      tpu.enqueue_indirect_dma source(%dma_start3A_566 : memref<33554432xf32, #tpu.memory_space<hbm>>) target(%dma_start3A_561 : memref<128xf32, #tpu.memory_space<vmem>>) offsets(%dma_start3A_564 : memref<128xi32, #tpu.memory_space<vmem>>) semaphore(%arg24 : memref<!tpu.dma_semaphore, #tpu.memory_space<semaphore_mem>>)
      %dma_start3A_567 = arith.constant 22 : i32
      %dma_start3A_568 = arith.constant 22 : i32
      %dma_start3A_569 = arith.constant 0 : i32
      %dma_start3A_570 = tpu.memref_slice %arg20[%dma_start3A_568, %dma_start3A_569] : memref<32x128xf32, #tpu.memory_space<vmem>> -> memref<1x128xf32, #tpu.memory_space<vmem>>
      %dma_start3A_571 = tpu.memref_squeeze %dma_start3A_570 : memref<1x128xf32, #tpu.memory_space<vmem>> -> memref<128xf32, #tpu.memory_space<vmem>>
      %dma_start3A_572 = arith.constant 0 : i32
      %dma_start3A_573 = tpu.memref_slice %arg18[%dma_start3A_567, %dma_start3A_572] : memref<32x128xi32, #tpu.memory_space<vmem>> -> memref<1x128xi32, #tpu.memory_space<vmem>>
      %dma_start3A_574 = tpu.memref_squeeze %dma_start3A_573 : memref<1x128xi32, #tpu.memory_space<vmem>> -> memref<128xi32, #tpu.memory_space<vmem>>
      %dma_start3A_575 = arith.constant 0 : i32
      %dma_start3A_576 = tpu.memref_slice %arg6[%dma_start3A_575] : memref<33554432xf32, #tpu.memory_space<hbm>> -> memref<33554432xf32, #tpu.memory_space<hbm>>
      tpu.enqueue_indirect_dma source(%dma_start3A_576 : memref<33554432xf32, #tpu.memory_space<hbm>>) target(%dma_start3A_571 : memref<128xf32, #tpu.memory_space<vmem>>) offsets(%dma_start3A_574 : memref<128xi32, #tpu.memory_space<vmem>>) semaphore(%arg24 : memref<!tpu.dma_semaphore, #tpu.memory_space<semaphore_mem>>)
      %dma_start3A_577 = arith.constant 23 : i32
      %dma_start3A_578 = arith.constant 23 : i32
      %dma_start3A_579 = arith.constant 0 : i32
      %dma_start3A_580 = tpu.memref_slice %arg20[%dma_start3A_578, %dma_start3A_579] : memref<32x128xf32, #tpu.memory_space<vmem>> -> memref<1x128xf32, #tpu.memory_space<vmem>>
      %dma_start3A_581 = tpu.memref_squeeze %dma_start3A_580 : memref<1x128xf32, #tpu.memory_space<vmem>> -> memref<128xf32, #tpu.memory_space<vmem>>
      %dma_start3A_582 = arith.constant 0 : i32
      %dma_start3A_583 = tpu.memref_slice %arg18[%dma_start3A_577, %dma_start3A_582] : memref<32x128xi32, #tpu.memory_space<vmem>> -> memref<1x128xi32, #tpu.memory_space<vmem>>
      %dma_start3A_584 = tpu.memref_squeeze %dma_start3A_583 : memref<1x128xi32, #tpu.memory_space<vmem>> -> memref<128xi32, #tpu.memory_space<vmem>>
      %dma_start3A_585 = arith.constant 0 : i32
      %dma_start3A_586 = tpu.memref_slice %arg6[%dma_start3A_585] : memref<33554432xf32, #tpu.memory_space<hbm>> -> memref<33554432xf32, #tpu.memory_space<hbm>>
      tpu.enqueue_indirect_dma source(%dma_start3A_586 : memref<33554432xf32, #tpu.memory_space<hbm>>) target(%dma_start3A_581 : memref<128xf32, #tpu.memory_space<vmem>>) offsets(%dma_start3A_584 : memref<128xi32, #tpu.memory_space<vmem>>) semaphore(%arg24 : memref<!tpu.dma_semaphore, #tpu.memory_space<semaphore_mem>>)
      %dma_start3A_587 = arith.constant 24 : i32
      %dma_start3A_588 = arith.constant 24 : i32
      %dma_start3A_589 = arith.constant 0 : i32
      %dma_start3A_590 = tpu.memref_slice %arg20[%dma_start3A_588, %dma_start3A_589] : memref<32x128xf32, #tpu.memory_space<vmem>> -> memref<1x128xf32, #tpu.memory_space<vmem>>
      %dma_start3A_591 = tpu.memref_squeeze %dma_start3A_590 : memref<1x128xf32, #tpu.memory_space<vmem>> -> memref<128xf32, #tpu.memory_space<vmem>>
      %dma_start3A_592 = arith.constant 0 : i32
      %dma_start3A_593 = tpu.memref_slice %arg18[%dma_start3A_587, %dma_start3A_592] : memref<32x128xi32, #tpu.memory_space<vmem>> -> memref<1x128xi32, #tpu.memory_space<vmem>>
      %dma_start3A_594 = tpu.memref_squeeze %dma_start3A_593 : memref<1x128xi32, #tpu.memory_space<vmem>> -> memref<128xi32, #tpu.memory_space<vmem>>
      %dma_start3A_595 = arith.constant 0 : i32
      %dma_start3A_596 = tpu.memref_slice %arg6[%dma_start3A_595] : memref<33554432xf32, #tpu.memory_space<hbm>> -> memref<33554432xf32, #tpu.memory_space<hbm>>
      tpu.enqueue_indirect_dma source(%dma_start3A_596 : memref<33554432xf32, #tpu.memory_space<hbm>>) target(%dma_start3A_591 : memref<128xf32, #tpu.memory_space<vmem>>) offsets(%dma_start3A_594 : memref<128xi32, #tpu.memory_space<vmem>>) semaphore(%arg24 : memref<!tpu.dma_semaphore, #tpu.memory_space<semaphore_mem>>)
      %dma_start3A_597 = arith.constant 25 : i32
      %dma_start3A_598 = arith.constant 25 : i32
      %dma_start3A_599 = arith.constant 0 : i32
      %dma_start3A_600 = tpu.memref_slice %arg20[%dma_start3A_598, %dma_start3A_599] : memref<32x128xf32, #tpu.memory_space<vmem>> -> memref<1x128xf32, #tpu.memory_space<vmem>>
      %dma_start3A_601 = tpu.memref_squeeze %dma_start3A_600 : memref<1x128xf32, #tpu.memory_space<vmem>> -> memref<128xf32, #tpu.memory_space<vmem>>
      %dma_start3A_602 = arith.constant 0 : i32
      %dma_start3A_603 = tpu.memref_slice %arg18[%dma_start3A_597, %dma_start3A_602] : memref<32x128xi32, #tpu.memory_space<vmem>> -> memref<1x128xi32, #tpu.memory_space<vmem>>
      %dma_start3A_604 = tpu.memref_squeeze %dma_start3A_603 : memref<1x128xi32, #tpu.memory_space<vmem>> -> memref<128xi32, #tpu.memory_space<vmem>>
      %dma_start3A_605 = arith.constant 0 : i32
      %dma_start3A_606 = tpu.memref_slice %arg6[%dma_start3A_605] : memref<33554432xf32, #tpu.memory_space<hbm>> -> memref<33554432xf32, #tpu.memory_space<hbm>>
      tpu.enqueue_indirect_dma source(%dma_start3A_606 : memref<33554432xf32, #tpu.memory_space<hbm>>) target(%dma_start3A_601 : memref<128xf32, #tpu.memory_space<vmem>>) offsets(%dma_start3A_604 : memref<128xi32, #tpu.memory_space<vmem>>) semaphore(%arg24 : memref<!tpu.dma_semaphore, #tpu.memory_space<semaphore_mem>>)
      %dma_start3A_607 = arith.constant 26 : i32
      %dma_start3A_608 = arith.constant 26 : i32
      %dma_start3A_609 = arith.constant 0 : i32
      %dma_start3A_610 = tpu.memref_slice %arg20[%dma_start3A_608, %dma_start3A_609] : memref<32x128xf32, #tpu.memory_space<vmem>> -> memref<1x128xf32, #tpu.memory_space<vmem>>
      %dma_start3A_611 = tpu.memref_squeeze %dma_start3A_610 : memref<1x128xf32, #tpu.memory_space<vmem>> -> memref<128xf32, #tpu.memory_space<vmem>>
      %dma_start3A_612 = arith.constant 0 : i32
      %dma_start3A_613 = tpu.memref_slice %arg18[%dma_start3A_607, %dma_start3A_612] : memref<32x128xi32, #tpu.memory_space<vmem>> -> memref<1x128xi32, #tpu.memory_space<vmem>>
      %dma_start3A_614 = tpu.memref_squeeze %dma_start3A_613 : memref<1x128xi32, #tpu.memory_space<vmem>> -> memref<128xi32, #tpu.memory_space<vmem>>
      %dma_start3A_615 = arith.constant 0 : i32
      %dma_start3A_616 = tpu.memref_slice %arg6[%dma_start3A_615] : memref<33554432xf32, #tpu.memory_space<hbm>> -> memref<33554432xf32, #tpu.memory_space<hbm>>
      tpu.enqueue_indirect_dma source(%dma_start3A_616 : memref<33554432xf32, #tpu.memory_space<hbm>>) target(%dma_start3A_611 : memref<128xf32, #tpu.memory_space<vmem>>) offsets(%dma_start3A_614 : memref<128xi32, #tpu.memory_space<vmem>>) semaphore(%arg24 : memref<!tpu.dma_semaphore, #tpu.memory_space<semaphore_mem>>)
      %dma_start3A_617 = arith.constant 27 : i32
      %dma_start3A_618 = arith.constant 27 : i32
      %dma_start3A_619 = arith.constant 0 : i32
      %dma_start3A_620 = tpu.memref_slice %arg20[%dma_start3A_618, %dma_start3A_619] : memref<32x128xf32, #tpu.memory_space<vmem>> -> memref<1x128xf32, #tpu.memory_space<vmem>>
      %dma_start3A_621 = tpu.memref_squeeze %dma_start3A_620 : memref<1x128xf32, #tpu.memory_space<vmem>> -> memref<128xf32, #tpu.memory_space<vmem>>
      %dma_start3A_622 = arith.constant 0 : i32
      %dma_start3A_623 = tpu.memref_slice %arg18[%dma_start3A_617, %dma_start3A_622] : memref<32x128xi32, #tpu.memory_space<vmem>> -> memref<1x128xi32, #tpu.memory_space<vmem>>
      %dma_start3A_624 = tpu.memref_squeeze %dma_start3A_623 : memref<1x128xi32, #tpu.memory_space<vmem>> -> memref<128xi32, #tpu.memory_space<vmem>>
      %dma_start3A_625 = arith.constant 0 : i32
      %dma_start3A_626 = tpu.memref_slice %arg6[%dma_start3A_625] : memref<33554432xf32, #tpu.memory_space<hbm>> -> memref<33554432xf32, #tpu.memory_space<hbm>>
      tpu.enqueue_indirect_dma source(%dma_start3A_626 : memref<33554432xf32, #tpu.memory_space<hbm>>) target(%dma_start3A_621 : memref<128xf32, #tpu.memory_space<vmem>>) offsets(%dma_start3A_624 : memref<128xi32, #tpu.memory_space<vmem>>) semaphore(%arg24 : memref<!tpu.dma_semaphore, #tpu.memory_space<semaphore_mem>>)
      %dma_start3A_627 = arith.constant 28 : i32
      %dma_start3A_628 = arith.constant 28 : i32
      %dma_start3A_629 = arith.constant 0 : i32
      %dma_start3A_630 = tpu.memref_slice %arg20[%dma_start3A_628, %dma_start3A_629] : memref<32x128xf32, #tpu.memory_space<vmem>> -> memref<1x128xf32, #tpu.memory_space<vmem>>
      %dma_start3A_631 = tpu.memref_squeeze %dma_start3A_630 : memref<1x128xf32, #tpu.memory_space<vmem>> -> memref<128xf32, #tpu.memory_space<vmem>>
      %dma_start3A_632 = arith.constant 0 : i32
      %dma_start3A_633 = tpu.memref_slice %arg18[%dma_start3A_627, %dma_start3A_632] : memref<32x128xi32, #tpu.memory_space<vmem>> -> memref<1x128xi32, #tpu.memory_space<vmem>>
      %dma_start3A_634 = tpu.memref_squeeze %dma_start3A_633 : memref<1x128xi32, #tpu.memory_space<vmem>> -> memref<128xi32, #tpu.memory_space<vmem>>
      %dma_start3A_635 = arith.constant 0 : i32
      %dma_start3A_636 = tpu.memref_slice %arg6[%dma_start3A_635] : memref<33554432xf32, #tpu.memory_space<hbm>> -> memref<33554432xf32, #tpu.memory_space<hbm>>
      tpu.enqueue_indirect_dma source(%dma_start3A_636 : memref<33554432xf32, #tpu.memory_space<hbm>>) target(%dma_start3A_631 : memref<128xf32, #tpu.memory_space<vmem>>) offsets(%dma_start3A_634 : memref<128xi32, #tpu.memory_space<vmem>>) semaphore(%arg24 : memref<!tpu.dma_semaphore, #tpu.memory_space<semaphore_mem>>)
      %dma_start3A_637 = arith.constant 29 : i32
      %dma_start3A_638 = arith.constant 29 : i32
      %dma_start3A_639 = arith.constant 0 : i32
      %dma_start3A_640 = tpu.memref_slice %arg20[%dma_start3A_638, %dma_start3A_639] : memref<32x128xf32, #tpu.memory_space<vmem>> -> memref<1x128xf32, #tpu.memory_space<vmem>>
      %dma_start3A_641 = tpu.memref_squeeze %dma_start3A_640 : memref<1x128xf32, #tpu.memory_space<vmem>> -> memref<128xf32, #tpu.memory_space<vmem>>
      %dma_start3A_642 = arith.constant 0 : i32
      %dma_start3A_643 = tpu.memref_slice %arg18[%dma_start3A_637, %dma_start3A_642] : memref<32x128xi32, #tpu.memory_space<vmem>> -> memref<1x128xi32, #tpu.memory_space<vmem>>
      %dma_start3A_644 = tpu.memref_squeeze %dma_start3A_643 : memref<1x128xi32, #tpu.memory_space<vmem>> -> memref<128xi32, #tpu.memory_space<vmem>>
      %dma_start3A_645 = arith.constant 0 : i32
      %dma_start3A_646 = tpu.memref_slice %arg6[%dma_start3A_645] : memref<33554432xf32, #tpu.memory_space<hbm>> -> memref<33554432xf32, #tpu.memory_space<hbm>>
      tpu.enqueue_indirect_dma source(%dma_start3A_646 : memref<33554432xf32, #tpu.memory_space<hbm>>) target(%dma_start3A_641 : memref<128xf32, #tpu.memory_space<vmem>>) offsets(%dma_start3A_644 : memref<128xi32, #tpu.memory_space<vmem>>) semaphore(%arg24 : memref<!tpu.dma_semaphore, #tpu.memory_space<semaphore_mem>>)
      %dma_start3A_647 = arith.constant 30 : i32
      %dma_start3A_648 = arith.constant 30 : i32
      %dma_start3A_649 = arith.constant 0 : i32
      %dma_start3A_650 = tpu.memref_slice %arg20[%dma_start3A_648, %dma_start3A_649] : memref<32x128xf32, #tpu.memory_space<vmem>> -> memref<1x128xf32, #tpu.memory_space<vmem>>
      %dma_start3A_651 = tpu.memref_squeeze %dma_start3A_650 : memref<1x128xf32, #tpu.memory_space<vmem>> -> memref<128xf32, #tpu.memory_space<vmem>>
      %dma_start3A_652 = arith.constant 0 : i32
      %dma_start3A_653 = tpu.memref_slice %arg18[%dma_start3A_647, %dma_start3A_652] : memref<32x128xi32, #tpu.memory_space<vmem>> -> memref<1x128xi32, #tpu.memory_space<vmem>>
      %dma_start3A_654 = tpu.memref_squeeze %dma_start3A_653 : memref<1x128xi32, #tpu.memory_space<vmem>> -> memref<128xi32, #tpu.memory_space<vmem>>
      %dma_start3A_655 = arith.constant 0 : i32
      %dma_start3A_656 = tpu.memref_slice %arg6[%dma_start3A_655] : memref<33554432xf32, #tpu.memory_space<hbm>> -> memref<33554432xf32, #tpu.memory_space<hbm>>
      tpu.enqueue_indirect_dma source(%dma_start3A_656 : memref<33554432xf32, #tpu.memory_space<hbm>>) target(%dma_start3A_651 : memref<128xf32, #tpu.memory_space<vmem>>) offsets(%dma_start3A_654 : memref<128xi32, #tpu.memory_space<vmem>>) semaphore(%arg24 : memref<!tpu.dma_semaphore, #tpu.memory_space<semaphore_mem>>)
      %dma_start3A_657 = arith.constant 31 : i32
      %dma_start3A_658 = arith.constant 31 : i32
      %dma_start3A_659 = arith.constant 0 : i32
      %dma_start3A_660 = tpu.memref_slice %arg20[%dma_start3A_658, %dma_start3A_659] : memref<32x128xf32, #tpu.memory_space<vmem>> -> memref<1x128xf32, #tpu.memory_space<vmem>>
      %dma_start3A_661 = tpu.memref_squeeze %dma_start3A_660 : memref<1x128xf32, #tpu.memory_space<vmem>> -> memref<128xf32, #tpu.memory_space<vmem>>
      %dma_start3A_662 = arith.constant 0 : i32
      %dma_start3A_663 = tpu.memref_slice %arg18[%dma_start3A_657, %dma_start3A_662] : memref<32x128xi32, #tpu.memory_space<vmem>> -> memref<1x128xi32, #tpu.memory_space<vmem>>
      %dma_start3A_664 = tpu.memref_squeeze %dma_start3A_663 : memref<1x128xi32, #tpu.memory_space<vmem>> -> memref<128xi32, #tpu.memory_space<vmem>>
      %dma_start3A_665 = arith.constant 0 : i32
      %dma_start3A_666 = tpu.memref_slice %arg6[%dma_start3A_665] : memref<33554432xf32, #tpu.memory_space<hbm>> -> memref<33554432xf32, #tpu.memory_space<hbm>>
      tpu.enqueue_indirect_dma source(%dma_start3A_666 : memref<33554432xf32, #tpu.memory_space<hbm>>) target(%dma_start3A_661 : memref<128xf32, #tpu.memory_space<vmem>>) offsets(%dma_start3A_664 : memref<128xi32, #tpu.memory_space<vmem>>) semaphore(%arg24 : memref<!tpu.dma_semaphore, #tpu.memory_space<semaphore_mem>>)
      %dma_wait3A = arith.constant 0 : i32
      %dma_wait3A_667 = arith.constant 0 : i32
      %dma_wait3A_668 = arith.constant 0 : i32
      %dma_wait3A_669 = tpu.memref_slice %arg19[%dma_wait3A_667, %dma_wait3A_668] : memref<32x128xf32, #tpu.memory_space<vmem>> -> memref<1x128xf32, #tpu.memory_space<vmem>>
      %dma_wait3A_670 = tpu.memref_squeeze %dma_wait3A_669 : memref<1x128xf32, #tpu.memory_space<vmem>> -> memref<128xf32, #tpu.memory_space<vmem>>
      %dma_wait3A_671 = arith.constant 0 : i32
      %dma_wait3A_672 = tpu.memref_slice %arg17[%dma_wait3A, %dma_wait3A_671] : memref<32x128xi32, #tpu.memory_space<vmem>> -> memref<1x128xi32, #tpu.memory_space<vmem>>
      %dma_wait3A_673 = tpu.memref_squeeze %dma_wait3A_672 : memref<1x128xi32, #tpu.memory_space<vmem>> -> memref<128xi32, #tpu.memory_space<vmem>>
      %dma_wait3A_674 = arith.constant 0 : i32
      %dma_wait3A_675 = tpu.memref_slice %arg6[%dma_wait3A_674] : memref<33554432xf32, #tpu.memory_space<hbm>> -> memref<33554432xf32, #tpu.memory_space<hbm>>
      tpu.wait_indirect_dma semaphore(%arg23 : memref<!tpu.dma_semaphore, #tpu.memory_space<semaphore_mem>>) src(%dma_wait3A_675 : memref<33554432xf32, #tpu.memory_space<hbm>>) dst(%dma_wait3A_670 : memref<128xf32, #tpu.memory_space<vmem>>)
      %dma_wait3A_676 = arith.constant 1 : i32
      %dma_wait3A_677 = arith.constant 1 : i32
      %dma_wait3A_678 = arith.constant 0 : i32
      %dma_wait3A_679 = tpu.memref_slice %arg19[%dma_wait3A_677, %dma_wait3A_678] : memref<32x128xf32, #tpu.memory_space<vmem>> -> memref<1x128xf32, #tpu.memory_space<vmem>>
      %dma_wait3A_680 = tpu.memref_squeeze %dma_wait3A_679 : memref<1x128xf32, #tpu.memory_space<vmem>> -> memref<128xf32, #tpu.memory_space<vmem>>
      %dma_wait3A_681 = arith.constant 0 : i32
      %dma_wait3A_682 = tpu.memref_slice %arg17[%dma_wait3A_676, %dma_wait3A_681] : memref<32x128xi32, #tpu.memory_space<vmem>> -> memref<1x128xi32, #tpu.memory_space<vmem>>
      %dma_wait3A_683 = tpu.memref_squeeze %dma_wait3A_682 : memref<1x128xi32, #tpu.memory_space<vmem>> -> memref<128xi32, #tpu.memory_space<vmem>>
      %dma_wait3A_684 = arith.constant 0 : i32
      %dma_wait3A_685 = tpu.memref_slice %arg6[%dma_wait3A_684] : memref<33554432xf32, #tpu.memory_space<hbm>> -> memref<33554432xf32, #tpu.memory_space<hbm>>
      tpu.wait_indirect_dma semaphore(%arg23 : memref<!tpu.dma_semaphore, #tpu.memory_space<semaphore_mem>>) src(%dma_wait3A_685 : memref<33554432xf32, #tpu.memory_space<hbm>>) dst(%dma_wait3A_680 : memref<128xf32, #tpu.memory_space<vmem>>)
      %dma_wait3A_686 = arith.constant 2 : i32
      %dma_wait3A_687 = arith.constant 2 : i32
      %dma_wait3A_688 = arith.constant 0 : i32
      %dma_wait3A_689 = tpu.memref_slice %arg19[%dma_wait3A_687, %dma_wait3A_688] : memref<32x128xf32, #tpu.memory_space<vmem>> -> memref<1x128xf32, #tpu.memory_space<vmem>>
      %dma_wait3A_690 = tpu.memref_squeeze %dma_wait3A_689 : memref<1x128xf32, #tpu.memory_space<vmem>> -> memref<128xf32, #tpu.memory_space<vmem>>
      %dma_wait3A_691 = arith.constant 0 : i32
      %dma_wait3A_692 = tpu.memref_slice %arg17[%dma_wait3A_686, %dma_wait3A_691] : memref<32x128xi32, #tpu.memory_space<vmem>> -> memref<1x128xi32, #tpu.memory_space<vmem>>
      %dma_wait3A_693 = tpu.memref_squeeze %dma_wait3A_692 : memref<1x128xi32, #tpu.memory_space<vmem>> -> memref<128xi32, #tpu.memory_space<vmem>>
      %dma_wait3A_694 = arith.constant 0 : i32
      %dma_wait3A_695 = tpu.memref_slice %arg6[%dma_wait3A_694] : memref<33554432xf32, #tpu.memory_space<hbm>> -> memref<33554432xf32, #tpu.memory_space<hbm>>
      tpu.wait_indirect_dma semaphore(%arg23 : memref<!tpu.dma_semaphore, #tpu.memory_space<semaphore_mem>>) src(%dma_wait3A_695 : memref<33554432xf32, #tpu.memory_space<hbm>>) dst(%dma_wait3A_690 : memref<128xf32, #tpu.memory_space<vmem>>)
      %dma_wait3A_696 = arith.constant 3 : i32
      %dma_wait3A_697 = arith.constant 3 : i32
      %dma_wait3A_698 = arith.constant 0 : i32
      %dma_wait3A_699 = tpu.memref_slice %arg19[%dma_wait3A_697, %dma_wait3A_698] : memref<32x128xf32, #tpu.memory_space<vmem>> -> memref<1x128xf32, #tpu.memory_space<vmem>>
      %dma_wait3A_700 = tpu.memref_squeeze %dma_wait3A_699 : memref<1x128xf32, #tpu.memory_space<vmem>> -> memref<128xf32, #tpu.memory_space<vmem>>
      %dma_wait3A_701 = arith.constant 0 : i32
      %dma_wait3A_702 = tpu.memref_slice %arg17[%dma_wait3A_696, %dma_wait3A_701] : memref<32x128xi32, #tpu.memory_space<vmem>> -> memref<1x128xi32, #tpu.memory_space<vmem>>
      %dma_wait3A_703 = tpu.memref_squeeze %dma_wait3A_702 : memref<1x128xi32, #tpu.memory_space<vmem>> -> memref<128xi32, #tpu.memory_space<vmem>>
      %dma_wait3A_704 = arith.constant 0 : i32
      %dma_wait3A_705 = tpu.memref_slice %arg6[%dma_wait3A_704] : memref<33554432xf32, #tpu.memory_space<hbm>> -> memref<33554432xf32, #tpu.memory_space<hbm>>
      tpu.wait_indirect_dma semaphore(%arg23 : memref<!tpu.dma_semaphore, #tpu.memory_space<semaphore_mem>>) src(%dma_wait3A_705 : memref<33554432xf32, #tpu.memory_space<hbm>>) dst(%dma_wait3A_700 : memref<128xf32, #tpu.memory_space<vmem>>)
      %dma_wait3A_706 = arith.constant 4 : i32
      %dma_wait3A_707 = arith.constant 4 : i32
      %dma_wait3A_708 = arith.constant 0 : i32
      %dma_wait3A_709 = tpu.memref_slice %arg19[%dma_wait3A_707, %dma_wait3A_708] : memref<32x128xf32, #tpu.memory_space<vmem>> -> memref<1x128xf32, #tpu.memory_space<vmem>>
      %dma_wait3A_710 = tpu.memref_squeeze %dma_wait3A_709 : memref<1x128xf32, #tpu.memory_space<vmem>> -> memref<128xf32, #tpu.memory_space<vmem>>
      %dma_wait3A_711 = arith.constant 0 : i32
      %dma_wait3A_712 = tpu.memref_slice %arg17[%dma_wait3A_706, %dma_wait3A_711] : memref<32x128xi32, #tpu.memory_space<vmem>> -> memref<1x128xi32, #tpu.memory_space<vmem>>
      %dma_wait3A_713 = tpu.memref_squeeze %dma_wait3A_712 : memref<1x128xi32, #tpu.memory_space<vmem>> -> memref<128xi32, #tpu.memory_space<vmem>>
      %dma_wait3A_714 = arith.constant 0 : i32
      %dma_wait3A_715 = tpu.memref_slice %arg6[%dma_wait3A_714] : memref<33554432xf32, #tpu.memory_space<hbm>> -> memref<33554432xf32, #tpu.memory_space<hbm>>
      tpu.wait_indirect_dma semaphore(%arg23 : memref<!tpu.dma_semaphore, #tpu.memory_space<semaphore_mem>>) src(%dma_wait3A_715 : memref<33554432xf32, #tpu.memory_space<hbm>>) dst(%dma_wait3A_710 : memref<128xf32, #tpu.memory_space<vmem>>)
      %dma_wait3A_716 = arith.constant 5 : i32
      %dma_wait3A_717 = arith.constant 5 : i32
      %dma_wait3A_718 = arith.constant 0 : i32
      %dma_wait3A_719 = tpu.memref_slice %arg19[%dma_wait3A_717, %dma_wait3A_718] : memref<32x128xf32, #tpu.memory_space<vmem>> -> memref<1x128xf32, #tpu.memory_space<vmem>>
      %dma_wait3A_720 = tpu.memref_squeeze %dma_wait3A_719 : memref<1x128xf32, #tpu.memory_space<vmem>> -> memref<128xf32, #tpu.memory_space<vmem>>
      %dma_wait3A_721 = arith.constant 0 : i32
      %dma_wait3A_722 = tpu.memref_slice %arg17[%dma_wait3A_716, %dma_wait3A_721] : memref<32x128xi32, #tpu.memory_space<vmem>> -> memref<1x128xi32, #tpu.memory_space<vmem>>
      %dma_wait3A_723 = tpu.memref_squeeze %dma_wait3A_722 : memref<1x128xi32, #tpu.memory_space<vmem>> -> memref<128xi32, #tpu.memory_space<vmem>>
      %dma_wait3A_724 = arith.constant 0 : i32
      %dma_wait3A_725 = tpu.memref_slice %arg6[%dma_wait3A_724] : memref<33554432xf32, #tpu.memory_space<hbm>> -> memref<33554432xf32, #tpu.memory_space<hbm>>
      tpu.wait_indirect_dma semaphore(%arg23 : memref<!tpu.dma_semaphore, #tpu.memory_space<semaphore_mem>>) src(%dma_wait3A_725 : memref<33554432xf32, #tpu.memory_space<hbm>>) dst(%dma_wait3A_720 : memref<128xf32, #tpu.memory_space<vmem>>)
      %dma_wait3A_726 = arith.constant 6 : i32
      %dma_wait3A_727 = arith.constant 6 : i32
      %dma_wait3A_728 = arith.constant 0 : i32
      %dma_wait3A_729 = tpu.memref_slice %arg19[%dma_wait3A_727, %dma_wait3A_728] : memref<32x128xf32, #tpu.memory_space<vmem>> -> memref<1x128xf32, #tpu.memory_space<vmem>>
      %dma_wait3A_730 = tpu.memref_squeeze %dma_wait3A_729 : memref<1x128xf32, #tpu.memory_space<vmem>> -> memref<128xf32, #tpu.memory_space<vmem>>
      %dma_wait3A_731 = arith.constant 0 : i32
      %dma_wait3A_732 = tpu.memref_slice %arg17[%dma_wait3A_726, %dma_wait3A_731] : memref<32x128xi32, #tpu.memory_space<vmem>> -> memref<1x128xi32, #tpu.memory_space<vmem>>
      %dma_wait3A_733 = tpu.memref_squeeze %dma_wait3A_732 : memref<1x128xi32, #tpu.memory_space<vmem>> -> memref<128xi32, #tpu.memory_space<vmem>>
      %dma_wait3A_734 = arith.constant 0 : i32
      %dma_wait3A_735 = tpu.memref_slice %arg6[%dma_wait3A_734] : memref<33554432xf32, #tpu.memory_space<hbm>> -> memref<33554432xf32, #tpu.memory_space<hbm>>
      tpu.wait_indirect_dma semaphore(%arg23 : memref<!tpu.dma_semaphore, #tpu.memory_space<semaphore_mem>>) src(%dma_wait3A_735 : memref<33554432xf32, #tpu.memory_space<hbm>>) dst(%dma_wait3A_730 : memref<128xf32, #tpu.memory_space<vmem>>)
      %dma_wait3A_736 = arith.constant 7 : i32
      %dma_wait3A_737 = arith.constant 7 : i32
      %dma_wait3A_738 = arith.constant 0 : i32
      %dma_wait3A_739 = tpu.memref_slice %arg19[%dma_wait3A_737, %dma_wait3A_738] : memref<32x128xf32, #tpu.memory_space<vmem>> -> memref<1x128xf32, #tpu.memory_space<vmem>>
      %dma_wait3A_740 = tpu.memref_squeeze %dma_wait3A_739 : memref<1x128xf32, #tpu.memory_space<vmem>> -> memref<128xf32, #tpu.memory_space<vmem>>
      %dma_wait3A_741 = arith.constant 0 : i32
      %dma_wait3A_742 = tpu.memref_slice %arg17[%dma_wait3A_736, %dma_wait3A_741] : memref<32x128xi32, #tpu.memory_space<vmem>> -> memref<1x128xi32, #tpu.memory_space<vmem>>
      %dma_wait3A_743 = tpu.memref_squeeze %dma_wait3A_742 : memref<1x128xi32, #tpu.memory_space<vmem>> -> memref<128xi32, #tpu.memory_space<vmem>>
      %dma_wait3A_744 = arith.constant 0 : i32
      %dma_wait3A_745 = tpu.memref_slice %arg6[%dma_wait3A_744] : memref<33554432xf32, #tpu.memory_space<hbm>> -> memref<33554432xf32, #tpu.memory_space<hbm>>
      tpu.wait_indirect_dma semaphore(%arg23 : memref<!tpu.dma_semaphore, #tpu.memory_space<semaphore_mem>>) src(%dma_wait3A_745 : memref<33554432xf32, #tpu.memory_space<hbm>>) dst(%dma_wait3A_740 : memref<128xf32, #tpu.memory_space<vmem>>)
      %dma_wait3A_746 = arith.constant 8 : i32
      %dma_wait3A_747 = arith.constant 8 : i32
      %dma_wait3A_748 = arith.constant 0 : i32
      %dma_wait3A_749 = tpu.memref_slice %arg19[%dma_wait3A_747, %dma_wait3A_748] : memref<32x128xf32, #tpu.memory_space<vmem>> -> memref<1x128xf32, #tpu.memory_space<vmem>>
      %dma_wait3A_750 = tpu.memref_squeeze %dma_wait3A_749 : memref<1x128xf32, #tpu.memory_space<vmem>> -> memref<128xf32, #tpu.memory_space<vmem>>
      %dma_wait3A_751 = arith.constant 0 : i32
      %dma_wait3A_752 = tpu.memref_slice %arg17[%dma_wait3A_746, %dma_wait3A_751] : memref<32x128xi32, #tpu.memory_space<vmem>> -> memref<1x128xi32, #tpu.memory_space<vmem>>
      %dma_wait3A_753 = tpu.memref_squeeze %dma_wait3A_752 : memref<1x128xi32, #tpu.memory_space<vmem>> -> memref<128xi32, #tpu.memory_space<vmem>>
      %dma_wait3A_754 = arith.constant 0 : i32
      %dma_wait3A_755 = tpu.memref_slice %arg6[%dma_wait3A_754] : memref<33554432xf32, #tpu.memory_space<hbm>> -> memref<33554432xf32, #tpu.memory_space<hbm>>
      tpu.wait_indirect_dma semaphore(%arg23 : memref<!tpu.dma_semaphore, #tpu.memory_space<semaphore_mem>>) src(%dma_wait3A_755 : memref<33554432xf32, #tpu.memory_space<hbm>>) dst(%dma_wait3A_750 : memref<128xf32, #tpu.memory_space<vmem>>)
      %dma_wait3A_756 = arith.constant 9 : i32
      %dma_wait3A_757 = arith.constant 9 : i32
      %dma_wait3A_758 = arith.constant 0 : i32
      %dma_wait3A_759 = tpu.memref_slice %arg19[%dma_wait3A_757, %dma_wait3A_758] : memref<32x128xf32, #tpu.memory_space<vmem>> -> memref<1x128xf32, #tpu.memory_space<vmem>>
      %dma_wait3A_760 = tpu.memref_squeeze %dma_wait3A_759 : memref<1x128xf32, #tpu.memory_space<vmem>> -> memref<128xf32, #tpu.memory_space<vmem>>
      %dma_wait3A_761 = arith.constant 0 : i32
      %dma_wait3A_762 = tpu.memref_slice %arg17[%dma_wait3A_756, %dma_wait3A_761] : memref<32x128xi32, #tpu.memory_space<vmem>> -> memref<1x128xi32, #tpu.memory_space<vmem>>
      %dma_wait3A_763 = tpu.memref_squeeze %dma_wait3A_762 : memref<1x128xi32, #tpu.memory_space<vmem>> -> memref<128xi32, #tpu.memory_space<vmem>>
      %dma_wait3A_764 = arith.constant 0 : i32
      %dma_wait3A_765 = tpu.memref_slice %arg6[%dma_wait3A_764] : memref<33554432xf32, #tpu.memory_space<hbm>> -> memref<33554432xf32, #tpu.memory_space<hbm>>
      tpu.wait_indirect_dma semaphore(%arg23 : memref<!tpu.dma_semaphore, #tpu.memory_space<semaphore_mem>>) src(%dma_wait3A_765 : memref<33554432xf32, #tpu.memory_space<hbm>>) dst(%dma_wait3A_760 : memref<128xf32, #tpu.memory_space<vmem>>)
      %dma_wait3A_766 = arith.constant 10 : i32
      %dma_wait3A_767 = arith.constant 10 : i32
      %dma_wait3A_768 = arith.constant 0 : i32
      %dma_wait3A_769 = tpu.memref_slice %arg19[%dma_wait3A_767, %dma_wait3A_768] : memref<32x128xf32, #tpu.memory_space<vmem>> -> memref<1x128xf32, #tpu.memory_space<vmem>>
      %dma_wait3A_770 = tpu.memref_squeeze %dma_wait3A_769 : memref<1x128xf32, #tpu.memory_space<vmem>> -> memref<128xf32, #tpu.memory_space<vmem>>
      %dma_wait3A_771 = arith.constant 0 : i32
      %dma_wait3A_772 = tpu.memref_slice %arg17[%dma_wait3A_766, %dma_wait3A_771] : memref<32x128xi32, #tpu.memory_space<vmem>> -> memref<1x128xi32, #tpu.memory_space<vmem>>
      %dma_wait3A_773 = tpu.memref_squeeze %dma_wait3A_772 : memref<1x128xi32, #tpu.memory_space<vmem>> -> memref<128xi32, #tpu.memory_space<vmem>>
      %dma_wait3A_774 = arith.constant 0 : i32
      %dma_wait3A_775 = tpu.memref_slice %arg6[%dma_wait3A_774] : memref<33554432xf32, #tpu.memory_space<hbm>> -> memref<33554432xf32, #tpu.memory_space<hbm>>
      tpu.wait_indirect_dma semaphore(%arg23 : memref<!tpu.dma_semaphore, #tpu.memory_space<semaphore_mem>>) src(%dma_wait3A_775 : memref<33554432xf32, #tpu.memory_space<hbm>>) dst(%dma_wait3A_770 : memref<128xf32, #tpu.memory_space<vmem>>)
      %dma_wait3A_776 = arith.constant 11 : i32
      %dma_wait3A_777 = arith.constant 11 : i32
      %dma_wait3A_778 = arith.constant 0 : i32
      %dma_wait3A_779 = tpu.memref_slice %arg19[%dma_wait3A_777, %dma_wait3A_778] : memref<32x128xf32, #tpu.memory_space<vmem>> -> memref<1x128xf32, #tpu.memory_space<vmem>>
      %dma_wait3A_780 = tpu.memref_squeeze %dma_wait3A_779 : memref<1x128xf32, #tpu.memory_space<vmem>> -> memref<128xf32, #tpu.memory_space<vmem>>
      %dma_wait3A_781 = arith.constant 0 : i32
      %dma_wait3A_782 = tpu.memref_slice %arg17[%dma_wait3A_776, %dma_wait3A_781] : memref<32x128xi32, #tpu.memory_space<vmem>> -> memref<1x128xi32, #tpu.memory_space<vmem>>
      %dma_wait3A_783 = tpu.memref_squeeze %dma_wait3A_782 : memref<1x128xi32, #tpu.memory_space<vmem>> -> memref<128xi32, #tpu.memory_space<vmem>>
      %dma_wait3A_784 = arith.constant 0 : i32
      %dma_wait3A_785 = tpu.memref_slice %arg6[%dma_wait3A_784] : memref<33554432xf32, #tpu.memory_space<hbm>> -> memref<33554432xf32, #tpu.memory_space<hbm>>
      tpu.wait_indirect_dma semaphore(%arg23 : memref<!tpu.dma_semaphore, #tpu.memory_space<semaphore_mem>>) src(%dma_wait3A_785 : memref<33554432xf32, #tpu.memory_space<hbm>>) dst(%dma_wait3A_780 : memref<128xf32, #tpu.memory_space<vmem>>)
      %dma_wait3A_786 = arith.constant 12 : i32
      %dma_wait3A_787 = arith.constant 12 : i32
      %dma_wait3A_788 = arith.constant 0 : i32
      %dma_wait3A_789 = tpu.memref_slice %arg19[%dma_wait3A_787, %dma_wait3A_788] : memref<32x128xf32, #tpu.memory_space<vmem>> -> memref<1x128xf32, #tpu.memory_space<vmem>>
      %dma_wait3A_790 = tpu.memref_squeeze %dma_wait3A_789 : memref<1x128xf32, #tpu.memory_space<vmem>> -> memref<128xf32, #tpu.memory_space<vmem>>
      %dma_wait3A_791 = arith.constant 0 : i32
      %dma_wait3A_792 = tpu.memref_slice %arg17[%dma_wait3A_786, %dma_wait3A_791] : memref<32x128xi32, #tpu.memory_space<vmem>> -> memref<1x128xi32, #tpu.memory_space<vmem>>
      %dma_wait3A_793 = tpu.memref_squeeze %dma_wait3A_792 : memref<1x128xi32, #tpu.memory_space<vmem>> -> memref<128xi32, #tpu.memory_space<vmem>>
      %dma_wait3A_794 = arith.constant 0 : i32
      %dma_wait3A_795 = tpu.memref_slice %arg6[%dma_wait3A_794] : memref<33554432xf32, #tpu.memory_space<hbm>> -> memref<33554432xf32, #tpu.memory_space<hbm>>
      tpu.wait_indirect_dma semaphore(%arg23 : memref<!tpu.dma_semaphore, #tpu.memory_space<semaphore_mem>>) src(%dma_wait3A_795 : memref<33554432xf32, #tpu.memory_space<hbm>>) dst(%dma_wait3A_790 : memref<128xf32, #tpu.memory_space<vmem>>)
      %dma_wait3A_796 = arith.constant 13 : i32
      %dma_wait3A_797 = arith.constant 13 : i32
      %dma_wait3A_798 = arith.constant 0 : i32
      %dma_wait3A_799 = tpu.memref_slice %arg19[%dma_wait3A_797, %dma_wait3A_798] : memref<32x128xf32, #tpu.memory_space<vmem>> -> memref<1x128xf32, #tpu.memory_space<vmem>>
      %dma_wait3A_800 = tpu.memref_squeeze %dma_wait3A_799 : memref<1x128xf32, #tpu.memory_space<vmem>> -> memref<128xf32, #tpu.memory_space<vmem>>
      %dma_wait3A_801 = arith.constant 0 : i32
      %dma_wait3A_802 = tpu.memref_slice %arg17[%dma_wait3A_796, %dma_wait3A_801] : memref<32x128xi32, #tpu.memory_space<vmem>> -> memref<1x128xi32, #tpu.memory_space<vmem>>
      %dma_wait3A_803 = tpu.memref_squeeze %dma_wait3A_802 : memref<1x128xi32, #tpu.memory_space<vmem>> -> memref<128xi32, #tpu.memory_space<vmem>>
      %dma_wait3A_804 = arith.constant 0 : i32
      %dma_wait3A_805 = tpu.memref_slice %arg6[%dma_wait3A_804] : memref<33554432xf32, #tpu.memory_space<hbm>> -> memref<33554432xf32, #tpu.memory_space<hbm>>
      tpu.wait_indirect_dma semaphore(%arg23 : memref<!tpu.dma_semaphore, #tpu.memory_space<semaphore_mem>>) src(%dma_wait3A_805 : memref<33554432xf32, #tpu.memory_space<hbm>>) dst(%dma_wait3A_800 : memref<128xf32, #tpu.memory_space<vmem>>)
      %dma_wait3A_806 = arith.constant 14 : i32
      %dma_wait3A_807 = arith.constant 14 : i32
      %dma_wait3A_808 = arith.constant 0 : i32
      %dma_wait3A_809 = tpu.memref_slice %arg19[%dma_wait3A_807, %dma_wait3A_808] : memref<32x128xf32, #tpu.memory_space<vmem>> -> memref<1x128xf32, #tpu.memory_space<vmem>>
      %dma_wait3A_810 = tpu.memref_squeeze %dma_wait3A_809 : memref<1x128xf32, #tpu.memory_space<vmem>> -> memref<128xf32, #tpu.memory_space<vmem>>
      %dma_wait3A_811 = arith.constant 0 : i32
      %dma_wait3A_812 = tpu.memref_slice %arg17[%dma_wait3A_806, %dma_wait3A_811] : memref<32x128xi32, #tpu.memory_space<vmem>> -> memref<1x128xi32, #tpu.memory_space<vmem>>
      %dma_wait3A_813 = tpu.memref_squeeze %dma_wait3A_812 : memref<1x128xi32, #tpu.memory_space<vmem>> -> memref<128xi32, #tpu.memory_space<vmem>>
      %dma_wait3A_814 = arith.constant 0 : i32
      %dma_wait3A_815 = tpu.memref_slice %arg6[%dma_wait3A_814] : memref<33554432xf32, #tpu.memory_space<hbm>> -> memref<33554432xf32, #tpu.memory_space<hbm>>
      tpu.wait_indirect_dma semaphore(%arg23 : memref<!tpu.dma_semaphore, #tpu.memory_space<semaphore_mem>>) src(%dma_wait3A_815 : memref<33554432xf32, #tpu.memory_space<hbm>>) dst(%dma_wait3A_810 : memref<128xf32, #tpu.memory_space<vmem>>)
      %dma_wait3A_816 = arith.constant 15 : i32
      %dma_wait3A_817 = arith.constant 15 : i32
      %dma_wait3A_818 = arith.constant 0 : i32
      %dma_wait3A_819 = tpu.memref_slice %arg19[%dma_wait3A_817, %dma_wait3A_818] : memref<32x128xf32, #tpu.memory_space<vmem>> -> memref<1x128xf32, #tpu.memory_space<vmem>>
      %dma_wait3A_820 = tpu.memref_squeeze %dma_wait3A_819 : memref<1x128xf32, #tpu.memory_space<vmem>> -> memref<128xf32, #tpu.memory_space<vmem>>
      %dma_wait3A_821 = arith.constant 0 : i32
      %dma_wait3A_822 = tpu.memref_slice %arg17[%dma_wait3A_816, %dma_wait3A_821] : memref<32x128xi32, #tpu.memory_space<vmem>> -> memref<1x128xi32, #tpu.memory_space<vmem>>
      %dma_wait3A_823 = tpu.memref_squeeze %dma_wait3A_822 : memref<1x128xi32, #tpu.memory_space<vmem>> -> memref<128xi32, #tpu.memory_space<vmem>>
      %dma_wait3A_824 = arith.constant 0 : i32
      %dma_wait3A_825 = tpu.memref_slice %arg6[%dma_wait3A_824] : memref<33554432xf32, #tpu.memory_space<hbm>> -> memref<33554432xf32, #tpu.memory_space<hbm>>
      tpu.wait_indirect_dma semaphore(%arg23 : memref<!tpu.dma_semaphore, #tpu.memory_space<semaphore_mem>>) src(%dma_wait3A_825 : memref<33554432xf32, #tpu.memory_space<hbm>>) dst(%dma_wait3A_820 : memref<128xf32, #tpu.memory_space<vmem>>)
      %dma_wait3A_826 = arith.constant 16 : i32
      %dma_wait3A_827 = arith.constant 16 : i32
      %dma_wait3A_828 = arith.constant 0 : i32
      %dma_wait3A_829 = tpu.memref_slice %arg19[%dma_wait3A_827, %dma_wait3A_828] : memref<32x128xf32, #tpu.memory_space<vmem>> -> memref<1x128xf32, #tpu.memory_space<vmem>>
      %dma_wait3A_830 = tpu.memref_squeeze %dma_wait3A_829 : memref<1x128xf32, #tpu.memory_space<vmem>> -> memref<128xf32, #tpu.memory_space<vmem>>
      %dma_wait3A_831 = arith.constant 0 : i32
      %dma_wait3A_832 = tpu.memref_slice %arg17[%dma_wait3A_826, %dma_wait3A_831] : memref<32x128xi32, #tpu.memory_space<vmem>> -> memref<1x128xi32, #tpu.memory_space<vmem>>
      %dma_wait3A_833 = tpu.memref_squeeze %dma_wait3A_832 : memref<1x128xi32, #tpu.memory_space<vmem>> -> memref<128xi32, #tpu.memory_space<vmem>>
      %dma_wait3A_834 = arith.constant 0 : i32
      %dma_wait3A_835 = tpu.memref_slice %arg6[%dma_wait3A_834] : memref<33554432xf32, #tpu.memory_space<hbm>> -> memref<33554432xf32, #tpu.memory_space<hbm>>
      tpu.wait_indirect_dma semaphore(%arg23 : memref<!tpu.dma_semaphore, #tpu.memory_space<semaphore_mem>>) src(%dma_wait3A_835 : memref<33554432xf32, #tpu.memory_space<hbm>>) dst(%dma_wait3A_830 : memref<128xf32, #tpu.memory_space<vmem>>)
      %dma_wait3A_836 = arith.constant 17 : i32
      %dma_wait3A_837 = arith.constant 17 : i32
      %dma_wait3A_838 = arith.constant 0 : i32
      %dma_wait3A_839 = tpu.memref_slice %arg19[%dma_wait3A_837, %dma_wait3A_838] : memref<32x128xf32, #tpu.memory_space<vmem>> -> memref<1x128xf32, #tpu.memory_space<vmem>>
      %dma_wait3A_840 = tpu.memref_squeeze %dma_wait3A_839 : memref<1x128xf32, #tpu.memory_space<vmem>> -> memref<128xf32, #tpu.memory_space<vmem>>
      %dma_wait3A_841 = arith.constant 0 : i32
      %dma_wait3A_842 = tpu.memref_slice %arg17[%dma_wait3A_836, %dma_wait3A_841] : memref<32x128xi32, #tpu.memory_space<vmem>> -> memref<1x128xi32, #tpu.memory_space<vmem>>
      %dma_wait3A_843 = tpu.memref_squeeze %dma_wait3A_842 : memref<1x128xi32, #tpu.memory_space<vmem>> -> memref<128xi32, #tpu.memory_space<vmem>>
      %dma_wait3A_844 = arith.constant 0 : i32
      %dma_wait3A_845 = tpu.memref_slice %arg6[%dma_wait3A_844] : memref<33554432xf32, #tpu.memory_space<hbm>> -> memref<33554432xf32, #tpu.memory_space<hbm>>
      tpu.wait_indirect_dma semaphore(%arg23 : memref<!tpu.dma_semaphore, #tpu.memory_space<semaphore_mem>>) src(%dma_wait3A_845 : memref<33554432xf32, #tpu.memory_space<hbm>>) dst(%dma_wait3A_840 : memref<128xf32, #tpu.memory_space<vmem>>)
      %dma_wait3A_846 = arith.constant 18 : i32
      %dma_wait3A_847 = arith.constant 18 : i32
      %dma_wait3A_848 = arith.constant 0 : i32
      %dma_wait3A_849 = tpu.memref_slice %arg19[%dma_wait3A_847, %dma_wait3A_848] : memref<32x128xf32, #tpu.memory_space<vmem>> -> memref<1x128xf32, #tpu.memory_space<vmem>>
      %dma_wait3A_850 = tpu.memref_squeeze %dma_wait3A_849 : memref<1x128xf32, #tpu.memory_space<vmem>> -> memref<128xf32, #tpu.memory_space<vmem>>
      %dma_wait3A_851 = arith.constant 0 : i32
      %dma_wait3A_852 = tpu.memref_slice %arg17[%dma_wait3A_846, %dma_wait3A_851] : memref<32x128xi32, #tpu.memory_space<vmem>> -> memref<1x128xi32, #tpu.memory_space<vmem>>
      %dma_wait3A_853 = tpu.memref_squeeze %dma_wait3A_852 : memref<1x128xi32, #tpu.memory_space<vmem>> -> memref<128xi32, #tpu.memory_space<vmem>>
      %dma_wait3A_854 = arith.constant 0 : i32
      %dma_wait3A_855 = tpu.memref_slice %arg6[%dma_wait3A_854] : memref<33554432xf32, #tpu.memory_space<hbm>> -> memref<33554432xf32, #tpu.memory_space<hbm>>
      tpu.wait_indirect_dma semaphore(%arg23 : memref<!tpu.dma_semaphore, #tpu.memory_space<semaphore_mem>>) src(%dma_wait3A_855 : memref<33554432xf32, #tpu.memory_space<hbm>>) dst(%dma_wait3A_850 : memref<128xf32, #tpu.memory_space<vmem>>)
      %dma_wait3A_856 = arith.constant 19 : i32
      %dma_wait3A_857 = arith.constant 19 : i32
      %dma_wait3A_858 = arith.constant 0 : i32
      %dma_wait3A_859 = tpu.memref_slice %arg19[%dma_wait3A_857, %dma_wait3A_858] : memref<32x128xf32, #tpu.memory_space<vmem>> -> memref<1x128xf32, #tpu.memory_space<vmem>>
      %dma_wait3A_860 = tpu.memref_squeeze %dma_wait3A_859 : memref<1x128xf32, #tpu.memory_space<vmem>> -> memref<128xf32, #tpu.memory_space<vmem>>
      %dma_wait3A_861 = arith.constant 0 : i32
      %dma_wait3A_862 = tpu.memref_slice %arg17[%dma_wait3A_856, %dma_wait3A_861] : memref<32x128xi32, #tpu.memory_space<vmem>> -> memref<1x128xi32, #tpu.memory_space<vmem>>
      %dma_wait3A_863 = tpu.memref_squeeze %dma_wait3A_862 : memref<1x128xi32, #tpu.memory_space<vmem>> -> memref<128xi32, #tpu.memory_space<vmem>>
      %dma_wait3A_864 = arith.constant 0 : i32
      %dma_wait3A_865 = tpu.memref_slice %arg6[%dma_wait3A_864] : memref<33554432xf32, #tpu.memory_space<hbm>> -> memref<33554432xf32, #tpu.memory_space<hbm>>
      tpu.wait_indirect_dma semaphore(%arg23 : memref<!tpu.dma_semaphore, #tpu.memory_space<semaphore_mem>>) src(%dma_wait3A_865 : memref<33554432xf32, #tpu.memory_space<hbm>>) dst(%dma_wait3A_860 : memref<128xf32, #tpu.memory_space<vmem>>)
      %dma_wait3A_866 = arith.constant 20 : i32
      %dma_wait3A_867 = arith.constant 20 : i32
      %dma_wait3A_868 = arith.constant 0 : i32
      %dma_wait3A_869 = tpu.memref_slice %arg19[%dma_wait3A_867, %dma_wait3A_868] : memref<32x128xf32, #tpu.memory_space<vmem>> -> memref<1x128xf32, #tpu.memory_space<vmem>>
      %dma_wait3A_870 = tpu.memref_squeeze %dma_wait3A_869 : memref<1x128xf32, #tpu.memory_space<vmem>> -> memref<128xf32, #tpu.memory_space<vmem>>
      %dma_wait3A_871 = arith.constant 0 : i32
      %dma_wait3A_872 = tpu.memref_slice %arg17[%dma_wait3A_866, %dma_wait3A_871] : memref<32x128xi32, #tpu.memory_space<vmem>> -> memref<1x128xi32, #tpu.memory_space<vmem>>
      %dma_wait3A_873 = tpu.memref_squeeze %dma_wait3A_872 : memref<1x128xi32, #tpu.memory_space<vmem>> -> memref<128xi32, #tpu.memory_space<vmem>>
      %dma_wait3A_874 = arith.constant 0 : i32
      %dma_wait3A_875 = tpu.memref_slice %arg6[%dma_wait3A_874] : memref<33554432xf32, #tpu.memory_space<hbm>> -> memref<33554432xf32, #tpu.memory_space<hbm>>
      tpu.wait_indirect_dma semaphore(%arg23 : memref<!tpu.dma_semaphore, #tpu.memory_space<semaphore_mem>>) src(%dma_wait3A_875 : memref<33554432xf32, #tpu.memory_space<hbm>>) dst(%dma_wait3A_870 : memref<128xf32, #tpu.memory_space<vmem>>)
      %dma_wait3A_876 = arith.constant 21 : i32
      %dma_wait3A_877 = arith.constant 21 : i32
      %dma_wait3A_878 = arith.constant 0 : i32
      %dma_wait3A_879 = tpu.memref_slice %arg19[%dma_wait3A_877, %dma_wait3A_878] : memref<32x128xf32, #tpu.memory_space<vmem>> -> memref<1x128xf32, #tpu.memory_space<vmem>>
      %dma_wait3A_880 = tpu.memref_squeeze %dma_wait3A_879 : memref<1x128xf32, #tpu.memory_space<vmem>> -> memref<128xf32, #tpu.memory_space<vmem>>
      %dma_wait3A_881 = arith.constant 0 : i32
      %dma_wait3A_882 = tpu.memref_slice %arg17[%dma_wait3A_876, %dma_wait3A_881] : memref<32x128xi32, #tpu.memory_space<vmem>> -> memref<1x128xi32, #tpu.memory_space<vmem>>
      %dma_wait3A_883 = tpu.memref_squeeze %dma_wait3A_882 : memref<1x128xi32, #tpu.memory_space<vmem>> -> memref<128xi32, #tpu.memory_space<vmem>>
      %dma_wait3A_884 = arith.constant 0 : i32
      %dma_wait3A_885 = tpu.memref_slice %arg6[%dma_wait3A_884] : memref<33554432xf32, #tpu.memory_space<hbm>> -> memref<33554432xf32, #tpu.memory_space<hbm>>
      tpu.wait_indirect_dma semaphore(%arg23 : memref<!tpu.dma_semaphore, #tpu.memory_space<semaphore_mem>>) src(%dma_wait3A_885 : memref<33554432xf32, #tpu.memory_space<hbm>>) dst(%dma_wait3A_880 : memref<128xf32, #tpu.memory_space<vmem>>)
      %dma_wait3A_886 = arith.constant 22 : i32
      %dma_wait3A_887 = arith.constant 22 : i32
      %dma_wait3A_888 = arith.constant 0 : i32
      %dma_wait3A_889 = tpu.memref_slice %arg19[%dma_wait3A_887, %dma_wait3A_888] : memref<32x128xf32, #tpu.memory_space<vmem>> -> memref<1x128xf32, #tpu.memory_space<vmem>>
      %dma_wait3A_890 = tpu.memref_squeeze %dma_wait3A_889 : memref<1x128xf32, #tpu.memory_space<vmem>> -> memref<128xf32, #tpu.memory_space<vmem>>
      %dma_wait3A_891 = arith.constant 0 : i32
      %dma_wait3A_892 = tpu.memref_slice %arg17[%dma_wait3A_886, %dma_wait3A_891] : memref<32x128xi32, #tpu.memory_space<vmem>> -> memref<1x128xi32, #tpu.memory_space<vmem>>
      %dma_wait3A_893 = tpu.memref_squeeze %dma_wait3A_892 : memref<1x128xi32, #tpu.memory_space<vmem>> -> memref<128xi32, #tpu.memory_space<vmem>>
      %dma_wait3A_894 = arith.constant 0 : i32
      %dma_wait3A_895 = tpu.memref_slice %arg6[%dma_wait3A_894] : memref<33554432xf32, #tpu.memory_space<hbm>> -> memref<33554432xf32, #tpu.memory_space<hbm>>
      tpu.wait_indirect_dma semaphore(%arg23 : memref<!tpu.dma_semaphore, #tpu.memory_space<semaphore_mem>>) src(%dma_wait3A_895 : memref<33554432xf32, #tpu.memory_space<hbm>>) dst(%dma_wait3A_890 : memref<128xf32, #tpu.memory_space<vmem>>)
      %dma_wait3A_896 = arith.constant 23 : i32
      %dma_wait3A_897 = arith.constant 23 : i32
      %dma_wait3A_898 = arith.constant 0 : i32
      %dma_wait3A_899 = tpu.memref_slice %arg19[%dma_wait3A_897, %dma_wait3A_898] : memref<32x128xf32, #tpu.memory_space<vmem>> -> memref<1x128xf32, #tpu.memory_space<vmem>>
      %dma_wait3A_900 = tpu.memref_squeeze %dma_wait3A_899 : memref<1x128xf32, #tpu.memory_space<vmem>> -> memref<128xf32, #tpu.memory_space<vmem>>
      %dma_wait3A_901 = arith.constant 0 : i32
      %dma_wait3A_902 = tpu.memref_slice %arg17[%dma_wait3A_896, %dma_wait3A_901] : memref<32x128xi32, #tpu.memory_space<vmem>> -> memref<1x128xi32, #tpu.memory_space<vmem>>
      %dma_wait3A_903 = tpu.memref_squeeze %dma_wait3A_902 : memref<1x128xi32, #tpu.memory_space<vmem>> -> memref<128xi32, #tpu.memory_space<vmem>>
      %dma_wait3A_904 = arith.constant 0 : i32
      %dma_wait3A_905 = tpu.memref_slice %arg6[%dma_wait3A_904] : memref<33554432xf32, #tpu.memory_space<hbm>> -> memref<33554432xf32, #tpu.memory_space<hbm>>
      tpu.wait_indirect_dma semaphore(%arg23 : memref<!tpu.dma_semaphore, #tpu.memory_space<semaphore_mem>>) src(%dma_wait3A_905 : memref<33554432xf32, #tpu.memory_space<hbm>>) dst(%dma_wait3A_900 : memref<128xf32, #tpu.memory_space<vmem>>)
      %dma_wait3A_906 = arith.constant 24 : i32
      %dma_wait3A_907 = arith.constant 24 : i32
      %dma_wait3A_908 = arith.constant 0 : i32
      %dma_wait3A_909 = tpu.memref_slice %arg19[%dma_wait3A_907, %dma_wait3A_908] : memref<32x128xf32, #tpu.memory_space<vmem>> -> memref<1x128xf32, #tpu.memory_space<vmem>>
      %dma_wait3A_910 = tpu.memref_squeeze %dma_wait3A_909 : memref<1x128xf32, #tpu.memory_space<vmem>> -> memref<128xf32, #tpu.memory_space<vmem>>
      %dma_wait3A_911 = arith.constant 0 : i32
      %dma_wait3A_912 = tpu.memref_slice %arg17[%dma_wait3A_906, %dma_wait3A_911] : memref<32x128xi32, #tpu.memory_space<vmem>> -> memref<1x128xi32, #tpu.memory_space<vmem>>
      %dma_wait3A_913 = tpu.memref_squeeze %dma_wait3A_912 : memref<1x128xi32, #tpu.memory_space<vmem>> -> memref<128xi32, #tpu.memory_space<vmem>>
      %dma_wait3A_914 = arith.constant 0 : i32
      %dma_wait3A_915 = tpu.memref_slice %arg6[%dma_wait3A_914] : memref<33554432xf32, #tpu.memory_space<hbm>> -> memref<33554432xf32, #tpu.memory_space<hbm>>
      tpu.wait_indirect_dma semaphore(%arg23 : memref<!tpu.dma_semaphore, #tpu.memory_space<semaphore_mem>>) src(%dma_wait3A_915 : memref<33554432xf32, #tpu.memory_space<hbm>>) dst(%dma_wait3A_910 : memref<128xf32, #tpu.memory_space<vmem>>)
      %dma_wait3A_916 = arith.constant 25 : i32
      %dma_wait3A_917 = arith.constant 25 : i32
      %dma_wait3A_918 = arith.constant 0 : i32
      %dma_wait3A_919 = tpu.memref_slice %arg19[%dma_wait3A_917, %dma_wait3A_918] : memref<32x128xf32, #tpu.memory_space<vmem>> -> memref<1x128xf32, #tpu.memory_space<vmem>>
      %dma_wait3A_920 = tpu.memref_squeeze %dma_wait3A_919 : memref<1x128xf32, #tpu.memory_space<vmem>> -> memref<128xf32, #tpu.memory_space<vmem>>
      %dma_wait3A_921 = arith.constant 0 : i32
      %dma_wait3A_922 = tpu.memref_slice %arg17[%dma_wait3A_916, %dma_wait3A_921] : memref<32x128xi32, #tpu.memory_space<vmem>> -> memref<1x128xi32, #tpu.memory_space<vmem>>
      %dma_wait3A_923 = tpu.memref_squeeze %dma_wait3A_922 : memref<1x128xi32, #tpu.memory_space<vmem>> -> memref<128xi32, #tpu.memory_space<vmem>>
      %dma_wait3A_924 = arith.constant 0 : i32
      %dma_wait3A_925 = tpu.memref_slice %arg6[%dma_wait3A_924] : memref<33554432xf32, #tpu.memory_space<hbm>> -> memref<33554432xf32, #tpu.memory_space<hbm>>
      tpu.wait_indirect_dma semaphore(%arg23 : memref<!tpu.dma_semaphore, #tpu.memory_space<semaphore_mem>>) src(%dma_wait3A_925 : memref<33554432xf32, #tpu.memory_space<hbm>>) dst(%dma_wait3A_920 : memref<128xf32, #tpu.memory_space<vmem>>)
      %dma_wait3A_926 = arith.constant 26 : i32
      %dma_wait3A_927 = arith.constant 26 : i32
      %dma_wait3A_928 = arith.constant 0 : i32
      %dma_wait3A_929 = tpu.memref_slice %arg19[%dma_wait3A_927, %dma_wait3A_928] : memref<32x128xf32, #tpu.memory_space<vmem>> -> memref<1x128xf32, #tpu.memory_space<vmem>>
      %dma_wait3A_930 = tpu.memref_squeeze %dma_wait3A_929 : memref<1x128xf32, #tpu.memory_space<vmem>> -> memref<128xf32, #tpu.memory_space<vmem>>
      %dma_wait3A_931 = arith.constant 0 : i32
      %dma_wait3A_932 = tpu.memref_slice %arg17[%dma_wait3A_926, %dma_wait3A_931] : memref<32x128xi32, #tpu.memory_space<vmem>> -> memref<1x128xi32, #tpu.memory_space<vmem>>
      %dma_wait3A_933 = tpu.memref_squeeze %dma_wait3A_932 : memref<1x128xi32, #tpu.memory_space<vmem>> -> memref<128xi32, #tpu.memory_space<vmem>>
      %dma_wait3A_934 = arith.constant 0 : i32
      %dma_wait3A_935 = tpu.memref_slice %arg6[%dma_wait3A_934] : memref<33554432xf32, #tpu.memory_space<hbm>> -> memref<33554432xf32, #tpu.memory_space<hbm>>
      tpu.wait_indirect_dma semaphore(%arg23 : memref<!tpu.dma_semaphore, #tpu.memory_space<semaphore_mem>>) src(%dma_wait3A_935 : memref<33554432xf32, #tpu.memory_space<hbm>>) dst(%dma_wait3A_930 : memref<128xf32, #tpu.memory_space<vmem>>)
      %dma_wait3A_936 = arith.constant 27 : i32
      %dma_wait3A_937 = arith.constant 27 : i32
      %dma_wait3A_938 = arith.constant 0 : i32
      %dma_wait3A_939 = tpu.memref_slice %arg19[%dma_wait3A_937, %dma_wait3A_938] : memref<32x128xf32, #tpu.memory_space<vmem>> -> memref<1x128xf32, #tpu.memory_space<vmem>>
      %dma_wait3A_940 = tpu.memref_squeeze %dma_wait3A_939 : memref<1x128xf32, #tpu.memory_space<vmem>> -> memref<128xf32, #tpu.memory_space<vmem>>
      %dma_wait3A_941 = arith.constant 0 : i32
      %dma_wait3A_942 = tpu.memref_slice %arg17[%dma_wait3A_936, %dma_wait3A_941] : memref<32x128xi32, #tpu.memory_space<vmem>> -> memref<1x128xi32, #tpu.memory_space<vmem>>
      %dma_wait3A_943 = tpu.memref_squeeze %dma_wait3A_942 : memref<1x128xi32, #tpu.memory_space<vmem>> -> memref<128xi32, #tpu.memory_space<vmem>>
      %dma_wait3A_944 = arith.constant 0 : i32
      %dma_wait3A_945 = tpu.memref_slice %arg6[%dma_wait3A_944] : memref<33554432xf32, #tpu.memory_space<hbm>> -> memref<33554432xf32, #tpu.memory_space<hbm>>
      tpu.wait_indirect_dma semaphore(%arg23 : memref<!tpu.dma_semaphore, #tpu.memory_space<semaphore_mem>>) src(%dma_wait3A_945 : memref<33554432xf32, #tpu.memory_space<hbm>>) dst(%dma_wait3A_940 : memref<128xf32, #tpu.memory_space<vmem>>)
      %dma_wait3A_946 = arith.constant 28 : i32
      %dma_wait3A_947 = arith.constant 28 : i32
      %dma_wait3A_948 = arith.constant 0 : i32
      %dma_wait3A_949 = tpu.memref_slice %arg19[%dma_wait3A_947, %dma_wait3A_948] : memref<32x128xf32, #tpu.memory_space<vmem>> -> memref<1x128xf32, #tpu.memory_space<vmem>>
      %dma_wait3A_950 = tpu.memref_squeeze %dma_wait3A_949 : memref<1x128xf32, #tpu.memory_space<vmem>> -> memref<128xf32, #tpu.memory_space<vmem>>
      %dma_wait3A_951 = arith.constant 0 : i32
      %dma_wait3A_952 = tpu.memref_slice %arg17[%dma_wait3A_946, %dma_wait3A_951] : memref<32x128xi32, #tpu.memory_space<vmem>> -> memref<1x128xi32, #tpu.memory_space<vmem>>
      %dma_wait3A_953 = tpu.memref_squeeze %dma_wait3A_952 : memref<1x128xi32, #tpu.memory_space<vmem>> -> memref<128xi32, #tpu.memory_space<vmem>>
      %dma_wait3A_954 = arith.constant 0 : i32
      %dma_wait3A_955 = tpu.memref_slice %arg6[%dma_wait3A_954] : memref<33554432xf32, #tpu.memory_space<hbm>> -> memref<33554432xf32, #tpu.memory_space<hbm>>
      tpu.wait_indirect_dma semaphore(%arg23 : memref<!tpu.dma_semaphore, #tpu.memory_space<semaphore_mem>>) src(%dma_wait3A_955 : memref<33554432xf32, #tpu.memory_space<hbm>>) dst(%dma_wait3A_950 : memref<128xf32, #tpu.memory_space<vmem>>)
      %dma_wait3A_956 = arith.constant 29 : i32
      %dma_wait3A_957 = arith.constant 29 : i32
      %dma_wait3A_958 = arith.constant 0 : i32
      %dma_wait3A_959 = tpu.memref_slice %arg19[%dma_wait3A_957, %dma_wait3A_958] : memref<32x128xf32, #tpu.memory_space<vmem>> -> memref<1x128xf32, #tpu.memory_space<vmem>>
      %dma_wait3A_960 = tpu.memref_squeeze %dma_wait3A_959 : memref<1x128xf32, #tpu.memory_space<vmem>> -> memref<128xf32, #tpu.memory_space<vmem>>
      %dma_wait3A_961 = arith.constant 0 : i32
      %dma_wait3A_962 = tpu.memref_slice %arg17[%dma_wait3A_956, %dma_wait3A_961] : memref<32x128xi32, #tpu.memory_space<vmem>> -> memref<1x128xi32, #tpu.memory_space<vmem>>
      %dma_wait3A_963 = tpu.memref_squeeze %dma_wait3A_962 : memref<1x128xi32, #tpu.memory_space<vmem>> -> memref<128xi32, #tpu.memory_space<vmem>>
      %dma_wait3A_964 = arith.constant 0 : i32
      %dma_wait3A_965 = tpu.memref_slice %arg6[%dma_wait3A_964] : memref<33554432xf32, #tpu.memory_space<hbm>> -> memref<33554432xf32, #tpu.memory_space<hbm>>
      tpu.wait_indirect_dma semaphore(%arg23 : memref<!tpu.dma_semaphore, #tpu.memory_space<semaphore_mem>>) src(%dma_wait3A_965 : memref<33554432xf32, #tpu.memory_space<hbm>>) dst(%dma_wait3A_960 : memref<128xf32, #tpu.memory_space<vmem>>)
      %dma_wait3A_966 = arith.constant 30 : i32
      %dma_wait3A_967 = arith.constant 30 : i32
      %dma_wait3A_968 = arith.constant 0 : i32
      %dma_wait3A_969 = tpu.memref_slice %arg19[%dma_wait3A_967, %dma_wait3A_968] : memref<32x128xf32, #tpu.memory_space<vmem>> -> memref<1x128xf32, #tpu.memory_space<vmem>>
      %dma_wait3A_970 = tpu.memref_squeeze %dma_wait3A_969 : memref<1x128xf32, #tpu.memory_space<vmem>> -> memref<128xf32, #tpu.memory_space<vmem>>
      %dma_wait3A_971 = arith.constant 0 : i32
      %dma_wait3A_972 = tpu.memref_slice %arg17[%dma_wait3A_966, %dma_wait3A_971] : memref<32x128xi32, #tpu.memory_space<vmem>> -> memref<1x128xi32, #tpu.memory_space<vmem>>
      %dma_wait3A_973 = tpu.memref_squeeze %dma_wait3A_972 : memref<1x128xi32, #tpu.memory_space<vmem>> -> memref<128xi32, #tpu.memory_space<vmem>>
      %dma_wait3A_974 = arith.constant 0 : i32
      %dma_wait3A_975 = tpu.memref_slice %arg6[%dma_wait3A_974] : memref<33554432xf32, #tpu.memory_space<hbm>> -> memref<33554432xf32, #tpu.memory_space<hbm>>
      tpu.wait_indirect_dma semaphore(%arg23 : memref<!tpu.dma_semaphore, #tpu.memory_space<semaphore_mem>>) src(%dma_wait3A_975 : memref<33554432xf32, #tpu.memory_space<hbm>>) dst(%dma_wait3A_970 : memref<128xf32, #tpu.memory_space<vmem>>)
      %dma_wait3A_976 = arith.constant 31 : i32
      %dma_wait3A_977 = arith.constant 31 : i32
      %dma_wait3A_978 = arith.constant 0 : i32
      %dma_wait3A_979 = tpu.memref_slice %arg19[%dma_wait3A_977, %dma_wait3A_978] : memref<32x128xf32, #tpu.memory_space<vmem>> -> memref<1x128xf32, #tpu.memory_space<vmem>>
      %dma_wait3A_980 = tpu.memref_squeeze %dma_wait3A_979 : memref<1x128xf32, #tpu.memory_space<vmem>> -> memref<128xf32, #tpu.memory_space<vmem>>
      %dma_wait3A_981 = arith.constant 0 : i32
      %dma_wait3A_982 = tpu.memref_slice %arg17[%dma_wait3A_976, %dma_wait3A_981] : memref<32x128xi32, #tpu.memory_space<vmem>> -> memref<1x128xi32, #tpu.memory_space<vmem>>
      %dma_wait3A_983 = tpu.memref_squeeze %dma_wait3A_982 : memref<1x128xi32, #tpu.memory_space<vmem>> -> memref<128xi32, #tpu.memory_space<vmem>>
      %dma_wait3A_984 = arith.constant 0 : i32
      %dma_wait3A_985 = tpu.memref_slice %arg6[%dma_wait3A_984] : memref<33554432xf32, #tpu.memory_space<hbm>> -> memref<33554432xf32, #tpu.memory_space<hbm>>
      tpu.wait_indirect_dma semaphore(%arg23 : memref<!tpu.dma_semaphore, #tpu.memory_space<semaphore_mem>>) src(%dma_wait3A_985 : memref<33554432xf32, #tpu.memory_space<hbm>>) dst(%dma_wait3A_980 : memref<128xf32, #tpu.memory_space<vmem>>)
      %scan3A_986 = arith.constant 0 : i32
      %scan3A_987 = arith.constant 0 : i32
      %scan3A_988 = arith.constant 8 : i32
      %scan3A_989 = arith.addi %scan3A_987, %scan3A_988 : i32
      %scan3A_990 = arith.constant 1 : i32
      scf.for %scan3A_1322 = %scan3A_987 to %scan3A_989 step %scan3A_990  : i32 {
        %mul3A_1323 = arith.constant 16 : i32
        %mul3A_1324 = arith.muli %scan3A_1322, %mul3A_1323 : i32
        %get3A_1325 = arith.constant 0 : i32
        %get3A_1326 = arith.index_cast %get3A_1325 : i32 to index
        %get3A_1327 = arith.index_cast %mul3A_1324 : i32 to index
        %get3A_1328 = tpu.vector_load %arg21[%get3A_1326, %get3A_1327] {strides = array<i32>} : memref<4x128xf32, #tpu.memory_space<vmem>>, vector<16xf32>,
        %get3A_1329 = arith.constant 1 : i32
        %get3A_1330 = arith.index_cast %get3A_1329 : i32 to index
        %get3A_1331 = arith.index_cast %mul3A_1324 : i32 to index
        %get3A_1332 = tpu.vector_load %arg21[%get3A_1330, %get3A_1331] {strides = array<i32>} : memref<4x128xf32, #tpu.memory_space<vmem>>, vector<16xf32>,
        %get3A_1333 = arith.constant 2 : i32
        %get3A_1334 = arith.index_cast %get3A_1333 : i32 to index
        %get3A_1335 = arith.index_cast %mul3A_1324 : i32 to index
        %get3A_1336 = tpu.vector_load %arg21[%get3A_1334, %get3A_1335] {strides = array<i32>} : memref<4x128xf32, #tpu.memory_space<vmem>>, vector<16xf32>,
        %get3A_1337 = arith.constant 0 : i32
        %get3A_1338 = arith.index_cast %get3A_1337 : i32 to index
        %get3A_1339 = arith.index_cast %mul3A_1324 : i32 to index
        %get3A_1340 = tpu.vector_load %arg19[%get3A_1338, %get3A_1339] {strides = array<i32>} : memref<32x128xf32, #tpu.memory_space<vmem>>, vector<16xf32>,
        %get3A_1341 = arith.constant 1 : i32
        %get3A_1342 = arith.index_cast %get3A_1341 : i32 to index
        %get3A_1343 = arith.index_cast %mul3A_1324 : i32 to index
        %get3A_1344 = tpu.vector_load %arg19[%get3A_1342, %get3A_1343] {strides = array<i32>} : memref<32x128xf32, #tpu.memory_space<vmem>>, vector<16xf32>,
        %get3A_1345 = arith.constant 2 : i32
        %get3A_1346 = arith.index_cast %get3A_1345 : i32 to index
        %get3A_1347 = arith.index_cast %mul3A_1324 : i32 to index
        %get3A_1348 = tpu.vector_load %arg19[%get3A_1346, %get3A_1347] {strides = array<i32>} : memref<32x128xf32, #tpu.memory_space<vmem>>, vector<16xf32>,
        %get3A_1349 = arith.constant 3 : i32
        %get3A_1350 = arith.index_cast %get3A_1349 : i32 to index
        %get3A_1351 = arith.index_cast %mul3A_1324 : i32 to index
        %get3A_1352 = tpu.vector_load %arg19[%get3A_1350, %get3A_1351] {strides = array<i32>} : memref<32x128xf32, #tpu.memory_space<vmem>>, vector<16xf32>,
        %get3A_1353 = arith.constant 4 : i32
        %get3A_1354 = arith.index_cast %get3A_1353 : i32 to index
        %get3A_1355 = arith.index_cast %mul3A_1324 : i32 to index
        %get3A_1356 = tpu.vector_load %arg19[%get3A_1354, %get3A_1355] {strides = array<i32>} : memref<32x128xf32, #tpu.memory_space<vmem>>, vector<16xf32>,
        %get3A_1357 = arith.constant 5 : i32
        %get3A_1358 = arith.index_cast %get3A_1357 : i32 to index
        %get3A_1359 = arith.index_cast %mul3A_1324 : i32 to index
        %get3A_1360 = tpu.vector_load %arg19[%get3A_1358, %get3A_1359] {strides = array<i32>} : memref<32x128xf32, #tpu.memory_space<vmem>>, vector<16xf32>,
        %get3A_1361 = arith.constant 6 : i32
        %get3A_1362 = arith.index_cast %get3A_1361 : i32 to index
        %get3A_1363 = arith.index_cast %mul3A_1324 : i32 to index
        %get3A_1364 = tpu.vector_load %arg19[%get3A_1362, %get3A_1363] {strides = array<i32>} : memref<32x128xf32, #tpu.memory_space<vmem>>, vector<16xf32>,
        %get3A_1365 = arith.constant 7 : i32
        %get3A_1366 = arith.index_cast %get3A_1365 : i32 to index
        %get3A_1367 = arith.index_cast %mul3A_1324 : i32 to index
        %get3A_1368 = tpu.vector_load %arg19[%get3A_1366, %get3A_1367] {strides = array<i32>} : memref<32x128xf32, #tpu.memory_space<vmem>>, vector<16xf32>,
        %get3A_1369 = arith.constant 8 : i32
        %get3A_1370 = arith.index_cast %get3A_1369 : i32 to index
        %get3A_1371 = arith.index_cast %mul3A_1324 : i32 to index
        %get3A_1372 = tpu.vector_load %arg19[%get3A_1370, %get3A_1371] {strides = array<i32>} : memref<32x128xf32, #tpu.memory_space<vmem>>, vector<16xf32>,
        %get3A_1373 = arith.constant 9 : i32
        %get3A_1374 = arith.index_cast %get3A_1373 : i32 to index
        %get3A_1375 = arith.index_cast %mul3A_1324 : i32 to index
        %get3A_1376 = tpu.vector_load %arg19[%get3A_1374, %get3A_1375] {strides = array<i32>} : memref<32x128xf32, #tpu.memory_space<vmem>>, vector<16xf32>,
        %get3A_1377 = arith.constant 10 : i32
        %get3A_1378 = arith.index_cast %get3A_1377 : i32 to index
        %get3A_1379 = arith.index_cast %mul3A_1324 : i32 to index
        %get3A_1380 = tpu.vector_load %arg19[%get3A_1378, %get3A_1379] {strides = array<i32>} : memref<32x128xf32, #tpu.memory_space<vmem>>, vector<16xf32>,
        %get3A_1381 = arith.constant 11 : i32
        %get3A_1382 = arith.index_cast %get3A_1381 : i32 to index
        %get3A_1383 = arith.index_cast %mul3A_1324 : i32 to index
        %get3A_1384 = tpu.vector_load %arg19[%get3A_1382, %get3A_1383] {strides = array<i32>} : memref<32x128xf32, #tpu.memory_space<vmem>>, vector<16xf32>,
        %get3A_1385 = arith.constant 12 : i32
        %get3A_1386 = arith.index_cast %get3A_1385 : i32 to index
        %get3A_1387 = arith.index_cast %mul3A_1324 : i32 to index
        %get3A_1388 = tpu.vector_load %arg19[%get3A_1386, %get3A_1387] {strides = array<i32>} : memref<32x128xf32, #tpu.memory_space<vmem>>, vector<16xf32>,
        %get3A_1389 = arith.constant 13 : i32
        %get3A_1390 = arith.index_cast %get3A_1389 : i32 to index
        %get3A_1391 = arith.index_cast %mul3A_1324 : i32 to index
        %get3A_1392 = tpu.vector_load %arg19[%get3A_1390, %get3A_1391] {strides = array<i32>} : memref<32x128xf32, #tpu.memory_space<vmem>>, vector<16xf32>,
        %get3A_1393 = arith.constant 14 : i32
        %get3A_1394 = arith.index_cast %get3A_1393 : i32 to index
        %get3A_1395 = arith.index_cast %mul3A_1324 : i32 to index
        %get3A_1396 = tpu.vector_load %arg19[%get3A_1394, %get3A_1395] {strides = array<i32>} : memref<32x128xf32, #tpu.memory_space<vmem>>, vector<16xf32>,
        %get3A_1397 = arith.constant 15 : i32
        %get3A_1398 = arith.index_cast %get3A_1397 : i32 to index
        %get3A_1399 = arith.index_cast %mul3A_1324 : i32 to index
        %get3A_1400 = tpu.vector_load %arg19[%get3A_1398, %get3A_1399] {strides = array<i32>} : memref<32x128xf32, #tpu.memory_space<vmem>>, vector<16xf32>,
        %get3A_1401 = arith.constant 16 : i32
        %get3A_1402 = arith.index_cast %get3A_1401 : i32 to index
        %get3A_1403 = arith.index_cast %mul3A_1324 : i32 to index
        %get3A_1404 = tpu.vector_load %arg19[%get3A_1402, %get3A_1403] {strides = array<i32>} : memref<32x128xf32, #tpu.memory_space<vmem>>, vector<16xf32>,
        %get3A_1405 = arith.constant 17 : i32
        %get3A_1406 = arith.index_cast %get3A_1405 : i32 to index
        %get3A_1407 = arith.index_cast %mul3A_1324 : i32 to index
        %get3A_1408 = tpu.vector_load %arg19[%get3A_1406, %get3A_1407] {strides = array<i32>} : memref<32x128xf32, #tpu.memory_space<vmem>>, vector<16xf32>,
        %get3A_1409 = arith.constant 18 : i32
        %get3A_1410 = arith.index_cast %get3A_1409 : i32 to index
        %get3A_1411 = arith.index_cast %mul3A_1324 : i32 to index
        %get3A_1412 = tpu.vector_load %arg19[%get3A_1410, %get3A_1411] {strides = array<i32>} : memref<32x128xf32, #tpu.memory_space<vmem>>, vector<16xf32>,
        %get3A_1413 = arith.constant 19 : i32
        %get3A_1414 = arith.index_cast %get3A_1413 : i32 to index
        %get3A_1415 = arith.index_cast %mul3A_1324 : i32 to index
        %get3A_1416 = tpu.vector_load %arg19[%get3A_1414, %get3A_1415] {strides = array<i32>} : memref<32x128xf32, #tpu.memory_space<vmem>>, vector<16xf32>,
        %get3A_1417 = arith.constant 20 : i32
        %get3A_1418 = arith.index_cast %get3A_1417 : i32 to index
        %get3A_1419 = arith.index_cast %mul3A_1324 : i32 to index
        %get3A_1420 = tpu.vector_load %arg19[%get3A_1418, %get3A_1419] {strides = array<i32>} : memref<32x128xf32, #tpu.memory_space<vmem>>, vector<16xf32>,
        %get3A_1421 = arith.constant 21 : i32
        %get3A_1422 = arith.index_cast %get3A_1421 : i32 to index
        %get3A_1423 = arith.index_cast %mul3A_1324 : i32 to index
        %get3A_1424 = tpu.vector_load %arg19[%get3A_1422, %get3A_1423] {strides = array<i32>} : memref<32x128xf32, #tpu.memory_space<vmem>>, vector<16xf32>,
        %get3A_1425 = arith.constant 22 : i32
        %get3A_1426 = arith.index_cast %get3A_1425 : i32 to index
        %get3A_1427 = arith.index_cast %mul3A_1324 : i32 to index
        %get3A_1428 = tpu.vector_load %arg19[%get3A_1426, %get3A_1427] {strides = array<i32>} : memref<32x128xf32, #tpu.memory_space<vmem>>, vector<16xf32>,
        %get3A_1429 = arith.constant 23 : i32
        %get3A_1430 = arith.index_cast %get3A_1429 : i32 to index
        %get3A_1431 = arith.index_cast %mul3A_1324 : i32 to index
        %get3A_1432 = tpu.vector_load %arg19[%get3A_1430, %get3A_1431] {strides = array<i32>} : memref<32x128xf32, #tpu.memory_space<vmem>>, vector<16xf32>,
        %get3A_1433 = arith.constant 24 : i32
        %get3A_1434 = arith.index_cast %get3A_1433 : i32 to index
        %get3A_1435 = arith.index_cast %mul3A_1324 : i32 to index
        %get3A_1436 = tpu.vector_load %arg19[%get3A_1434, %get3A_1435] {strides = array<i32>} : memref<32x128xf32, #tpu.memory_space<vmem>>, vector<16xf32>,
        %get3A_1437 = arith.constant 25 : i32
        %get3A_1438 = arith.index_cast %get3A_1437 : i32 to index
        %get3A_1439 = arith.index_cast %mul3A_1324 : i32 to index
        %get3A_1440 = tpu.vector_load %arg19[%get3A_1438, %get3A_1439] {strides = array<i32>} : memref<32x128xf32, #tpu.memory_space<vmem>>, vector<16xf32>,
        %get3A_1441 = arith.constant 26 : i32
        %get3A_1442 = arith.index_cast %get3A_1441 : i32 to index
        %get3A_1443 = arith.index_cast %mul3A_1324 : i32 to index
        %get3A_1444 = tpu.vector_load %arg19[%get3A_1442, %get3A_1443] {strides = array<i32>} : memref<32x128xf32, #tpu.memory_space<vmem>>, vector<16xf32>,
        %get3A_1445 = arith.constant 27 : i32
        %get3A_1446 = arith.index_cast %get3A_1445 : i32 to index
        %get3A_1447 = arith.index_cast %mul3A_1324 : i32 to index
        %get3A_1448 = tpu.vector_load %arg19[%get3A_1446, %get3A_1447] {strides = array<i32>} : memref<32x128xf32, #tpu.memory_space<vmem>>, vector<16xf32>,
        %get3A_1449 = arith.constant 28 : i32
        %get3A_1450 = arith.index_cast %get3A_1449 : i32 to index
        %get3A_1451 = arith.index_cast %mul3A_1324 : i32 to index
        %get3A_1452 = tpu.vector_load %arg19[%get3A_1450, %get3A_1451] {strides = array<i32>} : memref<32x128xf32, #tpu.memory_space<vmem>>, vector<16xf32>,
        %get3A_1453 = arith.constant 29 : i32
        %get3A_1454 = arith.index_cast %get3A_1453 : i32 to index
        %get3A_1455 = arith.index_cast %mul3A_1324 : i32 to index
        %get3A_1456 = tpu.vector_load %arg19[%get3A_1454, %get3A_1455] {strides = array<i32>} : memref<32x128xf32, #tpu.memory_space<vmem>>, vector<16xf32>,
        %get3A_1457 = arith.constant 30 : i32
        %get3A_1458 = arith.index_cast %get3A_1457 : i32 to index
        %get3A_1459 = arith.index_cast %mul3A_1324 : i32 to index
        %get3A_1460 = tpu.vector_load %arg19[%get3A_1458, %get3A_1459] {strides = array<i32>} : memref<32x128xf32, #tpu.memory_space<vmem>>, vector<16xf32>,
        %get3A_1461 = arith.constant 31 : i32
        %get3A_1462 = arith.index_cast %get3A_1461 : i32 to index
        %get3A_1463 = arith.index_cast %mul3A_1324 : i32 to index
        %get3A_1464 = tpu.vector_load %arg19[%get3A_1462, %get3A_1463] {strides = array<i32>} : memref<32x128xf32, #tpu.memory_space<vmem>>, vector<16xf32>,
        %sub3A = arith.constant 1.000000e+00 : f32
        %sub3A_1465 = vector.broadcast %sub3A : f32 to vector<16xf32>
        %sub3A_1466 = arith.subf %sub3A_1465, %get3A_1328 : vector<16xf32>
        %mul3A_1467 = arith.mulf %get3A_1344, %sub3A_1466 : vector<16xf32>
        %mul3A_1468 = arith.mulf %get3A_1376, %get3A_1328 : vector<16xf32>
        %add3A_1469 = arith.addf %mul3A_1467, %mul3A_1468 : vector<16xf32>
        %sub3A_1470 = arith.constant 1.000000e+00 : f32
        %sub3A_1471 = vector.broadcast %sub3A_1470 : f32 to vector<16xf32>
        %sub3A_1472 = arith.subf %sub3A_1471, %get3A_1328 : vector<16xf32>
        %mul3A_1473 = arith.mulf %get3A_1348, %sub3A_1472 : vector<16xf32>
        %mul3A_1474 = arith.mulf %get3A_1380, %get3A_1328 : vector<16xf32>
        %add3A_1475 = arith.addf %mul3A_1473, %mul3A_1474 : vector<16xf32>
        %sub3A_1476 = arith.constant 1.000000e+00 : f32
        %sub3A_1477 = vector.broadcast %sub3A_1476 : f32 to vector<16xf32>
        %sub3A_1478 = arith.subf %sub3A_1477, %get3A_1328 : vector<16xf32>
        %mul3A_1479 = arith.mulf %get3A_1360, %sub3A_1478 : vector<16xf32>
        %mul3A_1480 = arith.mulf %get3A_1392, %get3A_1328 : vector<16xf32>
        %add3A_1481 = arith.addf %mul3A_1479, %mul3A_1480 : vector<16xf32>
        %sub3A_1482 = arith.constant 1.000000e+00 : f32
        %sub3A_1483 = vector.broadcast %sub3A_1482 : f32 to vector<16xf32>
        %sub3A_1484 = arith.subf %sub3A_1483, %get3A_1328 : vector<16xf32>
        %mul3A_1485 = arith.mulf %get3A_1364, %sub3A_1484 : vector<16xf32>
        %mul3A_1486 = arith.mulf %get3A_1396, %get3A_1328 : vector<16xf32>
        %add3A_1487 = arith.addf %mul3A_1485, %mul3A_1486 : vector<16xf32>
        %sub3A_1488 = arith.constant 1.000000e+00 : f32
        %sub3A_1489 = vector.broadcast %sub3A_1488 : f32 to vector<16xf32>
        %sub3A_1490 = arith.subf %sub3A_1489, %get3A_1332 : vector<16xf32>
        %mul3A_1491 = arith.mulf %add3A_1469, %sub3A_1490 : vector<16xf32>
        %mul3A_1492 = arith.mulf %add3A_1481, %get3A_1332 : vector<16xf32>
        %add3A_1493 = arith.addf %mul3A_1491, %mul3A_1492 : vector<16xf32>
        %sub3A_1494 = arith.constant 1.000000e+00 : f32
        %sub3A_1495 = vector.broadcast %sub3A_1494 : f32 to vector<16xf32>
        %sub3A_1496 = arith.subf %sub3A_1495, %get3A_1332 : vector<16xf32>
        %mul3A_1497 = arith.mulf %add3A_1475, %sub3A_1496 : vector<16xf32>
        %mul3A_1498 = arith.mulf %add3A_1487, %get3A_1332 : vector<16xf32>
        %add3A_1499 = arith.addf %mul3A_1497, %mul3A_1498 : vector<16xf32>
        %sub3A_1500 = arith.constant 1.000000e+00 : f32
        %sub3A_1501 = vector.broadcast %sub3A_1500 : f32 to vector<16xf32>
        %sub3A_1502 = arith.subf %sub3A_1501, %get3A_1336 : vector<16xf32>
        %mul3A_1503 = arith.mulf %add3A_1493, %sub3A_1502 : vector<16xf32>
        %mul3A_1504 = arith.mulf %add3A_1499, %get3A_1336 : vector<16xf32>
        %add3A_1505 = arith.addf %mul3A_1503, %mul3A_1504 : vector<16xf32>
        %mul3A_1506 = arith.constant 2.000000e+00 : f32
        %mul3A_1507 = vector.broadcast %mul3A_1506 : f32 to vector<16xf32>
        %mul3A_1508 = arith.mulf %mul3A_1507, %get3A_1344 : vector<16xf32>
        %sub3A_1509 = arith.subf %get3A_1376, %mul3A_1508 : vector<16xf32>
        %add3A_1510 = arith.addf %sub3A_1509, %get3A_1404 : vector<16xf32>
        %abs3A = math.absf %add3A_1510 : vector<16xf32>
        %mul3A_1511 = arith.constant 2.000000e+00 : f32
        %mul3A_1512 = vector.broadcast %mul3A_1511 : f32 to vector<16xf32>
        %mul3A_1513 = arith.mulf %mul3A_1512, %get3A_1344 : vector<16xf32>
        %sub3A_1514 = arith.subf %get3A_1360, %mul3A_1513 : vector<16xf32>
        %add3A_1515 = arith.addf %sub3A_1514, %get3A_1436 : vector<16xf32>
        %abs3A_1516 = math.absf %add3A_1515 : vector<16xf32>
        %mul3A_1517 = arith.constant 2.000000e+00 : f32
        %mul3A_1518 = vector.broadcast %mul3A_1517 : f32 to vector<16xf32>
        %mul3A_1519 = arith.mulf %mul3A_1518, %get3A_1344 : vector<16xf32>
        %sub3A_1520 = arith.subf %get3A_1348, %mul3A_1519 : vector<16xf32>
        %add3A_1521 = arith.addf %sub3A_1520, %get3A_1340 : vector<16xf32>
        %abs3A_1522 = math.absf %add3A_1521 : vector<16xf32>
        %mul3A_1523 = arith.constant 2.000000e+00 : f32
        %mul3A_1524 = vector.broadcast %mul3A_1523 : f32 to vector<16xf32>
        %mul3A_1525 = arith.mulf %mul3A_1524, %get3A_1376 : vector<16xf32>
        %sub3A_1526 = arith.subf %get3A_1420, %mul3A_1525 : vector<16xf32>
        %add3A_1527 = arith.addf %sub3A_1526, %get3A_1344 : vector<16xf32>
        %abs3A_1528 = math.absf %add3A_1527 : vector<16xf32>
        %mul3A_1529 = arith.constant 2.000000e+00 : f32
        %mul3A_1530 = vector.broadcast %mul3A_1529 : f32 to vector<16xf32>
        %mul3A_1531 = arith.mulf %mul3A_1530, %get3A_1376 : vector<16xf32>
        %sub3A_1532 = arith.subf %get3A_1392, %mul3A_1531 : vector<16xf32>
        %add3A_1533 = arith.addf %sub3A_1532, %get3A_1452 : vector<16xf32>
        %abs3A_1534 = math.absf %add3A_1533 : vector<16xf32>
        %mul3A_1535 = arith.constant 2.000000e+00 : f32
        %mul3A_1536 = vector.broadcast %mul3A_1535 : f32 to vector<16xf32>
        %mul3A_1537 = arith.mulf %mul3A_1536, %get3A_1376 : vector<16xf32>
        %sub3A_1538 = arith.subf %get3A_1380, %mul3A_1537 : vector<16xf32>
        %add3A_1539 = arith.addf %sub3A_1538, %get3A_1372 : vector<16xf32>
        %abs3A_1540 = math.absf %add3A_1539 : vector<16xf32>
        %min3A = arith.minimumf %abs3A, %abs3A_1528 : vector<16xf32>
        %min3A_1541 = arith.minimumf %abs3A_1516, %abs3A_1534 : vector<16xf32>
        %min3A_1542 = arith.minimumf %abs3A_1522, %abs3A_1540 : vector<16xf32>
        %mul3A_1543 = arith.constant 2.000000e+00 : f32
        %mul3A_1544 = vector.broadcast %mul3A_1543 : f32 to vector<16xf32>
        %mul3A_1545 = arith.mulf %mul3A_1544, %get3A_1360 : vector<16xf32>
        %sub3A_1546 = arith.subf %get3A_1392, %mul3A_1545 : vector<16xf32>
        %add3A_1547 = arith.addf %sub3A_1546, %get3A_1412 : vector<16xf32>
        %abs3A_1548 = math.absf %add3A_1547 : vector<16xf32>
        %mul3A_1549 = arith.constant 2.000000e+00 : f32
        %mul3A_1550 = vector.broadcast %mul3A_1549 : f32 to vector<16xf32>
        %mul3A_1551 = arith.mulf %mul3A_1550, %get3A_1360 : vector<16xf32>
        %sub3A_1552 = arith.subf %get3A_1444, %mul3A_1551 : vector<16xf32>
        %add3A_1553 = arith.addf %sub3A_1552, %get3A_1344 : vector<16xf32>
        %abs3A_1554 = math.absf %add3A_1553 : vector<16xf32>
        %mul3A_1555 = arith.constant 2.000000e+00 : f32
        %mul3A_1556 = vector.broadcast %mul3A_1555 : f32 to vector<16xf32>
        %mul3A_1557 = arith.mulf %mul3A_1556, %get3A_1360 : vector<16xf32>
        %sub3A_1558 = arith.subf %get3A_1364, %mul3A_1557 : vector<16xf32>
        %add3A_1559 = arith.addf %sub3A_1558, %get3A_1356 : vector<16xf32>
        %abs3A_1560 = math.absf %add3A_1559 : vector<16xf32>
        %min3A_1561 = arith.minimumf %min3A, %abs3A_1548 : vector<16xf32>
        %min3A_1562 = arith.minimumf %min3A_1541, %abs3A_1554 : vector<16xf32>
        %min3A_1563 = arith.minimumf %min3A_1542, %abs3A_1560 : vector<16xf32>
        %mul3A_1564 = arith.constant 2.000000e+00 : f32
        %mul3A_1565 = vector.broadcast %mul3A_1564 : f32 to vector<16xf32>
        %mul3A_1566 = arith.mulf %mul3A_1565, %get3A_1348 : vector<16xf32>
        %sub3A_1567 = arith.subf %get3A_1380, %mul3A_1566 : vector<16xf32>
        %add3A_1568 = arith.addf %sub3A_1567, %get3A_1408 : vector<16xf32>
        %abs3A_1569 = math.absf %add3A_1568 : vector<16xf32>
        %mul3A_1570 = arith.constant 2.000000e+00 : f32
        %mul3A_1571 = vector.broadcast %mul3A_1570 : f32 to vector<16xf32>
        %mul3A_1572 = arith.mulf %mul3A_1571, %get3A_1348 : vector<16xf32>
        %sub3A_1573 = arith.subf %get3A_1364, %mul3A_1572 : vector<16xf32>
        %add3A_1574 = arith.addf %sub3A_1573, %get3A_1440 : vector<16xf32>
        %abs3A_1575 = math.absf %add3A_1574 : vector<16xf32>
        %mul3A_1576 = arith.constant 2.000000e+00 : f32
        %mul3A_1577 = vector.broadcast %mul3A_1576 : f32 to vector<16xf32>
        %mul3A_1578 = arith.mulf %mul3A_1577, %get3A_1348 : vector<16xf32>
        %sub3A_1579 = arith.subf %get3A_1352, %mul3A_1578 : vector<16xf32>
        %add3A_1580 = arith.addf %sub3A_1579, %get3A_1344 : vector<16xf32>
        %abs3A_1581 = math.absf %add3A_1580 : vector<16xf32>
        %min3A_1582 = arith.minimumf %min3A_1561, %abs3A_1569 : vector<16xf32>
        %min3A_1583 = arith.minimumf %min3A_1562, %abs3A_1575 : vector<16xf32>
        %min3A_1584 = arith.minimumf %min3A_1563, %abs3A_1581 : vector<16xf32>
        %mul3A_1585 = arith.constant 2.000000e+00 : f32
        %mul3A_1586 = vector.broadcast %mul3A_1585 : f32 to vector<16xf32>
        %mul3A_1587 = arith.mulf %mul3A_1586, %get3A_1380 : vector<16xf32>
        %sub3A_1588 = arith.subf %get3A_1424, %mul3A_1587 : vector<16xf32>
        %add3A_1589 = arith.addf %sub3A_1588, %get3A_1348 : vector<16xf32>
        %abs3A_1590 = math.absf %add3A_1589 : vector<16xf32>
        %mul3A_1591 = arith.constant 2.000000e+00 : f32
        %mul3A_1592 = vector.broadcast %mul3A_1591 : f32 to vector<16xf32>
        %mul3A_1593 = arith.mulf %mul3A_1592, %get3A_1380 : vector<16xf32>
        %sub3A_1594 = arith.subf %get3A_1396, %mul3A_1593 : vector<16xf32>
        %add3A_1595 = arith.addf %sub3A_1594, %get3A_1456 : vector<16xf32>
        %abs3A_1596 = math.absf %add3A_1595 : vector<16xf32>
        %mul3A_1597 = arith.constant 2.000000e+00 : f32
        %mul3A_1598 = vector.broadcast %mul3A_1597 : f32 to vector<16xf32>
        %mul3A_1599 = arith.mulf %mul3A_1598, %get3A_1380 : vector<16xf32>
        %sub3A_1600 = arith.subf %get3A_1384, %mul3A_1599 : vector<16xf32>
        %add3A_1601 = arith.addf %sub3A_1600, %get3A_1376 : vector<16xf32>
        %abs3A_1602 = math.absf %add3A_1601 : vector<16xf32>
        %min3A_1603 = arith.minimumf %min3A_1582, %abs3A_1590 : vector<16xf32>
        %min3A_1604 = arith.minimumf %min3A_1583, %abs3A_1596 : vector<16xf32>
        %min3A_1605 = arith.minimumf %min3A_1584, %abs3A_1602 : vector<16xf32>
        %mul3A_1606 = arith.constant 2.000000e+00 : f32
        %mul3A_1607 = vector.broadcast %mul3A_1606 : f32 to vector<16xf32>
        %mul3A_1608 = arith.mulf %mul3A_1607, %get3A_1364 : vector<16xf32>
        %sub3A_1609 = arith.subf %get3A_1396, %mul3A_1608 : vector<16xf32>
        %add3A_1610 = arith.addf %sub3A_1609, %get3A_1416 : vector<16xf32>
        %abs3A_1611 = math.absf %add3A_1610 : vector<16xf32>
        %mul3A_1612 = arith.constant 2.000000e+00 : f32
        %mul3A_1613 = vector.broadcast %mul3A_1612 : f32 to vector<16xf32>
        %mul3A_1614 = arith.mulf %mul3A_1613, %get3A_1364 : vector<16xf32>
        %sub3A_1615 = arith.subf %get3A_1448, %mul3A_1614 : vector<16xf32>
        %add3A_1616 = arith.addf %sub3A_1615, %get3A_1348 : vector<16xf32>
        %abs3A_1617 = math.absf %add3A_1616 : vector<16xf32>
        %mul3A_1618 = arith.constant 2.000000e+00 : f32
        %mul3A_1619 = vector.broadcast %mul3A_1618 : f32 to vector<16xf32>
        %mul3A_1620 = arith.mulf %mul3A_1619, %get3A_1364 : vector<16xf32>
        %sub3A_1621 = arith.subf %get3A_1368, %mul3A_1620 : vector<16xf32>
        %add3A_1622 = arith.addf %sub3A_1621, %get3A_1360 : vector<16xf32>
        %abs3A_1623 = math.absf %add3A_1622 : vector<16xf32>
        %min3A_1624 = arith.minimumf %min3A_1603, %abs3A_1611 : vector<16xf32>
        %min3A_1625 = arith.minimumf %min3A_1604, %abs3A_1617 : vector<16xf32>
        %min3A_1626 = arith.minimumf %min3A_1605, %abs3A_1623 : vector<16xf32>
        %mul3A_1627 = arith.constant 2.000000e+00 : f32
        %mul3A_1628 = vector.broadcast %mul3A_1627 : f32 to vector<16xf32>
        %mul3A_1629 = arith.mulf %mul3A_1628, %get3A_1392 : vector<16xf32>
        %sub3A_1630 = arith.subf %get3A_1428, %mul3A_1629 : vector<16xf32>
        %add3A_1631 = arith.addf %sub3A_1630, %get3A_1360 : vector<16xf32>
        %abs3A_1632 = math.absf %add3A_1631 : vector<16xf32>
        %mul3A_1633 = arith.constant 2.000000e+00 : f32
        %mul3A_1634 = vector.broadcast %mul3A_1633 : f32 to vector<16xf32>
        %mul3A_1635 = arith.mulf %mul3A_1634, %get3A_1392 : vector<16xf32>
        %sub3A_1636 = arith.subf %get3A_1460, %mul3A_1635 : vector<16xf32>
        %add3A_1637 = arith.addf %sub3A_1636, %get3A_1376 : vector<16xf32>
        %abs3A_1638 = math.absf %add3A_1637 : vector<16xf32>
        %mul3A_1639 = arith.constant 2.000000e+00 : f32
        %mul3A_1640 = vector.broadcast %mul3A_1639 : f32 to vector<16xf32>
        %mul3A_1641 = arith.mulf %mul3A_1640, %get3A_1392 : vector<16xf32>
        %sub3A_1642 = arith.subf %get3A_1396, %mul3A_1641 : vector<16xf32>
        %add3A_1643 = arith.addf %sub3A_1642, %get3A_1388 : vector<16xf32>
        %abs3A_1644 = math.absf %add3A_1643 : vector<16xf32>
        %min3A_1645 = arith.minimumf %min3A_1624, %abs3A_1632 : vector<16xf32>
        %min3A_1646 = arith.minimumf %min3A_1625, %abs3A_1638 : vector<16xf32>
        %min3A_1647 = arith.minimumf %min3A_1626, %abs3A_1644 : vector<16xf32>
        %mul3A_1648 = arith.constant 2.000000e+00 : f32
        %mul3A_1649 = vector.broadcast %mul3A_1648 : f32 to vector<16xf32>
        %mul3A_1650 = arith.mulf %mul3A_1649, %get3A_1396 : vector<16xf32>
        %sub3A_1651 = arith.subf %get3A_1432, %mul3A_1650 : vector<16xf32>
        %add3A_1652 = arith.addf %sub3A_1651, %get3A_1364 : vector<16xf32>
        %abs3A_1653 = math.absf %add3A_1652 : vector<16xf32>
        %mul3A_1654 = arith.constant 2.000000e+00 : f32
        %mul3A_1655 = vector.broadcast %mul3A_1654 : f32 to vector<16xf32>
        %mul3A_1656 = arith.mulf %mul3A_1655, %get3A_1396 : vector<16xf32>
        %sub3A_1657 = arith.subf %get3A_1464, %mul3A_1656 : vector<16xf32>
        %add3A_1658 = arith.addf %sub3A_1657, %get3A_1380 : vector<16xf32>
        %abs3A_1659 = math.absf %add3A_1658 : vector<16xf32>
        %mul3A_1660 = arith.constant 2.000000e+00 : f32
        %mul3A_1661 = vector.broadcast %mul3A_1660 : f32 to vector<16xf32>
        %mul3A_1662 = arith.mulf %mul3A_1661, %get3A_1396 : vector<16xf32>
        %sub3A_1663 = arith.subf %get3A_1400, %mul3A_1662 : vector<16xf32>
        %add3A_1664 = arith.addf %sub3A_1663, %get3A_1392 : vector<16xf32>
        %abs3A_1665 = math.absf %add3A_1664 : vector<16xf32>
        %min3A_1666 = arith.minimumf %min3A_1645, %abs3A_1653 : vector<16xf32>
        %min3A_1667 = arith.minimumf %min3A_1646, %abs3A_1659 : vector<16xf32>
        %min3A_1668 = arith.minimumf %min3A_1647, %abs3A_1665 : vector<16xf32>
        %mul3A_1669 = arith.constant 5.000000e-01 : f32
        %mul3A_1670 = vector.broadcast %mul3A_1669 : f32 to vector<16xf32>
        %mul3A_1671 = arith.mulf %min3A_1666, %mul3A_1670 : vector<16xf32>
        %mul3A_1672 = arith.mulf %mul3A_1671, %get3A_1328 : vector<16xf32>
        %sub3A_1673 = arith.constant 1.000000e+00 : f32
        %sub3A_1674 = vector.broadcast %sub3A_1673 : f32 to vector<16xf32>
        %sub3A_1675 = arith.subf %sub3A_1674, %get3A_1328 : vector<16xf32>
        %mul3A_1676 = arith.mulf %mul3A_1672, %sub3A_1675 : vector<16xf32>
        %sub3A_1677 = arith.subf %add3A_1505, %mul3A_1676 : vector<16xf32>
        %mul3A_1678 = arith.constant 5.000000e-01 : f32
        %mul3A_1679 = vector.broadcast %mul3A_1678 : f32 to vector<16xf32>
        %mul3A_1680 = arith.mulf %min3A_1667, %mul3A_1679 : vector<16xf32>
        %mul3A_1681 = arith.mulf %mul3A_1680, %get3A_1332 : vector<16xf32>
        %sub3A_1682 = arith.constant 1.000000e+00 : f32
        %sub3A_1683 = vector.broadcast %sub3A_1682 : f32 to vector<16xf32>
        %sub3A_1684 = arith.subf %sub3A_1683, %get3A_1332 : vector<16xf32>
        %mul3A_1685 = arith.mulf %mul3A_1681, %sub3A_1684 : vector<16xf32>
        %sub3A_1686 = arith.subf %sub3A_1677, %mul3A_1685 : vector<16xf32>
        %mul3A_1687 = arith.constant 5.000000e-01 : f32
        %mul3A_1688 = vector.broadcast %mul3A_1687 : f32 to vector<16xf32>
        %mul3A_1689 = arith.mulf %min3A_1668, %mul3A_1688 : vector<16xf32>
        %mul3A_1690 = arith.mulf %mul3A_1689, %get3A_1336 : vector<16xf32>
        %sub3A_1691 = arith.constant 1.000000e+00 : f32
        %sub3A_1692 = vector.broadcast %sub3A_1691 : f32 to vector<16xf32>
        %sub3A_1693 = arith.subf %sub3A_1692, %get3A_1336 : vector<16xf32>
        %mul3A_1694 = arith.mulf %mul3A_1690, %sub3A_1693 : vector<16xf32>
        %sub3A_1695 = arith.subf %sub3A_1686, %mul3A_1694 : vector<16xf32>
        %mul3A_1696 = arith.constant 128 : i32
        %mul3A_1697 = arith.muli %mul3A_338, %mul3A_1696 : i32
        %mul3A_1698 = arith.constant 16 : i32
        %mul3A_1699 = arith.muli %scan3A_1322, %mul3A_1698 : i32
        %add3A_1700 = arith.addi %mul3A_1697, %mul3A_1699 : i32
        %swap3A = arith.index_cast %add3A_1700 : i32 to index
        %swap3A_1701 = tpu.vector_load %arg16[%swap3A] {strides = array<i32>} : memref<16384xf32, #tpu.memory_space<vmem>>, vector<16xf32>,
        tpu.vector_store %arg16[%swap3A], %sub3A_1695 {strides = array<i32>} : memref<16384xf32, #tpu.memory_space<vmem>>, vector<16xf32>,
      }
      %scan3A_991 = arith.constant 8 : i32
      %lt3A = arith.constant 63 : i32
      %lt3A_992 = arith.cmpi slt, %scan3A_336, %lt3A : i32
      %convert_element_type3A = arith.extui %lt3A_992 : i1 to i32
      %cond3A = arith.constant 0 : i32
      %cond3A_993 = arith.cmpi ne, %convert_element_type3A, %cond3A : i32
      scf.if %cond3A_993 {
        %add3A_1322 = arith.constant 2 : i32
        %add3A_1323 = arith.addi %mul3A_338, %add3A_1322 : i32
        %scan3A_1324 = arith.constant 0 : i32
        %scan3A_1325 = arith.constant 0 : i32
        %scan3A_1326 = arith.constant 8 : i32
        %scan3A_1327 = arith.addi %scan3A_1325, %scan3A_1326 : i32
        %scan3A_1328 = arith.constant 1 : i32
        scf.for %scan3A_1650 = %scan3A_1325 to %scan3A_1327 step %scan3A_1328  : i32 {
          %mul3A_1651 = arith.constant 16 : i32
          %mul3A_1652 = arith.muli %scan3A_1650, %mul3A_1651 : i32
          %mul3A_1653 = arith.constant 128 : i32
          %mul3A_1654 = arith.muli %add3A_1323, %mul3A_1653 : i32
          %mul3A_1655 = arith.constant 16 : i32
          %mul3A_1656 = arith.muli %scan3A_1650, %mul3A_1655 : i32
          %add3A_1657 = arith.addi %mul3A_1654, %mul3A_1656 : i32
          %get3A_1658 = arith.index_cast %add3A_1657 : i32 to index
          %get3A_1659 = tpu.vector_load %arg12[%get3A_1658] {strides = array<i32>} : memref<16384xf32, #tpu.memory_space<vmem>>, vector<16xf32>,
          %sub3A = arith.subf %get3A_1659, %get3A_3 : vector<16xf32>
          %div3A = arith.divf %sub3A, %get3A_5 : vector<16xf32>
          %convert_element_type3A_1660 = arith.fptosi %div3A : vector<16xf32> to vector<16xi32>
          %jit3A = arith.constant 2 : i32
          %jit3A_1661 = arith.constant 256 : i32
          %max3A = vector.broadcast %jit3A : i32 to vector<16xi32>
          %max3A_1662 = arith.maxsi %max3A, %convert_element_type3A_1660 : vector<16xi32>
          %min3A = vector.broadcast %jit3A_1661 : i32 to vector<16xi32>
          %min3A_1663 = arith.minsi %min3A, %max3A_1662 : vector<16xi32>
          %gather3A = tpu.vector_load_idx %arg10[%min3A_1663] : memref<384xf32, #tpu.memory_space<vmem>>[vector<16xi32>], vector<16xf32>,
          %add3A_1664 = arith.constant 1 : i32
          %add3A_1665 = vector.broadcast %add3A_1664 : i32 to vector<16xi32>
          %add3A_1666 = arith.addi %min3A_1663, %add3A_1665 : vector<16xi32>
          %gather3A_1667 = tpu.vector_load_idx %arg10[%add3A_1666] : memref<384xf32, #tpu.memory_space<vmem>>[vector<16xi32>], vector<16xf32>,
          %sub3A_1668 = arith.subf %get3A_1659, %gather3A : vector<16xf32>
          %sub3A_1669 = arith.subf %gather3A_1667, %gather3A : vector<16xf32>
          %div3A_1670 = arith.divf %sub3A_1668, %sub3A_1669 : vector<16xf32>
          %sub3A_1671 = arith.constant 1 : i32
          %sub3A_1672 = vector.broadcast %sub3A_1671 : i32 to vector<16xi32>
          %sub3A_1673 = arith.subi %min3A_1663, %sub3A_1672 : vector<16xi32>
          %sub3A_1674 = arith.constant 1 : i32
          %sub3A_1675 = vector.broadcast %sub3A_1674 : i32 to vector<16xi32>
          %sub3A_1676 = arith.subi %sub3A_1673, %sub3A_1675 : vector<16xi32>
          %add3A_1677 = arith.constant 1 : i32
          %add3A_1678 = vector.broadcast %add3A_1677 : i32 to vector<16xi32>
          %add3A_1679 = arith.addi %sub3A_1673, %add3A_1678 : vector<16xi32>
          %min3A_1680 = arith.constant 255 : i32
          %min3A_1681 = vector.broadcast %min3A_1680 : i32 to vector<16xi32>
          %min3A_1682 = arith.minsi %add3A_1679, %min3A_1681 : vector<16xi32>
          %add3A_1683 = arith.constant 2 : i32
          %add3A_1684 = vector.broadcast %add3A_1683 : i32 to vector<16xi32>
          %add3A_1685 = arith.addi %sub3A_1673, %add3A_1684 : vector<16xi32>
          %min3A_1686 = arith.constant 255 : i32
          %min3A_1687 = vector.broadcast %min3A_1686 : i32 to vector<16xi32>
          %min3A_1688 = arith.minsi %add3A_1685, %min3A_1687 : vector<16xi32>
          %get3A_1689 = arith.index_cast %add3A_1657 : i32 to index
          %get3A_1690 = tpu.vector_load %arg13[%get3A_1689] {strides = array<i32>} : memref<16384xf32, #tpu.memory_space<vmem>>, vector<16xf32>,
          %sub3A_1691 = arith.subf %get3A_1690, %get3A_3 : vector<16xf32>
          %div3A_1692 = arith.divf %sub3A_1691, %get3A_5 : vector<16xf32>
          %convert_element_type3A_1693 = arith.fptosi %div3A_1692 : vector<16xf32> to vector<16xi32>
          %jit3A_1694 = arith.constant 2 : i32
          %jit3A_1695 = arith.constant 256 : i32
          %max3A_1696 = vector.broadcast %jit3A_1694 : i32 to vector<16xi32>
          %max3A_1697 = arith.maxsi %max3A_1696, %convert_element_type3A_1693 : vector<16xi32>
          %min3A_1698 = vector.broadcast %jit3A_1695 : i32 to vector<16xi32>
          %min3A_1699 = arith.minsi %min3A_1698, %max3A_1697 : vector<16xi32>
          %gather3A_1700 = tpu.vector_load_idx %arg10[%min3A_1699] : memref<384xf32, #tpu.memory_space<vmem>>[vector<16xi32>], vector<16xf32>,
          %add3A_1701 = arith.constant 1 : i32
          %add3A_1702 = vector.broadcast %add3A_1701 : i32 to vector<16xi32>
          %add3A_1703 = arith.addi %min3A_1699, %add3A_1702 : vector<16xi32>
          %gather3A_1704 = tpu.vector_load_idx %arg10[%add3A_1703] : memref<384xf32, #tpu.memory_space<vmem>>[vector<16xi32>], vector<16xf32>,
          %sub3A_1705 = arith.subf %get3A_1690, %gather3A_1700 : vector<16xf32>
          %sub3A_1706 = arith.subf %gather3A_1704, %gather3A_1700 : vector<16xf32>
          %div3A_1707 = arith.divf %sub3A_1705, %sub3A_1706 : vector<16xf32>
          %sub3A_1708 = arith.constant 1 : i32
          %sub3A_1709 = vector.broadcast %sub3A_1708 : i32 to vector<16xi32>
          %sub3A_1710 = arith.subi %min3A_1699, %sub3A_1709 : vector<16xi32>
          %sub3A_1711 = arith.constant 1 : i32
          %sub3A_1712 = vector.broadcast %sub3A_1711 : i32 to vector<16xi32>
          %sub3A_1713 = arith.subi %sub3A_1710, %sub3A_1712 : vector<16xi32>
          %add3A_1714 = arith.constant 1 : i32
          %add3A_1715 = vector.broadcast %add3A_1714 : i32 to vector<16xi32>
          %add3A_1716 = arith.addi %sub3A_1710, %add3A_1715 : vector<16xi32>
          %min3A_1717 = arith.constant 255 : i32
          %min3A_1718 = vector.broadcast %min3A_1717 : i32 to vector<16xi32>
          %min3A_1719 = arith.minsi %add3A_1716, %min3A_1718 : vector<16xi32>
          %add3A_1720 = arith.constant 2 : i32
          %add3A_1721 = vector.broadcast %add3A_1720 : i32 to vector<16xi32>
          %add3A_1722 = arith.addi %sub3A_1710, %add3A_1721 : vector<16xi32>
          %min3A_1723 = arith.constant 255 : i32
          %min3A_1724 = vector.broadcast %min3A_1723 : i32 to vector<16xi32>
          %min3A_1725 = arith.minsi %add3A_1722, %min3A_1724 : vector<16xi32>
          %get3A_1726 = arith.index_cast %add3A_1657 : i32 to index
          %get3A_1727 = tpu.vector_load %arg14[%get3A_1726] {strides = array<i32>} : memref<16384xf32, #tpu.memory_space<vmem>>, vector<16xf32>,
          %sub3A_1728 = arith.subf %get3A_1727, %get3A_3 : vector<16xf32>
          %div3A_1729 = arith.divf %sub3A_1728, %get3A_5 : vector<16xf32>
          %convert_element_type3A_1730 = arith.fptosi %div3A_1729 : vector<16xf32> to vector<16xi32>
          %jit3A_1731 = arith.constant 2 : i32
          %jit3A_1732 = arith.constant 256 : i32
          %max3A_1733 = vector.broadcast %jit3A_1731 : i32 to vector<16xi32>
          %max3A_1734 = arith.maxsi %max3A_1733, %convert_element_type3A_1730 : vector<16xi32>
          %min3A_1735 = vector.broadcast %jit3A_1732 : i32 to vector<16xi32>
          %min3A_1736 = arith.minsi %min3A_1735, %max3A_1734 : vector<16xi32>
          %gather3A_1737 = tpu.vector_load_idx %arg10[%min3A_1736] : memref<384xf32, #tpu.memory_space<vmem>>[vector<16xi32>], vector<16xf32>,
          %add3A_1738 = arith.constant 1 : i32
          %add3A_1739 = vector.broadcast %add3A_1738 : i32 to vector<16xi32>
          %add3A_1740 = arith.addi %min3A_1736, %add3A_1739 : vector<16xi32>
          %gather3A_1741 = tpu.vector_load_idx %arg10[%add3A_1740] : memref<384xf32, #tpu.memory_space<vmem>>[vector<16xi32>], vector<16xf32>,
          %sub3A_1742 = arith.subf %get3A_1727, %gather3A_1737 : vector<16xf32>
          %sub3A_1743 = arith.subf %gather3A_1741, %gather3A_1737 : vector<16xf32>
          %div3A_1744 = arith.divf %sub3A_1742, %sub3A_1743 : vector<16xf32>
          %sub3A_1745 = arith.constant 1 : i32
          %sub3A_1746 = vector.broadcast %sub3A_1745 : i32 to vector<16xi32>
          %sub3A_1747 = arith.subi %min3A_1736, %sub3A_1746 : vector<16xi32>
          %sub3A_1748 = arith.constant 1 : i32
          %sub3A_1749 = vector.broadcast %sub3A_1748 : i32 to vector<16xi32>
          %sub3A_1750 = arith.subi %sub3A_1747, %sub3A_1749 : vector<16xi32>
          %add3A_1751 = arith.constant 1 : i32
          %add3A_1752 = vector.broadcast %add3A_1751 : i32 to vector<16xi32>
          %add3A_1753 = arith.addi %sub3A_1747, %add3A_1752 : vector<16xi32>
          %min3A_1754 = arith.constant 255 : i32
          %min3A_1755 = vector.broadcast %min3A_1754 : i32 to vector<16xi32>
          %min3A_1756 = arith.minsi %add3A_1753, %min3A_1755 : vector<16xi32>
          %add3A_1757 = arith.constant 2 : i32
          %add3A_1758 = vector.broadcast %add3A_1757 : i32 to vector<16xi32>
          %add3A_1759 = arith.addi %sub3A_1747, %add3A_1758 : vector<16xi32>
          %min3A_1760 = arith.constant 255 : i32
          %min3A_1761 = vector.broadcast %min3A_1760 : i32 to vector<16xi32>
          %min3A_1762 = arith.minsi %add3A_1759, %min3A_1761 : vector<16xi32>
          %get3A_1763 = arith.index_cast %add3A_1657 : i32 to index
          %get3A_1764 = tpu.vector_load %arg15[%get3A_1763] {strides = array<i32>} : memref<16384xf32, #tpu.memory_space<vmem>>, vector<16xf32>,
          %ge3A = arith.constant 0.000000e+00 : f32
          %ge3A_1765 = vector.broadcast %ge3A : f32 to vector<16xf32>
          %ge3A_1766 = arith.cmpf oge, %get3A_1764, %ge3A_1765 : vector<16xf32>
          %jit3A_1767 = arith.constant 16777216 : i32
          %jit3A_1768 = arith.constant 0 : i32
          %broadcast_in_dim3A = vector.broadcast %jit3A_1767 : i32 to vector<16xi32>
          %broadcast_in_dim3A_1769 = vector.broadcast %jit3A_1768 : i32 to vector<16xi32>
          %select_n3A = arith.select %ge3A_1766, %broadcast_in_dim3A, %broadcast_in_dim3A_1769 : vector<16xi1>, vector<16xi32>
          %swap3A = arith.constant 0 : i32
          %swap3A_1770 = arith.index_cast %swap3A : i32 to index
          %swap3A_1771 = arith.index_cast %mul3A_1652 : i32 to index
          %swap3A_1772 = tpu.vector_load %arg21[%swap3A_1770, %swap3A_1771] {strides = array<i32>} : memref<4x128xf32, #tpu.memory_space<vmem>>, vector<16xf32>,
          tpu.vector_store %arg21[%swap3A_1770, %swap3A_1771], %div3A_1670 {strides = array<i32>} : memref<4x128xf32, #tpu.memory_space<vmem>>, vector<16xf32>,
          %swap3A_1773 = arith.constant 1 : i32
          %swap3A_1774 = arith.index_cast %swap3A_1773 : i32 to index
          %swap3A_1775 = arith.index_cast %mul3A_1652 : i32 to index
          %swap3A_1776 = tpu.vector_load %arg21[%swap3A_1774, %swap3A_1775] {strides = array<i32>} : memref<4x128xf32, #tpu.memory_space<vmem>>, vector<16xf32>,
          tpu.vector_store %arg21[%swap3A_1774, %swap3A_1775], %div3A_1707 {strides = array<i32>} : memref<4x128xf32, #tpu.memory_space<vmem>>, vector<16xf32>,
          %swap3A_1777 = arith.constant 2 : i32
          %swap3A_1778 = arith.index_cast %swap3A_1777 : i32 to index
          %swap3A_1779 = arith.index_cast %mul3A_1652 : i32 to index
          %swap3A_1780 = tpu.vector_load %arg21[%swap3A_1778, %swap3A_1779] {strides = array<i32>} : memref<4x128xf32, #tpu.memory_space<vmem>>, vector<16xf32>,
          tpu.vector_store %arg21[%swap3A_1778, %swap3A_1779], %div3A_1744 {strides = array<i32>} : memref<4x128xf32, #tpu.memory_space<vmem>>, vector<16xf32>,
          %mul3A_1781 = arith.constant 256 : i32
          %mul3A_1782 = vector.broadcast %mul3A_1781 : i32 to vector<16xi32>
          %mul3A_1783 = arith.muli %sub3A_1673, %mul3A_1782 : vector<16xi32>
          %add3A_1784 = arith.addi %mul3A_1783, %sub3A_1710 : vector<16xi32>
          %mul3A_1785 = arith.constant 256 : i32
          %mul3A_1786 = vector.broadcast %mul3A_1785 : i32 to vector<16xi32>
          %mul3A_1787 = arith.muli %add3A_1784, %mul3A_1786 : vector<16xi32>
          %add3A_1788 = arith.addi %mul3A_1787, %select_n3A : vector<16xi32>
          %mul3A_1789 = arith.constant 256 : i32
          %mul3A_1790 = vector.broadcast %mul3A_1789 : i32 to vector<16xi32>
          %mul3A_1791 = arith.muli %sub3A_1673, %mul3A_1790 : vector<16xi32>
          %add3A_1792 = arith.addi %mul3A_1791, %min3A_1719 : vector<16xi32>
          %mul3A_1793 = arith.constant 256 : i32
          %mul3A_1794 = vector.broadcast %mul3A_1793 : i32 to vector<16xi32>
          %mul3A_1795 = arith.muli %add3A_1792, %mul3A_1794 : vector<16xi32>
          %add3A_1796 = arith.addi %mul3A_1795, %select_n3A : vector<16xi32>
          %mul3A_1797 = arith.constant 256 : i32
          %mul3A_1798 = vector.broadcast %mul3A_1797 : i32 to vector<16xi32>
          %mul3A_1799 = arith.muli %min3A_1682, %mul3A_1798 : vector<16xi32>
          %add3A_1800 = arith.addi %mul3A_1799, %sub3A_1710 : vector<16xi32>
          %mul3A_1801 = arith.constant 256 : i32
          %mul3A_1802 = vector.broadcast %mul3A_1801 : i32 to vector<16xi32>
          %mul3A_1803 = arith.muli %add3A_1800, %mul3A_1802 : vector<16xi32>
          %add3A_1804 = arith.addi %mul3A_1803, %select_n3A : vector<16xi32>
          %mul3A_1805 = arith.constant 256 : i32
          %mul3A_1806 = vector.broadcast %mul3A_1805 : i32 to vector<16xi32>
          %mul3A_1807 = arith.muli %min3A_1682, %mul3A_1806 : vector<16xi32>
          %add3A_1808 = arith.addi %mul3A_1807, %min3A_1719 : vector<16xi32>
          %mul3A_1809 = arith.constant 256 : i32
          %mul3A_1810 = vector.broadcast %mul3A_1809 : i32 to vector<16xi32>
          %mul3A_1811 = arith.muli %add3A_1808, %mul3A_1810 : vector<16xi32>
          %add3A_1812 = arith.addi %mul3A_1811, %select_n3A : vector<16xi32>
          %mul3A_1813 = arith.constant 256 : i32
          %mul3A_1814 = vector.broadcast %mul3A_1813 : i32 to vector<16xi32>
          %mul3A_1815 = arith.muli %sub3A_1676, %mul3A_1814 : vector<16xi32>
          %add3A_1816 = arith.addi %mul3A_1815, %sub3A_1710 : vector<16xi32>
          %mul3A_1817 = arith.constant 256 : i32
          %mul3A_1818 = vector.broadcast %mul3A_1817 : i32 to vector<16xi32>
          %mul3A_1819 = arith.muli %add3A_1816, %mul3A_1818 : vector<16xi32>
          %add3A_1820 = arith.addi %mul3A_1819, %select_n3A : vector<16xi32>
          %mul3A_1821 = arith.constant 256 : i32
          %mul3A_1822 = vector.broadcast %mul3A_1821 : i32 to vector<16xi32>
          %mul3A_1823 = arith.muli %sub3A_1676, %mul3A_1822 : vector<16xi32>
          %add3A_1824 = arith.addi %mul3A_1823, %min3A_1719 : vector<16xi32>
          %mul3A_1825 = arith.constant 256 : i32
          %mul3A_1826 = vector.broadcast %mul3A_1825 : i32 to vector<16xi32>
          %mul3A_1827 = arith.muli %add3A_1824, %mul3A_1826 : vector<16xi32>
          %add3A_1828 = arith.addi %mul3A_1827, %select_n3A : vector<16xi32>
          %mul3A_1829 = arith.constant 256 : i32
          %mul3A_1830 = vector.broadcast %mul3A_1829 : i32 to vector<16xi32>
          %mul3A_1831 = arith.muli %min3A_1688, %mul3A_1830 : vector<16xi32>
          %add3A_1832 = arith.addi %mul3A_1831, %sub3A_1710 : vector<16xi32>
          %mul3A_1833 = arith.constant 256 : i32
          %mul3A_1834 = vector.broadcast %mul3A_1833 : i32 to vector<16xi32>
          %mul3A_1835 = arith.muli %add3A_1832, %mul3A_1834 : vector<16xi32>
          %add3A_1836 = arith.addi %mul3A_1835, %select_n3A : vector<16xi32>
          %mul3A_1837 = arith.constant 256 : i32
          %mul3A_1838 = vector.broadcast %mul3A_1837 : i32 to vector<16xi32>
          %mul3A_1839 = arith.muli %min3A_1688, %mul3A_1838 : vector<16xi32>
          %add3A_1840 = arith.addi %mul3A_1839, %min3A_1719 : vector<16xi32>
          %mul3A_1841 = arith.constant 256 : i32
          %mul3A_1842 = vector.broadcast %mul3A_1841 : i32 to vector<16xi32>
          %mul3A_1843 = arith.muli %add3A_1840, %mul3A_1842 : vector<16xi32>
          %add3A_1844 = arith.addi %mul3A_1843, %select_n3A : vector<16xi32>
          %mul3A_1845 = arith.constant 256 : i32
          %mul3A_1846 = vector.broadcast %mul3A_1845 : i32 to vector<16xi32>
          %mul3A_1847 = arith.muli %sub3A_1673, %mul3A_1846 : vector<16xi32>
          %add3A_1848 = arith.addi %mul3A_1847, %sub3A_1713 : vector<16xi32>
          %mul3A_1849 = arith.constant 256 : i32
          %mul3A_1850 = vector.broadcast %mul3A_1849 : i32 to vector<16xi32>
          %mul3A_1851 = arith.muli %add3A_1848, %mul3A_1850 : vector<16xi32>
          %add3A_1852 = arith.addi %mul3A_1851, %select_n3A : vector<16xi32>
          %mul3A_1853 = arith.constant 256 : i32
          %mul3A_1854 = vector.broadcast %mul3A_1853 : i32 to vector<16xi32>
          %mul3A_1855 = arith.muli %sub3A_1673, %mul3A_1854 : vector<16xi32>
          %add3A_1856 = arith.addi %mul3A_1855, %min3A_1725 : vector<16xi32>
          %mul3A_1857 = arith.constant 256 : i32
          %mul3A_1858 = vector.broadcast %mul3A_1857 : i32 to vector<16xi32>
          %mul3A_1859 = arith.muli %add3A_1856, %mul3A_1858 : vector<16xi32>
          %add3A_1860 = arith.addi %mul3A_1859, %select_n3A : vector<16xi32>
          %mul3A_1861 = arith.constant 256 : i32
          %mul3A_1862 = vector.broadcast %mul3A_1861 : i32 to vector<16xi32>
          %mul3A_1863 = arith.muli %min3A_1682, %mul3A_1862 : vector<16xi32>
          %add3A_1864 = arith.addi %mul3A_1863, %sub3A_1713 : vector<16xi32>
          %mul3A_1865 = arith.constant 256 : i32
          %mul3A_1866 = vector.broadcast %mul3A_1865 : i32 to vector<16xi32>
          %mul3A_1867 = arith.muli %add3A_1864, %mul3A_1866 : vector<16xi32>
          %add3A_1868 = arith.addi %mul3A_1867, %select_n3A : vector<16xi32>
          %mul3A_1869 = arith.constant 256 : i32
          %mul3A_1870 = vector.broadcast %mul3A_1869 : i32 to vector<16xi32>
          %mul3A_1871 = arith.muli %min3A_1682, %mul3A_1870 : vector<16xi32>
          %add3A_1872 = arith.addi %mul3A_1871, %min3A_1725 : vector<16xi32>
          %mul3A_1873 = arith.constant 256 : i32
          %mul3A_1874 = vector.broadcast %mul3A_1873 : i32 to vector<16xi32>
          %mul3A_1875 = arith.muli %add3A_1872, %mul3A_1874 : vector<16xi32>
          %add3A_1876 = arith.addi %mul3A_1875, %select_n3A : vector<16xi32>
          %add3A_1877 = arith.addi %add3A_1788, %sub3A_1750 : vector<16xi32>
          %swap3A_1878 = arith.constant 0 : i32
          %swap3A_1879 = arith.index_cast %swap3A_1878 : i32 to index
          %swap3A_1880 = arith.index_cast %mul3A_1652 : i32 to index
          %swap3A_1881 = tpu.vector_load %arg17[%swap3A_1879, %swap3A_1880] {strides = array<i32>} : memref<32x128xi32, #tpu.memory_space<vmem>>, vector<16xi32>,
          tpu.vector_store %arg17[%swap3A_1879, %swap3A_1880], %add3A_1877 {strides = array<i32>} : memref<32x128xi32, #tpu.memory_space<vmem>>, vector<16xi32>,
          %add3A_1882 = arith.addi %add3A_1788, %sub3A_1747 : vector<16xi32>
          %swap3A_1883 = arith.constant 1 : i32
          %swap3A_1884 = arith.index_cast %swap3A_1883 : i32 to index
          %swap3A_1885 = arith.index_cast %mul3A_1652 : i32 to index
          %swap3A_1886 = tpu.vector_load %arg17[%swap3A_1884, %swap3A_1885] {strides = array<i32>} : memref<32x128xi32, #tpu.memory_space<vmem>>, vector<16xi32>,
          tpu.vector_store %arg17[%swap3A_1884, %swap3A_1885], %add3A_1882 {strides = array<i32>} : memref<32x128xi32, #tpu.memory_space<vmem>>, vector<16xi32>,
          %add3A_1887 = arith.addi %add3A_1788, %min3A_1756 : vector<16xi32>
          %swap3A_1888 = arith.constant 2 : i32
          %swap3A_1889 = arith.index_cast %swap3A_1888 : i32 to index
          %swap3A_1890 = arith.index_cast %mul3A_1652 : i32 to index
          %swap3A_1891 = tpu.vector_load %arg17[%swap3A_1889, %swap3A_1890] {strides = array<i32>} : memref<32x128xi32, #tpu.memory_space<vmem>>, vector<16xi32>,
          tpu.vector_store %arg17[%swap3A_1889, %swap3A_1890], %add3A_1887 {strides = array<i32>} : memref<32x128xi32, #tpu.memory_space<vmem>>, vector<16xi32>,
          %add3A_1892 = arith.addi %add3A_1788, %min3A_1762 : vector<16xi32>
          %swap3A_1893 = arith.constant 3 : i32
          %swap3A_1894 = arith.index_cast %swap3A_1893 : i32 to index
          %swap3A_1895 = arith.index_cast %mul3A_1652 : i32 to index
          %swap3A_1896 = tpu.vector_load %arg17[%swap3A_1894, %swap3A_1895] {strides = array<i32>} : memref<32x128xi32, #tpu.memory_space<vmem>>, vector<16xi32>,
          tpu.vector_store %arg17[%swap3A_1894, %swap3A_1895], %add3A_1892 {strides = array<i32>} : memref<32x128xi32, #tpu.memory_space<vmem>>, vector<16xi32>,
          %add3A_1897 = arith.addi %add3A_1796, %sub3A_1750 : vector<16xi32>
          %swap3A_1898 = arith.constant 4 : i32
          %swap3A_1899 = arith.index_cast %swap3A_1898 : i32 to index
          %swap3A_1900 = arith.index_cast %mul3A_1652 : i32 to index
          %swap3A_1901 = tpu.vector_load %arg17[%swap3A_1899, %swap3A_1900] {strides = array<i32>} : memref<32x128xi32, #tpu.memory_space<vmem>>, vector<16xi32>,
          tpu.vector_store %arg17[%swap3A_1899, %swap3A_1900], %add3A_1897 {strides = array<i32>} : memref<32x128xi32, #tpu.memory_space<vmem>>, vector<16xi32>,
          %add3A_1902 = arith.addi %add3A_1796, %sub3A_1747 : vector<16xi32>
          %swap3A_1903 = arith.constant 5 : i32
          %swap3A_1904 = arith.index_cast %swap3A_1903 : i32 to index
          %swap3A_1905 = arith.index_cast %mul3A_1652 : i32 to index
          %swap3A_1906 = tpu.vector_load %arg17[%swap3A_1904, %swap3A_1905] {strides = array<i32>} : memref<32x128xi32, #tpu.memory_space<vmem>>, vector<16xi32>,
          tpu.vector_store %arg17[%swap3A_1904, %swap3A_1905], %add3A_1902 {strides = array<i32>} : memref<32x128xi32, #tpu.memory_space<vmem>>, vector<16xi32>,
          %add3A_1907 = arith.addi %add3A_1796, %min3A_1756 : vector<16xi32>
          %swap3A_1908 = arith.constant 6 : i32
          %swap3A_1909 = arith.index_cast %swap3A_1908 : i32 to index
          %swap3A_1910 = arith.index_cast %mul3A_1652 : i32 to index
          %swap3A_1911 = tpu.vector_load %arg17[%swap3A_1909, %swap3A_1910] {strides = array<i32>} : memref<32x128xi32, #tpu.memory_space<vmem>>, vector<16xi32>,
          tpu.vector_store %arg17[%swap3A_1909, %swap3A_1910], %add3A_1907 {strides = array<i32>} : memref<32x128xi32, #tpu.memory_space<vmem>>, vector<16xi32>,
          %add3A_1912 = arith.addi %add3A_1796, %min3A_1762 : vector<16xi32>
          %swap3A_1913 = arith.constant 7 : i32
          %swap3A_1914 = arith.index_cast %swap3A_1913 : i32 to index
          %swap3A_1915 = arith.index_cast %mul3A_1652 : i32 to index
          %swap3A_1916 = tpu.vector_load %arg17[%swap3A_1914, %swap3A_1915] {strides = array<i32>} : memref<32x128xi32, #tpu.memory_space<vmem>>, vector<16xi32>,
          tpu.vector_store %arg17[%swap3A_1914, %swap3A_1915], %add3A_1912 {strides = array<i32>} : memref<32x128xi32, #tpu.memory_space<vmem>>, vector<16xi32>,
          %add3A_1917 = arith.addi %add3A_1804, %sub3A_1750 : vector<16xi32>
          %swap3A_1918 = arith.constant 8 : i32
          %swap3A_1919 = arith.index_cast %swap3A_1918 : i32 to index
          %swap3A_1920 = arith.index_cast %mul3A_1652 : i32 to index
          %swap3A_1921 = tpu.vector_load %arg17[%swap3A_1919, %swap3A_1920] {strides = array<i32>} : memref<32x128xi32, #tpu.memory_space<vmem>>, vector<16xi32>,
          tpu.vector_store %arg17[%swap3A_1919, %swap3A_1920], %add3A_1917 {strides = array<i32>} : memref<32x128xi32, #tpu.memory_space<vmem>>, vector<16xi32>,
          %add3A_1922 = arith.addi %add3A_1804, %sub3A_1747 : vector<16xi32>
          %swap3A_1923 = arith.constant 9 : i32
          %swap3A_1924 = arith.index_cast %swap3A_1923 : i32 to index
          %swap3A_1925 = arith.index_cast %mul3A_1652 : i32 to index
          %swap3A_1926 = tpu.vector_load %arg17[%swap3A_1924, %swap3A_1925] {strides = array<i32>} : memref<32x128xi32, #tpu.memory_space<vmem>>, vector<16xi32>,
          tpu.vector_store %arg17[%swap3A_1924, %swap3A_1925], %add3A_1922 {strides = array<i32>} : memref<32x128xi32, #tpu.memory_space<vmem>>, vector<16xi32>,
          %add3A_1927 = arith.addi %add3A_1804, %min3A_1756 : vector<16xi32>
          %swap3A_1928 = arith.constant 10 : i32
          %swap3A_1929 = arith.index_cast %swap3A_1928 : i32 to index
          %swap3A_1930 = arith.index_cast %mul3A_1652 : i32 to index
          %swap3A_1931 = tpu.vector_load %arg17[%swap3A_1929, %swap3A_1930] {strides = array<i32>} : memref<32x128xi32, #tpu.memory_space<vmem>>, vector<16xi32>,
          tpu.vector_store %arg17[%swap3A_1929, %swap3A_1930], %add3A_1927 {strides = array<i32>} : memref<32x128xi32, #tpu.memory_space<vmem>>, vector<16xi32>,
          %add3A_1932 = arith.addi %add3A_1804, %min3A_1762 : vector<16xi32>
          %swap3A_1933 = arith.constant 11 : i32
          %swap3A_1934 = arith.index_cast %swap3A_1933 : i32 to index
          %swap3A_1935 = arith.index_cast %mul3A_1652 : i32 to index
          %swap3A_1936 = tpu.vector_load %arg17[%swap3A_1934, %swap3A_1935] {strides = array<i32>} : memref<32x128xi32, #tpu.memory_space<vmem>>, vector<16xi32>,
          tpu.vector_store %arg17[%swap3A_1934, %swap3A_1935], %add3A_1932 {strides = array<i32>} : memref<32x128xi32, #tpu.memory_space<vmem>>, vector<16xi32>,
          %add3A_1937 = arith.addi %add3A_1812, %sub3A_1750 : vector<16xi32>
          %swap3A_1938 = arith.constant 12 : i32
          %swap3A_1939 = arith.index_cast %swap3A_1938 : i32 to index
          %swap3A_1940 = arith.index_cast %mul3A_1652 : i32 to index
          %swap3A_1941 = tpu.vector_load %arg17[%swap3A_1939, %swap3A_1940] {strides = array<i32>} : memref<32x128xi32, #tpu.memory_space<vmem>>, vector<16xi32>,
          tpu.vector_store %arg17[%swap3A_1939, %swap3A_1940], %add3A_1937 {strides = array<i32>} : memref<32x128xi32, #tpu.memory_space<vmem>>, vector<16xi32>,
          %add3A_1942 = arith.addi %add3A_1812, %sub3A_1747 : vector<16xi32>
          %swap3A_1943 = arith.constant 13 : i32
          %swap3A_1944 = arith.index_cast %swap3A_1943 : i32 to index
          %swap3A_1945 = arith.index_cast %mul3A_1652 : i32 to index
          %swap3A_1946 = tpu.vector_load %arg17[%swap3A_1944, %swap3A_1945] {strides = array<i32>} : memref<32x128xi32, #tpu.memory_space<vmem>>, vector<16xi32>,
          tpu.vector_store %arg17[%swap3A_1944, %swap3A_1945], %add3A_1942 {strides = array<i32>} : memref<32x128xi32, #tpu.memory_space<vmem>>, vector<16xi32>,
          %add3A_1947 = arith.addi %add3A_1812, %min3A_1756 : vector<16xi32>
          %swap3A_1948 = arith.constant 14 : i32
          %swap3A_1949 = arith.index_cast %swap3A_1948 : i32 to index
          %swap3A_1950 = arith.index_cast %mul3A_1652 : i32 to index
          %swap3A_1951 = tpu.vector_load %arg17[%swap3A_1949, %swap3A_1950] {strides = array<i32>} : memref<32x128xi32, #tpu.memory_space<vmem>>, vector<16xi32>,
          tpu.vector_store %arg17[%swap3A_1949, %swap3A_1950], %add3A_1947 {strides = array<i32>} : memref<32x128xi32, #tpu.memory_space<vmem>>, vector<16xi32>,
          %add3A_1952 = arith.addi %add3A_1812, %min3A_1762 : vector<16xi32>
          %swap3A_1953 = arith.constant 15 : i32
          %swap3A_1954 = arith.index_cast %swap3A_1953 : i32 to index
          %swap3A_1955 = arith.index_cast %mul3A_1652 : i32 to index
          %swap3A_1956 = tpu.vector_load %arg17[%swap3A_1954, %swap3A_1955] {strides = array<i32>} : memref<32x128xi32, #tpu.memory_space<vmem>>, vector<16xi32>,
          tpu.vector_store %arg17[%swap3A_1954, %swap3A_1955], %add3A_1952 {strides = array<i32>} : memref<32x128xi32, #tpu.memory_space<vmem>>, vector<16xi32>,
          %add3A_1957 = arith.addi %add3A_1820, %sub3A_1747 : vector<16xi32>
          %swap3A_1958 = arith.constant 16 : i32
          %swap3A_1959 = arith.index_cast %swap3A_1958 : i32 to index
          %swap3A_1960 = arith.index_cast %mul3A_1652 : i32 to index
          %swap3A_1961 = tpu.vector_load %arg17[%swap3A_1959, %swap3A_1960] {strides = array<i32>} : memref<32x128xi32, #tpu.memory_space<vmem>>, vector<16xi32>,
          tpu.vector_store %arg17[%swap3A_1959, %swap3A_1960], %add3A_1957 {strides = array<i32>} : memref<32x128xi32, #tpu.memory_space<vmem>>, vector<16xi32>,
          %add3A_1962 = arith.addi %add3A_1820, %min3A_1756 : vector<16xi32>
          %swap3A_1963 = arith.constant 17 : i32
          %swap3A_1964 = arith.index_cast %swap3A_1963 : i32 to index
          %swap3A_1965 = arith.index_cast %mul3A_1652 : i32 to index
          %swap3A_1966 = tpu.vector_load %arg17[%swap3A_1964, %swap3A_1965] {strides = array<i32>} : memref<32x128xi32, #tpu.memory_space<vmem>>, vector<16xi32>,
          tpu.vector_store %arg17[%swap3A_1964, %swap3A_1965], %add3A_1962 {strides = array<i32>} : memref<32x128xi32, #tpu.memory_space<vmem>>, vector<16xi32>,
          %add3A_1967 = arith.addi %add3A_1828, %sub3A_1747 : vector<16xi32>
          %swap3A_1968 = arith.constant 18 : i32
          %swap3A_1969 = arith.index_cast %swap3A_1968 : i32 to index
          %swap3A_1970 = arith.index_cast %mul3A_1652 : i32 to index
          %swap3A_1971 = tpu.vector_load %arg17[%swap3A_1969, %swap3A_1970] {strides = array<i32>} : memref<32x128xi32, #tpu.memory_space<vmem>>, vector<16xi32>,
          tpu.vector_store %arg17[%swap3A_1969, %swap3A_1970], %add3A_1967 {strides = array<i32>} : memref<32x128xi32, #tpu.memory_space<vmem>>, vector<16xi32>,
          %add3A_1972 = arith.addi %add3A_1828, %min3A_1756 : vector<16xi32>
          %swap3A_1973 = arith.constant 19 : i32
          %swap3A_1974 = arith.index_cast %swap3A_1973 : i32 to index
          %swap3A_1975 = arith.index_cast %mul3A_1652 : i32 to index
          %swap3A_1976 = tpu.vector_load %arg17[%swap3A_1974, %swap3A_1975] {strides = array<i32>} : memref<32x128xi32, #tpu.memory_space<vmem>>, vector<16xi32>,
          tpu.vector_store %arg17[%swap3A_1974, %swap3A_1975], %add3A_1972 {strides = array<i32>} : memref<32x128xi32, #tpu.memory_space<vmem>>, vector<16xi32>,
          %add3A_1977 = arith.addi %add3A_1836, %sub3A_1747 : vector<16xi32>
          %swap3A_1978 = arith.constant 20 : i32
          %swap3A_1979 = arith.index_cast %swap3A_1978 : i32 to index
          %swap3A_1980 = arith.index_cast %mul3A_1652 : i32 to index
          %swap3A_1981 = tpu.vector_load %arg17[%swap3A_1979, %swap3A_1980] {strides = array<i32>} : memref<32x128xi32, #tpu.memory_space<vmem>>, vector<16xi32>,
          tpu.vector_store %arg17[%swap3A_1979, %swap3A_1980], %add3A_1977 {strides = array<i32>} : memref<32x128xi32, #tpu.memory_space<vmem>>, vector<16xi32>,
          %add3A_1982 = arith.addi %add3A_1836, %min3A_1756 : vector<16xi32>
          %swap3A_1983 = arith.constant 21 : i32
          %swap3A_1984 = arith.index_cast %swap3A_1983 : i32 to index
          %swap3A_1985 = arith.index_cast %mul3A_1652 : i32 to index
          %swap3A_1986 = tpu.vector_load %arg17[%swap3A_1984, %swap3A_1985] {strides = array<i32>} : memref<32x128xi32, #tpu.memory_space<vmem>>, vector<16xi32>,
          tpu.vector_store %arg17[%swap3A_1984, %swap3A_1985], %add3A_1982 {strides = array<i32>} : memref<32x128xi32, #tpu.memory_space<vmem>>, vector<16xi32>,
          %add3A_1987 = arith.addi %add3A_1844, %sub3A_1747 : vector<16xi32>
          %swap3A_1988 = arith.constant 22 : i32
          %swap3A_1989 = arith.index_cast %swap3A_1988 : i32 to index
          %swap3A_1990 = arith.index_cast %mul3A_1652 : i32 to index
          %swap3A_1991 = tpu.vector_load %arg17[%swap3A_1989, %swap3A_1990] {strides = array<i32>} : memref<32x128xi32, #tpu.memory_space<vmem>>, vector<16xi32>,
          tpu.vector_store %arg17[%swap3A_1989, %swap3A_1990], %add3A_1987 {strides = array<i32>} : memref<32x128xi32, #tpu.memory_space<vmem>>, vector<16xi32>,
          %add3A_1992 = arith.addi %add3A_1844, %min3A_1756 : vector<16xi32>
          %swap3A_1993 = arith.constant 23 : i32
          %swap3A_1994 = arith.index_cast %swap3A_1993 : i32 to index
          %swap3A_1995 = arith.index_cast %mul3A_1652 : i32 to index
          %swap3A_1996 = tpu.vector_load %arg17[%swap3A_1994, %swap3A_1995] {strides = array<i32>} : memref<32x128xi32, #tpu.memory_space<vmem>>, vector<16xi32>,
          tpu.vector_store %arg17[%swap3A_1994, %swap3A_1995], %add3A_1992 {strides = array<i32>} : memref<32x128xi32, #tpu.memory_space<vmem>>, vector<16xi32>,
          %add3A_1997 = arith.addi %add3A_1852, %sub3A_1747 : vector<16xi32>
          %swap3A_1998 = arith.constant 24 : i32
          %swap3A_1999 = arith.index_cast %swap3A_1998 : i32 to index
          %swap3A_2000 = arith.index_cast %mul3A_1652 : i32 to index
          %swap3A_2001 = tpu.vector_load %arg17[%swap3A_1999, %swap3A_2000] {strides = array<i32>} : memref<32x128xi32, #tpu.memory_space<vmem>>, vector<16xi32>,
          tpu.vector_store %arg17[%swap3A_1999, %swap3A_2000], %add3A_1997 {strides = array<i32>} : memref<32x128xi32, #tpu.memory_space<vmem>>, vector<16xi32>,
          %add3A_2002 = arith.addi %add3A_1852, %min3A_1756 : vector<16xi32>
          %swap3A_2003 = arith.constant 25 : i32
          %swap3A_2004 = arith.index_cast %swap3A_2003 : i32 to index
          %swap3A_2005 = arith.index_cast %mul3A_1652 : i32 to index
          %swap3A_2006 = tpu.vector_load %arg17[%swap3A_2004, %swap3A_2005] {strides = array<i32>} : memref<32x128xi32, #tpu.memory_space<vmem>>, vector<16xi32>,
          tpu.vector_store %arg17[%swap3A_2004, %swap3A_2005], %add3A_2002 {strides = array<i32>} : memref<32x128xi32, #tpu.memory_space<vmem>>, vector<16xi32>,
          %add3A_2007 = arith.addi %add3A_1860, %sub3A_1747 : vector<16xi32>
          %swap3A_2008 = arith.constant 26 : i32
          %swap3A_2009 = arith.index_cast %swap3A_2008 : i32 to index
          %swap3A_2010 = arith.index_cast %mul3A_1652 : i32 to index
          %swap3A_2011 = tpu.vector_load %arg17[%swap3A_2009, %swap3A_2010] {strides = array<i32>} : memref<32x128xi32, #tpu.memory_space<vmem>>, vector<16xi32>,
          tpu.vector_store %arg17[%swap3A_2009, %swap3A_2010], %add3A_2007 {strides = array<i32>} : memref<32x128xi32, #tpu.memory_space<vmem>>, vector<16xi32>,
          %add3A_2012 = arith.addi %add3A_1860, %min3A_1756 : vector<16xi32>
          %swap3A_2013 = arith.constant 27 : i32
          %swap3A_2014 = arith.index_cast %swap3A_2013 : i32 to index
          %swap3A_2015 = arith.index_cast %mul3A_1652 : i32 to index
          %swap3A_2016 = tpu.vector_load %arg17[%swap3A_2014, %swap3A_2015] {strides = array<i32>} : memref<32x128xi32, #tpu.memory_space<vmem>>, vector<16xi32>,
          tpu.vector_store %arg17[%swap3A_2014, %swap3A_2015], %add3A_2012 {strides = array<i32>} : memref<32x128xi32, #tpu.memory_space<vmem>>, vector<16xi32>,
          %add3A_2017 = arith.addi %add3A_1868, %sub3A_1747 : vector<16xi32>
          %swap3A_2018 = arith.constant 28 : i32
          %swap3A_2019 = arith.index_cast %swap3A_2018 : i32 to index
          %swap3A_2020 = arith.index_cast %mul3A_1652 : i32 to index
          %swap3A_2021 = tpu.vector_load %arg17[%swap3A_2019, %swap3A_2020] {strides = array<i32>} : memref<32x128xi32, #tpu.memory_space<vmem>>, vector<16xi32>,
          tpu.vector_store %arg17[%swap3A_2019, %swap3A_2020], %add3A_2017 {strides = array<i32>} : memref<32x128xi32, #tpu.memory_space<vmem>>, vector<16xi32>,
          %add3A_2022 = arith.addi %add3A_1868, %min3A_1756 : vector<16xi32>
          %swap3A_2023 = arith.constant 29 : i32
          %swap3A_2024 = arith.index_cast %swap3A_2023 : i32 to index
          %swap3A_2025 = arith.index_cast %mul3A_1652 : i32 to index
          %swap3A_2026 = tpu.vector_load %arg17[%swap3A_2024, %swap3A_2025] {strides = array<i32>} : memref<32x128xi32, #tpu.memory_space<vmem>>, vector<16xi32>,
          tpu.vector_store %arg17[%swap3A_2024, %swap3A_2025], %add3A_2022 {strides = array<i32>} : memref<32x128xi32, #tpu.memory_space<vmem>>, vector<16xi32>,
          %add3A_2027 = arith.addi %add3A_1876, %sub3A_1747 : vector<16xi32>
          %swap3A_2028 = arith.constant 30 : i32
          %swap3A_2029 = arith.index_cast %swap3A_2028 : i32 to index
          %swap3A_2030 = arith.index_cast %mul3A_1652 : i32 to index
          %swap3A_2031 = tpu.vector_load %arg17[%swap3A_2029, %swap3A_2030] {strides = array<i32>} : memref<32x128xi32, #tpu.memory_space<vmem>>, vector<16xi32>,
          tpu.vector_store %arg17[%swap3A_2029, %swap3A_2030], %add3A_2027 {strides = array<i32>} : memref<32x128xi32, #tpu.memory_space<vmem>>, vector<16xi32>,
          %add3A_2032 = arith.addi %add3A_1876, %min3A_1756 : vector<16xi32>
          %swap3A_2033 = arith.constant 31 : i32
          %swap3A_2034 = arith.index_cast %swap3A_2033 : i32 to index
          %swap3A_2035 = arith.index_cast %mul3A_1652 : i32 to index
          %swap3A_2036 = tpu.vector_load %arg17[%swap3A_2034, %swap3A_2035] {strides = array<i32>} : memref<32x128xi32, #tpu.memory_space<vmem>>, vector<16xi32>,
          tpu.vector_store %arg17[%swap3A_2034, %swap3A_2035], %add3A_2032 {strides = array<i32>} : memref<32x128xi32, #tpu.memory_space<vmem>>, vector<16xi32>,
        }
        %scan3A_1329 = arith.constant 8 : i32
        %dma_start3A_1330 = arith.constant 0 : i32
        %dma_start3A_1331 = arith.constant 0 : i32
        %dma_start3A_1332 = arith.constant 0 : i32
        %dma_start3A_1333 = tpu.memref_slice %arg19[%dma_start3A_1331, %dma_start3A_1332] : memref<32x128xf32, #tpu.memory_space<vmem>> -> memref<1x128xf32, #tpu.memory_space<vmem>>
        %dma_start3A_1334 = tpu.memref_squeeze %dma_start3A_1333 : memref<1x128xf32, #tpu.memory_space<vmem>> -> memref<128xf32, #tpu.memory_space<vmem>>
        %dma_start3A_1335 = arith.constant 0 : i32
        %dma_start3A_1336 = tpu.memref_slice %arg17[%dma_start3A_1330, %dma_start3A_1335] : memref<32x128xi32, #tpu.memory_space<vmem>> -> memref<1x128xi32, #tpu.memory_space<vmem>>
        %dma_start3A_1337 = tpu.memref_squeeze %dma_start3A_1336 : memref<1x128xi32, #tpu.memory_space<vmem>> -> memref<128xi32, #tpu.memory_space<vmem>>
        %dma_start3A_1338 = arith.constant 0 : i32
        %dma_start3A_1339 = tpu.memref_slice %arg6[%dma_start3A_1338] : memref<33554432xf32, #tpu.memory_space<hbm>> -> memref<33554432xf32, #tpu.memory_space<hbm>>
        tpu.enqueue_indirect_dma source(%dma_start3A_1339 : memref<33554432xf32, #tpu.memory_space<hbm>>) target(%dma_start3A_1334 : memref<128xf32, #tpu.memory_space<vmem>>) offsets(%dma_start3A_1337 : memref<128xi32, #tpu.memory_space<vmem>>) semaphore(%arg23 : memref<!tpu.dma_semaphore, #tpu.memory_space<semaphore_mem>>)
        %dma_start3A_1340 = arith.constant 1 : i32
        %dma_start3A_1341 = arith.constant 1 : i32
        %dma_start3A_1342 = arith.constant 0 : i32
        %dma_start3A_1343 = tpu.memref_slice %arg19[%dma_start3A_1341, %dma_start3A_1342] : memref<32x128xf32, #tpu.memory_space<vmem>> -> memref<1x128xf32, #tpu.memory_space<vmem>>
        %dma_start3A_1344 = tpu.memref_squeeze %dma_start3A_1343 : memref<1x128xf32, #tpu.memory_space<vmem>> -> memref<128xf32, #tpu.memory_space<vmem>>
        %dma_start3A_1345 = arith.constant 0 : i32
        %dma_start3A_1346 = tpu.memref_slice %arg17[%dma_start3A_1340, %dma_start3A_1345] : memref<32x128xi32, #tpu.memory_space<vmem>> -> memref<1x128xi32, #tpu.memory_space<vmem>>
        %dma_start3A_1347 = tpu.memref_squeeze %dma_start3A_1346 : memref<1x128xi32, #tpu.memory_space<vmem>> -> memref<128xi32, #tpu.memory_space<vmem>>
        %dma_start3A_1348 = arith.constant 0 : i32
        %dma_start3A_1349 = tpu.memref_slice %arg6[%dma_start3A_1348] : memref<33554432xf32, #tpu.memory_space<hbm>> -> memref<33554432xf32, #tpu.memory_space<hbm>>
        tpu.enqueue_indirect_dma source(%dma_start3A_1349 : memref<33554432xf32, #tpu.memory_space<hbm>>) target(%dma_start3A_1344 : memref<128xf32, #tpu.memory_space<vmem>>) offsets(%dma_start3A_1347 : memref<128xi32, #tpu.memory_space<vmem>>) semaphore(%arg23 : memref<!tpu.dma_semaphore, #tpu.memory_space<semaphore_mem>>)
        %dma_start3A_1350 = arith.constant 2 : i32
        %dma_start3A_1351 = arith.constant 2 : i32
        %dma_start3A_1352 = arith.constant 0 : i32
        %dma_start3A_1353 = tpu.memref_slice %arg19[%dma_start3A_1351, %dma_start3A_1352] : memref<32x128xf32, #tpu.memory_space<vmem>> -> memref<1x128xf32, #tpu.memory_space<vmem>>
        %dma_start3A_1354 = tpu.memref_squeeze %dma_start3A_1353 : memref<1x128xf32, #tpu.memory_space<vmem>> -> memref<128xf32, #tpu.memory_space<vmem>>
        %dma_start3A_1355 = arith.constant 0 : i32
        %dma_start3A_1356 = tpu.memref_slice %arg17[%dma_start3A_1350, %dma_start3A_1355] : memref<32x128xi32, #tpu.memory_space<vmem>> -> memref<1x128xi32, #tpu.memory_space<vmem>>
        %dma_start3A_1357 = tpu.memref_squeeze %dma_start3A_1356 : memref<1x128xi32, #tpu.memory_space<vmem>> -> memref<128xi32, #tpu.memory_space<vmem>>
        %dma_start3A_1358 = arith.constant 0 : i32
        %dma_start3A_1359 = tpu.memref_slice %arg6[%dma_start3A_1358] : memref<33554432xf32, #tpu.memory_space<hbm>> -> memref<33554432xf32, #tpu.memory_space<hbm>>
        tpu.enqueue_indirect_dma source(%dma_start3A_1359 : memref<33554432xf32, #tpu.memory_space<hbm>>) target(%dma_start3A_1354 : memref<128xf32, #tpu.memory_space<vmem>>) offsets(%dma_start3A_1357 : memref<128xi32, #tpu.memory_space<vmem>>) semaphore(%arg23 : memref<!tpu.dma_semaphore, #tpu.memory_space<semaphore_mem>>)
        %dma_start3A_1360 = arith.constant 3 : i32
        %dma_start3A_1361 = arith.constant 3 : i32
        %dma_start3A_1362 = arith.constant 0 : i32
        %dma_start3A_1363 = tpu.memref_slice %arg19[%dma_start3A_1361, %dma_start3A_1362] : memref<32x128xf32, #tpu.memory_space<vmem>> -> memref<1x128xf32, #tpu.memory_space<vmem>>
        %dma_start3A_1364 = tpu.memref_squeeze %dma_start3A_1363 : memref<1x128xf32, #tpu.memory_space<vmem>> -> memref<128xf32, #tpu.memory_space<vmem>>
        %dma_start3A_1365 = arith.constant 0 : i32
        %dma_start3A_1366 = tpu.memref_slice %arg17[%dma_start3A_1360, %dma_start3A_1365] : memref<32x128xi32, #tpu.memory_space<vmem>> -> memref<1x128xi32, #tpu.memory_space<vmem>>
        %dma_start3A_1367 = tpu.memref_squeeze %dma_start3A_1366 : memref<1x128xi32, #tpu.memory_space<vmem>> -> memref<128xi32, #tpu.memory_space<vmem>>
        %dma_start3A_1368 = arith.constant 0 : i32
        %dma_start3A_1369 = tpu.memref_slice %arg6[%dma_start3A_1368] : memref<33554432xf32, #tpu.memory_space<hbm>> -> memref<33554432xf32, #tpu.memory_space<hbm>>
        tpu.enqueue_indirect_dma source(%dma_start3A_1369 : memref<33554432xf32, #tpu.memory_space<hbm>>) target(%dma_start3A_1364 : memref<128xf32, #tpu.memory_space<vmem>>) offsets(%dma_start3A_1367 : memref<128xi32, #tpu.memory_space<vmem>>) semaphore(%arg23 : memref<!tpu.dma_semaphore, #tpu.memory_space<semaphore_mem>>)
        %dma_start3A_1370 = arith.constant 4 : i32
        %dma_start3A_1371 = arith.constant 4 : i32
        %dma_start3A_1372 = arith.constant 0 : i32
        %dma_start3A_1373 = tpu.memref_slice %arg19[%dma_start3A_1371, %dma_start3A_1372] : memref<32x128xf32, #tpu.memory_space<vmem>> -> memref<1x128xf32, #tpu.memory_space<vmem>>
        %dma_start3A_1374 = tpu.memref_squeeze %dma_start3A_1373 : memref<1x128xf32, #tpu.memory_space<vmem>> -> memref<128xf32, #tpu.memory_space<vmem>>
        %dma_start3A_1375 = arith.constant 0 : i32
        %dma_start3A_1376 = tpu.memref_slice %arg17[%dma_start3A_1370, %dma_start3A_1375] : memref<32x128xi32, #tpu.memory_space<vmem>> -> memref<1x128xi32, #tpu.memory_space<vmem>>
        %dma_start3A_1377 = tpu.memref_squeeze %dma_start3A_1376 : memref<1x128xi32, #tpu.memory_space<vmem>> -> memref<128xi32, #tpu.memory_space<vmem>>
        %dma_start3A_1378 = arith.constant 0 : i32
        %dma_start3A_1379 = tpu.memref_slice %arg6[%dma_start3A_1378] : memref<33554432xf32, #tpu.memory_space<hbm>> -> memref<33554432xf32, #tpu.memory_space<hbm>>
        tpu.enqueue_indirect_dma source(%dma_start3A_1379 : memref<33554432xf32, #tpu.memory_space<hbm>>) target(%dma_start3A_1374 : memref<128xf32, #tpu.memory_space<vmem>>) offsets(%dma_start3A_1377 : memref<128xi32, #tpu.memory_space<vmem>>) semaphore(%arg23 : memref<!tpu.dma_semaphore, #tpu.memory_space<semaphore_mem>>)
        %dma_start3A_1380 = arith.constant 5 : i32
        %dma_start3A_1381 = arith.constant 5 : i32
        %dma_start3A_1382 = arith.constant 0 : i32
        %dma_start3A_1383 = tpu.memref_slice %arg19[%dma_start3A_1381, %dma_start3A_1382] : memref<32x128xf32, #tpu.memory_space<vmem>> -> memref<1x128xf32, #tpu.memory_space<vmem>>
        %dma_start3A_1384 = tpu.memref_squeeze %dma_start3A_1383 : memref<1x128xf32, #tpu.memory_space<vmem>> -> memref<128xf32, #tpu.memory_space<vmem>>
        %dma_start3A_1385 = arith.constant 0 : i32
        %dma_start3A_1386 = tpu.memref_slice %arg17[%dma_start3A_1380, %dma_start3A_1385] : memref<32x128xi32, #tpu.memory_space<vmem>> -> memref<1x128xi32, #tpu.memory_space<vmem>>
        %dma_start3A_1387 = tpu.memref_squeeze %dma_start3A_1386 : memref<1x128xi32, #tpu.memory_space<vmem>> -> memref<128xi32, #tpu.memory_space<vmem>>
        %dma_start3A_1388 = arith.constant 0 : i32
        %dma_start3A_1389 = tpu.memref_slice %arg6[%dma_start3A_1388] : memref<33554432xf32, #tpu.memory_space<hbm>> -> memref<33554432xf32, #tpu.memory_space<hbm>>
        tpu.enqueue_indirect_dma source(%dma_start3A_1389 : memref<33554432xf32, #tpu.memory_space<hbm>>) target(%dma_start3A_1384 : memref<128xf32, #tpu.memory_space<vmem>>) offsets(%dma_start3A_1387 : memref<128xi32, #tpu.memory_space<vmem>>) semaphore(%arg23 : memref<!tpu.dma_semaphore, #tpu.memory_space<semaphore_mem>>)
        %dma_start3A_1390 = arith.constant 6 : i32
        %dma_start3A_1391 = arith.constant 6 : i32
        %dma_start3A_1392 = arith.constant 0 : i32
        %dma_start3A_1393 = tpu.memref_slice %arg19[%dma_start3A_1391, %dma_start3A_1392] : memref<32x128xf32, #tpu.memory_space<vmem>> -> memref<1x128xf32, #tpu.memory_space<vmem>>
        %dma_start3A_1394 = tpu.memref_squeeze %dma_start3A_1393 : memref<1x128xf32, #tpu.memory_space<vmem>> -> memref<128xf32, #tpu.memory_space<vmem>>
        %dma_start3A_1395 = arith.constant 0 : i32
        %dma_start3A_1396 = tpu.memref_slice %arg17[%dma_start3A_1390, %dma_start3A_1395] : memref<32x128xi32, #tpu.memory_space<vmem>> -> memref<1x128xi32, #tpu.memory_space<vmem>>
        %dma_start3A_1397 = tpu.memref_squeeze %dma_start3A_1396 : memref<1x128xi32, #tpu.memory_space<vmem>> -> memref<128xi32, #tpu.memory_space<vmem>>
        %dma_start3A_1398 = arith.constant 0 : i32
        %dma_start3A_1399 = tpu.memref_slice %arg6[%dma_start3A_1398] : memref<33554432xf32, #tpu.memory_space<hbm>> -> memref<33554432xf32, #tpu.memory_space<hbm>>
        tpu.enqueue_indirect_dma source(%dma_start3A_1399 : memref<33554432xf32, #tpu.memory_space<hbm>>) target(%dma_start3A_1394 : memref<128xf32, #tpu.memory_space<vmem>>) offsets(%dma_start3A_1397 : memref<128xi32, #tpu.memory_space<vmem>>) semaphore(%arg23 : memref<!tpu.dma_semaphore, #tpu.memory_space<semaphore_mem>>)
        %dma_start3A_1400 = arith.constant 7 : i32
        %dma_start3A_1401 = arith.constant 7 : i32
        %dma_start3A_1402 = arith.constant 0 : i32
        %dma_start3A_1403 = tpu.memref_slice %arg19[%dma_start3A_1401, %dma_start3A_1402] : memref<32x128xf32, #tpu.memory_space<vmem>> -> memref<1x128xf32, #tpu.memory_space<vmem>>
        %dma_start3A_1404 = tpu.memref_squeeze %dma_start3A_1403 : memref<1x128xf32, #tpu.memory_space<vmem>> -> memref<128xf32, #tpu.memory_space<vmem>>
        %dma_start3A_1405 = arith.constant 0 : i32
        %dma_start3A_1406 = tpu.memref_slice %arg17[%dma_start3A_1400, %dma_start3A_1405] : memref<32x128xi32, #tpu.memory_space<vmem>> -> memref<1x128xi32, #tpu.memory_space<vmem>>
        %dma_start3A_1407 = tpu.memref_squeeze %dma_start3A_1406 : memref<1x128xi32, #tpu.memory_space<vmem>> -> memref<128xi32, #tpu.memory_space<vmem>>
        %dma_start3A_1408 = arith.constant 0 : i32
        %dma_start3A_1409 = tpu.memref_slice %arg6[%dma_start3A_1408] : memref<33554432xf32, #tpu.memory_space<hbm>> -> memref<33554432xf32, #tpu.memory_space<hbm>>
        tpu.enqueue_indirect_dma source(%dma_start3A_1409 : memref<33554432xf32, #tpu.memory_space<hbm>>) target(%dma_start3A_1404 : memref<128xf32, #tpu.memory_space<vmem>>) offsets(%dma_start3A_1407 : memref<128xi32, #tpu.memory_space<vmem>>) semaphore(%arg23 : memref<!tpu.dma_semaphore, #tpu.memory_space<semaphore_mem>>)
        %dma_start3A_1410 = arith.constant 8 : i32
        %dma_start3A_1411 = arith.constant 8 : i32
        %dma_start3A_1412 = arith.constant 0 : i32
        %dma_start3A_1413 = tpu.memref_slice %arg19[%dma_start3A_1411, %dma_start3A_1412] : memref<32x128xf32, #tpu.memory_space<vmem>> -> memref<1x128xf32, #tpu.memory_space<vmem>>
        %dma_start3A_1414 = tpu.memref_squeeze %dma_start3A_1413 : memref<1x128xf32, #tpu.memory_space<vmem>> -> memref<128xf32, #tpu.memory_space<vmem>>
        %dma_start3A_1415 = arith.constant 0 : i32
        %dma_start3A_1416 = tpu.memref_slice %arg17[%dma_start3A_1410, %dma_start3A_1415] : memref<32x128xi32, #tpu.memory_space<vmem>> -> memref<1x128xi32, #tpu.memory_space<vmem>>
        %dma_start3A_1417 = tpu.memref_squeeze %dma_start3A_1416 : memref<1x128xi32, #tpu.memory_space<vmem>> -> memref<128xi32, #tpu.memory_space<vmem>>
        %dma_start3A_1418 = arith.constant 0 : i32
        %dma_start3A_1419 = tpu.memref_slice %arg6[%dma_start3A_1418] : memref<33554432xf32, #tpu.memory_space<hbm>> -> memref<33554432xf32, #tpu.memory_space<hbm>>
        tpu.enqueue_indirect_dma source(%dma_start3A_1419 : memref<33554432xf32, #tpu.memory_space<hbm>>) target(%dma_start3A_1414 : memref<128xf32, #tpu.memory_space<vmem>>) offsets(%dma_start3A_1417 : memref<128xi32, #tpu.memory_space<vmem>>) semaphore(%arg23 : memref<!tpu.dma_semaphore, #tpu.memory_space<semaphore_mem>>)
        %dma_start3A_1420 = arith.constant 9 : i32
        %dma_start3A_1421 = arith.constant 9 : i32
        %dma_start3A_1422 = arith.constant 0 : i32
        %dma_start3A_1423 = tpu.memref_slice %arg19[%dma_start3A_1421, %dma_start3A_1422] : memref<32x128xf32, #tpu.memory_space<vmem>> -> memref<1x128xf32, #tpu.memory_space<vmem>>
        %dma_start3A_1424 = tpu.memref_squeeze %dma_start3A_1423 : memref<1x128xf32, #tpu.memory_space<vmem>> -> memref<128xf32, #tpu.memory_space<vmem>>
        %dma_start3A_1425 = arith.constant 0 : i32
        %dma_start3A_1426 = tpu.memref_slice %arg17[%dma_start3A_1420, %dma_start3A_1425] : memref<32x128xi32, #tpu.memory_space<vmem>> -> memref<1x128xi32, #tpu.memory_space<vmem>>
        %dma_start3A_1427 = tpu.memref_squeeze %dma_start3A_1426 : memref<1x128xi32, #tpu.memory_space<vmem>> -> memref<128xi32, #tpu.memory_space<vmem>>
        %dma_start3A_1428 = arith.constant 0 : i32
        %dma_start3A_1429 = tpu.memref_slice %arg6[%dma_start3A_1428] : memref<33554432xf32, #tpu.memory_space<hbm>> -> memref<33554432xf32, #tpu.memory_space<hbm>>
        tpu.enqueue_indirect_dma source(%dma_start3A_1429 : memref<33554432xf32, #tpu.memory_space<hbm>>) target(%dma_start3A_1424 : memref<128xf32, #tpu.memory_space<vmem>>) offsets(%dma_start3A_1427 : memref<128xi32, #tpu.memory_space<vmem>>) semaphore(%arg23 : memref<!tpu.dma_semaphore, #tpu.memory_space<semaphore_mem>>)
        %dma_start3A_1430 = arith.constant 10 : i32
        %dma_start3A_1431 = arith.constant 10 : i32
        %dma_start3A_1432 = arith.constant 0 : i32
        %dma_start3A_1433 = tpu.memref_slice %arg19[%dma_start3A_1431, %dma_start3A_1432] : memref<32x128xf32, #tpu.memory_space<vmem>> -> memref<1x128xf32, #tpu.memory_space<vmem>>
        %dma_start3A_1434 = tpu.memref_squeeze %dma_start3A_1433 : memref<1x128xf32, #tpu.memory_space<vmem>> -> memref<128xf32, #tpu.memory_space<vmem>>
        %dma_start3A_1435 = arith.constant 0 : i32
        %dma_start3A_1436 = tpu.memref_slice %arg17[%dma_start3A_1430, %dma_start3A_1435] : memref<32x128xi32, #tpu.memory_space<vmem>> -> memref<1x128xi32, #tpu.memory_space<vmem>>
        %dma_start3A_1437 = tpu.memref_squeeze %dma_start3A_1436 : memref<1x128xi32, #tpu.memory_space<vmem>> -> memref<128xi32, #tpu.memory_space<vmem>>
        %dma_start3A_1438 = arith.constant 0 : i32
        %dma_start3A_1439 = tpu.memref_slice %arg6[%dma_start3A_1438] : memref<33554432xf32, #tpu.memory_space<hbm>> -> memref<33554432xf32, #tpu.memory_space<hbm>>
        tpu.enqueue_indirect_dma source(%dma_start3A_1439 : memref<33554432xf32, #tpu.memory_space<hbm>>) target(%dma_start3A_1434 : memref<128xf32, #tpu.memory_space<vmem>>) offsets(%dma_start3A_1437 : memref<128xi32, #tpu.memory_space<vmem>>) semaphore(%arg23 : memref<!tpu.dma_semaphore, #tpu.memory_space<semaphore_mem>>)
        %dma_start3A_1440 = arith.constant 11 : i32
        %dma_start3A_1441 = arith.constant 11 : i32
        %dma_start3A_1442 = arith.constant 0 : i32
        %dma_start3A_1443 = tpu.memref_slice %arg19[%dma_start3A_1441, %dma_start3A_1442] : memref<32x128xf32, #tpu.memory_space<vmem>> -> memref<1x128xf32, #tpu.memory_space<vmem>>
        %dma_start3A_1444 = tpu.memref_squeeze %dma_start3A_1443 : memref<1x128xf32, #tpu.memory_space<vmem>> -> memref<128xf32, #tpu.memory_space<vmem>>
        %dma_start3A_1445 = arith.constant 0 : i32
        %dma_start3A_1446 = tpu.memref_slice %arg17[%dma_start3A_1440, %dma_start3A_1445] : memref<32x128xi32, #tpu.memory_space<vmem>> -> memref<1x128xi32, #tpu.memory_space<vmem>>
        %dma_start3A_1447 = tpu.memref_squeeze %dma_start3A_1446 : memref<1x128xi32, #tpu.memory_space<vmem>> -> memref<128xi32, #tpu.memory_space<vmem>>
        %dma_start3A_1448 = arith.constant 0 : i32
        %dma_start3A_1449 = tpu.memref_slice %arg6[%dma_start3A_1448] : memref<33554432xf32, #tpu.memory_space<hbm>> -> memref<33554432xf32, #tpu.memory_space<hbm>>
        tpu.enqueue_indirect_dma source(%dma_start3A_1449 : memref<33554432xf32, #tpu.memory_space<hbm>>) target(%dma_start3A_1444 : memref<128xf32, #tpu.memory_space<vmem>>) offsets(%dma_start3A_1447 : memref<128xi32, #tpu.memory_space<vmem>>) semaphore(%arg23 : memref<!tpu.dma_semaphore, #tpu.memory_space<semaphore_mem>>)
        %dma_start3A_1450 = arith.constant 12 : i32
        %dma_start3A_1451 = arith.constant 12 : i32
        %dma_start3A_1452 = arith.constant 0 : i32
        %dma_start3A_1453 = tpu.memref_slice %arg19[%dma_start3A_1451, %dma_start3A_1452] : memref<32x128xf32, #tpu.memory_space<vmem>> -> memref<1x128xf32, #tpu.memory_space<vmem>>
        %dma_start3A_1454 = tpu.memref_squeeze %dma_start3A_1453 : memref<1x128xf32, #tpu.memory_space<vmem>> -> memref<128xf32, #tpu.memory_space<vmem>>
        %dma_start3A_1455 = arith.constant 0 : i32
        %dma_start3A_1456 = tpu.memref_slice %arg17[%dma_start3A_1450, %dma_start3A_1455] : memref<32x128xi32, #tpu.memory_space<vmem>> -> memref<1x128xi32, #tpu.memory_space<vmem>>
        %dma_start3A_1457 = tpu.memref_squeeze %dma_start3A_1456 : memref<1x128xi32, #tpu.memory_space<vmem>> -> memref<128xi32, #tpu.memory_space<vmem>>
        %dma_start3A_1458 = arith.constant 0 : i32
        %dma_start3A_1459 = tpu.memref_slice %arg6[%dma_start3A_1458] : memref<33554432xf32, #tpu.memory_space<hbm>> -> memref<33554432xf32, #tpu.memory_space<hbm>>
        tpu.enqueue_indirect_dma source(%dma_start3A_1459 : memref<33554432xf32, #tpu.memory_space<hbm>>) target(%dma_start3A_1454 : memref<128xf32, #tpu.memory_space<vmem>>) offsets(%dma_start3A_1457 : memref<128xi32, #tpu.memory_space<vmem>>) semaphore(%arg23 : memref<!tpu.dma_semaphore, #tpu.memory_space<semaphore_mem>>)
        %dma_start3A_1460 = arith.constant 13 : i32
        %dma_start3A_1461 = arith.constant 13 : i32
        %dma_start3A_1462 = arith.constant 0 : i32
        %dma_start3A_1463 = tpu.memref_slice %arg19[%dma_start3A_1461, %dma_start3A_1462] : memref<32x128xf32, #tpu.memory_space<vmem>> -> memref<1x128xf32, #tpu.memory_space<vmem>>
        %dma_start3A_1464 = tpu.memref_squeeze %dma_start3A_1463 : memref<1x128xf32, #tpu.memory_space<vmem>> -> memref<128xf32, #tpu.memory_space<vmem>>
        %dma_start3A_1465 = arith.constant 0 : i32
        %dma_start3A_1466 = tpu.memref_slice %arg17[%dma_start3A_1460, %dma_start3A_1465] : memref<32x128xi32, #tpu.memory_space<vmem>> -> memref<1x128xi32, #tpu.memory_space<vmem>>
        %dma_start3A_1467 = tpu.memref_squeeze %dma_start3A_1466 : memref<1x128xi32, #tpu.memory_space<vmem>> -> memref<128xi32, #tpu.memory_space<vmem>>
        %dma_start3A_1468 = arith.constant 0 : i32
        %dma_start3A_1469 = tpu.memref_slice %arg6[%dma_start3A_1468] : memref<33554432xf32, #tpu.memory_space<hbm>> -> memref<33554432xf32, #tpu.memory_space<hbm>>
        tpu.enqueue_indirect_dma source(%dma_start3A_1469 : memref<33554432xf32, #tpu.memory_space<hbm>>) target(%dma_start3A_1464 : memref<128xf32, #tpu.memory_space<vmem>>) offsets(%dma_start3A_1467 : memref<128xi32, #tpu.memory_space<vmem>>) semaphore(%arg23 : memref<!tpu.dma_semaphore, #tpu.memory_space<semaphore_mem>>)
        %dma_start3A_1470 = arith.constant 14 : i32
        %dma_start3A_1471 = arith.constant 14 : i32
        %dma_start3A_1472 = arith.constant 0 : i32
        %dma_start3A_1473 = tpu.memref_slice %arg19[%dma_start3A_1471, %dma_start3A_1472] : memref<32x128xf32, #tpu.memory_space<vmem>> -> memref<1x128xf32, #tpu.memory_space<vmem>>
        %dma_start3A_1474 = tpu.memref_squeeze %dma_start3A_1473 : memref<1x128xf32, #tpu.memory_space<vmem>> -> memref<128xf32, #tpu.memory_space<vmem>>
        %dma_start3A_1475 = arith.constant 0 : i32
        %dma_start3A_1476 = tpu.memref_slice %arg17[%dma_start3A_1470, %dma_start3A_1475] : memref<32x128xi32, #tpu.memory_space<vmem>> -> memref<1x128xi32, #tpu.memory_space<vmem>>
        %dma_start3A_1477 = tpu.memref_squeeze %dma_start3A_1476 : memref<1x128xi32, #tpu.memory_space<vmem>> -> memref<128xi32, #tpu.memory_space<vmem>>
        %dma_start3A_1478 = arith.constant 0 : i32
        %dma_start3A_1479 = tpu.memref_slice %arg6[%dma_start3A_1478] : memref<33554432xf32, #tpu.memory_space<hbm>> -> memref<33554432xf32, #tpu.memory_space<hbm>>
        tpu.enqueue_indirect_dma source(%dma_start3A_1479 : memref<33554432xf32, #tpu.memory_space<hbm>>) target(%dma_start3A_1474 : memref<128xf32, #tpu.memory_space<vmem>>) offsets(%dma_start3A_1477 : memref<128xi32, #tpu.memory_space<vmem>>) semaphore(%arg23 : memref<!tpu.dma_semaphore, #tpu.memory_space<semaphore_mem>>)
        %dma_start3A_1480 = arith.constant 15 : i32
        %dma_start3A_1481 = arith.constant 15 : i32
        %dma_start3A_1482 = arith.constant 0 : i32
        %dma_start3A_1483 = tpu.memref_slice %arg19[%dma_start3A_1481, %dma_start3A_1482] : memref<32x128xf32, #tpu.memory_space<vmem>> -> memref<1x128xf32, #tpu.memory_space<vmem>>
        %dma_start3A_1484 = tpu.memref_squeeze %dma_start3A_1483 : memref<1x128xf32, #tpu.memory_space<vmem>> -> memref<128xf32, #tpu.memory_space<vmem>>
        %dma_start3A_1485 = arith.constant 0 : i32
        %dma_start3A_1486 = tpu.memref_slice %arg17[%dma_start3A_1480, %dma_start3A_1485] : memref<32x128xi32, #tpu.memory_space<vmem>> -> memref<1x128xi32, #tpu.memory_space<vmem>>
        %dma_start3A_1487 = tpu.memref_squeeze %dma_start3A_1486 : memref<1x128xi32, #tpu.memory_space<vmem>> -> memref<128xi32, #tpu.memory_space<vmem>>
        %dma_start3A_1488 = arith.constant 0 : i32
        %dma_start3A_1489 = tpu.memref_slice %arg6[%dma_start3A_1488] : memref<33554432xf32, #tpu.memory_space<hbm>> -> memref<33554432xf32, #tpu.memory_space<hbm>>
        tpu.enqueue_indirect_dma source(%dma_start3A_1489 : memref<33554432xf32, #tpu.memory_space<hbm>>) target(%dma_start3A_1484 : memref<128xf32, #tpu.memory_space<vmem>>) offsets(%dma_start3A_1487 : memref<128xi32, #tpu.memory_space<vmem>>) semaphore(%arg23 : memref<!tpu.dma_semaphore, #tpu.memory_space<semaphore_mem>>)
        %dma_start3A_1490 = arith.constant 16 : i32
        %dma_start3A_1491 = arith.constant 16 : i32
        %dma_start3A_1492 = arith.constant 0 : i32
        %dma_start3A_1493 = tpu.memref_slice %arg19[%dma_start3A_1491, %dma_start3A_1492] : memref<32x128xf32, #tpu.memory_space<vmem>> -> memref<1x128xf32, #tpu.memory_space<vmem>>
        %dma_start3A_1494 = tpu.memref_squeeze %dma_start3A_1493 : memref<1x128xf32, #tpu.memory_space<vmem>> -> memref<128xf32, #tpu.memory_space<vmem>>
        %dma_start3A_1495 = arith.constant 0 : i32
        %dma_start3A_1496 = tpu.memref_slice %arg17[%dma_start3A_1490, %dma_start3A_1495] : memref<32x128xi32, #tpu.memory_space<vmem>> -> memref<1x128xi32, #tpu.memory_space<vmem>>
        %dma_start3A_1497 = tpu.memref_squeeze %dma_start3A_1496 : memref<1x128xi32, #tpu.memory_space<vmem>> -> memref<128xi32, #tpu.memory_space<vmem>>
        %dma_start3A_1498 = arith.constant 0 : i32
        %dma_start3A_1499 = tpu.memref_slice %arg6[%dma_start3A_1498] : memref<33554432xf32, #tpu.memory_space<hbm>> -> memref<33554432xf32, #tpu.memory_space<hbm>>
        tpu.enqueue_indirect_dma source(%dma_start3A_1499 : memref<33554432xf32, #tpu.memory_space<hbm>>) target(%dma_start3A_1494 : memref<128xf32, #tpu.memory_space<vmem>>) offsets(%dma_start3A_1497 : memref<128xi32, #tpu.memory_space<vmem>>) semaphore(%arg23 : memref<!tpu.dma_semaphore, #tpu.memory_space<semaphore_mem>>)
        %dma_start3A_1500 = arith.constant 17 : i32
        %dma_start3A_1501 = arith.constant 17 : i32
        %dma_start3A_1502 = arith.constant 0 : i32
        %dma_start3A_1503 = tpu.memref_slice %arg19[%dma_start3A_1501, %dma_start3A_1502] : memref<32x128xf32, #tpu.memory_space<vmem>> -> memref<1x128xf32, #tpu.memory_space<vmem>>
        %dma_start3A_1504 = tpu.memref_squeeze %dma_start3A_1503 : memref<1x128xf32, #tpu.memory_space<vmem>> -> memref<128xf32, #tpu.memory_space<vmem>>
        %dma_start3A_1505 = arith.constant 0 : i32
        %dma_start3A_1506 = tpu.memref_slice %arg17[%dma_start3A_1500, %dma_start3A_1505] : memref<32x128xi32, #tpu.memory_space<vmem>> -> memref<1x128xi32, #tpu.memory_space<vmem>>
        %dma_start3A_1507 = tpu.memref_squeeze %dma_start3A_1506 : memref<1x128xi32, #tpu.memory_space<vmem>> -> memref<128xi32, #tpu.memory_space<vmem>>
        %dma_start3A_1508 = arith.constant 0 : i32
        %dma_start3A_1509 = tpu.memref_slice %arg6[%dma_start3A_1508] : memref<33554432xf32, #tpu.memory_space<hbm>> -> memref<33554432xf32, #tpu.memory_space<hbm>>
        tpu.enqueue_indirect_dma source(%dma_start3A_1509 : memref<33554432xf32, #tpu.memory_space<hbm>>) target(%dma_start3A_1504 : memref<128xf32, #tpu.memory_space<vmem>>) offsets(%dma_start3A_1507 : memref<128xi32, #tpu.memory_space<vmem>>) semaphore(%arg23 : memref<!tpu.dma_semaphore, #tpu.memory_space<semaphore_mem>>)
        %dma_start3A_1510 = arith.constant 18 : i32
        %dma_start3A_1511 = arith.constant 18 : i32
        %dma_start3A_1512 = arith.constant 0 : i32
        %dma_start3A_1513 = tpu.memref_slice %arg19[%dma_start3A_1511, %dma_start3A_1512] : memref<32x128xf32, #tpu.memory_space<vmem>> -> memref<1x128xf32, #tpu.memory_space<vmem>>
        %dma_start3A_1514 = tpu.memref_squeeze %dma_start3A_1513 : memref<1x128xf32, #tpu.memory_space<vmem>> -> memref<128xf32, #tpu.memory_space<vmem>>
        %dma_start3A_1515 = arith.constant 0 : i32
        %dma_start3A_1516 = tpu.memref_slice %arg17[%dma_start3A_1510, %dma_start3A_1515] : memref<32x128xi32, #tpu.memory_space<vmem>> -> memref<1x128xi32, #tpu.memory_space<vmem>>
        %dma_start3A_1517 = tpu.memref_squeeze %dma_start3A_1516 : memref<1x128xi32, #tpu.memory_space<vmem>> -> memref<128xi32, #tpu.memory_space<vmem>>
        %dma_start3A_1518 = arith.constant 0 : i32
        %dma_start3A_1519 = tpu.memref_slice %arg6[%dma_start3A_1518] : memref<33554432xf32, #tpu.memory_space<hbm>> -> memref<33554432xf32, #tpu.memory_space<hbm>>
        tpu.enqueue_indirect_dma source(%dma_start3A_1519 : memref<33554432xf32, #tpu.memory_space<hbm>>) target(%dma_start3A_1514 : memref<128xf32, #tpu.memory_space<vmem>>) offsets(%dma_start3A_1517 : memref<128xi32, #tpu.memory_space<vmem>>) semaphore(%arg23 : memref<!tpu.dma_semaphore, #tpu.memory_space<semaphore_mem>>)
        %dma_start3A_1520 = arith.constant 19 : i32
        %dma_start3A_1521 = arith.constant 19 : i32
        %dma_start3A_1522 = arith.constant 0 : i32
        %dma_start3A_1523 = tpu.memref_slice %arg19[%dma_start3A_1521, %dma_start3A_1522] : memref<32x128xf32, #tpu.memory_space<vmem>> -> memref<1x128xf32, #tpu.memory_space<vmem>>
        %dma_start3A_1524 = tpu.memref_squeeze %dma_start3A_1523 : memref<1x128xf32, #tpu.memory_space<vmem>> -> memref<128xf32, #tpu.memory_space<vmem>>
        %dma_start3A_1525 = arith.constant 0 : i32
        %dma_start3A_1526 = tpu.memref_slice %arg17[%dma_start3A_1520, %dma_start3A_1525] : memref<32x128xi32, #tpu.memory_space<vmem>> -> memref<1x128xi32, #tpu.memory_space<vmem>>
        %dma_start3A_1527 = tpu.memref_squeeze %dma_start3A_1526 : memref<1x128xi32, #tpu.memory_space<vmem>> -> memref<128xi32, #tpu.memory_space<vmem>>
        %dma_start3A_1528 = arith.constant 0 : i32
        %dma_start3A_1529 = tpu.memref_slice %arg6[%dma_start3A_1528] : memref<33554432xf32, #tpu.memory_space<hbm>> -> memref<33554432xf32, #tpu.memory_space<hbm>>
        tpu.enqueue_indirect_dma source(%dma_start3A_1529 : memref<33554432xf32, #tpu.memory_space<hbm>>) target(%dma_start3A_1524 : memref<128xf32, #tpu.memory_space<vmem>>) offsets(%dma_start3A_1527 : memref<128xi32, #tpu.memory_space<vmem>>) semaphore(%arg23 : memref<!tpu.dma_semaphore, #tpu.memory_space<semaphore_mem>>)
        %dma_start3A_1530 = arith.constant 20 : i32
        %dma_start3A_1531 = arith.constant 20 : i32
        %dma_start3A_1532 = arith.constant 0 : i32
        %dma_start3A_1533 = tpu.memref_slice %arg19[%dma_start3A_1531, %dma_start3A_1532] : memref<32x128xf32, #tpu.memory_space<vmem>> -> memref<1x128xf32, #tpu.memory_space<vmem>>
        %dma_start3A_1534 = tpu.memref_squeeze %dma_start3A_1533 : memref<1x128xf32, #tpu.memory_space<vmem>> -> memref<128xf32, #tpu.memory_space<vmem>>
        %dma_start3A_1535 = arith.constant 0 : i32
        %dma_start3A_1536 = tpu.memref_slice %arg17[%dma_start3A_1530, %dma_start3A_1535] : memref<32x128xi32, #tpu.memory_space<vmem>> -> memref<1x128xi32, #tpu.memory_space<vmem>>
        %dma_start3A_1537 = tpu.memref_squeeze %dma_start3A_1536 : memref<1x128xi32, #tpu.memory_space<vmem>> -> memref<128xi32, #tpu.memory_space<vmem>>
        %dma_start3A_1538 = arith.constant 0 : i32
        %dma_start3A_1539 = tpu.memref_slice %arg6[%dma_start3A_1538] : memref<33554432xf32, #tpu.memory_space<hbm>> -> memref<33554432xf32, #tpu.memory_space<hbm>>
        tpu.enqueue_indirect_dma source(%dma_start3A_1539 : memref<33554432xf32, #tpu.memory_space<hbm>>) target(%dma_start3A_1534 : memref<128xf32, #tpu.memory_space<vmem>>) offsets(%dma_start3A_1537 : memref<128xi32, #tpu.memory_space<vmem>>) semaphore(%arg23 : memref<!tpu.dma_semaphore, #tpu.memory_space<semaphore_mem>>)
        %dma_start3A_1540 = arith.constant 21 : i32
        %dma_start3A_1541 = arith.constant 21 : i32
        %dma_start3A_1542 = arith.constant 0 : i32
        %dma_start3A_1543 = tpu.memref_slice %arg19[%dma_start3A_1541, %dma_start3A_1542] : memref<32x128xf32, #tpu.memory_space<vmem>> -> memref<1x128xf32, #tpu.memory_space<vmem>>
        %dma_start3A_1544 = tpu.memref_squeeze %dma_start3A_1543 : memref<1x128xf32, #tpu.memory_space<vmem>> -> memref<128xf32, #tpu.memory_space<vmem>>
        %dma_start3A_1545 = arith.constant 0 : i32
        %dma_start3A_1546 = tpu.memref_slice %arg17[%dma_start3A_1540, %dma_start3A_1545] : memref<32x128xi32, #tpu.memory_space<vmem>> -> memref<1x128xi32, #tpu.memory_space<vmem>>
        %dma_start3A_1547 = tpu.memref_squeeze %dma_start3A_1546 : memref<1x128xi32, #tpu.memory_space<vmem>> -> memref<128xi32, #tpu.memory_space<vmem>>
        %dma_start3A_1548 = arith.constant 0 : i32
        %dma_start3A_1549 = tpu.memref_slice %arg6[%dma_start3A_1548] : memref<33554432xf32, #tpu.memory_space<hbm>> -> memref<33554432xf32, #tpu.memory_space<hbm>>
        tpu.enqueue_indirect_dma source(%dma_start3A_1549 : memref<33554432xf32, #tpu.memory_space<hbm>>) target(%dma_start3A_1544 : memref<128xf32, #tpu.memory_space<vmem>>) offsets(%dma_start3A_1547 : memref<128xi32, #tpu.memory_space<vmem>>) semaphore(%arg23 : memref<!tpu.dma_semaphore, #tpu.memory_space<semaphore_mem>>)
        %dma_start3A_1550 = arith.constant 22 : i32
        %dma_start3A_1551 = arith.constant 22 : i32
        %dma_start3A_1552 = arith.constant 0 : i32
        %dma_start3A_1553 = tpu.memref_slice %arg19[%dma_start3A_1551, %dma_start3A_1552] : memref<32x128xf32, #tpu.memory_space<vmem>> -> memref<1x128xf32, #tpu.memory_space<vmem>>
        %dma_start3A_1554 = tpu.memref_squeeze %dma_start3A_1553 : memref<1x128xf32, #tpu.memory_space<vmem>> -> memref<128xf32, #tpu.memory_space<vmem>>
        %dma_start3A_1555 = arith.constant 0 : i32
        %dma_start3A_1556 = tpu.memref_slice %arg17[%dma_start3A_1550, %dma_start3A_1555] : memref<32x128xi32, #tpu.memory_space<vmem>> -> memref<1x128xi32, #tpu.memory_space<vmem>>
        %dma_start3A_1557 = tpu.memref_squeeze %dma_start3A_1556 : memref<1x128xi32, #tpu.memory_space<vmem>> -> memref<128xi32, #tpu.memory_space<vmem>>
        %dma_start3A_1558 = arith.constant 0 : i32
        %dma_start3A_1559 = tpu.memref_slice %arg6[%dma_start3A_1558] : memref<33554432xf32, #tpu.memory_space<hbm>> -> memref<33554432xf32, #tpu.memory_space<hbm>>
        tpu.enqueue_indirect_dma source(%dma_start3A_1559 : memref<33554432xf32, #tpu.memory_space<hbm>>) target(%dma_start3A_1554 : memref<128xf32, #tpu.memory_space<vmem>>) offsets(%dma_start3A_1557 : memref<128xi32, #tpu.memory_space<vmem>>) semaphore(%arg23 : memref<!tpu.dma_semaphore, #tpu.memory_space<semaphore_mem>>)
        %dma_start3A_1560 = arith.constant 23 : i32
        %dma_start3A_1561 = arith.constant 23 : i32
        %dma_start3A_1562 = arith.constant 0 : i32
        %dma_start3A_1563 = tpu.memref_slice %arg19[%dma_start3A_1561, %dma_start3A_1562] : memref<32x128xf32, #tpu.memory_space<vmem>> -> memref<1x128xf32, #tpu.memory_space<vmem>>
        %dma_start3A_1564 = tpu.memref_squeeze %dma_start3A_1563 : memref<1x128xf32, #tpu.memory_space<vmem>> -> memref<128xf32, #tpu.memory_space<vmem>>
        %dma_start3A_1565 = arith.constant 0 : i32
        %dma_start3A_1566 = tpu.memref_slice %arg17[%dma_start3A_1560, %dma_start3A_1565] : memref<32x128xi32, #tpu.memory_space<vmem>> -> memref<1x128xi32, #tpu.memory_space<vmem>>
        %dma_start3A_1567 = tpu.memref_squeeze %dma_start3A_1566 : memref<1x128xi32, #tpu.memory_space<vmem>> -> memref<128xi32, #tpu.memory_space<vmem>>
        %dma_start3A_1568 = arith.constant 0 : i32
        %dma_start3A_1569 = tpu.memref_slice %arg6[%dma_start3A_1568] : memref<33554432xf32, #tpu.memory_space<hbm>> -> memref<33554432xf32, #tpu.memory_space<hbm>>
        tpu.enqueue_indirect_dma source(%dma_start3A_1569 : memref<33554432xf32, #tpu.memory_space<hbm>>) target(%dma_start3A_1564 : memref<128xf32, #tpu.memory_space<vmem>>) offsets(%dma_start3A_1567 : memref<128xi32, #tpu.memory_space<vmem>>) semaphore(%arg23 : memref<!tpu.dma_semaphore, #tpu.memory_space<semaphore_mem>>)
        %dma_start3A_1570 = arith.constant 24 : i32
        %dma_start3A_1571 = arith.constant 24 : i32
        %dma_start3A_1572 = arith.constant 0 : i32
        %dma_start3A_1573 = tpu.memref_slice %arg19[%dma_start3A_1571, %dma_start3A_1572] : memref<32x128xf32, #tpu.memory_space<vmem>> -> memref<1x128xf32, #tpu.memory_space<vmem>>
        %dma_start3A_1574 = tpu.memref_squeeze %dma_start3A_1573 : memref<1x128xf32, #tpu.memory_space<vmem>> -> memref<128xf32, #tpu.memory_space<vmem>>
        %dma_start3A_1575 = arith.constant 0 : i32
        %dma_start3A_1576 = tpu.memref_slice %arg17[%dma_start3A_1570, %dma_start3A_1575] : memref<32x128xi32, #tpu.memory_space<vmem>> -> memref<1x128xi32, #tpu.memory_space<vmem>>
        %dma_start3A_1577 = tpu.memref_squeeze %dma_start3A_1576 : memref<1x128xi32, #tpu.memory_space<vmem>> -> memref<128xi32, #tpu.memory_space<vmem>>
        %dma_start3A_1578 = arith.constant 0 : i32
        %dma_start3A_1579 = tpu.memref_slice %arg6[%dma_start3A_1578] : memref<33554432xf32, #tpu.memory_space<hbm>> -> memref<33554432xf32, #tpu.memory_space<hbm>>
        tpu.enqueue_indirect_dma source(%dma_start3A_1579 : memref<33554432xf32, #tpu.memory_space<hbm>>) target(%dma_start3A_1574 : memref<128xf32, #tpu.memory_space<vmem>>) offsets(%dma_start3A_1577 : memref<128xi32, #tpu.memory_space<vmem>>) semaphore(%arg23 : memref<!tpu.dma_semaphore, #tpu.memory_space<semaphore_mem>>)
        %dma_start3A_1580 = arith.constant 25 : i32
        %dma_start3A_1581 = arith.constant 25 : i32
        %dma_start3A_1582 = arith.constant 0 : i32
        %dma_start3A_1583 = tpu.memref_slice %arg19[%dma_start3A_1581, %dma_start3A_1582] : memref<32x128xf32, #tpu.memory_space<vmem>> -> memref<1x128xf32, #tpu.memory_space<vmem>>
        %dma_start3A_1584 = tpu.memref_squeeze %dma_start3A_1583 : memref<1x128xf32, #tpu.memory_space<vmem>> -> memref<128xf32, #tpu.memory_space<vmem>>
        %dma_start3A_1585 = arith.constant 0 : i32
        %dma_start3A_1586 = tpu.memref_slice %arg17[%dma_start3A_1580, %dma_start3A_1585] : memref<32x128xi32, #tpu.memory_space<vmem>> -> memref<1x128xi32, #tpu.memory_space<vmem>>
        %dma_start3A_1587 = tpu.memref_squeeze %dma_start3A_1586 : memref<1x128xi32, #tpu.memory_space<vmem>> -> memref<128xi32, #tpu.memory_space<vmem>>
        %dma_start3A_1588 = arith.constant 0 : i32
        %dma_start3A_1589 = tpu.memref_slice %arg6[%dma_start3A_1588] : memref<33554432xf32, #tpu.memory_space<hbm>> -> memref<33554432xf32, #tpu.memory_space<hbm>>
        tpu.enqueue_indirect_dma source(%dma_start3A_1589 : memref<33554432xf32, #tpu.memory_space<hbm>>) target(%dma_start3A_1584 : memref<128xf32, #tpu.memory_space<vmem>>) offsets(%dma_start3A_1587 : memref<128xi32, #tpu.memory_space<vmem>>) semaphore(%arg23 : memref<!tpu.dma_semaphore, #tpu.memory_space<semaphore_mem>>)
        %dma_start3A_1590 = arith.constant 26 : i32
        %dma_start3A_1591 = arith.constant 26 : i32
        %dma_start3A_1592 = arith.constant 0 : i32
        %dma_start3A_1593 = tpu.memref_slice %arg19[%dma_start3A_1591, %dma_start3A_1592] : memref<32x128xf32, #tpu.memory_space<vmem>> -> memref<1x128xf32, #tpu.memory_space<vmem>>
        %dma_start3A_1594 = tpu.memref_squeeze %dma_start3A_1593 : memref<1x128xf32, #tpu.memory_space<vmem>> -> memref<128xf32, #tpu.memory_space<vmem>>
        %dma_start3A_1595 = arith.constant 0 : i32
        %dma_start3A_1596 = tpu.memref_slice %arg17[%dma_start3A_1590, %dma_start3A_1595] : memref<32x128xi32, #tpu.memory_space<vmem>> -> memref<1x128xi32, #tpu.memory_space<vmem>>
        %dma_start3A_1597 = tpu.memref_squeeze %dma_start3A_1596 : memref<1x128xi32, #tpu.memory_space<vmem>> -> memref<128xi32, #tpu.memory_space<vmem>>
        %dma_start3A_1598 = arith.constant 0 : i32
        %dma_start3A_1599 = tpu.memref_slice %arg6[%dma_start3A_1598] : memref<33554432xf32, #tpu.memory_space<hbm>> -> memref<33554432xf32, #tpu.memory_space<hbm>>
        tpu.enqueue_indirect_dma source(%dma_start3A_1599 : memref<33554432xf32, #tpu.memory_space<hbm>>) target(%dma_start3A_1594 : memref<128xf32, #tpu.memory_space<vmem>>) offsets(%dma_start3A_1597 : memref<128xi32, #tpu.memory_space<vmem>>) semaphore(%arg23 : memref<!tpu.dma_semaphore, #tpu.memory_space<semaphore_mem>>)
        %dma_start3A_1600 = arith.constant 27 : i32
        %dma_start3A_1601 = arith.constant 27 : i32
        %dma_start3A_1602 = arith.constant 0 : i32
        %dma_start3A_1603 = tpu.memref_slice %arg19[%dma_start3A_1601, %dma_start3A_1602] : memref<32x128xf32, #tpu.memory_space<vmem>> -> memref<1x128xf32, #tpu.memory_space<vmem>>
        %dma_start3A_1604 = tpu.memref_squeeze %dma_start3A_1603 : memref<1x128xf32, #tpu.memory_space<vmem>> -> memref<128xf32, #tpu.memory_space<vmem>>
        %dma_start3A_1605 = arith.constant 0 : i32
        %dma_start3A_1606 = tpu.memref_slice %arg17[%dma_start3A_1600, %dma_start3A_1605] : memref<32x128xi32, #tpu.memory_space<vmem>> -> memref<1x128xi32, #tpu.memory_space<vmem>>
        %dma_start3A_1607 = tpu.memref_squeeze %dma_start3A_1606 : memref<1x128xi32, #tpu.memory_space<vmem>> -> memref<128xi32, #tpu.memory_space<vmem>>
        %dma_start3A_1608 = arith.constant 0 : i32
        %dma_start3A_1609 = tpu.memref_slice %arg6[%dma_start3A_1608] : memref<33554432xf32, #tpu.memory_space<hbm>> -> memref<33554432xf32, #tpu.memory_space<hbm>>
        tpu.enqueue_indirect_dma source(%dma_start3A_1609 : memref<33554432xf32, #tpu.memory_space<hbm>>) target(%dma_start3A_1604 : memref<128xf32, #tpu.memory_space<vmem>>) offsets(%dma_start3A_1607 : memref<128xi32, #tpu.memory_space<vmem>>) semaphore(%arg23 : memref<!tpu.dma_semaphore, #tpu.memory_space<semaphore_mem>>)
        %dma_start3A_1610 = arith.constant 28 : i32
        %dma_start3A_1611 = arith.constant 28 : i32
        %dma_start3A_1612 = arith.constant 0 : i32
        %dma_start3A_1613 = tpu.memref_slice %arg19[%dma_start3A_1611, %dma_start3A_1612] : memref<32x128xf32, #tpu.memory_space<vmem>> -> memref<1x128xf32, #tpu.memory_space<vmem>>
        %dma_start3A_1614 = tpu.memref_squeeze %dma_start3A_1613 : memref<1x128xf32, #tpu.memory_space<vmem>> -> memref<128xf32, #tpu.memory_space<vmem>>
        %dma_start3A_1615 = arith.constant 0 : i32
        %dma_start3A_1616 = tpu.memref_slice %arg17[%dma_start3A_1610, %dma_start3A_1615] : memref<32x128xi32, #tpu.memory_space<vmem>> -> memref<1x128xi32, #tpu.memory_space<vmem>>
        %dma_start3A_1617 = tpu.memref_squeeze %dma_start3A_1616 : memref<1x128xi32, #tpu.memory_space<vmem>> -> memref<128xi32, #tpu.memory_space<vmem>>
        %dma_start3A_1618 = arith.constant 0 : i32
        %dma_start3A_1619 = tpu.memref_slice %arg6[%dma_start3A_1618] : memref<33554432xf32, #tpu.memory_space<hbm>> -> memref<33554432xf32, #tpu.memory_space<hbm>>
        tpu.enqueue_indirect_dma source(%dma_start3A_1619 : memref<33554432xf32, #tpu.memory_space<hbm>>) target(%dma_start3A_1614 : memref<128xf32, #tpu.memory_space<vmem>>) offsets(%dma_start3A_1617 : memref<128xi32, #tpu.memory_space<vmem>>) semaphore(%arg23 : memref<!tpu.dma_semaphore, #tpu.memory_space<semaphore_mem>>)
        %dma_start3A_1620 = arith.constant 29 : i32
        %dma_start3A_1621 = arith.constant 29 : i32
        %dma_start3A_1622 = arith.constant 0 : i32
        %dma_start3A_1623 = tpu.memref_slice %arg19[%dma_start3A_1621, %dma_start3A_1622] : memref<32x128xf32, #tpu.memory_space<vmem>> -> memref<1x128xf32, #tpu.memory_space<vmem>>
        %dma_start3A_1624 = tpu.memref_squeeze %dma_start3A_1623 : memref<1x128xf32, #tpu.memory_space<vmem>> -> memref<128xf32, #tpu.memory_space<vmem>>
        %dma_start3A_1625 = arith.constant 0 : i32
        %dma_start3A_1626 = tpu.memref_slice %arg17[%dma_start3A_1620, %dma_start3A_1625] : memref<32x128xi32, #tpu.memory_space<vmem>> -> memref<1x128xi32, #tpu.memory_space<vmem>>
        %dma_start3A_1627 = tpu.memref_squeeze %dma_start3A_1626 : memref<1x128xi32, #tpu.memory_space<vmem>> -> memref<128xi32, #tpu.memory_space<vmem>>
        %dma_start3A_1628 = arith.constant 0 : i32
        %dma_start3A_1629 = tpu.memref_slice %arg6[%dma_start3A_1628] : memref<33554432xf32, #tpu.memory_space<hbm>> -> memref<33554432xf32, #tpu.memory_space<hbm>>
        tpu.enqueue_indirect_dma source(%dma_start3A_1629 : memref<33554432xf32, #tpu.memory_space<hbm>>) target(%dma_start3A_1624 : memref<128xf32, #tpu.memory_space<vmem>>) offsets(%dma_start3A_1627 : memref<128xi32, #tpu.memory_space<vmem>>) semaphore(%arg23 : memref<!tpu.dma_semaphore, #tpu.memory_space<semaphore_mem>>)
        %dma_start3A_1630 = arith.constant 30 : i32
        %dma_start3A_1631 = arith.constant 30 : i32
        %dma_start3A_1632 = arith.constant 0 : i32
        %dma_start3A_1633 = tpu.memref_slice %arg19[%dma_start3A_1631, %dma_start3A_1632] : memref<32x128xf32, #tpu.memory_space<vmem>> -> memref<1x128xf32, #tpu.memory_space<vmem>>
        %dma_start3A_1634 = tpu.memref_squeeze %dma_start3A_1633 : memref<1x128xf32, #tpu.memory_space<vmem>> -> memref<128xf32, #tpu.memory_space<vmem>>
        %dma_start3A_1635 = arith.constant 0 : i32
        %dma_start3A_1636 = tpu.memref_slice %arg17[%dma_start3A_1630, %dma_start3A_1635] : memref<32x128xi32, #tpu.memory_space<vmem>> -> memref<1x128xi32, #tpu.memory_space<vmem>>
        %dma_start3A_1637 = tpu.memref_squeeze %dma_start3A_1636 : memref<1x128xi32, #tpu.memory_space<vmem>> -> memref<128xi32, #tpu.memory_space<vmem>>
        %dma_start3A_1638 = arith.constant 0 : i32
        %dma_start3A_1639 = tpu.memref_slice %arg6[%dma_start3A_1638] : memref<33554432xf32, #tpu.memory_space<hbm>> -> memref<33554432xf32, #tpu.memory_space<hbm>>
        tpu.enqueue_indirect_dma source(%dma_start3A_1639 : memref<33554432xf32, #tpu.memory_space<hbm>>) target(%dma_start3A_1634 : memref<128xf32, #tpu.memory_space<vmem>>) offsets(%dma_start3A_1637 : memref<128xi32, #tpu.memory_space<vmem>>) semaphore(%arg23 : memref<!tpu.dma_semaphore, #tpu.memory_space<semaphore_mem>>)
        %dma_start3A_1640 = arith.constant 31 : i32
        %dma_start3A_1641 = arith.constant 31 : i32
        %dma_start3A_1642 = arith.constant 0 : i32
        %dma_start3A_1643 = tpu.memref_slice %arg19[%dma_start3A_1641, %dma_start3A_1642] : memref<32x128xf32, #tpu.memory_space<vmem>> -> memref<1x128xf32, #tpu.memory_space<vmem>>
        %dma_start3A_1644 = tpu.memref_squeeze %dma_start3A_1643 : memref<1x128xf32, #tpu.memory_space<vmem>> -> memref<128xf32, #tpu.memory_space<vmem>>
        %dma_start3A_1645 = arith.constant 0 : i32
        %dma_start3A_1646 = tpu.memref_slice %arg17[%dma_start3A_1640, %dma_start3A_1645] : memref<32x128xi32, #tpu.memory_space<vmem>> -> memref<1x128xi32, #tpu.memory_space<vmem>>
        %dma_start3A_1647 = tpu.memref_squeeze %dma_start3A_1646 : memref<1x128xi32, #tpu.memory_space<vmem>> -> memref<128xi32, #tpu.memory_space<vmem>>
        %dma_start3A_1648 = arith.constant 0 : i32
        %dma_start3A_1649 = tpu.memref_slice %arg6[%dma_start3A_1648] : memref<33554432xf32, #tpu.memory_space<hbm>> -> memref<33554432xf32, #tpu.memory_space<hbm>>
        tpu.enqueue_indirect_dma source(%dma_start3A_1649 : memref<33554432xf32, #tpu.memory_space<hbm>>) target(%dma_start3A_1644 : memref<128xf32, #tpu.memory_space<vmem>>) offsets(%dma_start3A_1647 : memref<128xi32, #tpu.memory_space<vmem>>) semaphore(%arg23 : memref<!tpu.dma_semaphore, #tpu.memory_space<semaphore_mem>>)
      } else {
      }
      %dma_wait3A_994 = arith.constant 0 : i32
      %dma_wait3A_995 = arith.constant 0 : i32
      %dma_wait3A_996 = arith.constant 0 : i32
      %dma_wait3A_997 = tpu.memref_slice %arg20[%dma_wait3A_995, %dma_wait3A_996] : memref<32x128xf32, #tpu.memory_space<vmem>> -> memref<1x128xf32, #tpu.memory_space<vmem>>
      %dma_wait3A_998 = tpu.memref_squeeze %dma_wait3A_997 : memref<1x128xf32, #tpu.memory_space<vmem>> -> memref<128xf32, #tpu.memory_space<vmem>>
      %dma_wait3A_999 = arith.constant 0 : i32
      %dma_wait3A_1000 = tpu.memref_slice %arg18[%dma_wait3A_994, %dma_wait3A_999] : memref<32x128xi32, #tpu.memory_space<vmem>> -> memref<1x128xi32, #tpu.memory_space<vmem>>
      %dma_wait3A_1001 = tpu.memref_squeeze %dma_wait3A_1000 : memref<1x128xi32, #tpu.memory_space<vmem>> -> memref<128xi32, #tpu.memory_space<vmem>>
      %dma_wait3A_1002 = arith.constant 0 : i32
      %dma_wait3A_1003 = tpu.memref_slice %arg6[%dma_wait3A_1002] : memref<33554432xf32, #tpu.memory_space<hbm>> -> memref<33554432xf32, #tpu.memory_space<hbm>>
      tpu.wait_indirect_dma semaphore(%arg24 : memref<!tpu.dma_semaphore, #tpu.memory_space<semaphore_mem>>) src(%dma_wait3A_1003 : memref<33554432xf32, #tpu.memory_space<hbm>>) dst(%dma_wait3A_998 : memref<128xf32, #tpu.memory_space<vmem>>)
      %dma_wait3A_1004 = arith.constant 1 : i32
      %dma_wait3A_1005 = arith.constant 1 : i32
      %dma_wait3A_1006 = arith.constant 0 : i32
      %dma_wait3A_1007 = tpu.memref_slice %arg20[%dma_wait3A_1005, %dma_wait3A_1006] : memref<32x128xf32, #tpu.memory_space<vmem>> -> memref<1x128xf32, #tpu.memory_space<vmem>>
      %dma_wait3A_1008 = tpu.memref_squeeze %dma_wait3A_1007 : memref<1x128xf32, #tpu.memory_space<vmem>> -> memref<128xf32, #tpu.memory_space<vmem>>
      %dma_wait3A_1009 = arith.constant 0 : i32
      %dma_wait3A_1010 = tpu.memref_slice %arg18[%dma_wait3A_1004, %dma_wait3A_1009] : memref<32x128xi32, #tpu.memory_space<vmem>> -> memref<1x128xi32, #tpu.memory_space<vmem>>
      %dma_wait3A_1011 = tpu.memref_squeeze %dma_wait3A_1010 : memref<1x128xi32, #tpu.memory_space<vmem>> -> memref<128xi32, #tpu.memory_space<vmem>>
      %dma_wait3A_1012 = arith.constant 0 : i32
      %dma_wait3A_1013 = tpu.memref_slice %arg6[%dma_wait3A_1012] : memref<33554432xf32, #tpu.memory_space<hbm>> -> memref<33554432xf32, #tpu.memory_space<hbm>>
      tpu.wait_indirect_dma semaphore(%arg24 : memref<!tpu.dma_semaphore, #tpu.memory_space<semaphore_mem>>) src(%dma_wait3A_1013 : memref<33554432xf32, #tpu.memory_space<hbm>>) dst(%dma_wait3A_1008 : memref<128xf32, #tpu.memory_space<vmem>>)
      %dma_wait3A_1014 = arith.constant 2 : i32
      %dma_wait3A_1015 = arith.constant 2 : i32
      %dma_wait3A_1016 = arith.constant 0 : i32
      %dma_wait3A_1017 = tpu.memref_slice %arg20[%dma_wait3A_1015, %dma_wait3A_1016] : memref<32x128xf32, #tpu.memory_space<vmem>> -> memref<1x128xf32, #tpu.memory_space<vmem>>
      %dma_wait3A_1018 = tpu.memref_squeeze %dma_wait3A_1017 : memref<1x128xf32, #tpu.memory_space<vmem>> -> memref<128xf32, #tpu.memory_space<vmem>>
      %dma_wait3A_1019 = arith.constant 0 : i32
      %dma_wait3A_1020 = tpu.memref_slice %arg18[%dma_wait3A_1014, %dma_wait3A_1019] : memref<32x128xi32, #tpu.memory_space<vmem>> -> memref<1x128xi32, #tpu.memory_space<vmem>>
      %dma_wait3A_1021 = tpu.memref_squeeze %dma_wait3A_1020 : memref<1x128xi32, #tpu.memory_space<vmem>> -> memref<128xi32, #tpu.memory_space<vmem>>
      %dma_wait3A_1022 = arith.constant 0 : i32
      %dma_wait3A_1023 = tpu.memref_slice %arg6[%dma_wait3A_1022] : memref<33554432xf32, #tpu.memory_space<hbm>> -> memref<33554432xf32, #tpu.memory_space<hbm>>
      tpu.wait_indirect_dma semaphore(%arg24 : memref<!tpu.dma_semaphore, #tpu.memory_space<semaphore_mem>>) src(%dma_wait3A_1023 : memref<33554432xf32, #tpu.memory_space<hbm>>) dst(%dma_wait3A_1018 : memref<128xf32, #tpu.memory_space<vmem>>)
      %dma_wait3A_1024 = arith.constant 3 : i32
      %dma_wait3A_1025 = arith.constant 3 : i32
      %dma_wait3A_1026 = arith.constant 0 : i32
      %dma_wait3A_1027 = tpu.memref_slice %arg20[%dma_wait3A_1025, %dma_wait3A_1026] : memref<32x128xf32, #tpu.memory_space<vmem>> -> memref<1x128xf32, #tpu.memory_space<vmem>>
      %dma_wait3A_1028 = tpu.memref_squeeze %dma_wait3A_1027 : memref<1x128xf32, #tpu.memory_space<vmem>> -> memref<128xf32, #tpu.memory_space<vmem>>
      %dma_wait3A_1029 = arith.constant 0 : i32
      %dma_wait3A_1030 = tpu.memref_slice %arg18[%dma_wait3A_1024, %dma_wait3A_1029] : memref<32x128xi32, #tpu.memory_space<vmem>> -> memref<1x128xi32, #tpu.memory_space<vmem>>
      %dma_wait3A_1031 = tpu.memref_squeeze %dma_wait3A_1030 : memref<1x128xi32, #tpu.memory_space<vmem>> -> memref<128xi32, #tpu.memory_space<vmem>>
      %dma_wait3A_1032 = arith.constant 0 : i32
      %dma_wait3A_1033 = tpu.memref_slice %arg6[%dma_wait3A_1032] : memref<33554432xf32, #tpu.memory_space<hbm>> -> memref<33554432xf32, #tpu.memory_space<hbm>>
      tpu.wait_indirect_dma semaphore(%arg24 : memref<!tpu.dma_semaphore, #tpu.memory_space<semaphore_mem>>) src(%dma_wait3A_1033 : memref<33554432xf32, #tpu.memory_space<hbm>>) dst(%dma_wait3A_1028 : memref<128xf32, #tpu.memory_space<vmem>>)
      %dma_wait3A_1034 = arith.constant 4 : i32
      %dma_wait3A_1035 = arith.constant 4 : i32
      %dma_wait3A_1036 = arith.constant 0 : i32
      %dma_wait3A_1037 = tpu.memref_slice %arg20[%dma_wait3A_1035, %dma_wait3A_1036] : memref<32x128xf32, #tpu.memory_space<vmem>> -> memref<1x128xf32, #tpu.memory_space<vmem>>
      %dma_wait3A_1038 = tpu.memref_squeeze %dma_wait3A_1037 : memref<1x128xf32, #tpu.memory_space<vmem>> -> memref<128xf32, #tpu.memory_space<vmem>>
      %dma_wait3A_1039 = arith.constant 0 : i32
      %dma_wait3A_1040 = tpu.memref_slice %arg18[%dma_wait3A_1034, %dma_wait3A_1039] : memref<32x128xi32, #tpu.memory_space<vmem>> -> memref<1x128xi32, #tpu.memory_space<vmem>>
      %dma_wait3A_1041 = tpu.memref_squeeze %dma_wait3A_1040 : memref<1x128xi32, #tpu.memory_space<vmem>> -> memref<128xi32, #tpu.memory_space<vmem>>
      %dma_wait3A_1042 = arith.constant 0 : i32
      %dma_wait3A_1043 = tpu.memref_slice %arg6[%dma_wait3A_1042] : memref<33554432xf32, #tpu.memory_space<hbm>> -> memref<33554432xf32, #tpu.memory_space<hbm>>
      tpu.wait_indirect_dma semaphore(%arg24 : memref<!tpu.dma_semaphore, #tpu.memory_space<semaphore_mem>>) src(%dma_wait3A_1043 : memref<33554432xf32, #tpu.memory_space<hbm>>) dst(%dma_wait3A_1038 : memref<128xf32, #tpu.memory_space<vmem>>)
      %dma_wait3A_1044 = arith.constant 5 : i32
      %dma_wait3A_1045 = arith.constant 5 : i32
      %dma_wait3A_1046 = arith.constant 0 : i32
      %dma_wait3A_1047 = tpu.memref_slice %arg20[%dma_wait3A_1045, %dma_wait3A_1046] : memref<32x128xf32, #tpu.memory_space<vmem>> -> memref<1x128xf32, #tpu.memory_space<vmem>>
      %dma_wait3A_1048 = tpu.memref_squeeze %dma_wait3A_1047 : memref<1x128xf32, #tpu.memory_space<vmem>> -> memref<128xf32, #tpu.memory_space<vmem>>
      %dma_wait3A_1049 = arith.constant 0 : i32
      %dma_wait3A_1050 = tpu.memref_slice %arg18[%dma_wait3A_1044, %dma_wait3A_1049] : memref<32x128xi32, #tpu.memory_space<vmem>> -> memref<1x128xi32, #tpu.memory_space<vmem>>
      %dma_wait3A_1051 = tpu.memref_squeeze %dma_wait3A_1050 : memref<1x128xi32, #tpu.memory_space<vmem>> -> memref<128xi32, #tpu.memory_space<vmem>>
      %dma_wait3A_1052 = arith.constant 0 : i32
      %dma_wait3A_1053 = tpu.memref_slice %arg6[%dma_wait3A_1052] : memref<33554432xf32, #tpu.memory_space<hbm>> -> memref<33554432xf32, #tpu.memory_space<hbm>>
      tpu.wait_indirect_dma semaphore(%arg24 : memref<!tpu.dma_semaphore, #tpu.memory_space<semaphore_mem>>) src(%dma_wait3A_1053 : memref<33554432xf32, #tpu.memory_space<hbm>>) dst(%dma_wait3A_1048 : memref<128xf32, #tpu.memory_space<vmem>>)
      %dma_wait3A_1054 = arith.constant 6 : i32
      %dma_wait3A_1055 = arith.constant 6 : i32
      %dma_wait3A_1056 = arith.constant 0 : i32
      %dma_wait3A_1057 = tpu.memref_slice %arg20[%dma_wait3A_1055, %dma_wait3A_1056] : memref<32x128xf32, #tpu.memory_space<vmem>> -> memref<1x128xf32, #tpu.memory_space<vmem>>
      %dma_wait3A_1058 = tpu.memref_squeeze %dma_wait3A_1057 : memref<1x128xf32, #tpu.memory_space<vmem>> -> memref<128xf32, #tpu.memory_space<vmem>>
      %dma_wait3A_1059 = arith.constant 0 : i32
      %dma_wait3A_1060 = tpu.memref_slice %arg18[%dma_wait3A_1054, %dma_wait3A_1059] : memref<32x128xi32, #tpu.memory_space<vmem>> -> memref<1x128xi32, #tpu.memory_space<vmem>>
      %dma_wait3A_1061 = tpu.memref_squeeze %dma_wait3A_1060 : memref<1x128xi32, #tpu.memory_space<vmem>> -> memref<128xi32, #tpu.memory_space<vmem>>
      %dma_wait3A_1062 = arith.constant 0 : i32
      %dma_wait3A_1063 = tpu.memref_slice %arg6[%dma_wait3A_1062] : memref<33554432xf32, #tpu.memory_space<hbm>> -> memref<33554432xf32, #tpu.memory_space<hbm>>
      tpu.wait_indirect_dma semaphore(%arg24 : memref<!tpu.dma_semaphore, #tpu.memory_space<semaphore_mem>>) src(%dma_wait3A_1063 : memref<33554432xf32, #tpu.memory_space<hbm>>) dst(%dma_wait3A_1058 : memref<128xf32, #tpu.memory_space<vmem>>)
      %dma_wait3A_1064 = arith.constant 7 : i32
      %dma_wait3A_1065 = arith.constant 7 : i32
      %dma_wait3A_1066 = arith.constant 0 : i32
      %dma_wait3A_1067 = tpu.memref_slice %arg20[%dma_wait3A_1065, %dma_wait3A_1066] : memref<32x128xf32, #tpu.memory_space<vmem>> -> memref<1x128xf32, #tpu.memory_space<vmem>>
      %dma_wait3A_1068 = tpu.memref_squeeze %dma_wait3A_1067 : memref<1x128xf32, #tpu.memory_space<vmem>> -> memref<128xf32, #tpu.memory_space<vmem>>
      %dma_wait3A_1069 = arith.constant 0 : i32
      %dma_wait3A_1070 = tpu.memref_slice %arg18[%dma_wait3A_1064, %dma_wait3A_1069] : memref<32x128xi32, #tpu.memory_space<vmem>> -> memref<1x128xi32, #tpu.memory_space<vmem>>
      %dma_wait3A_1071 = tpu.memref_squeeze %dma_wait3A_1070 : memref<1x128xi32, #tpu.memory_space<vmem>> -> memref<128xi32, #tpu.memory_space<vmem>>
      %dma_wait3A_1072 = arith.constant 0 : i32
      %dma_wait3A_1073 = tpu.memref_slice %arg6[%dma_wait3A_1072] : memref<33554432xf32, #tpu.memory_space<hbm>> -> memref<33554432xf32, #tpu.memory_space<hbm>>
      tpu.wait_indirect_dma semaphore(%arg24 : memref<!tpu.dma_semaphore, #tpu.memory_space<semaphore_mem>>) src(%dma_wait3A_1073 : memref<33554432xf32, #tpu.memory_space<hbm>>) dst(%dma_wait3A_1068 : memref<128xf32, #tpu.memory_space<vmem>>)
      %dma_wait3A_1074 = arith.constant 8 : i32
      %dma_wait3A_1075 = arith.constant 8 : i32
      %dma_wait3A_1076 = arith.constant 0 : i32
      %dma_wait3A_1077 = tpu.memref_slice %arg20[%dma_wait3A_1075, %dma_wait3A_1076] : memref<32x128xf32, #tpu.memory_space<vmem>> -> memref<1x128xf32, #tpu.memory_space<vmem>>
      %dma_wait3A_1078 = tpu.memref_squeeze %dma_wait3A_1077 : memref<1x128xf32, #tpu.memory_space<vmem>> -> memref<128xf32, #tpu.memory_space<vmem>>
      %dma_wait3A_1079 = arith.constant 0 : i32
      %dma_wait3A_1080 = tpu.memref_slice %arg18[%dma_wait3A_1074, %dma_wait3A_1079] : memref<32x128xi32, #tpu.memory_space<vmem>> -> memref<1x128xi32, #tpu.memory_space<vmem>>
      %dma_wait3A_1081 = tpu.memref_squeeze %dma_wait3A_1080 : memref<1x128xi32, #tpu.memory_space<vmem>> -> memref<128xi32, #tpu.memory_space<vmem>>
      %dma_wait3A_1082 = arith.constant 0 : i32
      %dma_wait3A_1083 = tpu.memref_slice %arg6[%dma_wait3A_1082] : memref<33554432xf32, #tpu.memory_space<hbm>> -> memref<33554432xf32, #tpu.memory_space<hbm>>
      tpu.wait_indirect_dma semaphore(%arg24 : memref<!tpu.dma_semaphore, #tpu.memory_space<semaphore_mem>>) src(%dma_wait3A_1083 : memref<33554432xf32, #tpu.memory_space<hbm>>) dst(%dma_wait3A_1078 : memref<128xf32, #tpu.memory_space<vmem>>)
      %dma_wait3A_1084 = arith.constant 9 : i32
      %dma_wait3A_1085 = arith.constant 9 : i32
      %dma_wait3A_1086 = arith.constant 0 : i32
      %dma_wait3A_1087 = tpu.memref_slice %arg20[%dma_wait3A_1085, %dma_wait3A_1086] : memref<32x128xf32, #tpu.memory_space<vmem>> -> memref<1x128xf32, #tpu.memory_space<vmem>>
      %dma_wait3A_1088 = tpu.memref_squeeze %dma_wait3A_1087 : memref<1x128xf32, #tpu.memory_space<vmem>> -> memref<128xf32, #tpu.memory_space<vmem>>
      %dma_wait3A_1089 = arith.constant 0 : i32
      %dma_wait3A_1090 = tpu.memref_slice %arg18[%dma_wait3A_1084, %dma_wait3A_1089] : memref<32x128xi32, #tpu.memory_space<vmem>> -> memref<1x128xi32, #tpu.memory_space<vmem>>
      %dma_wait3A_1091 = tpu.memref_squeeze %dma_wait3A_1090 : memref<1x128xi32, #tpu.memory_space<vmem>> -> memref<128xi32, #tpu.memory_space<vmem>>
      %dma_wait3A_1092 = arith.constant 0 : i32
      %dma_wait3A_1093 = tpu.memref_slice %arg6[%dma_wait3A_1092] : memref<33554432xf32, #tpu.memory_space<hbm>> -> memref<33554432xf32, #tpu.memory_space<hbm>>
      tpu.wait_indirect_dma semaphore(%arg24 : memref<!tpu.dma_semaphore, #tpu.memory_space<semaphore_mem>>) src(%dma_wait3A_1093 : memref<33554432xf32, #tpu.memory_space<hbm>>) dst(%dma_wait3A_1088 : memref<128xf32, #tpu.memory_space<vmem>>)
      %dma_wait3A_1094 = arith.constant 10 : i32
      %dma_wait3A_1095 = arith.constant 10 : i32
      %dma_wait3A_1096 = arith.constant 0 : i32
      %dma_wait3A_1097 = tpu.memref_slice %arg20[%dma_wait3A_1095, %dma_wait3A_1096] : memref<32x128xf32, #tpu.memory_space<vmem>> -> memref<1x128xf32, #tpu.memory_space<vmem>>
      %dma_wait3A_1098 = tpu.memref_squeeze %dma_wait3A_1097 : memref<1x128xf32, #tpu.memory_space<vmem>> -> memref<128xf32, #tpu.memory_space<vmem>>
      %dma_wait3A_1099 = arith.constant 0 : i32
      %dma_wait3A_1100 = tpu.memref_slice %arg18[%dma_wait3A_1094, %dma_wait3A_1099] : memref<32x128xi32, #tpu.memory_space<vmem>> -> memref<1x128xi32, #tpu.memory_space<vmem>>
      %dma_wait3A_1101 = tpu.memref_squeeze %dma_wait3A_1100 : memref<1x128xi32, #tpu.memory_space<vmem>> -> memref<128xi32, #tpu.memory_space<vmem>>
      %dma_wait3A_1102 = arith.constant 0 : i32
      %dma_wait3A_1103 = tpu.memref_slice %arg6[%dma_wait3A_1102] : memref<33554432xf32, #tpu.memory_space<hbm>> -> memref<33554432xf32, #tpu.memory_space<hbm>>
      tpu.wait_indirect_dma semaphore(%arg24 : memref<!tpu.dma_semaphore, #tpu.memory_space<semaphore_mem>>) src(%dma_wait3A_1103 : memref<33554432xf32, #tpu.memory_space<hbm>>) dst(%dma_wait3A_1098 : memref<128xf32, #tpu.memory_space<vmem>>)
      %dma_wait3A_1104 = arith.constant 11 : i32
      %dma_wait3A_1105 = arith.constant 11 : i32
      %dma_wait3A_1106 = arith.constant 0 : i32
      %dma_wait3A_1107 = tpu.memref_slice %arg20[%dma_wait3A_1105, %dma_wait3A_1106] : memref<32x128xf32, #tpu.memory_space<vmem>> -> memref<1x128xf32, #tpu.memory_space<vmem>>
      %dma_wait3A_1108 = tpu.memref_squeeze %dma_wait3A_1107 : memref<1x128xf32, #tpu.memory_space<vmem>> -> memref<128xf32, #tpu.memory_space<vmem>>
      %dma_wait3A_1109 = arith.constant 0 : i32
      %dma_wait3A_1110 = tpu.memref_slice %arg18[%dma_wait3A_1104, %dma_wait3A_1109] : memref<32x128xi32, #tpu.memory_space<vmem>> -> memref<1x128xi32, #tpu.memory_space<vmem>>
      %dma_wait3A_1111 = tpu.memref_squeeze %dma_wait3A_1110 : memref<1x128xi32, #tpu.memory_space<vmem>> -> memref<128xi32, #tpu.memory_space<vmem>>
      %dma_wait3A_1112 = arith.constant 0 : i32
      %dma_wait3A_1113 = tpu.memref_slice %arg6[%dma_wait3A_1112] : memref<33554432xf32, #tpu.memory_space<hbm>> -> memref<33554432xf32, #tpu.memory_space<hbm>>
      tpu.wait_indirect_dma semaphore(%arg24 : memref<!tpu.dma_semaphore, #tpu.memory_space<semaphore_mem>>) src(%dma_wait3A_1113 : memref<33554432xf32, #tpu.memory_space<hbm>>) dst(%dma_wait3A_1108 : memref<128xf32, #tpu.memory_space<vmem>>)
      %dma_wait3A_1114 = arith.constant 12 : i32
      %dma_wait3A_1115 = arith.constant 12 : i32
      %dma_wait3A_1116 = arith.constant 0 : i32
      %dma_wait3A_1117 = tpu.memref_slice %arg20[%dma_wait3A_1115, %dma_wait3A_1116] : memref<32x128xf32, #tpu.memory_space<vmem>> -> memref<1x128xf32, #tpu.memory_space<vmem>>
      %dma_wait3A_1118 = tpu.memref_squeeze %dma_wait3A_1117 : memref<1x128xf32, #tpu.memory_space<vmem>> -> memref<128xf32, #tpu.memory_space<vmem>>
      %dma_wait3A_1119 = arith.constant 0 : i32
      %dma_wait3A_1120 = tpu.memref_slice %arg18[%dma_wait3A_1114, %dma_wait3A_1119] : memref<32x128xi32, #tpu.memory_space<vmem>> -> memref<1x128xi32, #tpu.memory_space<vmem>>
      %dma_wait3A_1121 = tpu.memref_squeeze %dma_wait3A_1120 : memref<1x128xi32, #tpu.memory_space<vmem>> -> memref<128xi32, #tpu.memory_space<vmem>>
      %dma_wait3A_1122 = arith.constant 0 : i32
      %dma_wait3A_1123 = tpu.memref_slice %arg6[%dma_wait3A_1122] : memref<33554432xf32, #tpu.memory_space<hbm>> -> memref<33554432xf32, #tpu.memory_space<hbm>>
      tpu.wait_indirect_dma semaphore(%arg24 : memref<!tpu.dma_semaphore, #tpu.memory_space<semaphore_mem>>) src(%dma_wait3A_1123 : memref<33554432xf32, #tpu.memory_space<hbm>>) dst(%dma_wait3A_1118 : memref<128xf32, #tpu.memory_space<vmem>>)
      %dma_wait3A_1124 = arith.constant 13 : i32
      %dma_wait3A_1125 = arith.constant 13 : i32
      %dma_wait3A_1126 = arith.constant 0 : i32
      %dma_wait3A_1127 = tpu.memref_slice %arg20[%dma_wait3A_1125, %dma_wait3A_1126] : memref<32x128xf32, #tpu.memory_space<vmem>> -> memref<1x128xf32, #tpu.memory_space<vmem>>
      %dma_wait3A_1128 = tpu.memref_squeeze %dma_wait3A_1127 : memref<1x128xf32, #tpu.memory_space<vmem>> -> memref<128xf32, #tpu.memory_space<vmem>>
      %dma_wait3A_1129 = arith.constant 0 : i32
      %dma_wait3A_1130 = tpu.memref_slice %arg18[%dma_wait3A_1124, %dma_wait3A_1129] : memref<32x128xi32, #tpu.memory_space<vmem>> -> memref<1x128xi32, #tpu.memory_space<vmem>>
      %dma_wait3A_1131 = tpu.memref_squeeze %dma_wait3A_1130 : memref<1x128xi32, #tpu.memory_space<vmem>> -> memref<128xi32, #tpu.memory_space<vmem>>
      %dma_wait3A_1132 = arith.constant 0 : i32
      %dma_wait3A_1133 = tpu.memref_slice %arg6[%dma_wait3A_1132] : memref<33554432xf32, #tpu.memory_space<hbm>> -> memref<33554432xf32, #tpu.memory_space<hbm>>
      tpu.wait_indirect_dma semaphore(%arg24 : memref<!tpu.dma_semaphore, #tpu.memory_space<semaphore_mem>>) src(%dma_wait3A_1133 : memref<33554432xf32, #tpu.memory_space<hbm>>) dst(%dma_wait3A_1128 : memref<128xf32, #tpu.memory_space<vmem>>)
      %dma_wait3A_1134 = arith.constant 14 : i32
      %dma_wait3A_1135 = arith.constant 14 : i32
      %dma_wait3A_1136 = arith.constant 0 : i32
      %dma_wait3A_1137 = tpu.memref_slice %arg20[%dma_wait3A_1135, %dma_wait3A_1136] : memref<32x128xf32, #tpu.memory_space<vmem>> -> memref<1x128xf32, #tpu.memory_space<vmem>>
      %dma_wait3A_1138 = tpu.memref_squeeze %dma_wait3A_1137 : memref<1x128xf32, #tpu.memory_space<vmem>> -> memref<128xf32, #tpu.memory_space<vmem>>
      %dma_wait3A_1139 = arith.constant 0 : i32
      %dma_wait3A_1140 = tpu.memref_slice %arg18[%dma_wait3A_1134, %dma_wait3A_1139] : memref<32x128xi32, #tpu.memory_space<vmem>> -> memref<1x128xi32, #tpu.memory_space<vmem>>
      %dma_wait3A_1141 = tpu.memref_squeeze %dma_wait3A_1140 : memref<1x128xi32, #tpu.memory_space<vmem>> -> memref<128xi32, #tpu.memory_space<vmem>>
      %dma_wait3A_1142 = arith.constant 0 : i32
      %dma_wait3A_1143 = tpu.memref_slice %arg6[%dma_wait3A_1142] : memref<33554432xf32, #tpu.memory_space<hbm>> -> memref<33554432xf32, #tpu.memory_space<hbm>>
      tpu.wait_indirect_dma semaphore(%arg24 : memref<!tpu.dma_semaphore, #tpu.memory_space<semaphore_mem>>) src(%dma_wait3A_1143 : memref<33554432xf32, #tpu.memory_space<hbm>>) dst(%dma_wait3A_1138 : memref<128xf32, #tpu.memory_space<vmem>>)
      %dma_wait3A_1144 = arith.constant 15 : i32
      %dma_wait3A_1145 = arith.constant 15 : i32
      %dma_wait3A_1146 = arith.constant 0 : i32
      %dma_wait3A_1147 = tpu.memref_slice %arg20[%dma_wait3A_1145, %dma_wait3A_1146] : memref<32x128xf32, #tpu.memory_space<vmem>> -> memref<1x128xf32, #tpu.memory_space<vmem>>
      %dma_wait3A_1148 = tpu.memref_squeeze %dma_wait3A_1147 : memref<1x128xf32, #tpu.memory_space<vmem>> -> memref<128xf32, #tpu.memory_space<vmem>>
      %dma_wait3A_1149 = arith.constant 0 : i32
      %dma_wait3A_1150 = tpu.memref_slice %arg18[%dma_wait3A_1144, %dma_wait3A_1149] : memref<32x128xi32, #tpu.memory_space<vmem>> -> memref<1x128xi32, #tpu.memory_space<vmem>>
      %dma_wait3A_1151 = tpu.memref_squeeze %dma_wait3A_1150 : memref<1x128xi32, #tpu.memory_space<vmem>> -> memref<128xi32, #tpu.memory_space<vmem>>
      %dma_wait3A_1152 = arith.constant 0 : i32
      %dma_wait3A_1153 = tpu.memref_slice %arg6[%dma_wait3A_1152] : memref<33554432xf32, #tpu.memory_space<hbm>> -> memref<33554432xf32, #tpu.memory_space<hbm>>
      tpu.wait_indirect_dma semaphore(%arg24 : memref<!tpu.dma_semaphore, #tpu.memory_space<semaphore_mem>>) src(%dma_wait3A_1153 : memref<33554432xf32, #tpu.memory_space<hbm>>) dst(%dma_wait3A_1148 : memref<128xf32, #tpu.memory_space<vmem>>)
      %dma_wait3A_1154 = arith.constant 16 : i32
      %dma_wait3A_1155 = arith.constant 16 : i32
      %dma_wait3A_1156 = arith.constant 0 : i32
      %dma_wait3A_1157 = tpu.memref_slice %arg20[%dma_wait3A_1155, %dma_wait3A_1156] : memref<32x128xf32, #tpu.memory_space<vmem>> -> memref<1x128xf32, #tpu.memory_space<vmem>>
      %dma_wait3A_1158 = tpu.memref_squeeze %dma_wait3A_1157 : memref<1x128xf32, #tpu.memory_space<vmem>> -> memref<128xf32, #tpu.memory_space<vmem>>
      %dma_wait3A_1159 = arith.constant 0 : i32
      %dma_wait3A_1160 = tpu.memref_slice %arg18[%dma_wait3A_1154, %dma_wait3A_1159] : memref<32x128xi32, #tpu.memory_space<vmem>> -> memref<1x128xi32, #tpu.memory_space<vmem>>
      %dma_wait3A_1161 = tpu.memref_squeeze %dma_wait3A_1160 : memref<1x128xi32, #tpu.memory_space<vmem>> -> memref<128xi32, #tpu.memory_space<vmem>>
      %dma_wait3A_1162 = arith.constant 0 : i32
      %dma_wait3A_1163 = tpu.memref_slice %arg6[%dma_wait3A_1162] : memref<33554432xf32, #tpu.memory_space<hbm>> -> memref<33554432xf32, #tpu.memory_space<hbm>>
      tpu.wait_indirect_dma semaphore(%arg24 : memref<!tpu.dma_semaphore, #tpu.memory_space<semaphore_mem>>) src(%dma_wait3A_1163 : memref<33554432xf32, #tpu.memory_space<hbm>>) dst(%dma_wait3A_1158 : memref<128xf32, #tpu.memory_space<vmem>>)
      %dma_wait3A_1164 = arith.constant 17 : i32
      %dma_wait3A_1165 = arith.constant 17 : i32
      %dma_wait3A_1166 = arith.constant 0 : i32
      %dma_wait3A_1167 = tpu.memref_slice %arg20[%dma_wait3A_1165, %dma_wait3A_1166] : memref<32x128xf32, #tpu.memory_space<vmem>> -> memref<1x128xf32, #tpu.memory_space<vmem>>
      %dma_wait3A_1168 = tpu.memref_squeeze %dma_wait3A_1167 : memref<1x128xf32, #tpu.memory_space<vmem>> -> memref<128xf32, #tpu.memory_space<vmem>>
      %dma_wait3A_1169 = arith.constant 0 : i32
      %dma_wait3A_1170 = tpu.memref_slice %arg18[%dma_wait3A_1164, %dma_wait3A_1169] : memref<32x128xi32, #tpu.memory_space<vmem>> -> memref<1x128xi32, #tpu.memory_space<vmem>>
      %dma_wait3A_1171 = tpu.memref_squeeze %dma_wait3A_1170 : memref<1x128xi32, #tpu.memory_space<vmem>> -> memref<128xi32, #tpu.memory_space<vmem>>
      %dma_wait3A_1172 = arith.constant 0 : i32
      %dma_wait3A_1173 = tpu.memref_slice %arg6[%dma_wait3A_1172] : memref<33554432xf32, #tpu.memory_space<hbm>> -> memref<33554432xf32, #tpu.memory_space<hbm>>
      tpu.wait_indirect_dma semaphore(%arg24 : memref<!tpu.dma_semaphore, #tpu.memory_space<semaphore_mem>>) src(%dma_wait3A_1173 : memref<33554432xf32, #tpu.memory_space<hbm>>) dst(%dma_wait3A_1168 : memref<128xf32, #tpu.memory_space<vmem>>)
      %dma_wait3A_1174 = arith.constant 18 : i32
      %dma_wait3A_1175 = arith.constant 18 : i32
      %dma_wait3A_1176 = arith.constant 0 : i32
      %dma_wait3A_1177 = tpu.memref_slice %arg20[%dma_wait3A_1175, %dma_wait3A_1176] : memref<32x128xf32, #tpu.memory_space<vmem>> -> memref<1x128xf32, #tpu.memory_space<vmem>>
      %dma_wait3A_1178 = tpu.memref_squeeze %dma_wait3A_1177 : memref<1x128xf32, #tpu.memory_space<vmem>> -> memref<128xf32, #tpu.memory_space<vmem>>
      %dma_wait3A_1179 = arith.constant 0 : i32
      %dma_wait3A_1180 = tpu.memref_slice %arg18[%dma_wait3A_1174, %dma_wait3A_1179] : memref<32x128xi32, #tpu.memory_space<vmem>> -> memref<1x128xi32, #tpu.memory_space<vmem>>
      %dma_wait3A_1181 = tpu.memref_squeeze %dma_wait3A_1180 : memref<1x128xi32, #tpu.memory_space<vmem>> -> memref<128xi32, #tpu.memory_space<vmem>>
      %dma_wait3A_1182 = arith.constant 0 : i32
      %dma_wait3A_1183 = tpu.memref_slice %arg6[%dma_wait3A_1182] : memref<33554432xf32, #tpu.memory_space<hbm>> -> memref<33554432xf32, #tpu.memory_space<hbm>>
      tpu.wait_indirect_dma semaphore(%arg24 : memref<!tpu.dma_semaphore, #tpu.memory_space<semaphore_mem>>) src(%dma_wait3A_1183 : memref<33554432xf32, #tpu.memory_space<hbm>>) dst(%dma_wait3A_1178 : memref<128xf32, #tpu.memory_space<vmem>>)
      %dma_wait3A_1184 = arith.constant 19 : i32
      %dma_wait3A_1185 = arith.constant 19 : i32
      %dma_wait3A_1186 = arith.constant 0 : i32
      %dma_wait3A_1187 = tpu.memref_slice %arg20[%dma_wait3A_1185, %dma_wait3A_1186] : memref<32x128xf32, #tpu.memory_space<vmem>> -> memref<1x128xf32, #tpu.memory_space<vmem>>
      %dma_wait3A_1188 = tpu.memref_squeeze %dma_wait3A_1187 : memref<1x128xf32, #tpu.memory_space<vmem>> -> memref<128xf32, #tpu.memory_space<vmem>>
      %dma_wait3A_1189 = arith.constant 0 : i32
      %dma_wait3A_1190 = tpu.memref_slice %arg18[%dma_wait3A_1184, %dma_wait3A_1189] : memref<32x128xi32, #tpu.memory_space<vmem>> -> memref<1x128xi32, #tpu.memory_space<vmem>>
      %dma_wait3A_1191 = tpu.memref_squeeze %dma_wait3A_1190 : memref<1x128xi32, #tpu.memory_space<vmem>> -> memref<128xi32, #tpu.memory_space<vmem>>
      %dma_wait3A_1192 = arith.constant 0 : i32
      %dma_wait3A_1193 = tpu.memref_slice %arg6[%dma_wait3A_1192] : memref<33554432xf32, #tpu.memory_space<hbm>> -> memref<33554432xf32, #tpu.memory_space<hbm>>
      tpu.wait_indirect_dma semaphore(%arg24 : memref<!tpu.dma_semaphore, #tpu.memory_space<semaphore_mem>>) src(%dma_wait3A_1193 : memref<33554432xf32, #tpu.memory_space<hbm>>) dst(%dma_wait3A_1188 : memref<128xf32, #tpu.memory_space<vmem>>)
      %dma_wait3A_1194 = arith.constant 20 : i32
      %dma_wait3A_1195 = arith.constant 20 : i32
      %dma_wait3A_1196 = arith.constant 0 : i32
      %dma_wait3A_1197 = tpu.memref_slice %arg20[%dma_wait3A_1195, %dma_wait3A_1196] : memref<32x128xf32, #tpu.memory_space<vmem>> -> memref<1x128xf32, #tpu.memory_space<vmem>>
      %dma_wait3A_1198 = tpu.memref_squeeze %dma_wait3A_1197 : memref<1x128xf32, #tpu.memory_space<vmem>> -> memref<128xf32, #tpu.memory_space<vmem>>
      %dma_wait3A_1199 = arith.constant 0 : i32
      %dma_wait3A_1200 = tpu.memref_slice %arg18[%dma_wait3A_1194, %dma_wait3A_1199] : memref<32x128xi32, #tpu.memory_space<vmem>> -> memref<1x128xi32, #tpu.memory_space<vmem>>
      %dma_wait3A_1201 = tpu.memref_squeeze %dma_wait3A_1200 : memref<1x128xi32, #tpu.memory_space<vmem>> -> memref<128xi32, #tpu.memory_space<vmem>>
      %dma_wait3A_1202 = arith.constant 0 : i32
      %dma_wait3A_1203 = tpu.memref_slice %arg6[%dma_wait3A_1202] : memref<33554432xf32, #tpu.memory_space<hbm>> -> memref<33554432xf32, #tpu.memory_space<hbm>>
      tpu.wait_indirect_dma semaphore(%arg24 : memref<!tpu.dma_semaphore, #tpu.memory_space<semaphore_mem>>) src(%dma_wait3A_1203 : memref<33554432xf32, #tpu.memory_space<hbm>>) dst(%dma_wait3A_1198 : memref<128xf32, #tpu.memory_space<vmem>>)
      %dma_wait3A_1204 = arith.constant 21 : i32
      %dma_wait3A_1205 = arith.constant 21 : i32
      %dma_wait3A_1206 = arith.constant 0 : i32
      %dma_wait3A_1207 = tpu.memref_slice %arg20[%dma_wait3A_1205, %dma_wait3A_1206] : memref<32x128xf32, #tpu.memory_space<vmem>> -> memref<1x128xf32, #tpu.memory_space<vmem>>
      %dma_wait3A_1208 = tpu.memref_squeeze %dma_wait3A_1207 : memref<1x128xf32, #tpu.memory_space<vmem>> -> memref<128xf32, #tpu.memory_space<vmem>>
      %dma_wait3A_1209 = arith.constant 0 : i32
      %dma_wait3A_1210 = tpu.memref_slice %arg18[%dma_wait3A_1204, %dma_wait3A_1209] : memref<32x128xi32, #tpu.memory_space<vmem>> -> memref<1x128xi32, #tpu.memory_space<vmem>>
      %dma_wait3A_1211 = tpu.memref_squeeze %dma_wait3A_1210 : memref<1x128xi32, #tpu.memory_space<vmem>> -> memref<128xi32, #tpu.memory_space<vmem>>
      %dma_wait3A_1212 = arith.constant 0 : i32
      %dma_wait3A_1213 = tpu.memref_slice %arg6[%dma_wait3A_1212] : memref<33554432xf32, #tpu.memory_space<hbm>> -> memref<33554432xf32, #tpu.memory_space<hbm>>
      tpu.wait_indirect_dma semaphore(%arg24 : memref<!tpu.dma_semaphore, #tpu.memory_space<semaphore_mem>>) src(%dma_wait3A_1213 : memref<33554432xf32, #tpu.memory_space<hbm>>) dst(%dma_wait3A_1208 : memref<128xf32, #tpu.memory_space<vmem>>)
      %dma_wait3A_1214 = arith.constant 22 : i32
      %dma_wait3A_1215 = arith.constant 22 : i32
      %dma_wait3A_1216 = arith.constant 0 : i32
      %dma_wait3A_1217 = tpu.memref_slice %arg20[%dma_wait3A_1215, %dma_wait3A_1216] : memref<32x128xf32, #tpu.memory_space<vmem>> -> memref<1x128xf32, #tpu.memory_space<vmem>>
      %dma_wait3A_1218 = tpu.memref_squeeze %dma_wait3A_1217 : memref<1x128xf32, #tpu.memory_space<vmem>> -> memref<128xf32, #tpu.memory_space<vmem>>
      %dma_wait3A_1219 = arith.constant 0 : i32
      %dma_wait3A_1220 = tpu.memref_slice %arg18[%dma_wait3A_1214, %dma_wait3A_1219] : memref<32x128xi32, #tpu.memory_space<vmem>> -> memref<1x128xi32, #tpu.memory_space<vmem>>
      %dma_wait3A_1221 = tpu.memref_squeeze %dma_wait3A_1220 : memref<1x128xi32, #tpu.memory_space<vmem>> -> memref<128xi32, #tpu.memory_space<vmem>>
      %dma_wait3A_1222 = arith.constant 0 : i32
      %dma_wait3A_1223 = tpu.memref_slice %arg6[%dma_wait3A_1222] : memref<33554432xf32, #tpu.memory_space<hbm>> -> memref<33554432xf32, #tpu.memory_space<hbm>>
      tpu.wait_indirect_dma semaphore(%arg24 : memref<!tpu.dma_semaphore, #tpu.memory_space<semaphore_mem>>) src(%dma_wait3A_1223 : memref<33554432xf32, #tpu.memory_space<hbm>>) dst(%dma_wait3A_1218 : memref<128xf32, #tpu.memory_space<vmem>>)
      %dma_wait3A_1224 = arith.constant 23 : i32
      %dma_wait3A_1225 = arith.constant 23 : i32
      %dma_wait3A_1226 = arith.constant 0 : i32
      %dma_wait3A_1227 = tpu.memref_slice %arg20[%dma_wait3A_1225, %dma_wait3A_1226] : memref<32x128xf32, #tpu.memory_space<vmem>> -> memref<1x128xf32, #tpu.memory_space<vmem>>
      %dma_wait3A_1228 = tpu.memref_squeeze %dma_wait3A_1227 : memref<1x128xf32, #tpu.memory_space<vmem>> -> memref<128xf32, #tpu.memory_space<vmem>>
      %dma_wait3A_1229 = arith.constant 0 : i32
      %dma_wait3A_1230 = tpu.memref_slice %arg18[%dma_wait3A_1224, %dma_wait3A_1229] : memref<32x128xi32, #tpu.memory_space<vmem>> -> memref<1x128xi32, #tpu.memory_space<vmem>>
      %dma_wait3A_1231 = tpu.memref_squeeze %dma_wait3A_1230 : memref<1x128xi32, #tpu.memory_space<vmem>> -> memref<128xi32, #tpu.memory_space<vmem>>
      %dma_wait3A_1232 = arith.constant 0 : i32
      %dma_wait3A_1233 = tpu.memref_slice %arg6[%dma_wait3A_1232] : memref<33554432xf32, #tpu.memory_space<hbm>> -> memref<33554432xf32, #tpu.memory_space<hbm>>
      tpu.wait_indirect_dma semaphore(%arg24 : memref<!tpu.dma_semaphore, #tpu.memory_space<semaphore_mem>>) src(%dma_wait3A_1233 : memref<33554432xf32, #tpu.memory_space<hbm>>) dst(%dma_wait3A_1228 : memref<128xf32, #tpu.memory_space<vmem>>)
      %dma_wait3A_1234 = arith.constant 24 : i32
      %dma_wait3A_1235 = arith.constant 24 : i32
      %dma_wait3A_1236 = arith.constant 0 : i32
      %dma_wait3A_1237 = tpu.memref_slice %arg20[%dma_wait3A_1235, %dma_wait3A_1236] : memref<32x128xf32, #tpu.memory_space<vmem>> -> memref<1x128xf32, #tpu.memory_space<vmem>>
      %dma_wait3A_1238 = tpu.memref_squeeze %dma_wait3A_1237 : memref<1x128xf32, #tpu.memory_space<vmem>> -> memref<128xf32, #tpu.memory_space<vmem>>
      %dma_wait3A_1239 = arith.constant 0 : i32
      %dma_wait3A_1240 = tpu.memref_slice %arg18[%dma_wait3A_1234, %dma_wait3A_1239] : memref<32x128xi32, #tpu.memory_space<vmem>> -> memref<1x128xi32, #tpu.memory_space<vmem>>
      %dma_wait3A_1241 = tpu.memref_squeeze %dma_wait3A_1240 : memref<1x128xi32, #tpu.memory_space<vmem>> -> memref<128xi32, #tpu.memory_space<vmem>>
      %dma_wait3A_1242 = arith.constant 0 : i32
      %dma_wait3A_1243 = tpu.memref_slice %arg6[%dma_wait3A_1242] : memref<33554432xf32, #tpu.memory_space<hbm>> -> memref<33554432xf32, #tpu.memory_space<hbm>>
      tpu.wait_indirect_dma semaphore(%arg24 : memref<!tpu.dma_semaphore, #tpu.memory_space<semaphore_mem>>) src(%dma_wait3A_1243 : memref<33554432xf32, #tpu.memory_space<hbm>>) dst(%dma_wait3A_1238 : memref<128xf32, #tpu.memory_space<vmem>>)
      %dma_wait3A_1244 = arith.constant 25 : i32
      %dma_wait3A_1245 = arith.constant 25 : i32
      %dma_wait3A_1246 = arith.constant 0 : i32
      %dma_wait3A_1247 = tpu.memref_slice %arg20[%dma_wait3A_1245, %dma_wait3A_1246] : memref<32x128xf32, #tpu.memory_space<vmem>> -> memref<1x128xf32, #tpu.memory_space<vmem>>
      %dma_wait3A_1248 = tpu.memref_squeeze %dma_wait3A_1247 : memref<1x128xf32, #tpu.memory_space<vmem>> -> memref<128xf32, #tpu.memory_space<vmem>>
      %dma_wait3A_1249 = arith.constant 0 : i32
      %dma_wait3A_1250 = tpu.memref_slice %arg18[%dma_wait3A_1244, %dma_wait3A_1249] : memref<32x128xi32, #tpu.memory_space<vmem>> -> memref<1x128xi32, #tpu.memory_space<vmem>>
      %dma_wait3A_1251 = tpu.memref_squeeze %dma_wait3A_1250 : memref<1x128xi32, #tpu.memory_space<vmem>> -> memref<128xi32, #tpu.memory_space<vmem>>
      %dma_wait3A_1252 = arith.constant 0 : i32
      %dma_wait3A_1253 = tpu.memref_slice %arg6[%dma_wait3A_1252] : memref<33554432xf32, #tpu.memory_space<hbm>> -> memref<33554432xf32, #tpu.memory_space<hbm>>
      tpu.wait_indirect_dma semaphore(%arg24 : memref<!tpu.dma_semaphore, #tpu.memory_space<semaphore_mem>>) src(%dma_wait3A_1253 : memref<33554432xf32, #tpu.memory_space<hbm>>) dst(%dma_wait3A_1248 : memref<128xf32, #tpu.memory_space<vmem>>)
      %dma_wait3A_1254 = arith.constant 26 : i32
      %dma_wait3A_1255 = arith.constant 26 : i32
      %dma_wait3A_1256 = arith.constant 0 : i32
      %dma_wait3A_1257 = tpu.memref_slice %arg20[%dma_wait3A_1255, %dma_wait3A_1256] : memref<32x128xf32, #tpu.memory_space<vmem>> -> memref<1x128xf32, #tpu.memory_space<vmem>>
      %dma_wait3A_1258 = tpu.memref_squeeze %dma_wait3A_1257 : memref<1x128xf32, #tpu.memory_space<vmem>> -> memref<128xf32, #tpu.memory_space<vmem>>
      %dma_wait3A_1259 = arith.constant 0 : i32
      %dma_wait3A_1260 = tpu.memref_slice %arg18[%dma_wait3A_1254, %dma_wait3A_1259] : memref<32x128xi32, #tpu.memory_space<vmem>> -> memref<1x128xi32, #tpu.memory_space<vmem>>
      %dma_wait3A_1261 = tpu.memref_squeeze %dma_wait3A_1260 : memref<1x128xi32, #tpu.memory_space<vmem>> -> memref<128xi32, #tpu.memory_space<vmem>>
      %dma_wait3A_1262 = arith.constant 0 : i32
      %dma_wait3A_1263 = tpu.memref_slice %arg6[%dma_wait3A_1262] : memref<33554432xf32, #tpu.memory_space<hbm>> -> memref<33554432xf32, #tpu.memory_space<hbm>>
      tpu.wait_indirect_dma semaphore(%arg24 : memref<!tpu.dma_semaphore, #tpu.memory_space<semaphore_mem>>) src(%dma_wait3A_1263 : memref<33554432xf32, #tpu.memory_space<hbm>>) dst(%dma_wait3A_1258 : memref<128xf32, #tpu.memory_space<vmem>>)
      %dma_wait3A_1264 = arith.constant 27 : i32
      %dma_wait3A_1265 = arith.constant 27 : i32
      %dma_wait3A_1266 = arith.constant 0 : i32
      %dma_wait3A_1267 = tpu.memref_slice %arg20[%dma_wait3A_1265, %dma_wait3A_1266] : memref<32x128xf32, #tpu.memory_space<vmem>> -> memref<1x128xf32, #tpu.memory_space<vmem>>
      %dma_wait3A_1268 = tpu.memref_squeeze %dma_wait3A_1267 : memref<1x128xf32, #tpu.memory_space<vmem>> -> memref<128xf32, #tpu.memory_space<vmem>>
      %dma_wait3A_1269 = arith.constant 0 : i32
      %dma_wait3A_1270 = tpu.memref_slice %arg18[%dma_wait3A_1264, %dma_wait3A_1269] : memref<32x128xi32, #tpu.memory_space<vmem>> -> memref<1x128xi32, #tpu.memory_space<vmem>>
      %dma_wait3A_1271 = tpu.memref_squeeze %dma_wait3A_1270 : memref<1x128xi32, #tpu.memory_space<vmem>> -> memref<128xi32, #tpu.memory_space<vmem>>
      %dma_wait3A_1272 = arith.constant 0 : i32
      %dma_wait3A_1273 = tpu.memref_slice %arg6[%dma_wait3A_1272] : memref<33554432xf32, #tpu.memory_space<hbm>> -> memref<33554432xf32, #tpu.memory_space<hbm>>
      tpu.wait_indirect_dma semaphore(%arg24 : memref<!tpu.dma_semaphore, #tpu.memory_space<semaphore_mem>>) src(%dma_wait3A_1273 : memref<33554432xf32, #tpu.memory_space<hbm>>) dst(%dma_wait3A_1268 : memref<128xf32, #tpu.memory_space<vmem>>)
      %dma_wait3A_1274 = arith.constant 28 : i32
      %dma_wait3A_1275 = arith.constant 28 : i32
      %dma_wait3A_1276 = arith.constant 0 : i32
      %dma_wait3A_1277 = tpu.memref_slice %arg20[%dma_wait3A_1275, %dma_wait3A_1276] : memref<32x128xf32, #tpu.memory_space<vmem>> -> memref<1x128xf32, #tpu.memory_space<vmem>>
      %dma_wait3A_1278 = tpu.memref_squeeze %dma_wait3A_1277 : memref<1x128xf32, #tpu.memory_space<vmem>> -> memref<128xf32, #tpu.memory_space<vmem>>
      %dma_wait3A_1279 = arith.constant 0 : i32
      %dma_wait3A_1280 = tpu.memref_slice %arg18[%dma_wait3A_1274, %dma_wait3A_1279] : memref<32x128xi32, #tpu.memory_space<vmem>> -> memref<1x128xi32, #tpu.memory_space<vmem>>
      %dma_wait3A_1281 = tpu.memref_squeeze %dma_wait3A_1280 : memref<1x128xi32, #tpu.memory_space<vmem>> -> memref<128xi32, #tpu.memory_space<vmem>>
      %dma_wait3A_1282 = arith.constant 0 : i32
      %dma_wait3A_1283 = tpu.memref_slice %arg6[%dma_wait3A_1282] : memref<33554432xf32, #tpu.memory_space<hbm>> -> memref<33554432xf32, #tpu.memory_space<hbm>>
      tpu.wait_indirect_dma semaphore(%arg24 : memref<!tpu.dma_semaphore, #tpu.memory_space<semaphore_mem>>) src(%dma_wait3A_1283 : memref<33554432xf32, #tpu.memory_space<hbm>>) dst(%dma_wait3A_1278 : memref<128xf32, #tpu.memory_space<vmem>>)
      %dma_wait3A_1284 = arith.constant 29 : i32
      %dma_wait3A_1285 = arith.constant 29 : i32
      %dma_wait3A_1286 = arith.constant 0 : i32
      %dma_wait3A_1287 = tpu.memref_slice %arg20[%dma_wait3A_1285, %dma_wait3A_1286] : memref<32x128xf32, #tpu.memory_space<vmem>> -> memref<1x128xf32, #tpu.memory_space<vmem>>
      %dma_wait3A_1288 = tpu.memref_squeeze %dma_wait3A_1287 : memref<1x128xf32, #tpu.memory_space<vmem>> -> memref<128xf32, #tpu.memory_space<vmem>>
      %dma_wait3A_1289 = arith.constant 0 : i32
      %dma_wait3A_1290 = tpu.memref_slice %arg18[%dma_wait3A_1284, %dma_wait3A_1289] : memref<32x128xi32, #tpu.memory_space<vmem>> -> memref<1x128xi32, #tpu.memory_space<vmem>>
      %dma_wait3A_1291 = tpu.memref_squeeze %dma_wait3A_1290 : memref<1x128xi32, #tpu.memory_space<vmem>> -> memref<128xi32, #tpu.memory_space<vmem>>
      %dma_wait3A_1292 = arith.constant 0 : i32
      %dma_wait3A_1293 = tpu.memref_slice %arg6[%dma_wait3A_1292] : memref<33554432xf32, #tpu.memory_space<hbm>> -> memref<33554432xf32, #tpu.memory_space<hbm>>
      tpu.wait_indirect_dma semaphore(%arg24 : memref<!tpu.dma_semaphore, #tpu.memory_space<semaphore_mem>>) src(%dma_wait3A_1293 : memref<33554432xf32, #tpu.memory_space<hbm>>) dst(%dma_wait3A_1288 : memref<128xf32, #tpu.memory_space<vmem>>)
      %dma_wait3A_1294 = arith.constant 30 : i32
      %dma_wait3A_1295 = arith.constant 30 : i32
      %dma_wait3A_1296 = arith.constant 0 : i32
      %dma_wait3A_1297 = tpu.memref_slice %arg20[%dma_wait3A_1295, %dma_wait3A_1296] : memref<32x128xf32, #tpu.memory_space<vmem>> -> memref<1x128xf32, #tpu.memory_space<vmem>>
      %dma_wait3A_1298 = tpu.memref_squeeze %dma_wait3A_1297 : memref<1x128xf32, #tpu.memory_space<vmem>> -> memref<128xf32, #tpu.memory_space<vmem>>
      %dma_wait3A_1299 = arith.constant 0 : i32
      %dma_wait3A_1300 = tpu.memref_slice %arg18[%dma_wait3A_1294, %dma_wait3A_1299] : memref<32x128xi32, #tpu.memory_space<vmem>> -> memref<1x128xi32, #tpu.memory_space<vmem>>
      %dma_wait3A_1301 = tpu.memref_squeeze %dma_wait3A_1300 : memref<1x128xi32, #tpu.memory_space<vmem>> -> memref<128xi32, #tpu.memory_space<vmem>>
      %dma_wait3A_1302 = arith.constant 0 : i32
      %dma_wait3A_1303 = tpu.memref_slice %arg6[%dma_wait3A_1302] : memref<33554432xf32, #tpu.memory_space<hbm>> -> memref<33554432xf32, #tpu.memory_space<hbm>>
      tpu.wait_indirect_dma semaphore(%arg24 : memref<!tpu.dma_semaphore, #tpu.memory_space<semaphore_mem>>) src(%dma_wait3A_1303 : memref<33554432xf32, #tpu.memory_space<hbm>>) dst(%dma_wait3A_1298 : memref<128xf32, #tpu.memory_space<vmem>>)
      %dma_wait3A_1304 = arith.constant 31 : i32
      %dma_wait3A_1305 = arith.constant 31 : i32
      %dma_wait3A_1306 = arith.constant 0 : i32
      %dma_wait3A_1307 = tpu.memref_slice %arg20[%dma_wait3A_1305, %dma_wait3A_1306] : memref<32x128xf32, #tpu.memory_space<vmem>> -> memref<1x128xf32, #tpu.memory_space<vmem>>
      %dma_wait3A_1308 = tpu.memref_squeeze %dma_wait3A_1307 : memref<1x128xf32, #tpu.memory_space<vmem>> -> memref<128xf32, #tpu.memory_space<vmem>>
      %dma_wait3A_1309 = arith.constant 0 : i32
      %dma_wait3A_1310 = tpu.memref_slice %arg18[%dma_wait3A_1304, %dma_wait3A_1309] : memref<32x128xi32, #tpu.memory_space<vmem>> -> memref<1x128xi32, #tpu.memory_space<vmem>>
      %dma_wait3A_1311 = tpu.memref_squeeze %dma_wait3A_1310 : memref<1x128xi32, #tpu.memory_space<vmem>> -> memref<128xi32, #tpu.memory_space<vmem>>
      %dma_wait3A_1312 = arith.constant 0 : i32
      %dma_wait3A_1313 = tpu.memref_slice %arg6[%dma_wait3A_1312] : memref<33554432xf32, #tpu.memory_space<hbm>> -> memref<33554432xf32, #tpu.memory_space<hbm>>
      tpu.wait_indirect_dma semaphore(%arg24 : memref<!tpu.dma_semaphore, #tpu.memory_space<semaphore_mem>>) src(%dma_wait3A_1313 : memref<33554432xf32, #tpu.memory_space<hbm>>) dst(%dma_wait3A_1308 : memref<128xf32, #tpu.memory_space<vmem>>)
      %add3A_1314 = arith.constant 1 : i32
      %add3A_1315 = arith.addi %mul3A_338, %add3A_1314 : i32
      %scan3A_1316 = arith.constant 0 : i32
      %scan3A_1317 = arith.constant 0 : i32
      %scan3A_1318 = arith.constant 8 : i32
      %scan3A_1319 = arith.addi %scan3A_1317, %scan3A_1318 : i32
      %scan3A_1320 = arith.constant 1 : i32
      scf.for %scan3A_1322 = %scan3A_1317 to %scan3A_1319 step %scan3A_1320  : i32 {
        %mul3A_1323 = arith.constant 16 : i32
        %mul3A_1324 = arith.muli %scan3A_1322, %mul3A_1323 : i32
        %get3A_1325 = arith.constant 0 : i32
        %get3A_1326 = arith.index_cast %get3A_1325 : i32 to index
        %get3A_1327 = arith.index_cast %mul3A_1324 : i32 to index
        %get3A_1328 = tpu.vector_load %arg22[%get3A_1326, %get3A_1327] {strides = array<i32>} : memref<4x128xf32, #tpu.memory_space<vmem>>, vector<16xf32>,
        %get3A_1329 = arith.constant 1 : i32
        %get3A_1330 = arith.index_cast %get3A_1329 : i32 to index
        %get3A_1331 = arith.index_cast %mul3A_1324 : i32 to index
        %get3A_1332 = tpu.vector_load %arg22[%get3A_1330, %get3A_1331] {strides = array<i32>} : memref<4x128xf32, #tpu.memory_space<vmem>>, vector<16xf32>,
        %get3A_1333 = arith.constant 2 : i32
        %get3A_1334 = arith.index_cast %get3A_1333 : i32 to index
        %get3A_1335 = arith.index_cast %mul3A_1324 : i32 to index
        %get3A_1336 = tpu.vector_load %arg22[%get3A_1334, %get3A_1335] {strides = array<i32>} : memref<4x128xf32, #tpu.memory_space<vmem>>, vector<16xf32>,
        %get3A_1337 = arith.constant 0 : i32
        %get3A_1338 = arith.index_cast %get3A_1337 : i32 to index
        %get3A_1339 = arith.index_cast %mul3A_1324 : i32 to index
        %get3A_1340 = tpu.vector_load %arg20[%get3A_1338, %get3A_1339] {strides = array<i32>} : memref<32x128xf32, #tpu.memory_space<vmem>>, vector<16xf32>,
        %get3A_1341 = arith.constant 1 : i32
        %get3A_1342 = arith.index_cast %get3A_1341 : i32 to index
        %get3A_1343 = arith.index_cast %mul3A_1324 : i32 to index
        %get3A_1344 = tpu.vector_load %arg20[%get3A_1342, %get3A_1343] {strides = array<i32>} : memref<32x128xf32, #tpu.memory_space<vmem>>, vector<16xf32>,
        %get3A_1345 = arith.constant 2 : i32
        %get3A_1346 = arith.index_cast %get3A_1345 : i32 to index
        %get3A_1347 = arith.index_cast %mul3A_1324 : i32 to index
        %get3A_1348 = tpu.vector_load %arg20[%get3A_1346, %get3A_1347] {strides = array<i32>} : memref<32x128xf32, #tpu.memory_space<vmem>>, vector<16xf32>,
        %get3A_1349 = arith.constant 3 : i32
        %get3A_1350 = arith.index_cast %get3A_1349 : i32 to index
        %get3A_1351 = arith.index_cast %mul3A_1324 : i32 to index
        %get3A_1352 = tpu.vector_load %arg20[%get3A_1350, %get3A_1351] {strides = array<i32>} : memref<32x128xf32, #tpu.memory_space<vmem>>, vector<16xf32>,
        %get3A_1353 = arith.constant 4 : i32
        %get3A_1354 = arith.index_cast %get3A_1353 : i32 to index
        %get3A_1355 = arith.index_cast %mul3A_1324 : i32 to index
        %get3A_1356 = tpu.vector_load %arg20[%get3A_1354, %get3A_1355] {strides = array<i32>} : memref<32x128xf32, #tpu.memory_space<vmem>>, vector<16xf32>,
        %get3A_1357 = arith.constant 5 : i32
        %get3A_1358 = arith.index_cast %get3A_1357 : i32 to index
        %get3A_1359 = arith.index_cast %mul3A_1324 : i32 to index
        %get3A_1360 = tpu.vector_load %arg20[%get3A_1358, %get3A_1359] {strides = array<i32>} : memref<32x128xf32, #tpu.memory_space<vmem>>, vector<16xf32>,
        %get3A_1361 = arith.constant 6 : i32
        %get3A_1362 = arith.index_cast %get3A_1361 : i32 to index
        %get3A_1363 = arith.index_cast %mul3A_1324 : i32 to index
        %get3A_1364 = tpu.vector_load %arg20[%get3A_1362, %get3A_1363] {strides = array<i32>} : memref<32x128xf32, #tpu.memory_space<vmem>>, vector<16xf32>,
        %get3A_1365 = arith.constant 7 : i32
        %get3A_1366 = arith.index_cast %get3A_1365 : i32 to index
        %get3A_1367 = arith.index_cast %mul3A_1324 : i32 to index
        %get3A_1368 = tpu.vector_load %arg20[%get3A_1366, %get3A_1367] {strides = array<i32>} : memref<32x128xf32, #tpu.memory_space<vmem>>, vector<16xf32>,
        %get3A_1369 = arith.constant 8 : i32
        %get3A_1370 = arith.index_cast %get3A_1369 : i32 to index
        %get3A_1371 = arith.index_cast %mul3A_1324 : i32 to index
        %get3A_1372 = tpu.vector_load %arg20[%get3A_1370, %get3A_1371] {strides = array<i32>} : memref<32x128xf32, #tpu.memory_space<vmem>>, vector<16xf32>,
        %get3A_1373 = arith.constant 9 : i32
        %get3A_1374 = arith.index_cast %get3A_1373 : i32 to index
        %get3A_1375 = arith.index_cast %mul3A_1324 : i32 to index
        %get3A_1376 = tpu.vector_load %arg20[%get3A_1374, %get3A_1375] {strides = array<i32>} : memref<32x128xf32, #tpu.memory_space<vmem>>, vector<16xf32>,
        %get3A_1377 = arith.constant 10 : i32
        %get3A_1378 = arith.index_cast %get3A_1377 : i32 to index
        %get3A_1379 = arith.index_cast %mul3A_1324 : i32 to index
        %get3A_1380 = tpu.vector_load %arg20[%get3A_1378, %get3A_1379] {strides = array<i32>} : memref<32x128xf32, #tpu.memory_space<vmem>>, vector<16xf32>,
        %get3A_1381 = arith.constant 11 : i32
        %get3A_1382 = arith.index_cast %get3A_1381 : i32 to index
        %get3A_1383 = arith.index_cast %mul3A_1324 : i32 to index
        %get3A_1384 = tpu.vector_load %arg20[%get3A_1382, %get3A_1383] {strides = array<i32>} : memref<32x128xf32, #tpu.memory_space<vmem>>, vector<16xf32>,
        %get3A_1385 = arith.constant 12 : i32
        %get3A_1386 = arith.index_cast %get3A_1385 : i32 to index
        %get3A_1387 = arith.index_cast %mul3A_1324 : i32 to index
        %get3A_1388 = tpu.vector_load %arg20[%get3A_1386, %get3A_1387] {strides = array<i32>} : memref<32x128xf32, #tpu.memory_space<vmem>>, vector<16xf32>,
        %get3A_1389 = arith.constant 13 : i32
        %get3A_1390 = arith.index_cast %get3A_1389 : i32 to index
        %get3A_1391 = arith.index_cast %mul3A_1324 : i32 to index
        %get3A_1392 = tpu.vector_load %arg20[%get3A_1390, %get3A_1391] {strides = array<i32>} : memref<32x128xf32, #tpu.memory_space<vmem>>, vector<16xf32>,
        %get3A_1393 = arith.constant 14 : i32
        %get3A_1394 = arith.index_cast %get3A_1393 : i32 to index
        %get3A_1395 = arith.index_cast %mul3A_1324 : i32 to index
        %get3A_1396 = tpu.vector_load %arg20[%get3A_1394, %get3A_1395] {strides = array<i32>} : memref<32x128xf32, #tpu.memory_space<vmem>>, vector<16xf32>,
        %get3A_1397 = arith.constant 15 : i32
        %get3A_1398 = arith.index_cast %get3A_1397 : i32 to index
        %get3A_1399 = arith.index_cast %mul3A_1324 : i32 to index
        %get3A_1400 = tpu.vector_load %arg20[%get3A_1398, %get3A_1399] {strides = array<i32>} : memref<32x128xf32, #tpu.memory_space<vmem>>, vector<16xf32>,
        %get3A_1401 = arith.constant 16 : i32
        %get3A_1402 = arith.index_cast %get3A_1401 : i32 to index
        %get3A_1403 = arith.index_cast %mul3A_1324 : i32 to index
        %get3A_1404 = tpu.vector_load %arg20[%get3A_1402, %get3A_1403] {strides = array<i32>} : memref<32x128xf32, #tpu.memory_space<vmem>>, vector<16xf32>,
        %get3A_1405 = arith.constant 17 : i32
        %get3A_1406 = arith.index_cast %get3A_1405 : i32 to index
        %get3A_1407 = arith.index_cast %mul3A_1324 : i32 to index
        %get3A_1408 = tpu.vector_load %arg20[%get3A_1406, %get3A_1407] {strides = array<i32>} : memref<32x128xf32, #tpu.memory_space<vmem>>, vector<16xf32>,
        %get3A_1409 = arith.constant 18 : i32
        %get3A_1410 = arith.index_cast %get3A_1409 : i32 to index
        %get3A_1411 = arith.index_cast %mul3A_1324 : i32 to index
        %get3A_1412 = tpu.vector_load %arg20[%get3A_1410, %get3A_1411] {strides = array<i32>} : memref<32x128xf32, #tpu.memory_space<vmem>>, vector<16xf32>,
        %get3A_1413 = arith.constant 19 : i32
        %get3A_1414 = arith.index_cast %get3A_1413 : i32 to index
        %get3A_1415 = arith.index_cast %mul3A_1324 : i32 to index
        %get3A_1416 = tpu.vector_load %arg20[%get3A_1414, %get3A_1415] {strides = array<i32>} : memref<32x128xf32, #tpu.memory_space<vmem>>, vector<16xf32>,
        %get3A_1417 = arith.constant 20 : i32
        %get3A_1418 = arith.index_cast %get3A_1417 : i32 to index
        %get3A_1419 = arith.index_cast %mul3A_1324 : i32 to index
        %get3A_1420 = tpu.vector_load %arg20[%get3A_1418, %get3A_1419] {strides = array<i32>} : memref<32x128xf32, #tpu.memory_space<vmem>>, vector<16xf32>,
        %get3A_1421 = arith.constant 21 : i32
        %get3A_1422 = arith.index_cast %get3A_1421 : i32 to index
        %get3A_1423 = arith.index_cast %mul3A_1324 : i32 to index
        %get3A_1424 = tpu.vector_load %arg20[%get3A_1422, %get3A_1423] {strides = array<i32>} : memref<32x128xf32, #tpu.memory_space<vmem>>, vector<16xf32>,
        %get3A_1425 = arith.constant 22 : i32
        %get3A_1426 = arith.index_cast %get3A_1425 : i32 to index
        %get3A_1427 = arith.index_cast %mul3A_1324 : i32 to index
        %get3A_1428 = tpu.vector_load %arg20[%get3A_1426, %get3A_1427] {strides = array<i32>} : memref<32x128xf32, #tpu.memory_space<vmem>>, vector<16xf32>,
        %get3A_1429 = arith.constant 23 : i32
        %get3A_1430 = arith.index_cast %get3A_1429 : i32 to index
        %get3A_1431 = arith.index_cast %mul3A_1324 : i32 to index
        %get3A_1432 = tpu.vector_load %arg20[%get3A_1430, %get3A_1431] {strides = array<i32>} : memref<32x128xf32, #tpu.memory_space<vmem>>, vector<16xf32>,
        %get3A_1433 = arith.constant 24 : i32
        %get3A_1434 = arith.index_cast %get3A_1433 : i32 to index
        %get3A_1435 = arith.index_cast %mul3A_1324 : i32 to index
        %get3A_1436 = tpu.vector_load %arg20[%get3A_1434, %get3A_1435] {strides = array<i32>} : memref<32x128xf32, #tpu.memory_space<vmem>>, vector<16xf32>,
        %get3A_1437 = arith.constant 25 : i32
        %get3A_1438 = arith.index_cast %get3A_1437 : i32 to index
        %get3A_1439 = arith.index_cast %mul3A_1324 : i32 to index
        %get3A_1440 = tpu.vector_load %arg20[%get3A_1438, %get3A_1439] {strides = array<i32>} : memref<32x128xf32, #tpu.memory_space<vmem>>, vector<16xf32>,
        %get3A_1441 = arith.constant 26 : i32
        %get3A_1442 = arith.index_cast %get3A_1441 : i32 to index
        %get3A_1443 = arith.index_cast %mul3A_1324 : i32 to index
        %get3A_1444 = tpu.vector_load %arg20[%get3A_1442, %get3A_1443] {strides = array<i32>} : memref<32x128xf32, #tpu.memory_space<vmem>>, vector<16xf32>,
        %get3A_1445 = arith.constant 27 : i32
        %get3A_1446 = arith.index_cast %get3A_1445 : i32 to index
        %get3A_1447 = arith.index_cast %mul3A_1324 : i32 to index
        %get3A_1448 = tpu.vector_load %arg20[%get3A_1446, %get3A_1447] {strides = array<i32>} : memref<32x128xf32, #tpu.memory_space<vmem>>, vector<16xf32>,
        %get3A_1449 = arith.constant 28 : i32
        %get3A_1450 = arith.index_cast %get3A_1449 : i32 to index
        %get3A_1451 = arith.index_cast %mul3A_1324 : i32 to index
        %get3A_1452 = tpu.vector_load %arg20[%get3A_1450, %get3A_1451] {strides = array<i32>} : memref<32x128xf32, #tpu.memory_space<vmem>>, vector<16xf32>,
        %get3A_1453 = arith.constant 29 : i32
        %get3A_1454 = arith.index_cast %get3A_1453 : i32 to index
        %get3A_1455 = arith.index_cast %mul3A_1324 : i32 to index
        %get3A_1456 = tpu.vector_load %arg20[%get3A_1454, %get3A_1455] {strides = array<i32>} : memref<32x128xf32, #tpu.memory_space<vmem>>, vector<16xf32>,
        %get3A_1457 = arith.constant 30 : i32
        %get3A_1458 = arith.index_cast %get3A_1457 : i32 to index
        %get3A_1459 = arith.index_cast %mul3A_1324 : i32 to index
        %get3A_1460 = tpu.vector_load %arg20[%get3A_1458, %get3A_1459] {strides = array<i32>} : memref<32x128xf32, #tpu.memory_space<vmem>>, vector<16xf32>,
        %get3A_1461 = arith.constant 31 : i32
        %get3A_1462 = arith.index_cast %get3A_1461 : i32 to index
        %get3A_1463 = arith.index_cast %mul3A_1324 : i32 to index
        %get3A_1464 = tpu.vector_load %arg20[%get3A_1462, %get3A_1463] {strides = array<i32>} : memref<32x128xf32, #tpu.memory_space<vmem>>, vector<16xf32>,
        %sub3A = arith.constant 1.000000e+00 : f32
        %sub3A_1465 = vector.broadcast %sub3A : f32 to vector<16xf32>
        %sub3A_1466 = arith.subf %sub3A_1465, %get3A_1328 : vector<16xf32>
        %mul3A_1467 = arith.mulf %get3A_1344, %sub3A_1466 : vector<16xf32>
        %mul3A_1468 = arith.mulf %get3A_1376, %get3A_1328 : vector<16xf32>
        %add3A_1469 = arith.addf %mul3A_1467, %mul3A_1468 : vector<16xf32>
        %sub3A_1470 = arith.constant 1.000000e+00 : f32
        %sub3A_1471 = vector.broadcast %sub3A_1470 : f32 to vector<16xf32>
        %sub3A_1472 = arith.subf %sub3A_1471, %get3A_1328 : vector<16xf32>
        %mul3A_1473 = arith.mulf %get3A_1348, %sub3A_1472 : vector<16xf32>
        %mul3A_1474 = arith.mulf %get3A_1380, %get3A_1328 : vector<16xf32>
        %add3A_1475 = arith.addf %mul3A_1473, %mul3A_1474 : vector<16xf32>
        %sub3A_1476 = arith.constant 1.000000e+00 : f32
        %sub3A_1477 = vector.broadcast %sub3A_1476 : f32 to vector<16xf32>
        %sub3A_1478 = arith.subf %sub3A_1477, %get3A_1328 : vector<16xf32>
        %mul3A_1479 = arith.mulf %get3A_1360, %sub3A_1478 : vector<16xf32>
        %mul3A_1480 = arith.mulf %get3A_1392, %get3A_1328 : vector<16xf32>
        %add3A_1481 = arith.addf %mul3A_1479, %mul3A_1480 : vector<16xf32>
        %sub3A_1482 = arith.constant 1.000000e+00 : f32
        %sub3A_1483 = vector.broadcast %sub3A_1482 : f32 to vector<16xf32>
        %sub3A_1484 = arith.subf %sub3A_1483, %get3A_1328 : vector<16xf32>
        %mul3A_1485 = arith.mulf %get3A_1364, %sub3A_1484 : vector<16xf32>
        %mul3A_1486 = arith.mulf %get3A_1396, %get3A_1328 : vector<16xf32>
        %add3A_1487 = arith.addf %mul3A_1485, %mul3A_1486 : vector<16xf32>
        %sub3A_1488 = arith.constant 1.000000e+00 : f32
        %sub3A_1489 = vector.broadcast %sub3A_1488 : f32 to vector<16xf32>
        %sub3A_1490 = arith.subf %sub3A_1489, %get3A_1332 : vector<16xf32>
        %mul3A_1491 = arith.mulf %add3A_1469, %sub3A_1490 : vector<16xf32>
        %mul3A_1492 = arith.mulf %add3A_1481, %get3A_1332 : vector<16xf32>
        %add3A_1493 = arith.addf %mul3A_1491, %mul3A_1492 : vector<16xf32>
        %sub3A_1494 = arith.constant 1.000000e+00 : f32
        %sub3A_1495 = vector.broadcast %sub3A_1494 : f32 to vector<16xf32>
        %sub3A_1496 = arith.subf %sub3A_1495, %get3A_1332 : vector<16xf32>
        %mul3A_1497 = arith.mulf %add3A_1475, %sub3A_1496 : vector<16xf32>
        %mul3A_1498 = arith.mulf %add3A_1487, %get3A_1332 : vector<16xf32>
        %add3A_1499 = arith.addf %mul3A_1497, %mul3A_1498 : vector<16xf32>
        %sub3A_1500 = arith.constant 1.000000e+00 : f32
        %sub3A_1501 = vector.broadcast %sub3A_1500 : f32 to vector<16xf32>
        %sub3A_1502 = arith.subf %sub3A_1501, %get3A_1336 : vector<16xf32>
        %mul3A_1503 = arith.mulf %add3A_1493, %sub3A_1502 : vector<16xf32>
        %mul3A_1504 = arith.mulf %add3A_1499, %get3A_1336 : vector<16xf32>
        %add3A_1505 = arith.addf %mul3A_1503, %mul3A_1504 : vector<16xf32>
        %mul3A_1506 = arith.constant 2.000000e+00 : f32
        %mul3A_1507 = vector.broadcast %mul3A_1506 : f32 to vector<16xf32>
        %mul3A_1508 = arith.mulf %mul3A_1507, %get3A_1344 : vector<16xf32>
        %sub3A_1509 = arith.subf %get3A_1376, %mul3A_1508 : vector<16xf32>
        %add3A_1510 = arith.addf %sub3A_1509, %get3A_1404 : vector<16xf32>
        %abs3A = math.absf %add3A_1510 : vector<16xf32>
        %mul3A_1511 = arith.constant 2.000000e+00 : f32
        %mul3A_1512 = vector.broadcast %mul3A_1511 : f32 to vector<16xf32>
        %mul3A_1513 = arith.mulf %mul3A_1512, %get3A_1344 : vector<16xf32>
        %sub3A_1514 = arith.subf %get3A_1360, %mul3A_1513 : vector<16xf32>
        %add3A_1515 = arith.addf %sub3A_1514, %get3A_1436 : vector<16xf32>
        %abs3A_1516 = math.absf %add3A_1515 : vector<16xf32>
        %mul3A_1517 = arith.constant 2.000000e+00 : f32
        %mul3A_1518 = vector.broadcast %mul3A_1517 : f32 to vector<16xf32>
        %mul3A_1519 = arith.mulf %mul3A_1518, %get3A_1344 : vector<16xf32>
        %sub3A_1520 = arith.subf %get3A_1348, %mul3A_1519 : vector<16xf32>
        %add3A_1521 = arith.addf %sub3A_1520, %get3A_1340 : vector<16xf32>
        %abs3A_1522 = math.absf %add3A_1521 : vector<16xf32>
        %mul3A_1523 = arith.constant 2.000000e+00 : f32
        %mul3A_1524 = vector.broadcast %mul3A_1523 : f32 to vector<16xf32>
        %mul3A_1525 = arith.mulf %mul3A_1524, %get3A_1376 : vector<16xf32>
        %sub3A_1526 = arith.subf %get3A_1420, %mul3A_1525 : vector<16xf32>
        %add3A_1527 = arith.addf %sub3A_1526, %get3A_1344 : vector<16xf32>
        %abs3A_1528 = math.absf %add3A_1527 : vector<16xf32>
        %mul3A_1529 = arith.constant 2.000000e+00 : f32
        %mul3A_1530 = vector.broadcast %mul3A_1529 : f32 to vector<16xf32>
        %mul3A_1531 = arith.mulf %mul3A_1530, %get3A_1376 : vector<16xf32>
        %sub3A_1532 = arith.subf %get3A_1392, %mul3A_1531 : vector<16xf32>
        %add3A_1533 = arith.addf %sub3A_1532, %get3A_1452 : vector<16xf32>
        %abs3A_1534 = math.absf %add3A_1533 : vector<16xf32>
        %mul3A_1535 = arith.constant 2.000000e+00 : f32
        %mul3A_1536 = vector.broadcast %mul3A_1535 : f32 to vector<16xf32>
        %mul3A_1537 = arith.mulf %mul3A_1536, %get3A_1376 : vector<16xf32>
        %sub3A_1538 = arith.subf %get3A_1380, %mul3A_1537 : vector<16xf32>
        %add3A_1539 = arith.addf %sub3A_1538, %get3A_1372 : vector<16xf32>
        %abs3A_1540 = math.absf %add3A_1539 : vector<16xf32>
        %min3A = arith.minimumf %abs3A, %abs3A_1528 : vector<16xf32>
        %min3A_1541 = arith.minimumf %abs3A_1516, %abs3A_1534 : vector<16xf32>
        %min3A_1542 = arith.minimumf %abs3A_1522, %abs3A_1540 : vector<16xf32>
        %mul3A_1543 = arith.constant 2.000000e+00 : f32
        %mul3A_1544 = vector.broadcast %mul3A_1543 : f32 to vector<16xf32>
        %mul3A_1545 = arith.mulf %mul3A_1544, %get3A_1360 : vector<16xf32>
        %sub3A_1546 = arith.subf %get3A_1392, %mul3A_1545 : vector<16xf32>
        %add3A_1547 = arith.addf %sub3A_1546, %get3A_1412 : vector<16xf32>
        %abs3A_1548 = math.absf %add3A_1547 : vector<16xf32>
        %mul3A_1549 = arith.constant 2.000000e+00 : f32
        %mul3A_1550 = vector.broadcast %mul3A_1549 : f32 to vector<16xf32>
        %mul3A_1551 = arith.mulf %mul3A_1550, %get3A_1360 : vector<16xf32>
        %sub3A_1552 = arith.subf %get3A_1444, %mul3A_1551 : vector<16xf32>
        %add3A_1553 = arith.addf %sub3A_1552, %get3A_1344 : vector<16xf32>
        %abs3A_1554 = math.absf %add3A_1553 : vector<16xf32>
        %mul3A_1555 = arith.constant 2.000000e+00 : f32
        %mul3A_1556 = vector.broadcast %mul3A_1555 : f32 to vector<16xf32>
        %mul3A_1557 = arith.mulf %mul3A_1556, %get3A_1360 : vector<16xf32>
        %sub3A_1558 = arith.subf %get3A_1364, %mul3A_1557 : vector<16xf32>
        %add3A_1559 = arith.addf %sub3A_1558, %get3A_1356 : vector<16xf32>
        %abs3A_1560 = math.absf %add3A_1559 : vector<16xf32>
        %min3A_1561 = arith.minimumf %min3A, %abs3A_1548 : vector<16xf32>
        %min3A_1562 = arith.minimumf %min3A_1541, %abs3A_1554 : vector<16xf32>
        %min3A_1563 = arith.minimumf %min3A_1542, %abs3A_1560 : vector<16xf32>
        %mul3A_1564 = arith.constant 2.000000e+00 : f32
        %mul3A_1565 = vector.broadcast %mul3A_1564 : f32 to vector<16xf32>
        %mul3A_1566 = arith.mulf %mul3A_1565, %get3A_1348 : vector<16xf32>
        %sub3A_1567 = arith.subf %get3A_1380, %mul3A_1566 : vector<16xf32>
        %add3A_1568 = arith.addf %sub3A_1567, %get3A_1408 : vector<16xf32>
        %abs3A_1569 = math.absf %add3A_1568 : vector<16xf32>
        %mul3A_1570 = arith.constant 2.000000e+00 : f32
        %mul3A_1571 = vector.broadcast %mul3A_1570 : f32 to vector<16xf32>
        %mul3A_1572 = arith.mulf %mul3A_1571, %get3A_1348 : vector<16xf32>
        %sub3A_1573 = arith.subf %get3A_1364, %mul3A_1572 : vector<16xf32>
        %add3A_1574 = arith.addf %sub3A_1573, %get3A_1440 : vector<16xf32>
        %abs3A_1575 = math.absf %add3A_1574 : vector<16xf32>
        %mul3A_1576 = arith.constant 2.000000e+00 : f32
        %mul3A_1577 = vector.broadcast %mul3A_1576 : f32 to vector<16xf32>
        %mul3A_1578 = arith.mulf %mul3A_1577, %get3A_1348 : vector<16xf32>
        %sub3A_1579 = arith.subf %get3A_1352, %mul3A_1578 : vector<16xf32>
        %add3A_1580 = arith.addf %sub3A_1579, %get3A_1344 : vector<16xf32>
        %abs3A_1581 = math.absf %add3A_1580 : vector<16xf32>
        %min3A_1582 = arith.minimumf %min3A_1561, %abs3A_1569 : vector<16xf32>
        %min3A_1583 = arith.minimumf %min3A_1562, %abs3A_1575 : vector<16xf32>
        %min3A_1584 = arith.minimumf %min3A_1563, %abs3A_1581 : vector<16xf32>
        %mul3A_1585 = arith.constant 2.000000e+00 : f32
        %mul3A_1586 = vector.broadcast %mul3A_1585 : f32 to vector<16xf32>
        %mul3A_1587 = arith.mulf %mul3A_1586, %get3A_1380 : vector<16xf32>
        %sub3A_1588 = arith.subf %get3A_1424, %mul3A_1587 : vector<16xf32>
        %add3A_1589 = arith.addf %sub3A_1588, %get3A_1348 : vector<16xf32>
        %abs3A_1590 = math.absf %add3A_1589 : vector<16xf32>
        %mul3A_1591 = arith.constant 2.000000e+00 : f32
        %mul3A_1592 = vector.broadcast %mul3A_1591 : f32 to vector<16xf32>
        %mul3A_1593 = arith.mulf %mul3A_1592, %get3A_1380 : vector<16xf32>
        %sub3A_1594 = arith.subf %get3A_1396, %mul3A_1593 : vector<16xf32>
        %add3A_1595 = arith.addf %sub3A_1594, %get3A_1456 : vector<16xf32>
        %abs3A_1596 = math.absf %add3A_1595 : vector<16xf32>
        %mul3A_1597 = arith.constant 2.000000e+00 : f32
        %mul3A_1598 = vector.broadcast %mul3A_1597 : f32 to vector<16xf32>
        %mul3A_1599 = arith.mulf %mul3A_1598, %get3A_1380 : vector<16xf32>
        %sub3A_1600 = arith.subf %get3A_1384, %mul3A_1599 : vector<16xf32>
        %add3A_1601 = arith.addf %sub3A_1600, %get3A_1376 : vector<16xf32>
        %abs3A_1602 = math.absf %add3A_1601 : vector<16xf32>
        %min3A_1603 = arith.minimumf %min3A_1582, %abs3A_1590 : vector<16xf32>
        %min3A_1604 = arith.minimumf %min3A_1583, %abs3A_1596 : vector<16xf32>
        %min3A_1605 = arith.minimumf %min3A_1584, %abs3A_1602 : vector<16xf32>
        %mul3A_1606 = arith.constant 2.000000e+00 : f32
        %mul3A_1607 = vector.broadcast %mul3A_1606 : f32 to vector<16xf32>
        %mul3A_1608 = arith.mulf %mul3A_1607, %get3A_1364 : vector<16xf32>
        %sub3A_1609 = arith.subf %get3A_1396, %mul3A_1608 : vector<16xf32>
        %add3A_1610 = arith.addf %sub3A_1609, %get3A_1416 : vector<16xf32>
        %abs3A_1611 = math.absf %add3A_1610 : vector<16xf32>
        %mul3A_1612 = arith.constant 2.000000e+00 : f32
        %mul3A_1613 = vector.broadcast %mul3A_1612 : f32 to vector<16xf32>
        %mul3A_1614 = arith.mulf %mul3A_1613, %get3A_1364 : vector<16xf32>
        %sub3A_1615 = arith.subf %get3A_1448, %mul3A_1614 : vector<16xf32>
        %add3A_1616 = arith.addf %sub3A_1615, %get3A_1348 : vector<16xf32>
        %abs3A_1617 = math.absf %add3A_1616 : vector<16xf32>
        %mul3A_1618 = arith.constant 2.000000e+00 : f32
        %mul3A_1619 = vector.broadcast %mul3A_1618 : f32 to vector<16xf32>
        %mul3A_1620 = arith.mulf %mul3A_1619, %get3A_1364 : vector<16xf32>
        %sub3A_1621 = arith.subf %get3A_1368, %mul3A_1620 : vector<16xf32>
        %add3A_1622 = arith.addf %sub3A_1621, %get3A_1360 : vector<16xf32>
        %abs3A_1623 = math.absf %add3A_1622 : vector<16xf32>
        %min3A_1624 = arith.minimumf %min3A_1603, %abs3A_1611 : vector<16xf32>
        %min3A_1625 = arith.minimumf %min3A_1604, %abs3A_1617 : vector<16xf32>
        %min3A_1626 = arith.minimumf %min3A_1605, %abs3A_1623 : vector<16xf32>
        %mul3A_1627 = arith.constant 2.000000e+00 : f32
        %mul3A_1628 = vector.broadcast %mul3A_1627 : f32 to vector<16xf32>
        %mul3A_1629 = arith.mulf %mul3A_1628, %get3A_1392 : vector<16xf32>
        %sub3A_1630 = arith.subf %get3A_1428, %mul3A_1629 : vector<16xf32>
        %add3A_1631 = arith.addf %sub3A_1630, %get3A_1360 : vector<16xf32>
        %abs3A_1632 = math.absf %add3A_1631 : vector<16xf32>
        %mul3A_1633 = arith.constant 2.000000e+00 : f32
        %mul3A_1634 = vector.broadcast %mul3A_1633 : f32 to vector<16xf32>
        %mul3A_1635 = arith.mulf %mul3A_1634, %get3A_1392 : vector<16xf32>
        %sub3A_1636 = arith.subf %get3A_1460, %mul3A_1635 : vector<16xf32>
        %add3A_1637 = arith.addf %sub3A_1636, %get3A_1376 : vector<16xf32>
        %abs3A_1638 = math.absf %add3A_1637 : vector<16xf32>
        %mul3A_1639 = arith.constant 2.000000e+00 : f32
        %mul3A_1640 = vector.broadcast %mul3A_1639 : f32 to vector<16xf32>
        %mul3A_1641 = arith.mulf %mul3A_1640, %get3A_1392 : vector<16xf32>
        %sub3A_1642 = arith.subf %get3A_1396, %mul3A_1641 : vector<16xf32>
        %add3A_1643 = arith.addf %sub3A_1642, %get3A_1388 : vector<16xf32>
        %abs3A_1644 = math.absf %add3A_1643 : vector<16xf32>
        %min3A_1645 = arith.minimumf %min3A_1624, %abs3A_1632 : vector<16xf32>
        %min3A_1646 = arith.minimumf %min3A_1625, %abs3A_1638 : vector<16xf32>
        %min3A_1647 = arith.minimumf %min3A_1626, %abs3A_1644 : vector<16xf32>
        %mul3A_1648 = arith.constant 2.000000e+00 : f32
        %mul3A_1649 = vector.broadcast %mul3A_1648 : f32 to vector<16xf32>
        %mul3A_1650 = arith.mulf %mul3A_1649, %get3A_1396 : vector<16xf32>
        %sub3A_1651 = arith.subf %get3A_1432, %mul3A_1650 : vector<16xf32>
        %add3A_1652 = arith.addf %sub3A_1651, %get3A_1364 : vector<16xf32>
        %abs3A_1653 = math.absf %add3A_1652 : vector<16xf32>
        %mul3A_1654 = arith.constant 2.000000e+00 : f32
        %mul3A_1655 = vector.broadcast %mul3A_1654 : f32 to vector<16xf32>
        %mul3A_1656 = arith.mulf %mul3A_1655, %get3A_1396 : vector<16xf32>
        %sub3A_1657 = arith.subf %get3A_1464, %mul3A_1656 : vector<16xf32>
        %add3A_1658 = arith.addf %sub3A_1657, %get3A_1380 : vector<16xf32>
        %abs3A_1659 = math.absf %add3A_1658 : vector<16xf32>
        %mul3A_1660 = arith.constant 2.000000e+00 : f32
        %mul3A_1661 = vector.broadcast %mul3A_1660 : f32 to vector<16xf32>
        %mul3A_1662 = arith.mulf %mul3A_1661, %get3A_1396 : vector<16xf32>
        %sub3A_1663 = arith.subf %get3A_1400, %mul3A_1662 : vector<16xf32>
        %add3A_1664 = arith.addf %sub3A_1663, %get3A_1392 : vector<16xf32>
        %abs3A_1665 = math.absf %add3A_1664 : vector<16xf32>
        %min3A_1666 = arith.minimumf %min3A_1645, %abs3A_1653 : vector<16xf32>
        %min3A_1667 = arith.minimumf %min3A_1646, %abs3A_1659 : vector<16xf32>
        %min3A_1668 = arith.minimumf %min3A_1647, %abs3A_1665 : vector<16xf32>
        %mul3A_1669 = arith.constant 5.000000e-01 : f32
        %mul3A_1670 = vector.broadcast %mul3A_1669 : f32 to vector<16xf32>
        %mul3A_1671 = arith.mulf %min3A_1666, %mul3A_1670 : vector<16xf32>
        %mul3A_1672 = arith.mulf %mul3A_1671, %get3A_1328 : vector<16xf32>
        %sub3A_1673 = arith.constant 1.000000e+00 : f32
        %sub3A_1674 = vector.broadcast %sub3A_1673 : f32 to vector<16xf32>
        %sub3A_1675 = arith.subf %sub3A_1674, %get3A_1328 : vector<16xf32>
        %mul3A_1676 = arith.mulf %mul3A_1672, %sub3A_1675 : vector<16xf32>
        %sub3A_1677 = arith.subf %add3A_1505, %mul3A_1676 : vector<16xf32>
        %mul3A_1678 = arith.constant 5.000000e-01 : f32
        %mul3A_1679 = vector.broadcast %mul3A_1678 : f32 to vector<16xf32>
        %mul3A_1680 = arith.mulf %min3A_1667, %mul3A_1679 : vector<16xf32>
        %mul3A_1681 = arith.mulf %mul3A_1680, %get3A_1332 : vector<16xf32>
        %sub3A_1682 = arith.constant 1.000000e+00 : f32
        %sub3A_1683 = vector.broadcast %sub3A_1682 : f32 to vector<16xf32>
        %sub3A_1684 = arith.subf %sub3A_1683, %get3A_1332 : vector<16xf32>
        %mul3A_1685 = arith.mulf %mul3A_1681, %sub3A_1684 : vector<16xf32>
        %sub3A_1686 = arith.subf %sub3A_1677, %mul3A_1685 : vector<16xf32>
        %mul3A_1687 = arith.constant 5.000000e-01 : f32
        %mul3A_1688 = vector.broadcast %mul3A_1687 : f32 to vector<16xf32>
        %mul3A_1689 = arith.mulf %min3A_1668, %mul3A_1688 : vector<16xf32>
        %mul3A_1690 = arith.mulf %mul3A_1689, %get3A_1336 : vector<16xf32>
        %sub3A_1691 = arith.constant 1.000000e+00 : f32
        %sub3A_1692 = vector.broadcast %sub3A_1691 : f32 to vector<16xf32>
        %sub3A_1693 = arith.subf %sub3A_1692, %get3A_1336 : vector<16xf32>
        %mul3A_1694 = arith.mulf %mul3A_1690, %sub3A_1693 : vector<16xf32>
        %sub3A_1695 = arith.subf %sub3A_1686, %mul3A_1694 : vector<16xf32>
        %mul3A_1696 = arith.constant 128 : i32
        %mul3A_1697 = arith.muli %add3A_1315, %mul3A_1696 : i32
        %mul3A_1698 = arith.constant 16 : i32
        %mul3A_1699 = arith.muli %scan3A_1322, %mul3A_1698 : i32
        %add3A_1700 = arith.addi %mul3A_1697, %mul3A_1699 : i32
        %swap3A = arith.index_cast %add3A_1700 : i32 to index
        %swap3A_1701 = tpu.vector_load %arg16[%swap3A] {strides = array<i32>} : memref<16384xf32, #tpu.memory_space<vmem>>, vector<16xf32>,
        tpu.vector_store %arg16[%swap3A], %sub3A_1695 {strides = array<i32>} : memref<16384xf32, #tpu.memory_space<vmem>>, vector<16xf32>,
      }
      %scan3A_1321 = arith.constant 8 : i32
    }
    %scan3A_335 = arith.constant 64 : i32
    "tpu.region"() ({
      %run_scoped3A = tpu.sem_alloc : memref<!tpu.dma_semaphore, #tpu.memory_space<semaphore_mem>>
      %dma_start3A_336 = tpu.memref_slice %arg9[%mul3A_2] : memref<524288xf32, #tpu.memory_space<hbm>> -> memref<16384xf32, #tpu.memory_space<hbm>>
      %dma_start3A_337 = tpu.memref_slice %arg9[%mul3A_2] : memref<524288xf32, #tpu.memory_space<hbm>> -> memref<16384xf32, #tpu.memory_space<hbm>>
      tpu.enqueue_dma source(%arg16 : memref<16384xf32, #tpu.memory_space<vmem>>) target(%dma_start3A_337 : memref<16384xf32, #tpu.memory_space<hbm>>) target_semaphore(%run_scoped3A : memref<!tpu.dma_semaphore, #tpu.memory_space<semaphore_mem>>)
      %dma_wait3A = tpu.memref_slice %arg9[%mul3A_2] : memref<524288xf32, #tpu.memory_space<hbm>> -> memref<16384xf32, #tpu.memory_space<hbm>>
      %dma_wait3A_338 = tpu.memref_slice %arg9[%mul3A_2] : memref<524288xf32, #tpu.memory_space<hbm>> -> memref<16384xf32, #tpu.memory_space<hbm>>
      tpu.wait_dma2 semaphore(%run_scoped3A : memref<!tpu.dma_semaphore, #tpu.memory_space<semaphore_mem>>) src(%arg16 : memref<16384xf32, #tpu.memory_space<vmem>>) dst(%dma_wait3A_338 : memref<16384xf32, #tpu.memory_space<hbm>>)
      tpu.yield
    }) : () -> ()
    return
  }
}

</mosaic_0001>

<sc_bundles>
// kernel: kernel.3.cloned.1.call-start
scs
__scs_entry_jumppad:
0x0: {  	(pc) =	sbr.rel $0x88, $3  }
0x1: {  	(tag) =	ssettag $0x0;
	lr =	simm.s32 $0x1  }
0x2: {  	[smem:$0x3F9D] =	sst lr;
	_ =	strace $0xD0000000  }
0x3: {  	_ = 	snop  }
0x4: {  	_ = 	snop  }
0x5: {  	_ = 	snop  }
0x6: {  	_ = 	snop  }
0x7: {  	_ = 	snop  }
__scs_overlays_trampoline_lowered:
0x8: {  	[smem:$0x3FAC] =	sst s0  }
0x9: {  	[smem:$0x3FAD] =	sst s1  }
0xa: {  	[smem:$0x3FAE] =	sst s2  }
0xb: {  	[smem:$0x3FAF] =	sst s3  }
0xc: {  	[smem:$0x3FB0] =	sst s4  }
0xd: {  	[smem:$0x3FB1] =	sst s5  }
0xe: {  	[smem:$0x3FB2] =	sst s6  }
0xf: {  	[smem:$0x3FB3] =	sst s7  }
0x10: {  	[smem:$0x3FB4] =	sst s8  }
0x11: {  	[smem:$0x3FB5] =	sst s9;
	s0 =	simm.s32 @!p0 $0x0  }
0x12: {  	s1 =	sld [smem:$0x3F9B];
	s0 =	simm.s32 @p0 $0x1  }
0x13: {  	[smem:$0x3FB6] =	sst s0;
	s0 =	simm.s32 @!p1 $0x0  }
0x14: {  	s2 =	sld [smem:$0x3F9A];
	s0 =	simm.s32 @p1 $0x1  }
0x15: {  	[smem:$0x3FB7] =	sst s0;
	s0 =	simm.s32 @!p2 $0x0  }
0x16: {  	s3 =	sld [smem:$0x3FDB];
	s0 =	simm.s32 @p2 $0x1  }
0x17: {  	s4 =	simm.s32 $0x1BF5;
	[smem:$0x3FB9] =	sst s0  }
0x18: {  	s0 =	sld [smem:$0x3F9C];
	_ =	swait.ge [sflag:s4], $0x0  }
0x19: {  	s7 =	sld [smem:$0x3F9D]  }
0x1a: {  	s8 =	sadd.s32 $0xFFFFE003, lr  }
0x1b: {  	s9 =	sadd.s32 $0xFFFFFEF7, lr;
	s5 =	simm.s32 $0xFFFFFFFF;
	p2 =	slt.u32 s8, $0xFFFFF086  }
0x1c: {  	p1 =	slt.u32 s9, $0xF7A;
	s5 =	simm.s32 @!p2 $0x0  }
0x1d: {  	s5 =	simm.s32 @p1 $0x1;
	p0 =	seq.s32 s7, s2  }
0x1e: {  	s7 =	smul.u32 @!p0 $0xF7A, s2;
	p2 =	seq.s32 @!p0 s5, $0x0  }
0x1f: {  	s9 =	smul.u32 $0xF7A, s1;
	s8 =	simm.s32 @!p0 $0x1BF5;
	p2 =	por !p2, p0  }
0x20: {  	[sflag:s8] =	ssyncset.s32 @!p0 $0xFFFFF086;
	s6 =	sadd.s32 @!p0 s3, s7;
	s7 =	simm.s32 @!p0 $0x108  }
0x21: {  	s3 =	sadd.s32 s3, s9;
	s6 =	sadd.s32 @!p0 $0x88, s6;
	s7 =	simm.s32 @p2 $0x1082  }
0x22: {  	[simem:s7], [sflag:s8] =	dma.local @!p0 [hbm:s6], $0xF7A  }
0x23: {  	s9 =	sor.u32 $0xD0000000, s2;
	s6 =	simm.s32 $0x108;
	_ =	swait.ge @!p0 [sflag:s8], $0x0  }
0x24: {  	s3 =	sadd.s32 $0x88, s3;
	s6 =	simm.s32 @!p1 $0x1082;
	[sflag:s4] =	ssyncset.s32 $0xFFFFF086  }
0x25: {  	[simem:s6], [sflag:s4] =	dma.local [hbm:s3], $0xF7A  }
0x26: {  	[smem:$0x3F9D] =	sst s1;
	(tag) =	ssettag s2;
	_ =	strace s9  }
0x27: {  	s1 =	sld [smem:$0x3FAD]  }
0x28: {  	s2 =	sld [smem:$0x3FAE]  }
0x29: {  	s4 =	sld [smem:$0x3FB0]  }
0x2a: {  	p0 =	seq.s32 s5, $0x0;
	s5 =	sld [smem:$0x3FB1]  }
0x2b: {  	s6 =	sld [smem:$0x3FB2]  }
0x2c: {  	s7 =	sld [smem:$0x3FB3]  }
0x2d: {  	s3 =	simm.s32 $0x108;
	s8 =	sld [smem:$0x3FB4]  }
0x2e: {  	s3 =	simm.s32 @!p0 $0x1082;
	s9 =	sld [smem:$0x3FB5]  }
0x2f: {  	lr =	sadd.s32 s0, s3;
	s0 =	sld [smem:$0x3FAC]  }
0x30: {  	s3 =	sld [smem:$0x3FAF]  }
0x31: {  	[smem:$0x3FB8] =	sst s10  }
0x32: {  	s10 =	sld [smem:$0x3FB6];
	_ =	sdelay $0x3  }
0x33: {  	p0 =	seq.s32 s10, $0x1;
	s10 =	sld [smem:$0x3FB8];
	_ =	sdelay $0x3  }
0x34: {  	[smem:$0x3FB8] =	sst s10  }
0x35: {  	s10 =	sld [smem:$0x3FB7];
	_ =	sdelay $0x3  }
0x36: {  	p1 =	seq.s32 s10, $0x1;
	s10 =	sld [smem:$0x3FB8];
	_ =	sdelay $0x3  }
0x37: {  	[smem:$0x3FB8] =	sst s10  }
0x38: {  	s10 =	sld [smem:$0x3FB9]  }
0x39: {  	_ = 	snop;
	(pc) =	sbr.ind lr, $3  }
0x3a: {  	_ = 	snop  }
0x3b: {  	_ = 	snop  }
0x3c: {  	p2 =	seq.s32 s10, $0x1;
	s10 =	sld [smem:$0x3FB8]  }
0x3d: {  	_ =	shalt  }
0x3e: {  	_ =	shalt  }
0x3f: {  	_ =	shalt  }
0x40: {  	_ =	shalt  }
0x41: {  	_ =	shalt  }
0x42: {  	_ =	shalt  }
0x43: {  	_ =	shalt  }
0x44: {  	_ =	shalt  }
0x45: {  	_ =	shalt  }
0x46: {  	_ =	shalt  }
0x47: {  	_ =	shalt  }
0x48: {  	_ =	shalt  }
0x49: {  	_ =	shalt  }
0x4a: {  	_ =	shalt  }
0x4b: {  	_ =	shalt  }
0x4c: {  	_ =	shalt  }
0x4d: {  	_ =	shalt  }
0x4e: {  	_ =	shalt  }
0x4f: {  	_ =	shalt  }
0x50: {  	_ =	shalt  }
0x51: {  	_ =	shalt  }
0x52: {  	_ =	shalt  }
0x53: {  	_ =	shalt  }
0x54: {  	_ =	shalt  }
0x55: {  	_ =	shalt  }
0x56: {  	_ =	shalt  }
0x57: {  	_ =	shalt  }
0x58: {  	_ =	shalt  }
0x59: {  	_ =	shalt  }
0x5a: {  	_ =	shalt  }
0x5b: {  	_ =	shalt  }
0x5c: {  	_ =	shalt  }
0x5d: {  	_ =	shalt  }
0x5e: {  	_ =	shalt  }
0x5f: {  	_ =	shalt  }
0x60: {  	_ =	shalt  }
0x61: {  	_ =	shalt  }
0x62: {  	_ =	shalt  }
0x63: {  	_ =	shalt  }
0x64: {  	_ =	shalt  }
0x65: {  	_ =	shalt  }
0x66: {  	_ =	shalt  }
0x67: {  	_ =	shalt  }
0x68: {  	_ =	shalt  }
0x69: {  	_ =	shalt  }
0x6a: {  	_ =	shalt  }
0x6b: {  	_ =	shalt  }
0x6c: {  	_ =	shalt  }
0x6d: {  	_ =	shalt  }
0x6e: {  	_ =	shalt  }
0x6f: {  	_ =	shalt  }
0x70: {  	_ =	shalt  }
0x71: {  	_ =	shalt  }
0x72: {  	_ =	shalt  }
0x73: {  	_ =	shalt  }
0x74: {  	_ =	shalt  }
0x75: {  	_ =	shalt  }
0x76: {  	_ =	shalt  }
0x77: {  	_ =	shalt  }
0x78: {  	_ =	shalt  }
0x79: {  	_ =	shalt  }
0x7a: {  	_ =	shalt  }
0x7b: {  	_ =	shalt  }
0x7c: {  	_ =	shalt  }
0x7d: {  	_ =	shalt  }
0x7e: {  	_ =	shalt  }
0x7f: {  	_ =	shalt  }
0x80: {  	_ =	shalt  }
0x81: {  	_ =	shalt  }
0x82: {  	_ =	shalt  }
0x83: {  	_ =	shalt  }
0x84: {  	_ =	shalt  }
0x85: {  	_ =	shalt  }
0x86: {  	_ =	shalt  }
0x87: {  	_ =	shalt  }
.Lfunc_end0:
.L_simem_size_0:
called_computation.2_lowered:
.L_overlay_start_0:
0x88: {  	s2 =	sld [smem:$0x3FD9]  }
0x89: {  	s3 =	sld [smem:$0x3FFE];
	_ =	sdelay $0x1  }
0x8a: {  	s1 =	srdreg.scid  }
0x8b: {  	s0 =	sand.u32 $0x1, s1  }
0x8c: {  	s17 =	sshll.u32 s0, $0xA;
	s2 =	sadd.s32 s3, s2  }
0x8d: {  	s2 =	sadd.s32 s2, s17  }
0x8e: {  	[smem:$0x3FC4] =	sst s2  }
0x8f: {  	_ = 	snop  }
0x90: {  	s2 =	sld [smem:$0x3FC8]  }
0x91: {  	s18 =	sld [smem:$0x3FD0];
	(tm) =	ssettm $0x1  }
0x92: {  	s4 =	sld [smem:$0x3FFB];
	_ =	sdelay $0x3  }
0x93: {  	_ =	strace s4  }
0x94: {  	s4 =	sld [smem:$0x3FFC];
	_ =	sdelay $0x3  }
0x95: {  	_ =	strace s4  }
0x96: {  	s4 =	sld [smem:$0x3FFD];
	_ =	sdelay $0x3  }
0x97: {  	_ =	strace s4  }
0x98: {  	_ =	strace $0x8FFFFFFF  }
0x99: {  	s19 =	sld [smem:$0x3FDB];
	_ =	sdelay $0x1  }
0x9a: {  	s5 =	simm.s32 $_scs_section_size  }
0x9b: {  	s6 =	simm.s32 $_size__tile_overlayer_lowered;
	s7 =	simm.s32 $_tile_overlayer_lowered  }
0x9c: {  	s22 =	simm.s32 $0x1BFF;
	s21 =	sshll.u32 s7, $0x1;
	s4 =	sadd.s32 s5, s19  }
0x9d: {  	s8 =	simm.s32 $0x0;
	s20 =	sshll.u32 s6, $0x1;
	s6 =	sadd.s32 s21, s4  }
0x9e: {  	[timem:s8], [sflag:s22] =	dma.local [hbm:s6], s20  }
0x9f: {  	_ =	swait.ge [sflag:s22], s20  }
0xa0: {  	s5 =	ssub.s32 $0x0, s20;
	[sflag:s22] =	ssyncset.done $0x0  }
0xa1: {  	[sflag:s22] =	ssyncadd.s32 s5;
	_ =	sdelay $0x1  }
0xa2: {  	s23 =	simm.s32 $0x1B8B  }
0xa3: {  	_ =	swait.ge [sflag:s23], $0x1  }
0xa4: {  	[sflag:s23] =	ssyncset.done $0x0  }
0xa5: {  	s25 =	simm.s32 $0x1B8E;
	s24 =	sld [smem:$0x3FFE];
	[sflag:s23] =	ssyncadd.s32 $0xFFFFFFFF  }
0xa6: {  	s26 =	simm.s32 $execute0_lowered;
	[smem:$0x3FD2] =	sst s25  }
0xa7: {  	s6 =	sshll.u32 s26, $0x1;
	_ =	strace $0x8000004C;
	[dreg:$0x1] =	wrdreg $0xFFFFFFFF  }
0xa8: {  	s28 =	simm.s32 $_size_execute0_lowered;
	s4 =	sadd.s32 s4, s6;
	[dreg:$0x0] =	wrdreg $0x0  }
0xa9: {  	s6 =	sshll.u32 s28, $0x1;
	[dreg:$0x2] =	wrdreg s4  }
0xaa: {  	[dreg:$0x3] =	wrdreg s6  }
0xab: {  	[dreg:$0x4] =	wrdreg $0xC0  }
0xac: {  	_ =	task [dreg:s8], $0x5FFFF  }
0xad: {  	[dreg:$0x1] =	wrdreg $0xFFFFFFFF  }
0xae: {  	[dreg:$0x0] =	wrdreg $0x60  }
0xaf: {  	[dreg:$0x2] =	wrdreg s24  }
0xb0: {  	[dreg:$0x3] =	wrdreg s2  }
0xb1: {  	[dreg:$0x4] =	wrdreg s18  }
0xb2: {  	[dreg:$0x5] =	wrdreg $0x9  }
0xb3: {  	_ =	task.clear_ibuf [dreg:s8], $0x6FFFF;
	_ =	strace $0x9000004C  }
0xb4: {  	s29 =	simm.s32 $0x9;
	_ =	strace $0x8000004E  }
0xb5: {  	_ =	swait.ge [sflag:s29], $0x1  }
0xb6: {  	[sflag:s29] =	ssyncadd.s32 $0xFFFFFFFF  }
0xb7: {  	_ =	strace $0x9000004E  }
0xb8: {  	_ =	sfence  }
0xb9: {  	s30 =	sld [smem:$0x0];
	_ =	sdelay $0x2  }
0xba: {  	s31 =	sshll.u32 s1, $0xD;
	s1 =	sshrl.u32 s1, $0x2  }
0xbb: {  	s3 =	sand.u32 $0x4000, s31;
	s1 =	sadd.s32 s1, s30  }
0xbc: {  	s0 =	sor.u32 s3, s0;
	s1 =	sshll.u32 s1, $0x11  }
0xbd: {  	s0 =	sor.u32 s1, s0  }
0xbe: {  	s0 =	sadd.s32 $0x8F2B, s0  }
0xbf: {  	[sflag:s0] =	ssyncadd.remote.s32 $0x1  }
0xc0: {  	_ =	sfence.sel $0xFFFF  }
0xc1: {  	[dreg:$0x0] =	wrdreg $0xFFFFFFFF;
	(pc) =	sbr.abs _section_cstart, $3  }
0xc2: {  	[dreg:$0x1] =	wrdreg $0xFFFFFFFF  }
0xc3: {  	_ =	task.clear_ibuf [dreg:s8], $0x2FFFF;
	_ =	strace $0x9FFFFFFF  }
0xc4: {  	(tm) =	ssettm $0x7FFFFFFF  }
0xc5: {  	_ =	shalt  }
tec
execute0_lowered:
.L_overlay_start_1:
0x0: {  	(tag) =	ssettag $0x1  }
0x1: {  	s0 =	rddreg [dreg:$0x0]  }
0x2: {  	s1 =	rddreg [dreg:$0x1]  }
0x3: {  	s4 =	rddreg [dreg:$0x2]  }
0x4: {  	s2 =	srdreg.scid;
	s5 =	stileid.u32  }
0x5: {  	s18 =	simm.s32 $0x80;
	s28 =	simm.s32 $0x17EA0;
	s29 =	simm.s32 $0x15F20  }
0x6: {  	s12 =	simm.s32 $0x17F20;
	s30 =	simm.s32 $0x15FA0;
	s31 =	simm.s32 $0x17FA0  }
0x7: {  	s13 =	simm.s32 $0x160A0;
	s14 =	simm.s32 $0x180A0;
	s15 =	simm.s32 $0x16120  }
0x8: {  	s16 =	simm.s32 $0x18120;
	s17 =	simm.s32 $0x1;
	s3 =	sand.u32 $0x1, s2  }
0x9: {  	s2 =	simm.s32 $0x0;
	s5 =	sshll.u32 s5, $0xC;
	s8 =	sadd.s32 $0x431400, s0  }
0xa: {  	s6 =	sshll.u32 s3, $0xB;
	[smem:$0x7FF] =	sst s2;
	s7 =	ssub.s32 $0x2, s3  }
0xb: {  	s3 =	sadd.s32 $0x431600, s0;
	s5 =	sor.u32 s6, s5;
	_ =	strace $0x8000004D  }
0xc: {  	[dreg:$0x4] =	wrdreg s8;
	s6 =	sadd.s32 s5, s0;
	s0 =	sadd.s32 $0x431200, s0  }
0xd: {  	s22 =	sshrl.u32 s7, $0x1;
	s1 =	sadd.s32 s1, s5;
	[dreg:$0x5] =	wrdreg s0  }
0xe: {  	s23 =	ssub.s32 s7, s22;
	s26 =	sadd.s32 s4, s5;
	[dreg:$0x9] =	wrdreg s1  }
0xf: {  	s4 =	simm.s32 $0x2;
	s24 =	sadd.s32 $0x421200, s6;
	[dreg:$0xa] =	wrdreg s26  }
0x10: {  	s7 =	simm.s32 $0x0;
	s25 =	sadd.s32 $0x411200, s6;
	[dreg:$0x6] =	wrdreg s24  }
0x11: {  	s6 =	sadd.s32 $0x401200, s6;
	s0 =	smax.u32 s23, $0x1;
	[dreg:$0x7] =	wrdreg s25  }
0x12: {  	s26 =	simm.s32 $0x15EA0;
	s1 =	simm.s32 $0x18020;
	[dreg:$0x8] =	wrdreg s6  }
0x13: {  	v0 =	vimm.s32 $0x0;
	[dreg:$0xb] =	wrdreg s0;
	s6 =	simm.s32 $0x3;
	s0 =	simm.s32 $0x16020  }
.LBB2_1:
0x14: {  	[dreg:$0xc] =	wrdreg s7  }
0x15: {  	s5 =	rddreg [dreg:$0x4]  }
0x16: {  	[tilespmem:s2], [sflag:$0x3] =	stream.linear.gather [hbm4b:s5+s2], $0x180, $0x38;
	[tilespmem:$0x185A0] =	vst v63  }
0x17: {  	_ =	swait.ge [sflag:s6], $0x180  }
0x18: {  	[sflag:s6] =	ssyncset.done $0x0  }
0x19: {  	s10 =	simm.s32 $0x180;
	s9 =	rddreg [dreg:$0x5];
	[sflag:s6] =	ssyncadd.s32 $0xFFFFFE80  }
0x1a: {  	[tilespmem:s10], [sflag:$0x3] =	stream.linear.gather [hbm4b:s9+s2], $0x20, $0x38;
	[tilespmem:$0x185A0] =	vst v63  }
0x1b: {  	_ =	swait.ge [sflag:s6], $0x20  }
0x1c: {  	[sflag:s6] =	ssyncset.done $0x0  }
0x1d: {  	s19 =	simm.s32 $0x1A0;
	s11 =	rddreg [dreg:$0x6];
	[sflag:s6] =	ssyncadd.s32 $0xFFFFFFE0  }
0x1e: {  	[tilespmem:s19], [sflag:$0x3] =	stream.linear.gather [hbm4b:s11+s2], $0x4000, $0x38;
	[tilespmem:$0x185A0] =	vst v63  }
0x1f: {  	_ =	swait.ge [sflag:s6], $0x4000  }
0x20: {  	[sflag:s6] =	ssyncset.done $0x0  }
0x21: {  	s21 =	simm.s32 $0x41A0;
	s20 =	rddreg [dreg:$0x7];
	[sflag:s6] =	ssyncadd.s32 $0xFFFFC000  }
0x22: {  	[tilespmem:s21], [sflag:$0x3] =	stream.linear.gather [hbm4b:s20+s2], $0x4000, $0x38;
	[tilespmem:$0x185A0] =	vst v63  }
0x23: {  	_ =	swait.ge [sflag:s6], $0x4000  }
0x24: {  	[sflag:s6] =	ssyncset.done $0x0  }
0x25: {  	s23 =	simm.s32 $0x81A0;
	s22 =	rddreg [dreg:$0x8];
	[sflag:s6] =	ssyncadd.s32 $0xFFFFC000  }
0x26: {  	[tilespmem:s23], [sflag:$0x3] =	stream.linear.gather [hbm4b:s22+s2], $0x4000, $0x38;
	[tilespmem:$0x185A0] =	vst v63  }
0x27: {  	_ =	swait.ge [sflag:s6], $0x4000  }
0x28: {  	[sflag:s6] =	ssyncset.done $0x0  }
0x29: {  	s25 =	simm.s32 $0xC1A0;
	s24 =	rddreg [dreg:$0x9];
	[sflag:s6] =	ssyncadd.s32 $0xFFFFC000  }
0x2a: {  	[tilespmem:s25], [sflag:$0x3] =	stream.linear.gather [hbm4b:s24+s2], $0x4000, $0x38;
	[tilespmem:$0x185A0] =	vst v63  }
0x2b: {  	_ =	swait.ge [sflag:s6], $0x4000  }
0x2c: {  	[sflag:s6] =	ssyncset.done $0x0  }
0x2d: {  	[sflag:s6] =	ssyncadd.s32 $0xFFFFC000  }
0x2e: {  	v1 =	vld [tilespmem:$0x190];
	_ =	sdelay $0x4  }
0x2f: {  	s5 =	simm.s32 $0x0;
	(erf) = vrcp.f32 v1  }
0x30: {  	v3 =	vld [tilespmem:s5+$0x81A0]  }
0x31: {  	v6 =	vld [tilespmem:s5+$0x41A0]  }
0x32: {  	v1 =	vld [tilespmem:$0x180]  }
0x33: {  	v4 =	vld [tilespmem:s5+$0x1A0];
	_ =	sdelay $0x3  }
0x34: {  	v5 =	vsub.f32 v3, v1;
	v7 =	vsub.f32 v6, v1  }
0x35: {  	v9 =	vld [tilespmem:s5+$0xC1A0];
	v8 =	vsub.f32 v4, v1;
	v2 =	vpop (erf)  }
0x36: {  	v5 =	vmul.f32 v5, v2;
	v7 =	vmul.f32 v7, v2  }
0x37: {  	v8 =	vmul.f32 v8, v2  }
0x38: {  	v5 =	vtrunc.f32 v5;
	v7 =	vtrunc.f32 v7  }
0x39: {  	v5 =	vcvt.f32.s32 v5;
	v7 =	vcvt.f32.s32 v7  }
0x3a: {  	vm14 =	vge.f32 v9, $0.0e+00  }
0x3b: {  	v8 =	vtrunc.f32 v8;
	vm0 =	vgt.s32 v5, $0x2;
	vm1 =	vgt.s32 v7, $0x2  }
0x3c: {  	v10 =	vnsel vm0, $0x2, v5;
	v5 =	vcvt.f32.s32 v8;
	v7 =	vnsel vm1, $0x2, v7  }
0x3d: {  	v9 =	vmin.u32 v10, $0x100;
	v14 =	vmin.u32 v7, $0x100;
	v13 =	vmin.u32 v7, $0xFE  }
0x3e: {  	v21 =	vmin.u32 v7, $0xFF;
	v7 =	vmin.u32 v10, $0xFE;
	v11 =	vadd.s32 $0x1, v9  }
0x3f: {  	vm15 =	vgt.s32 v5, $0x2;
	v12 =	vadd.s32 $0xFFFFFFFE, v9;
	v18 =	vadd.s32 $0x1, v13  }
0x40: {  	v23 =	vadd.s32 $0x1, v14;
	v17 =	vadd.s32 $0xFFFFFFFF, v14;
	v8 =	vnsel vm15, $0x2, v5  }
0x41: {  	v5 =	vadd.s32 $0xFFFFFFFF, v9;
	v16 =	vmin.u32 v8, $0x100;
	v15 =	vmin.u32 v8, $0xFE  }
0x42: {  	v8 =	vmin.u32 v8, $0xFF;
	v19 =	vadd.s32 $0x1, v16;
	v13 =	vshll.u32 v15, $0x8  }
0x43: {  	v15 =	vshll.u32 v16, $0x8;
	v24 =	vshll.u32 v8, $0x8;
	v8 =	vadd.s32 $0x1, v7  }
0x44: {  	v7 =	vmin.u32 v10, $0xFF;
	v25 =	vadd.s32 $0x100, v13;
	v13 =	vsel vm14, $0x1000000, v0  }
0x45: {  	v20 =	vadd.s32 $0xFFFFFE00, v15;
	v15 =	vadd.s32 $0xFFFFFF00, v15;
	v22 =	vadd.s32 v24, v17  }
0x46: {  	v34 =	vor.u32 v24, v21;
	v26 =	vadd.s32 v20, v17;
	v27 =	vadd.s32 v15, v17  }
0x47: {  	v17 =	vadd.s32 v25, v17;
	v29 =	vor.u32 v15, v21;
	v28 =	vshll.u32 v22, $0x8  }
0x48: {  	v22 =	vadd.s32 v15, v18;
	v33 =	vor.u32 v20, v21;
	v20 =	vadd.s32 v24, v18  }
0x49: {  	v18 =	vadd.s32 $0xFFFFFFFE, v14;
	v34 =	vshll.u32 v34, $0x8;
	v10 =	vshll.u32 v26, $0x8  }
0x4a: {  	v31 =	vld.idx.msk [tilespmem:v11+s2+$0x0], $0xffff;
	v26 =	vshll.u32 v27, $0x8;
	v27 =	vor.u32 v25, v21;
	v11 =	vadd.s32 v24, v18  }
0x4b: {  	v35 =	vld.idx.msk [tilespmem:v23+s2+$0x0], $0xffff;
	v32 =	vshll.u32 v29, $0x8;
	v63 =	vshll.u32 v33, $0x8;
	v30 =	vadd.s32 v13, v10  }
0x4c: {  	v10 =	vshll.u32 v22, $0x8;
	v26 =	vadd.s32 v13, v26;
	v25 =	vld.idx.msk [tilespmem:v16+s2+$0x0], $0xffff;
	v16 =	vadd.s32 v13, v28  }
0x4d: {  	v22 =	vadd.s32 v5, v30;
	v21 =	vadd.s32 v13, v10;
	v10 =	vadd.s32 v15, v18;
	v15 =	vld.idx.msk [tilespmem:v9+s2+$0x0], $0xffff  }
0x4e: {  	v18 =	vld.idx.msk [tilespmem:v14+s2+$0x0], $0xffff;
	v9 =	vor.u32 v7, v26;
	v23 =	vor.u32 v7, v30;
	v30 =	vor.u32 v7, v16  }
0x4f: {  	v38 =	vadd.s32 v12, v16;
	v33 =	vadd.s32 v5, v16;
	v24 =	vshll.u32 v10, $0x8  }
0x50: {  	v10 =	vadd.s32 v8, v26;
	v36 =	vor.u32 v7, v21;
	v14 =	vadd.s32 v13, v24  }
0x51: {  	v28 =	vld.idx.msk [tilespmem:v19+s2+$0x0], $0xffff;
	[tilespmem:s5+$0x145A0] =	vst v38;
	v24 =	vshll.u32 v11, $0x8;
	v11 =	vadd.s32 v5, v14;
	v37 =	vor.u32 v7, v14  }
0x52: {  	[tilespmem:s5+$0x14F20] =	vst v36;
	v24 =	vadd.s32 v13, v24;
	v14 =	vadd.s32 v12, v26;
	v19 =	vsub.f32 v31, v15  }
0x53: {  	s6 =	simm.s32 $0x40;
	[tilespmem:s5+$0x14E20] =	vst v37;
	v31 =	vadd.s32 v8, v16;
	v29 =	vsub.f32 v35, v18;
	v16 =	vadd.s32 v63, v13  }
.LBB2_2:
0x54: {  	s7 =	sshra.s32 s6, $0x2;
	p0 =	sne.s32 s6, $0x1C0;
	s6 =	sadd.s32 $0x40, s6;
	v32 =	vadd.s32 v32, v13;
	v34 =	vor.u32 v34, v13;
	v27 =	vshll.u32 v27, $0x8;
	[tilespmem:s5+$0x14620] =	vst v33  }
0x55: {  	v35 =	vsub.f32 v4, v25;
	v33 =	vld [tilespmem:s7+$0x81A0];
	v27 =	vadd.s32 v27, v13;
	v4 =	vadd.s32 v12, v32;
	[tilespmem:s5+$0x14720] =	vst v31  }
0x56: {  	v25 =	vsub.f32 v28, v25;
	v28 =	vadd.s32 v5, v32;
	v36 =	vor.u32 v7, v32;
	v31 =	vld [tilespmem:s7+$0x41A0];
	[tilespmem:s5+$0x143A0] =	vst v4  }
0x57: {  	v26 =	vadd.s32 v5, v26;
	v21 =	vadd.s32 v5, v21;
	v32 =	vadd.s32 v8, v32;
	v4 =	vld [tilespmem:s7+$0x1A0];
	[tilespmem:s5+$0x146A0] =	vst v30  }
0x58: {  	v18 =	vsub.f32 v6, v18;
	v6 =	vadd.s32 v12, v34;
	[tilespmem:s5+$0x14220] =	vst v26;
	(erf) = vrcp.f32 v29  }
0x59: {  	v12 =	vshll.u32 v17, $0x8;
	v17 =	vor.u32 v7, v27;
	[tilespmem:s5+$0x147A0] =	vst v6;
	v6 =	vadd.s32 v5, v27  }
0x5a: {  	v20 =	vshll.u32 v20, $0x8;
	v12 =	vadd.s32 v13, v12;
	v26 =	vadd.s32 v5, v34;
	[tilespmem:s5+$0x149A0] =	vst v22  }
0x5b: {  	v27 =	vsub.f32 v33, v1;
	v22 =	vsub.f32 v31, v1;
	[tilespmem:s5+$0x14820] =	vst v26;
	v26 =	vadd.s32 v5, v12  }
0x5c: {  	v12 =	vor.u32 v7, v12;
	v29 =	vsub.f32 v4, v1;
	[tilespmem:s5+$0x14CA0] =	vst v6;
	v6 =	vadd.s32 v5, v24  }
0x5d: {  	v27 =	vmul.f32 v27, v2;
	v22 =	vmul.f32 v22, v2;
	v30 =	vld [tilespmem:s7+$0xC1A0];
	[tilespmem:s5+$0x14C20] =	vst v12;
	v12 =	vor.u32 v7, v24  }
0x5e: {  	v15 =	vsub.f32 v3, v15;
	v13 =	vadd.s32 v13, v20;
	v24 =	vmul.f32 v29, v2;
	[tilespmem:s5+$0x14FA0] =	vst v6  }
0x5f: {  	v3 =	vmovc v33;
	v20 =	vtrunc.f32 v22;
	v22 =	vtrunc.f32 v27;
	[tilespmem:s5+$0x15020] =	vst v12;
	v27 =	vor.u32 v7, v13;
	v6 =	vmovc v31  }
0x60: {  	v29 =	vadd.s32 v5, v13;
	v12 =	vcvt.f32.s32 v20;
	v20 =	vcvt.f32.s32 v22;
	[tilespmem:s5+$0x14A20] =	vst v23  }
0x61: {  	v22 =	vtrunc.f32 v24;
	v23 =	vor.u32 v7, v34;
	[tilespmem:s5+$0x150A0] =	vst v29;
	(erf) = vrcp.f32 v25;
	v13 =	vpop (erf)  }
0x62: {  	vm1 =	vgt.s32 v20, $0x2;
	vm0 =	vge.f32 v30, $0.0e+00;
	[tilespmem:s5+$0x148A0] =	vst v23;
	v23 =	vadd.s32 v8, v34  }
0x63: {  	vm2 =	vgt.s32 v12, $0x2;
	v20 =	vnsel vm1, $0x2, v20;
	[tilespmem:s5+$0x14420] =	vst v28;
	(erf) = vrcp.f32 v19  }
0x64: {  	v8 =	vcvt.f32.s32 v22;
	v19 =	vnsel vm2, $0x2, v12;
	v24 =	vmin.u32 v20, $0x100;
	[tilespmem:s5+$0x14D20] =	vst v17  }
0x65: {  	v22 =	vadd.s32 v5, v16;
	v25 =	vadd.s32 $0x1, v24;
	v12 =	vadd.s32 $0xFFFFFFFE, v24;
	[tilespmem:s5+$0x15120] =	vst v27  }
0x66: {  	vm1 =	vgt.s32 v8, $0x2;
	v28 =	vmin.u32 v19, $0x100;
	v5 =	vadd.s32 $0xFFFFFFFF, v24;
	[tilespmem:s5+$0x14520] =	vst v32  }
0x67: {  	v16 =	vor.u32 v7, v16;
	v17 =	vmin.u32 v19, $0xFE;
	v8 =	vnsel vm1, $0x2, v8;
	[tilespmem:s5+$0x14EA0] =	vst v21  }
0x68: {  	v29 =	vmin.u32 v8, $0x100;
	v7 =	vmin.u32 v8, $0xFE;
	v21 =	vadd.s32 $0x1, v17;
	[tilespmem:s5+$0x141A0] =	vst v14  }
0x69: {  	v30 =	vadd.s32 $0x1, v28;
	v7 =	vshll.u32 v7, $0x8;
	v14 =	vadd.s32 $0x1, v29;
	[tilespmem:s5+$0x144A0] =	vst v36  }
0x6a: {  	v18 =	vmul.f32 v13, v18;
	v8 =	vmin.u32 v8, $0xFF;
	v17 =	vshll.u32 v29, $0x8;
	[tilespmem:s5+$0x14BA0] =	vst v26;
	v26 =	vpop (erf)  }
0x6b: {  	v19 =	vmin.u32 v19, $0xFF;
	v31 =	vshll.u32 v8, $0x8;
	v27 =	vadd.s32 $0x100, v7;
	[tilespmem:s5+$0x14320] =	vst v10  }
0x6c: {  	v13 =	vsel vm0, $0x1000000, v0;
	v7 =	vmin.u32 v20, $0xFE;
	v8 =	vmul.f32 v26, v35;
	[tilespmem:s5+$0x14DA0] =	vst v11;
	v10 =	vpop (erf)  }
0x6d: {  	v26 =	vadd.s32 $0xFFFFFE00, v17;
	v11 =	vadd.s32 $0xFFFFFFFF, v28;
	v10 =	vmul.f32 v10, v15;
	[tilespmem:s5+$0x142A0] =	vst v9  }
0x6e: {  	v9 =	vadd.s32 $0xFFFFFF00, v17;
	v15 =	vadd.s32 v31, v11;
	v32 =	vadd.s32 v26, v11;
	[tilespmem:s5+$0x181A0] =	vst v8  }
0x6f: {  	v17 =	vadd.s32 v27, v11;
	v8 =	vadd.s32 $0x1, v7;
	v33 =	vadd.s32 v9, v11;
	[tilespmem:s5+$0x182A0] =	vst v10  }
0x70: {  	v7 =	vmin.u32 v20, $0xFF;
	v34 =	vor.u32 v9, v19;
	v35 =	vshll.u32 v15, $0x8;
	[tilespmem:s5+$0x14AA0] =	vst v22  }
0x71: {  	v36 =	vor.u32 v31, v19;
	v11 =	vadd.s32 v9, v21;
	v10 =	vshll.u32 v32, $0x8;
	[tilespmem:s5+$0x14920] =	vst v23  }
0x72: {  	v32 =	vadd.s32 v13, v10;
	v23 =	vshll.u32 v33, $0x8;
	v33 =	vor.u32 v26, v19;
	[tilespmem:s5+$0x14B20] =	vst v16  }
0x73: {  	v20 =	vadd.s32 v31, v21;
	v10 =	vshll.u32 v11, $0x8;
	v22 =	vadd.s32 v5, v32;
	[tilespmem:s5+$0x18220] =	vst v18;
	s5 =	smov.u32 s7  }
0x74: {  	v27 =	vor.u32 v27, v19;
	v11 =	vadd.s32 $0xFFFFFFFE, v28;
	v21 =	vadd.s32 v13, v10;
	v16 =	vld.idx.msk [tilespmem:v25+s2+$0x0], $0xffff  }
0x75: {  	v9 =	vadd.s32 v9, v11;
	v11 =	vadd.s32 v31, v11;
	v26 =	vadd.s32 v13, v23;
	v15 =	vld.idx.msk [tilespmem:v24+s2+$0x0], $0xffff  }
0x76: {  	v19 =	vshll.u32 v9, $0x8;
	v9 =	vor.u32 v7, v26;
	v10 =	vadd.s32 v8, v26;
	v18 =	vld.idx.msk [tilespmem:v28+s2+$0x0], $0xffff  }
0x77: {  	v38 =	vor.u32 v7, v21;
	v19 =	vadd.s32 v13, v19;
	v24 =	vshll.u32 v11, $0x8;
	v37 =	vld.idx.msk [tilespmem:v30+s2+$0x0], $0xffff  }
0x78: {  	v39 =	vor.u32 v7, v19;
	v11 =	vadd.s32 v5, v19  }
.Ltmp0:
0x79: {  	v23 =	vor.u32 v7, v32;
	v25 =	vld.idx.msk [tilespmem:v29+s2+$0x0], $0xffff;
	v29 =	vadd.s32 v13, v35;
	(pc) =	sbr.rel @p0 .LBB2_2-.Ltmp0, $4  }
0x7a: {  	v32 =	vshll.u32 v34, $0x8;
	v24 =	vadd.s32 v13, v24;
	v28 =	vld.idx.msk [tilespmem:v14+s2+$0x0], $0xffff;
	v14 =	vadd.s32 v12, v26  }
0x7b: {  	v19 =	vsub.f32 v16, v15;
	v30 =	vor.u32 v7, v29;
	v31 =	vadd.s32 v8, v29;
	[tilespmem:s5+$0x14E20] =	vst v39  }
0x7c: {  	v16 =	vshll.u32 v33, $0x8;
	v35 =	vadd.s32 v12, v29;
	v33 =	vadd.s32 v5, v29;
	[tilespmem:s5+$0x14F20] =	vst v38  }
0x7d: {  	v34 =	vshll.u32 v36, $0x8;
	v16 =	vadd.s32 v16, v13;
	v29 =	vsub.f32 v37, v18;
	[tilespmem:s5+$0x145A0] =	vst v35  }
0x7e: {  	[tilespmem:s5+$0x14620] =	vst v33  }
0x7f: {  	[tilespmem:s5+$0x14720] =	vst v31  }
0x80: {  	[tilespmem:s5+$0x146A0] =	vst v30  }
0x81: {  	[tilespmem:s5+$0x149A0] =	vst v22  }
0x82: {  	[tilespmem:s5+$0x14A20] =	vst v23  }
0x83: {  	[tilespmem:s5+$0x141A0] =	vst v14  }
0x84: {  	[tilespmem:s5+$0x14320] =	vst v10  }
0x85: {  	[tilespmem:s5+$0x14DA0] =	vst v11  }
0x86: {  	v26 =	vadd.s32 v5, v26;
	[tilespmem:s5+$0x142A0] =	vst v9  }
0x87: {  	v47 =	vadd.s32 v5, v24;
	[tilespmem:s5+$0x14220] =	vst v26  }
0x88: {  	v48 =	vor.u32 v7, v24;
	[tilespmem:s5+$0x14FA0] =	vst v47  }
0x89: {  	v55 =	vadd.s32 v5, v21;
	[tilespmem:s5+$0x15020] =	vst v48  }
0x8a: {  	v62 =	vadd.s32 v5, v16;
	[tilespmem:s5+$0x14EA0] =	vst v55  }
0x8b: {  	v32 =	vadd.s32 v32, v13;
	v63 =	vor.u32 v7, v16;
	[tilespmem:s5+$0x14AA0] =	vst v62  }
0x8c: {  	v40 =	vor.u32 v34, v13;
	v39 =	vadd.s32 v12, v32;
	v50 =	vsub.f32 v28, v25;
	[tilespmem:s5+$0x14B20] =	vst v63  }
0x8d: {  	v41 =	vadd.s32 v12, v40;
	(erf) = vrcp.f32 v29;
	[tilespmem:s5+$0x143A0] =	vst v39  }
0x8e: {  	v44 =	vadd.s32 v5, v40;
	[tilespmem:s5+$0x147A0] =	vst v41;
	(erf) = vrcp.f32 v50  }
0x8f: {  	v52 =	vor.u32 v7, v40;
	[tilespmem:s5+$0x14820] =	vst v44;
	(erf) = vrcp.f32 v19  }
0x90: {  	v53 =	vadd.s32 v5, v32;
	[tilespmem:s5+$0x148A0] =	vst v52  }
0x91: {  	v42 =	vshll.u32 v27, $0x8;
	v54 =	vadd.s32 v8, v32;
	[tilespmem:s5+$0x14420] =	vst v53  }
0x92: {  	v17 =	vshll.u32 v17, $0x8;
	v43 =	vadd.s32 v42, v13;
	v56 =	vor.u32 v7, v32;
	[tilespmem:s5+$0x14520] =	vst v54  }
0x93: {  	v20 =	vshll.u32 v20, $0x8;
	v17 =	vadd.s32 v13, v17;
	v45 =	vadd.s32 v5, v43;
	[tilespmem:s5+$0x144A0] =	vst v56  }
0x94: {  	v49 =	vadd.s32 v13, v20;
	v46 =	vor.u32 v7, v17;
	[tilespmem:s5+$0x14CA0] =	vst v45  }
0x95: {  	v51 =	vadd.s32 v5, v49;
	[tilespmem:s5+$0x14C20] =	vst v46  }
0x96: {  	v4 =	vsub.f32 v4, v25;
	v12 =	vor.u32 v7, v43;
	[tilespmem:s5+$0x150A0] =	vst v51;
	v58 =	vpop (erf)  }
0x97: {  	v3 =	vsub.f32 v3, v15;
	v13 =	vor.u32 v7, v49;
	[tilespmem:s5+$0x14D20] =	vst v12;
	v59 =	vpop (erf)  }
0x98: {  	v57 =	vadd.s32 v5, v17;
	[tilespmem:s5+$0x15120] =	vst v13;
	v4 =	vmul.f32 v59, v4;
	v60 =	vpop (erf)  }
0x99: {  	v61 =	vsub.f32 v6, v18;
	[tilespmem:s5+$0x14BA0] =	vst v57;
	v3 =	vmul.f32 v60, v3  }
0x9a: {  	[tilespmem:s5+$0x181A0] =	vst v4  }
0x9b: {  	v4 =	vmul.f32 v58, v61;
	[tilespmem:s5+$0x182A0] =	vst v3;
	v3 =	vadd.s32 v8, v40  }
0x9c: {  	[tilespmem:s5+$0x14920] =	vst v3  }
0x9d: {  	s23 =	simm.s32 $0x141A0;
	s6 =	simm.s32 $0x161A0;
	[tilespmem:s5+$0x18220] =	vst v4  }
0x9e: {  	[tilespmem:s6], [sflag:$0x1] =	stream.indirect.gather [hbm4b:s3+s18], $0x1, s23, s18, $0xb8;
	[tilespmem:$0x185A0] =	vst v63  }
0x9f: {  	s24 =	simm.s32 $0x14220;
	s25 =	simm.s32 $0x16220  }
0xa0: {  	[tilespmem:s25], [sflag:$0x1] =	stream.indirect.gather [hbm4b:s3+s18], $0x1, s24, s18, $0xb8;
	[tilespmem:$0x185A0] =	vst v63  }
0xa1: {  	s7 =	simm.s32 $0x142A0;
	s8 =	simm.s32 $0x162A0  }
0xa2: {  	[tilespmem:s8], [sflag:$0x1] =	stream.indirect.gather [hbm4b:s3+s18], $0x1, s7, s18, $0xb8;
	[tilespmem:$0x185A0] =	vst v63  }
0xa3: {  	s9 =	simm.s32 $0x14320;
	s10 =	simm.s32 $0x16320  }
0xa4: {  	[tilespmem:s10], [sflag:$0x1] =	stream.indirect.gather [hbm4b:s3+s18], $0x1, s9, s18, $0xb8;
	[tilespmem:$0x185A0] =	vst v63  }
0xa5: {  	s11 =	simm.s32 $0x143A0;
	s19 =	simm.s32 $0x163A0  }
0xa6: {  	[tilespmem:s19], [sflag:$0x1] =	stream.indirect.gather [hbm4b:s3+s18], $0x1, s11, s18, $0xb8;
	[tilespmem:$0x185A0] =	vst v63  }
0xa7: {  	s20 =	simm.s32 $0x14420;
	s21 =	simm.s32 $0x16420  }
0xa8: {  	[tilespmem:s21], [sflag:$0x1] =	stream.indirect.gather [hbm4b:s3+s18], $0x1, s20, s18, $0xb8;
	[tilespmem:$0x185A0] =	vst v63  }
0xa9: {  	s22 =	simm.s32 $0x144A0;
	s23 =	simm.s32 $0x164A0  }
0xaa: {  	[tilespmem:s23], [sflag:$0x1] =	stream.indirect.gather [hbm4b:s3+s18], $0x1, s22, s18, $0xb8;
	[tilespmem:$0x185A0] =	vst v63  }
0xab: {  	s24 =	simm.s32 $0x14520;
	s25 =	simm.s32 $0x16520  }
0xac: {  	[tilespmem:s25], [sflag:$0x1] =	stream.indirect.gather [hbm4b:s3+s18], $0x1, s24, s18, $0xb8;
	[tilespmem:$0x185A0] =	vst v63  }
0xad: {  	s7 =	simm.s32 $0x145A0;
	s8 =	simm.s32 $0x165A0  }
0xae: {  	[tilespmem:s8], [sflag:$0x1] =	stream.indirect.gather [hbm4b:s3+s18], $0x1, s7, s18, $0xb8;
	[tilespmem:$0x185A0] =	vst v63  }
0xaf: {  	s9 =	simm.s32 $0x14620;
	s10 =	simm.s32 $0x16620  }
0xb0: {  	[tilespmem:s10], [sflag:$0x1] =	stream.indirect.gather [hbm4b:s3+s18], $0x1, s9, s18, $0xb8;
	[tilespmem:$0x185A0] =	vst v63  }
0xb1: {  	s11 =	simm.s32 $0x146A0;
	s19 =	simm.s32 $0x166A0  }
0xb2: {  	[tilespmem:s19], [sflag:$0x1] =	stream.indirect.gather [hbm4b:s3+s18], $0x1, s11, s18, $0xb8;
	[tilespmem:$0x185A0] =	vst v63  }
0xb3: {  	s20 =	simm.s32 $0x14720;
	s21 =	simm.s32 $0x16720  }
0xb4: {  	[tilespmem:s21], [sflag:$0x1] =	stream.indirect.gather [hbm4b:s3+s18], $0x1, s20, s18, $0xb8;
	[tilespmem:$0x185A0] =	vst v63  }
0xb5: {  	s22 =	simm.s32 $0x147A0;
	s23 =	simm.s32 $0x167A0  }
0xb6: {  	[tilespmem:s23], [sflag:$0x1] =	stream.indirect.gather [hbm4b:s3+s18], $0x1, s22, s18, $0xb8;
	[tilespmem:$0x185A0] =	vst v63  }
0xb7: {  	s24 =	simm.s32 $0x14820;
	s25 =	simm.s32 $0x16820  }
0xb8: {  	[tilespmem:s25], [sflag:$0x1] =	stream.indirect.gather [hbm4b:s3+s18], $0x1, s24, s18, $0xb8;
	[tilespmem:$0x185A0] =	vst v63  }
0xb9: {  	s7 =	simm.s32 $0x148A0;
	s8 =	simm.s32 $0x168A0  }
0xba: {  	[tilespmem:s8], [sflag:$0x1] =	stream.indirect.gather [hbm4b:s3+s18], $0x1, s7, s18, $0xb8;
	[tilespmem:$0x185A0] =	vst v63  }
0xbb: {  	s9 =	simm.s32 $0x14920;
	s10 =	simm.s32 $0x16920  }
0xbc: {  	[tilespmem:s10], [sflag:$0x1] =	stream.indirect.gather [hbm4b:s3+s18], $0x1, s9, s18, $0xb8;
	[tilespmem:$0x185A0] =	vst v63  }
0xbd: {  	s11 =	simm.s32 $0x149A0;
	s19 =	simm.s32 $0x169A0  }
0xbe: {  	[tilespmem:s19], [sflag:$0x1] =	stream.indirect.gather [hbm4b:s3+s18], $0x1, s11, s18, $0xb8;
	[tilespmem:$0x185A0] =	vst v63  }
0xbf: {  	s20 =	simm.s32 $0x14A20;
	s21 =	simm.s32 $0x16A20  }
0xc0: {  	[tilespmem:s21], [sflag:$0x1] =	stream.indirect.gather [hbm4b:s3+s18], $0x1, s20, s18, $0xb8;
	[tilespmem:$0x185A0] =	vst v63  }
0xc1: {  	s22 =	simm.s32 $0x14AA0;
	s23 =	simm.s32 $0x16AA0  }
0xc2: {  	[tilespmem:s23], [sflag:$0x1] =	stream.indirect.gather [hbm4b:s3+s18], $0x1, s22, s18, $0xb8;
	[tilespmem:$0x185A0] =	vst v63  }
0xc3: {  	s24 =	simm.s32 $0x14B20;
	s25 =	simm.s32 $0x16B20  }
0xc4: {  	[tilespmem:s25], [sflag:$0x1] =	stream.indirect.gather [hbm4b:s3+s18], $0x1, s24, s18, $0xb8;
	[tilespmem:$0x185A0] =	vst v63  }
0xc5: {  	s7 =	simm.s32 $0x14BA0;
	s8 =	simm.s32 $0x16BA0  }
0xc6: {  	[tilespmem:s8], [sflag:$0x1] =	stream.indirect.gather [hbm4b:s3+s18], $0x1, s7, s18, $0xb8;
	[tilespmem:$0x185A0] =	vst v63  }
0xc7: {  	s5 =	simm.s32 $0x0;
	s9 =	simm.s32 $0x14C20;
	s10 =	simm.s32 $0x16C20  }
0xc8: {  	[tilespmem:s10], [sflag:$0x1] =	stream.indirect.gather [hbm4b:s3+s18], $0x1, s9, s18, $0xb8;
	[tilespmem:$0x185A0] =	vst v63  }
0xc9: {  	s6 =	simm.s32 $0x220;
	s11 =	simm.s32 $0x14CA0;
	s19 =	simm.s32 $0x16CA0  }
0xca: {  	[tilespmem:s19], [sflag:$0x1] =	stream.indirect.gather [hbm4b:s3+s18], $0x1, s11, s18, $0xb8;
	[tilespmem:$0x185A0] =	vst v63  }
0xcb: {  	s20 =	simm.s32 $0x14D20;
	s21 =	simm.s32 $0x16D20;
	s22 =	simm.s32 $0x14DA0  }
0xcc: {  	[tilespmem:s21], [sflag:$0x1] =	stream.indirect.gather [hbm4b:s3+s18], $0x1, s20, s18, $0xb8;
	[tilespmem:$0x185A0] =	vst v63  }
0xcd: {  	s23 =	simm.s32 $0x16DA0;
	s24 =	simm.s32 $0x14E20;
	s25 =	simm.s32 $0x16E20  }
0xce: {  	[tilespmem:s23], [sflag:$0x1] =	stream.indirect.gather [hbm4b:s3+s18], $0x1, s22, s18, $0xb8;
	[tilespmem:$0x185A0] =	vst v63  }
0xcf: {  	s7 =	simm.s32 $0x14EA0;
	s8 =	simm.s32 $0x16EA0;
	s9 =	simm.s32 $0x14F20  }
0xd0: {  	[tilespmem:s25], [sflag:$0x1] =	stream.indirect.gather [hbm4b:s3+s18], $0x1, s24, s18, $0xb8;
	[tilespmem:$0x185A0] =	vst v63  }
0xd1: {  	s10 =	simm.s32 $0x16F20;
	s11 =	simm.s32 $0x14FA0;
	s19 =	simm.s32 $0x16FA0  }
0xd2: {  	[tilespmem:s8], [sflag:$0x1] =	stream.indirect.gather [hbm4b:s3+s18], $0x1, s7, s18, $0xb8;
	[tilespmem:$0x185A0] =	vst v63  }
0xd3: {  	s20 =	simm.s32 $0x15020;
	s21 =	simm.s32 $0x17020;
	s22 =	simm.s32 $0x150A0  }
0xd4: {  	[tilespmem:s10], [sflag:$0x1] =	stream.indirect.gather [hbm4b:s3+s18], $0x1, s9, s18, $0xb8;
	[tilespmem:$0x185A0] =	vst v63  }
0xd5: {  	s23 =	simm.s32 $0x170A0;
	s24 =	simm.s32 $0x15120;
	s25 =	simm.s32 $0x17120  }
0xd6: {  	[tilespmem:s19], [sflag:$0x1] =	stream.indirect.gather [hbm4b:s3+s18], $0x1, s11, s18, $0xb8;
	[tilespmem:$0x185A0] =	vst v63  }
0xd7: {  	s7 =	simm.s32 $0x4220;
	s8 =	simm.s32 $0x8220;
	s9 =	simm.s32 $0xC220  }
0xd8: {  	[tilespmem:s21], [sflag:$0x1] =	stream.indirect.gather [hbm4b:s3+s18], $0x1, s20, s18, $0xb8;
	[tilespmem:$0x185A0] =	vst v63  }
0xd9: {  	s10 =	simm.s32 $0x101A0;
	s11 =	simm.s32 $0x2A0;
	s19 =	simm.s32 $0x42A0  }
0xda: {  	[tilespmem:s23], [sflag:$0x1] =	stream.indirect.gather [hbm4b:s3+s18], $0x1, s22, s18, $0xb8;
	[tilespmem:$0x185A0] =	vst v63  }
0xdb: {  	s20 =	simm.s32 $0x82A0;
	s21 =	simm.s32 $0xC2A0;
	s22 =	simm.s32 $0x10220  }
0xdc: {  	[tilespmem:s25], [sflag:$0x1] =	stream.indirect.gather [hbm4b:s3+s18], $0x1, s24, s18, $0xb8;
	[tilespmem:$0x185A0] =	vst v63  }
.LBB2_4:
0xdd: {  	v3 =	vmov s6  }
0xde: {  	v4 =	vmov s7  }
0xdf: {  	v5 =	vmov s8  }
0xe0: {  	v6 =	vmov s9;
	s23 =	simm.s32 $0x0  }
.LBB2_5:
0xe1: {  	s24 =	sshra.s32 s23, $0x2  }
0xe2: {  	v7 =	vld.idx.msk [tilespmem:v3+s24+$0x0 ss:$0x1], $0xffff  }
0xe3: {  	v8 =	vld.idx.msk [tilespmem:v4+s24+$0x0 ss:$0x1], $0xffff  }
0xe4: {  	v9 =	vld.idx.msk [tilespmem:v5+s24+$0x0 ss:$0x1], $0xffff;
	_ =	sdelay $0x2  }
0xe5: {  	v10 =	vsub.f32 v7, v1  }
0xe6: {  	v11 =	vsub.f32 v8, v1  }
0xe7: {  	v12 =	vsub.f32 v9, v1;
	v10 =	vmul.f32 v10, v2  }
0xe8: {  	v11 =	vmul.f32 v11, v2  }
0xe9: {  	v12 =	vmul.f32 v12, v2;
	v10 =	vtrunc.f32 v10  }
0xea: {  	v11 =	vtrunc.f32 v11;
	v10 =	vcvt.f32.s32 v10  }
0xeb: {  	v12 =	vtrunc.f32 v12;
	v11 =	vcvt.f32.s32 v11  }
0xec: {  	v12 =	vcvt.f32.s32 v12;
	vm0 =	vgt.s32 v10, $0x2  }
0xed: {  	vm13 =	vgt.s32 v11, $0x2;
	v10 =	vnsel vm0, $0x2, v10  }
0xee: {  	vm14 =	vgt.s32 v12, $0x2;
	v11 =	vnsel vm13, $0x2, v11;
	v13 =	vmin.u32 v10, $0x100  }
0xef: {  	v12 =	vnsel vm14, $0x2, v12;
	v15 =	vmin.u32 v11, $0x100  }
0xf0: {  	v17 =	vmin.u32 v12, $0x100  }
0xf1: {  	v14 =	vadd.s32 $0x1, v13  }
0xf2: {  	v16 =	vadd.s32 $0x1, v15  }
0xf3: {  	v19 =	vadd.s32 $0x1, v17;
	v18 =	vld.idx.msk [tilespmem:v13+s2+$0x0], $0xffff  }
0xf4: {  	v20 =	vld.idx.msk [tilespmem:v15+s2+$0x0], $0xffff  }
0xf5: {  	v21 =	vld.idx.msk [tilespmem:v17+s2+$0x0], $0xffff  }
0xf6: {  	v14 =	vld.idx.msk [tilespmem:v14+s2+$0x0], $0xffff  }
0xf7: {  	v16 =	vld.idx.msk [tilespmem:v16+s2+$0x0], $0xffff  }
0xf8: {  	v19 =	vld.idx.msk [tilespmem:v19+s2+$0x0], $0xffff;
	_ =	sdelay $0x2  }
0xf9: {  	v14 =	vsub.f32 v14, v18  }
0xfa: {  	v36 =	vsub.f32 v16, v20  }
0xfb: {  	v37 =	vsub.f32 v19, v21;
	(erf) = vrcp.f32 v14  }
0xfc: {  	(erf) = vrcp.f32 v36  }
0xfd: {  	(erf) = vrcp.f32 v37;
	_ =	sdelay $0x3  }
0xfe: {  	v38 =	vld.idx.msk [tilespmem:v6+s24+$0x0 ss:$0x1], $0xffff;
	_ =	sdelay $0x1  }
0xff: {  	v7 =	vsub.f32 v7, v18  }
0x100: {  	v41 =	vadd.s32 $0xFFFFFFFF, v15;
	v13 =	vshll.u32 v13, $0x8;
	v8 =	vsub.f32 v8, v20;
	v39 =	vpop (erf)  }
0x101: {  	v42 =	vadd.s32 $0xFFFFFF00, v13;
	v9 =	vsub.f32 v9, v21;
	v7 =	vmul.f32 v39, v7;
	v40 =	vpop (erf)  }
0x102: {  	vm15 =	vge.f32 v38, $0.0e+00;
	v44 =	vadd.s32 v42, v41;
	v8 =	vmul.f32 v40, v8;
	v43 =	vpop (erf)  }
0x103: {  	v45 =	vsel vm15, $0x1000000, v0;
	v9 =	vmul.f32 v43, v9;
	[tilespmem:s24+$0x183A0] =	vst v7;
	v7 =	vshll.u32 v44, $0x8  }
0x104: {  	v46 =	vmin.u32 v11, $0xFF;
	v47 =	vadd.s32 $0xFFFFFFFE, v17;
	[tilespmem:s24+$0x18420] =	vst v8;
	v7 =	vadd.s32 v45, v7  }
0x105: {  	v48 =	vmin.u32 v12, $0xFF;
	v8 =	vadd.s32 $0xFFFFFFFF, v17;
	[tilespmem:s24+$0x184A0] =	vst v9;
	v49 =	vadd.s32 v47, v7  }
0x106: {  	v12 =	vmin.u32 v12, $0xFE;
	v50 =	vor.u32 v42, v46;
	v51 =	vadd.s32 v8, v7;
	[tilespmem:s24+$0x151A0] =	vst v49  }
0x107: {  	v12 =	vadd.s32 $0x1, v12;
	v21 =	vshll.u32 v50, $0x8;
	v52 =	vor.u32 v48, v7;
	[tilespmem:s24+$0x15220] =	vst v51  }
0x108: {  	v22 =	vmin.u32 v10, $0xFF;
	v21 =	vadd.s32 v21, v45;
	v7 =	vadd.s32 v12, v7;
	[tilespmem:s24+$0x152A0] =	vst v52  }
0x109: {  	v53 =	vshll.u32 v22, $0x8;
	[tilespmem:s24+$0x15320] =	vst v7;
	v7 =	vadd.s32 v47, v21  }
0x10a: {  	v22 =	vadd.s32 v53, v41;
	[tilespmem:s24+$0x153A0] =	vst v7;
	v7 =	vadd.s32 v8, v21  }
0x10b: {  	v22 =	vshll.u32 v22, $0x8;
	[tilespmem:s24+$0x15420] =	vst v7;
	v7 =	vor.u32 v48, v21  }
0x10c: {  	v22 =	vadd.s32 v45, v22;
	[tilespmem:s24+$0x154A0] =	vst v7;
	v7 =	vadd.s32 v12, v21  }
0x10d: {  	[tilespmem:s24+$0x15520] =	vst v7;
	v7 =	vadd.s32 v47, v22  }
0x10e: {  	v54 =	vor.u32 v53, v46;
	[tilespmem:s24+$0x155A0] =	vst v7;
	v7 =	vadd.s32 v8, v22  }
0x10f: {  	v21 =	vshll.u32 v54, $0x8;
	[tilespmem:s24+$0x15620] =	vst v7;
	v7 =	vor.u32 v48, v22  }
0x110: {  	v21 =	vor.u32 v21, v45;
	[tilespmem:s24+$0x156A0] =	vst v7;
	v7 =	vadd.s32 v12, v22  }
0x111: {  	v13 =	vadd.s32 $0xFFFFFE00, v13;
	[tilespmem:s24+$0x15720] =	vst v7;
	v7 =	vadd.s32 v47, v21  }
0x112: {  	v10 =	vmin.u32 v10, $0xFE;
	v55 =	vadd.s32 v13, v41;
	[tilespmem:s24+$0x157A0] =	vst v7;
	v7 =	vadd.s32 v8, v21  }
0x113: {  	v10 =	vshll.u32 v10, $0x8;
	v56 =	vshll.u32 v55, $0x8;
	[tilespmem:s24+$0x15820] =	vst v7;
	v7 =	vor.u32 v48, v21  }
0x114: {  	v13 =	vor.u32 v13, v46;
	v20 =	vadd.s32 v45, v56;
	[tilespmem:s24+$0x158A0] =	vst v7;
	v7 =	vadd.s32 v12, v21  }
0x115: {  	v10 =	vadd.s32 $0x100, v10;
	v57 =	vshll.u32 v13, $0x8;
	[tilespmem:s24+$0x15920] =	vst v7;
	v7 =	vadd.s32 v8, v20  }
0x116: {  	v58 =	vadd.s32 v10, v41;
	v12 =	vadd.s32 v57, v45;
	[tilespmem:s24+$0x159A0] =	vst v7;
	v7 =	vor.u32 v48, v20  }
0x117: {  	v11 =	vmin.u32 v11, $0xFE;
	v13 =	vshll.u32 v58, $0x8;
	[tilespmem:s24+$0x15A20] =	vst v7;
	v7 =	vadd.s32 v8, v12  }
0x118: {  	v10 =	vor.u32 v10, v46;
	v13 =	vadd.s32 v45, v13;
	[tilespmem:s24+$0x15AA0] =	vst v7;
	v7 =	vor.u32 v48, v12  }
0x119: {  	v10 =	vshll.u32 v10, $0x8;
	v15 =	vadd.s32 $0xFFFFFFFE, v15;
	[tilespmem:s24+$0x15B20] =	vst v7;
	v7 =	vadd.s32 v8, v13  }
0x11a: {  	v10 =	vadd.s32 v10, v45;
	v59 =	vadd.s32 v42, v15;
	[tilespmem:s24+$0x15BA0] =	vst v7;
	v7 =	vor.u32 v48, v13  }
0x11b: {  	v11 =	vadd.s32 $0x1, v11;
	v12 =	vshll.u32 v59, $0x8;
	[tilespmem:s24+$0x15C20] =	vst v7;
	v7 =	vadd.s32 v8, v10  }
0x11c: {  	v60 =	vadd.s32 v42, v11;
	v12 =	vadd.s32 v45, v12;
	[tilespmem:s24+$0x15CA0] =	vst v7;
	v7 =	vor.u32 v48, v10  }
0x11d: {  	v61 =	vshll.u32 v60, $0x8;
	[tilespmem:s24+$0x15D20] =	vst v7;
	v7 =	vadd.s32 v8, v12  }
0x11e: {  	v62 =	vadd.s32 v53, v15;
	v10 =	vadd.s32 v45, v61;
	[tilespmem:s24+$0x15DA0] =	vst v7;
	v7 =	vor.u32 v48, v12  }
0x11f: {  	v63 =	vshll.u32 v62, $0x8;
	[tilespmem:s24+$0x15E20] =	vst v7;
	v7 =	vadd.s32 v8, v10  }
0x120: {  	p0 =	sne.s32 s23, $0x1C0;
	v9 =	vadd.s32 v53, v11;
	v12 =	vadd.s32 v45, v63;
	[tilespmem:s24+$0x15EA0] =	vst v7;
	v7 =	vor.u32 v48, v10  }
.Ltmp1:
0x121: {  	v9 =	vshll.u32 v9, $0x8;
	[tilespmem:s24+$0x15F20] =	vst v7;
	v7 =	vadd.s32 v8, v12;
	(pc) =	sbr.rel @p0 .LBB2_5-.Ltmp1, $4  }
0x122: {  	v9 =	vadd.s32 v45, v9;
	[tilespmem:s24+$0x15FA0] =	vst v7;
	v7 =	vor.u32 v48, v12  }
0x123: {  	[tilespmem:s24+$0x16020] =	vst v7;
	v7 =	vadd.s32 v8, v9  }
0x124: {  	[tilespmem:s24+$0x160A0] =	vst v7;
	v7 =	vor.u32 v48, v9  }
0x125: {  	s23 =	sadd.s32 $0x40, s23;
	[tilespmem:s24+$0x16120] =	vst v7  }
0x126: {  	s23 =	simm.s32 $0x151A0;
	s24 =	simm.s32 $0x171A0  }
0x127: {  	[tilespmem:s24], [sflag:$0x2] =	stream.indirect.gather [hbm4b:s3+s18], $0x1, s23, s18, $0xb8;
	[tilespmem:$0x185A0] =	vst v63  }
0x128: {  	s25 =	simm.s32 $0x17220;
	s24 =	simm.s32 $0x15220  }
0x129: {  	[tilespmem:s25], [sflag:$0x2] =	stream.indirect.gather [hbm4b:s3+s18], $0x1, s24, s18, $0xb8;
	[tilespmem:$0x185A0] =	vst v63  }
0x12a: {  	s24 =	simm.s32 $0x152A0;
	s25 =	simm.s32 $0x172A0  }
0x12b: {  	[tilespmem:s25], [sflag:$0x2] =	stream.indirect.gather [hbm4b:s3+s18], $0x1, s24, s18, $0xb8;
	[tilespmem:$0x185A0] =	vst v63  }
0x12c: {  	s24 =	simm.s32 $0x15320;
	s25 =	simm.s32 $0x17320  }
0x12d: {  	[tilespmem:s25], [sflag:$0x2] =	stream.indirect.gather [hbm4b:s3+s18], $0x1, s24, s18, $0xb8;
	[tilespmem:$0x185A0] =	vst v63  }
0x12e: {  	s24 =	simm.s32 $0x153A0;
	s25 =	simm.s32 $0x173A0  }
0x12f: {  	[tilespmem:s25], [sflag:$0x2] =	stream.indirect.gather [hbm4b:s3+s18], $0x1, s24, s18, $0xb8;
	[tilespmem:$0x185A0] =	vst v63  }
0x130: {  	s24 =	simm.s32 $0x15420;
	s25 =	simm.s32 $0x17420  }
0x131: {  	[tilespmem:s25], [sflag:$0x2] =	stream.indirect.gather [hbm4b:s3+s18], $0x1, s24, s18, $0xb8;
	[tilespmem:$0x185A0] =	vst v63  }
0x132: {  	s24 =	simm.s32 $0x154A0;
	s25 =	simm.s32 $0x174A0  }
0x133: {  	[tilespmem:s25], [sflag:$0x2] =	stream.indirect.gather [hbm4b:s3+s18], $0x1, s24, s18, $0xb8;
	[tilespmem:$0x185A0] =	vst v63  }
0x134: {  	s24 =	simm.s32 $0x15520;
	s25 =	simm.s32 $0x17520  }
0x135: {  	[tilespmem:s25], [sflag:$0x2] =	stream.indirect.gather [hbm4b:s3+s18], $0x1, s24, s18, $0xb8;
	[tilespmem:$0x185A0] =	vst v63  }
0x136: {  	s24 =	simm.s32 $0x155A0;
	s25 =	simm.s32 $0x175A0  }
0x137: {  	[tilespmem:s25], [sflag:$0x2] =	stream.indirect.gather [hbm4b:s3+s18], $0x1, s24, s18, $0xb8;
	[tilespmem:$0x185A0] =	vst v63  }
0x138: {  	s24 =	simm.s32 $0x15620;
	s25 =	simm.s32 $0x17620  }
0x139: {  	[tilespmem:s25], [sflag:$0x2] =	stream.indirect.gather [hbm4b:s3+s18], $0x1, s24, s18, $0xb8;
	[tilespmem:$0x185A0] =	vst v63  }
0x13a: {  	s24 =	simm.s32 $0x156A0;
	s25 =	simm.s32 $0x176A0  }
0x13b: {  	[tilespmem:s25], [sflag:$0x2] =	stream.indirect.gather [hbm4b:s3+s18], $0x1, s24, s18, $0xb8;
	[tilespmem:$0x185A0] =	vst v63  }
0x13c: {  	s24 =	simm.s32 $0x15720;
	s25 =	simm.s32 $0x17720  }
0x13d: {  	[tilespmem:s25], [sflag:$0x2] =	stream.indirect.gather [hbm4b:s3+s18], $0x1, s24, s18, $0xb8;
	[tilespmem:$0x185A0] =	vst v63  }
0x13e: {  	s24 =	simm.s32 $0x157A0;
	s25 =	simm.s32 $0x177A0  }
0x13f: {  	[tilespmem:s25], [sflag:$0x2] =	stream.indirect.gather [hbm4b:s3+s18], $0x1, s24, s18, $0xb8;
	[tilespmem:$0x185A0] =	vst v63  }
0x140: {  	s24 =	simm.s32 $0x15820;
	s25 =	simm.s32 $0x17820  }
0x141: {  	[tilespmem:s25], [sflag:$0x2] =	stream.indirect.gather [hbm4b:s3+s18], $0x1, s24, s18, $0xb8;
	[tilespmem:$0x185A0] =	vst v63  }
0x142: {  	s24 =	simm.s32 $0x158A0;
	s25 =	simm.s32 $0x178A0  }
0x143: {  	[tilespmem:s25], [sflag:$0x2] =	stream.indirect.gather [hbm4b:s3+s18], $0x1, s24, s18, $0xb8;
	[tilespmem:$0x185A0] =	vst v63  }
0x144: {  	s24 =	simm.s32 $0x15920;
	s25 =	simm.s32 $0x17920  }
0x145: {  	[tilespmem:s25], [sflag:$0x2] =	stream.indirect.gather [hbm4b:s3+s18], $0x1, s24, s18, $0xb8;
	[tilespmem:$0x185A0] =	vst v63  }
0x146: {  	s24 =	simm.s32 $0x159A0;
	s25 =	simm.s32 $0x179A0  }
0x147: {  	[tilespmem:s25], [sflag:$0x2] =	stream.indirect.gather [hbm4b:s3+s18], $0x1, s24, s18, $0xb8;
	[tilespmem:$0x185A0] =	vst v63  }
0x148: {  	s24 =	simm.s32 $0x15A20;
	s25 =	simm.s32 $0x17A20  }
0x149: {  	[tilespmem:s25], [sflag:$0x2] =	stream.indirect.gather [hbm4b:s3+s18], $0x1, s24, s18, $0xb8;
	[tilespmem:$0x185A0] =	vst v63  }
0x14a: {  	s24 =	simm.s32 $0x15AA0;
	s25 =	simm.s32 $0x17AA0  }
0x14b: {  	[tilespmem:s25], [sflag:$0x2] =	stream.indirect.gather [hbm4b:s3+s18], $0x1, s24, s18, $0xb8;
	[tilespmem:$0x185A0] =	vst v63  }
0x14c: {  	s24 =	simm.s32 $0x15B20;
	s25 =	simm.s32 $0x17B20  }
0x14d: {  	[tilespmem:s25], [sflag:$0x2] =	stream.indirect.gather [hbm4b:s3+s18], $0x1, s24, s18, $0xb8;
	[tilespmem:$0x185A0] =	vst v63  }
0x14e: {  	s24 =	simm.s32 $0x15BA0;
	s25 =	simm.s32 $0x17BA0  }
0x14f: {  	[tilespmem:s25], [sflag:$0x2] =	stream.indirect.gather [hbm4b:s3+s18], $0x1, s24, s18, $0xb8;
	[tilespmem:$0x185A0] =	vst v63  }
0x150: {  	s24 =	simm.s32 $0x15C20;
	s25 =	simm.s32 $0x17C20  }
0x151: {  	[tilespmem:s25], [sflag:$0x2] =	stream.indirect.gather [hbm4b:s3+s18], $0x1, s24, s18, $0xb8;
	[tilespmem:$0x185A0] =	vst v63  }
0x152: {  	s24 =	simm.s32 $0x15CA0;
	s25 =	simm.s32 $0x17CA0  }
0x153: {  	[tilespmem:s25], [sflag:$0x2] =	stream.indirect.gather [hbm4b:s3+s18], $0x1, s24, s18, $0xb8;
	[tilespmem:$0x185A0] =	vst v63  }
0x154: {  	s24 =	simm.s32 $0x15D20;
	s25 =	simm.s32 $0x17D20  }
0x155: {  	[tilespmem:s25], [sflag:$0x2] =	stream.indirect.gather [hbm4b:s3+s18], $0x1, s24, s18, $0xb8;
	[tilespmem:$0x185A0] =	vst v63  }
0x156: {  	s24 =	simm.s32 $0x15DA0;
	s25 =	simm.s32 $0x17DA0  }
0x157: {  	[tilespmem:s25], [sflag:$0x2] =	stream.indirect.gather [hbm4b:s3+s18], $0x1, s24, s18, $0xb8;
	[tilespmem:$0x185A0] =	vst v63  }
0x158: {  	s24 =	simm.s32 $0x15E20;
	s25 =	simm.s32 $0x17E20  }
0x159: {  	[tilespmem:s25], [sflag:$0x2] =	stream.indirect.gather [hbm4b:s3+s18], $0x1, s24, s18, $0xb8;
	[tilespmem:$0x185A0] =	vst v63  }
0x15a: {  	_ = 	snop  }
0x15b: {  	[tilespmem:s28], [sflag:$0x2] =	stream.indirect.gather [hbm4b:s3+s18], $0x1, s26, s18, $0xb8;
	[tilespmem:$0x185A0] =	vst v63  }
0x15c: {  	_ = 	snop  }
0x15d: {  	[tilespmem:s12], [sflag:$0x2] =	stream.indirect.gather [hbm4b:s3+s18], $0x1, s29, s18, $0xb8;
	[tilespmem:$0x185A0] =	vst v63  }
0x15e: {  	_ = 	snop  }
0x15f: {  	[tilespmem:s31], [sflag:$0x2] =	stream.indirect.gather [hbm4b:s3+s18], $0x1, s30, s18, $0xb8;
	[tilespmem:$0x185A0] =	vst v63  }
0x160: {  	_ = 	snop  }
0x161: {  	[tilespmem:s1], [sflag:$0x2] =	stream.indirect.gather [hbm4b:s3+s18], $0x1, s0, s18, $0xb8;
	[tilespmem:$0x185A0] =	vst v63  }
0x162: {  	_ = 	snop  }
0x163: {  	[tilespmem:s14], [sflag:$0x2] =	stream.indirect.gather [hbm4b:s3+s18], $0x1, s13, s18, $0xb8;
	[tilespmem:$0x185A0] =	vst v63  }
0x164: {  	_ = 	snop  }
0x165: {  	[tilespmem:s16], [sflag:$0x2] =	stream.indirect.gather [hbm4b:s3+s18], $0x1, s15, s18, $0xb8;
	[tilespmem:$0x185A0] =	vst v63  }
0x166: {  	_ =	swait.ge [sflag:s17], $0x80  }
0x167: {  	[sflag:s17] =	ssyncset.done $0x0  }
0x168: {  	[sflag:s17] =	ssyncadd.s32 $0xFFFFFF80  }
0x169: {  	_ =	swait.ge [sflag:s17], $0x80  }
0x16a: {  	[sflag:s17] =	ssyncset.done $0x0  }
0x16b: {  	[sflag:s17] =	ssyncadd.s32 $0xFFFFFF80  }
0x16c: {  	_ =	swait.ge [sflag:s17], $0x80  }
0x16d: {  	[sflag:s17] =	ssyncset.done $0x0  }
0x16e: {  	[sflag:s17] =	ssyncadd.s32 $0xFFFFFF80  }
0x16f: {  	_ =	swait.ge [sflag:s17], $0x80  }
0x170: {  	[sflag:s17] =	ssyncset.done $0x0  }
0x171: {  	[sflag:s17] =	ssyncadd.s32 $0xFFFFFF80  }
0x172: {  	_ =	swait.ge [sflag:s17], $0x80  }
0x173: {  	[sflag:s17] =	ssyncset.done $0x0  }
0x174: {  	[sflag:s17] =	ssyncadd.s32 $0xFFFFFF80  }
0x175: {  	_ =	swait.ge [sflag:s17], $0x80  }
0x176: {  	[sflag:s17] =	ssyncset.done $0x0  }
0x177: {  	[sflag:s17] =	ssyncadd.s32 $0xFFFFFF80  }
0x178: {  	_ =	swait.ge [sflag:s17], $0x80  }
0x179: {  	[sflag:s17] =	ssyncset.done $0x0  }
0x17a: {  	[sflag:s17] =	ssyncadd.s32 $0xFFFFFF80  }
0x17b: {  	_ =	swait.ge [sflag:s17], $0x80  }
0x17c: {  	[sflag:s17] =	ssyncset.done $0x0  }
0x17d: {  	[sflag:s17] =	ssyncadd.s32 $0xFFFFFF80  }
0x17e: {  	_ =	swait.ge [sflag:s17], $0x80  }
0x17f: {  	[sflag:s17] =	ssyncset.done $0x0  }
0x180: {  	[sflag:s17] =	ssyncadd.s32 $0xFFFFFF80  }
0x181: {  	_ =	swait.ge [sflag:s17], $0x80  }
0x182: {  	[sflag:s17] =	ssyncset.done $0x0  }
0x183: {  	[sflag:s17] =	ssyncadd.s32 $0xFFFFFF80  }
0x184: {  	_ =	swait.ge [sflag:s17], $0x80  }
0x185: {  	[sflag:s17] =	ssyncset.done $0x0  }
0x186: {  	[sflag:s17] =	ssyncadd.s32 $0xFFFFFF80  }
0x187: {  	_ =	swait.ge [sflag:s17], $0x80  }
0x188: {  	[sflag:s17] =	ssyncset.done $0x0  }
0x189: {  	[sflag:s17] =	ssyncadd.s32 $0xFFFFFF80  }
0x18a: {  	_ =	swait.ge [sflag:s17], $0x80  }
0x18b: {  	[sflag:s17] =	ssyncset.done $0x0  }
0x18c: {  	[sflag:s17] =	ssyncadd.s32 $0xFFFFFF80  }
0x18d: {  	_ =	swait.ge [sflag:s17], $0x80  }
0x18e: {  	[sflag:s17] =	ssyncset.done $0x0  }
0x18f: {  	[sflag:s17] =	ssyncadd.s32 $0xFFFFFF80  }
0x190: {  	_ =	swait.ge [sflag:s17], $0x80  }
0x191: {  	[sflag:s17] =	ssyncset.done $0x0  }
0x192: {  	[sflag:s17] =	ssyncadd.s32 $0xFFFFFF80  }
0x193: {  	_ =	swait.ge [sflag:s17], $0x80  }
0x194: {  	[sflag:s17] =	ssyncset.done $0x0  }
0x195: {  	[sflag:s17] =	ssyncadd.s32 $0xFFFFFF80  }
0x196: {  	_ =	swait.ge [sflag:s17], $0x80  }
0x197: {  	[sflag:s17] =	ssyncset.done $0x0  }
0x198: {  	[sflag:s17] =	ssyncadd.s32 $0xFFFFFF80  }
0x199: {  	_ =	swait.ge [sflag:s17], $0x80  }
0x19a: {  	[sflag:s17] =	ssyncset.done $0x0  }
0x19b: {  	[sflag:s17] =	ssyncadd.s32 $0xFFFFFF80  }
0x19c: {  	_ =	swait.ge [sflag:s17], $0x80  }
0x19d: {  	[sflag:s17] =	ssyncset.done $0x0  }
0x19e: {  	[sflag:s17] =	ssyncadd.s32 $0xFFFFFF80  }
0x19f: {  	_ =	swait.ge [sflag:s17], $0x80  }
0x1a0: {  	[sflag:s17] =	ssyncset.done $0x0  }
0x1a1: {  	[sflag:s17] =	ssyncadd.s32 $0xFFFFFF80  }
0x1a2: {  	_ =	swait.ge [sflag:s17], $0x80  }
0x1a3: {  	[sflag:s17] =	ssyncset.done $0x0  }
0x1a4: {  	[sflag:s17] =	ssyncadd.s32 $0xFFFFFF80  }
0x1a5: {  	_ =	swait.ge [sflag:s17], $0x80  }
0x1a6: {  	[sflag:s17] =	ssyncset.done $0x0  }
0x1a7: {  	[sflag:s17] =	ssyncadd.s32 $0xFFFFFF80  }
0x1a8: {  	_ =	swait.ge [sflag:s17], $0x80  }
0x1a9: {  	[sflag:s17] =	ssyncset.done $0x0  }
0x1aa: {  	[sflag:s17] =	ssyncadd.s32 $0xFFFFFF80  }
0x1ab: {  	_ =	swait.ge [sflag:s17], $0x80  }
0x1ac: {  	[sflag:s17] =	ssyncset.done $0x0  }
0x1ad: {  	[sflag:s17] =	ssyncadd.s32 $0xFFFFFF80  }
0x1ae: {  	_ =	swait.ge [sflag:s17], $0x80  }
0x1af: {  	[sflag:s17] =	ssyncset.done $0x0  }
0x1b0: {  	[sflag:s17] =	ssyncadd.s32 $0xFFFFFF80  }
0x1b1: {  	_ =	swait.ge [sflag:s17], $0x80  }
0x1b2: {  	[sflag:s17] =	ssyncset.done $0x0  }
0x1b3: {  	[sflag:s17] =	ssyncadd.s32 $0xFFFFFF80  }
0x1b4: {  	_ =	swait.ge [sflag:s17], $0x80  }
0x1b5: {  	[sflag:s17] =	ssyncset.done $0x0  }
0x1b6: {  	[sflag:s17] =	ssyncadd.s32 $0xFFFFFF80  }
0x1b7: {  	_ =	swait.ge [sflag:s17], $0x80  }
0x1b8: {  	[sflag:s17] =	ssyncset.done $0x0  }
0x1b9: {  	[sflag:s17] =	ssyncadd.s32 $0xFFFFFF80  }
0x1ba: {  	_ =	swait.ge [sflag:s17], $0x80  }
0x1bb: {  	[sflag:s17] =	ssyncset.done $0x0  }
0x1bc: {  	[sflag:s17] =	ssyncadd.s32 $0xFFFFFF80  }
0x1bd: {  	_ =	swait.ge [sflag:s17], $0x80  }
0x1be: {  	[sflag:s17] =	ssyncset.done $0x0  }
0x1bf: {  	[sflag:s17] =	ssyncadd.s32 $0xFFFFFF80  }
0x1c0: {  	_ =	swait.ge [sflag:s17], $0x80  }
0x1c1: {  	[sflag:s17] =	ssyncset.done $0x0  }
0x1c2: {  	[sflag:s17] =	ssyncadd.s32 $0xFFFFFF80  }
0x1c3: {  	_ =	swait.ge [sflag:s17], $0x80  }
0x1c4: {  	[sflag:s17] =	ssyncset.done $0x0  }
0x1c5: {  	s23 =	simm.s32 $0x0;
	[sflag:s17] =	ssyncadd.s32 $0xFFFFFF80  }
0x1c6: {  	v13 =	vld [tilespmem:s23+$0x167A0]  }
0x1c7: {  	v4 =	vld [tilespmem:s23+$0x16920]  }
0x1c8: {  	v3 =	vld [tilespmem:s23+$0x182A0]  }
0x1c9: {  	v10 =	vld [tilespmem:s23+$0x17120]  }
0x1ca: {  	v5 =	vld [tilespmem:s23+$0x18220]  }
0x1cb: {  	v14 =	vld [tilespmem:s23+$0x168A0]  }
0x1cc: {  	v7 =	vld [tilespmem:s23+$0x181A0]  }
0x1cd: {  	v23 =	vld [tilespmem:s23+$0x164A0]  }
0x1ce: {  	v19 =	vld [tilespmem:s23+$0x162A0]  }
0x1cf: {  	v12 =	vld [tilespmem:s23+$0x16D20]  }
0x1d0: {  	v16 =	vld [tilespmem:s23+$0x16520]  }
0x1d1: {  	v18 =	vld [tilespmem:s23+$0x16F20];
	v6 =	vsub.f32 $1.000000000e+00, v3;
	v17 =	vadd.f32 v14, v14  }
0x1d2: {  	v15 =	vld [tilespmem:s23+$0x170A0];
	v9 =	vsub.f32 $1.000000000e+00, v7;
	v8 =	vsub.f32 $1.000000000e+00, v5  }
0x1d3: {  	v11 =	vld [tilespmem:s23+$0x16820];
	v22 =	vadd.f32 v23, v23;
	v33 =	vadd.f32 v19, v19  }
0x1d4: {  	v20 =	vld [tilespmem:s23+$0x16B20];
	v21 =	vmul.f32 v14, v7;
	v24 =	vsub.f32 v4, v17;
	v12 =	vsub.f32 v12, v17  }
0x1d5: {  	v26 =	vld [tilespmem:s23+$0x16CA0];
	v4 =	vmul.f32 v23, v9;
	v25 =	vsub.f32 v10, v17;
	v10 =	vsub.f32 v14, v22  }
0x1d6: {  	v28 =	vld [tilespmem:s23+$0x16320];
	v31 =	vsub.f32 v16, v22;
	v18 =	vsub.f32 v18, v22  }
0x1d7: {  	v17 =	vld [tilespmem:s23+$0x166A0];
	v34 =	vsub.f32 v23, v33;
	v36 =	vmul.f32 v19, v9;
	v16 =	vadd.f32 v21, v4  }
0x1d8: {  	v22 =	vld [tilespmem:s23+$0x16E20];
	v21 =	vadd.f32 v11, v11;
	v4 =	vmov s10;
	v12 =	vadd.f32 v12, v23  }
0x1d9: {  	v32 =	vld [tilespmem:s23+$0x16720];
	v20 =	vadd.f32 v20, v10;
	v18 =	vadd.f32 v18, v19;
	v29 =	vmul.f32 v16, v5  }
0x1da: {  	v30 =	vsub.f32 v14, v21;
	v16 =	vsub.f32 v15, v21;
	v10 =	vand.u32 $0x7FFFFFFF, v12;
	v15 =	vld [tilespmem:s23+$0x16C20]  }
0x1db: {  	v12 =	vand.u32 $0x7FFFFFFF, v20;
	v27 =	vsub.f32 v26, v21;
	v20 =	vadd.f32 v24, v11;
	v21 =	vld [tilespmem:s23+$0x17020]  }
0x1dc: {  	v26 =	vmul.f32 v11, v7;
	v24 =	vsub.f32 v28, v33;
	v28 =	vld [tilespmem:s23+$0x16420];
	v37 =	vadd.f32 v17, v17  }
0x1dd: {  	v35 =	vld [tilespmem:s23+$0x16A20];
	v38 =	vmul.f32 v17, v7;
	v34 =	vadd.f32 v22, v34;
	v30 =	vadd.f32 v30, v13  }
0x1de: {  	v13 =	vand.u32 $0x7FFFFFFF, v20;
	v39 =	vsub.f32 v14, v37;
	v22 =	vsub.f32 v32, v37  }
0x1df: {  	v40 =	vld [tilespmem:s23+$0x16EA0];
	v20 =	vadd.f32 v38, v36;
	v14 =	vand.u32 $0x7FFFFFFF, v30;
	v30 =	vsub.f32 v17, v33  }
0x1e0: {  	v56 =	vsub.f32 v15, v37;
	v15 =	vand.u32 $0x7FFFFFFF, v18;
	v18 =	vadd.f32 v25, v17  }
0x1e1: {  	v57 =	vld [tilespmem:s23+$0x163A0];
	v58 =	vmul.f32 v20, v8;
	v21 =	vadd.f32 v21, v39;
	v60 =	vadd.f32 v28, v28  }
0x1e2: {  	v20 =	vand.u32 $0x7FFFFFFF, v34;
	v25 =	vld [tilespmem:s23+$0x16220];
	v36 =	vadd.f32 v31, v28;
	v61 =	vadd.f32 v35, v30  }
0x1e3: {  	v32 =	vld [tilespmem:s23+$0x16AA0];
	v62 =	vmul.f32 v28, v9;
	v59 =	vadd.f32 v56, v19;
	v33 =	vadd.f32 v29, v58  }
0x1e4: {  	v21 =	vand.u32 $0x7FFFFFFF, v21;
	v30 =	vsub.f32 v40, v60;
	v63 =	vsub.f32 v23, v60  }
0x1e5: {  	v18 =	vand.u32 $0x7FFFFFFF, v18;
	v29 =	vld [tilespmem:s23+$0x16620];
	v34 =	vsub.f32 v11, v60;
	v37 =	vadd.f32 v26, v62  }
0x1e6: {  	s24 =	simm.s32 $0x40;
	v31 =	vld [tilespmem:s23+$0x161A0];
	v26 =	vand.u32 $0x7FFFFFFF, v61;
	v23 =	vand.u32 $0x7FFFFFFF, v59;
	v35 =	vadd.f32 v63, v57  }
.LBB2_7:
0x1e7: {  	p0 =	sne.s32 s24, $0x1C0;
	v38 =	vld [tilespmem:s23+$0x16DA0];
	v33 =	vmul.f32 v33, v3;
	v39 =	vadd.f32 v25, v25;
	v27 =	vadd.f32 v27, v28  }
0x1e8: {  	v37 =	vmul.f32 v37, v5;
	v32 =	vadd.f32 v32, v34;
	v34 =	vand.u32 $0x7FFFFFFF, v36  }
0x1e9: {  	v35 =	vand.u32 $0x7FFFFFFF, v35;
	v36 =	vld [tilespmem:s23+$0x16BA0];
	v28 =	vsub.f32 v28, v39;
	v19 =	vsub.f32 v19, v39  }
0x1ea: {  	v24 =	vadd.f32 v24, v25;
	v27 =	vand.u32 $0x7FFFFFFF, v27;
	v40 =	vld [tilespmem:s23+$0x165A0];
	v41 =	vadd.f32 v29, v29  }
0x1eb: {  	v30 =	vadd.f32 v30, v25;
	v42 =	vld [tilespmem:s23+$0x169A0];
	v19 =	vadd.f32 v19, v31;
	v31 =	vand.u32 $0x7FFFFFFF, v32  }
0x1ec: {  	v43 =	vmul.f32 v25, v9;
	v32 =	vld [tilespmem:s23+$0x16FA0];
	v28 =	vadd.f32 v38, v28;
	v17 =	vsub.f32 v17, v41  }
0x1ed: {  	v39 =	vsub.f32 v29, v39;
	v38 =	vmul.f32 v29, v7;
	v11 =	vsub.f32 v11, v41  }
0x1ee: {  	v24 =	vand.u32 $0x7FFFFFFF, v24;
	v22 =	vadd.f32 v22, v29;
	v36 =	vsub.f32 v36, v41  }
0x1ef: {  	v16 =	vadd.f32 v16, v29;
	v19 =	vand.u32 $0x7FFFFFFF, v19;
	v38 =	vadd.f32 v38, v43  }
0x1f0: {  	v30 =	vand.u32 $0x7FFFFFFF, v30;
	v29 =	vadd.f32 v42, v39;
	v25 =	vadd.f32 v36, v25  }
0x1f1: {  	v28 =	vand.u32 $0x7FFFFFFF, v28;
	v17 =	vadd.f32 v17, v40;
	v11 =	vadd.f32 v32, v11  }
0x1f2: {  	v22 =	vand.u32 $0x7FFFFFFF, v22;
	v29 =	vand.u32 $0x7FFFFFFF, v29;
	v25 =	vand.u32 $0x7FFFFFFF, v25  }
0x1f3: {  	v16 =	vand.u32 $0x7FFFFFFF, v16;
	v32 =	vmul.f32 v38, v8;
	v25 =	vmin.f32 v29, v25  }
0x1f4: {  	v17 =	vand.u32 $0x7FFFFFFF, v17;
	v11 =	vand.u32 $0x7FFFFFFF, v11;
	v25 =	vmin.f32 v25, v31  }
0x1f5: {  	v17 =	vmin.f32 v19, v17;
	v11 =	vmin.f32 v28, v11;
	v19 =	vmin.f32 v25, v26  }
0x1f6: {  	v25 =	vadd.f32 v37, v32;
	v11 =	vmin.f32 v11, v30;
	v19 =	vmin.f32 v19, v23  }
0x1f7: {  	v17 =	vmin.f32 v17, v35;
	v11 =	vmin.f32 v11, v20;
	v12 =	vmin.f32 v19, v12  }
0x1f8: {  	v17 =	vmin.f32 v17, v24;
	v11 =	vmin.f32 v11, v21;
	v12 =	vmin.f32 v12, v27  }
0x1f9: {  	v17 =	vmin.f32 v17, v22;
	v11 =	vmin.f32 v11, v15;
	v10 =	vmin.f32 v12, v10  }
0x1fa: {  	v12 =	vmin.f32 v17, v34;
	v11 =	vmin.f32 v11, v16;
	v10 =	vmul.f32 $5.000000000e-01, v10  }
0x1fb: {  	v15 =	vmul.f32 v25, v6;
	v12 =	vmin.f32 v12, v14;
	v11 =	vmin.f32 v11, v18  }
0x1fc: {  	v12 =	vmin.f32 v12, v13;
	v7 =	vmul.f32 v10, v7;
	v10 =	vmul.f32 $5.000000000e-01, v11  }
0x1fd: {  	v11 =	vmul.f32 $5.000000000e-01, v12  }
0x1fe: {  	v12 =	vadd.f32 v33, v15;
	v7 =	vmul.f32 v7, v9;
	v5 =	vmul.f32 v10, v5;
	_ =	sdelay $0x1  }
0x1ff: {  	v3 =	vmul.f32 v11, v3;
	v7 =	vsub.f32 v12, v7;
	v5 =	vmul.f32 v5, v8;
	_ =	sdelay $0x1  }
0x200: {  	v3 =	vmul.f32 v3, v6;
	v5 =	vsub.f32 v7, v5;
	_ =	sdelay $0x1  }
0x201: {  	v3 =	vsub.f32 v5, v3;
	_ =	sdelay $0x1  }
0x202: {  	[tilespmem:v4+s23+$0x0 ss:$0x1] =	vst.idx.msk $0xffff, v3;
	s23 =	sshra.s32 s24, $0x2  }
0x203: {  	v13 =	vld [tilespmem:s23+$0x167A0]  }
0x204: {  	v10 =	vld [tilespmem:s23+$0x16920]  }
0x205: {  	v3 =	vld [tilespmem:s23+$0x182A0]  }
0x206: {  	v12 =	vld [tilespmem:s23+$0x17120]  }
0x207: {  	v14 =	vld [tilespmem:s23+$0x16D20]  }
0x208: {  	v5 =	vld [tilespmem:s23+$0x18220]  }
0x209: {  	v15 =	vld [tilespmem:s23+$0x168A0]  }
0x20a: {  	v7 =	vld [tilespmem:s23+$0x181A0]  }
0x20b: {  	v23 =	vld [tilespmem:s23+$0x164A0]  }
0x20c: {  	v16 =	vld [tilespmem:s23+$0x170A0]  }
0x20d: {  	v17 =	vld [tilespmem:s23+$0x16520]  }
0x20e: {  	v6 =	vsub.f32 $1.000000000e+00, v3;
	v11 =	vld [tilespmem:s23+$0x16820];
	v18 =	vadd.f32 v15, v15  }
0x20f: {  	v8 =	vsub.f32 $1.000000000e+00, v5;
	v20 =	vld [tilespmem:s23+$0x16F20];
	v9 =	vsub.f32 $1.000000000e+00, v7  }
0x210: {  	v22 =	vmul.f32 v15, v7;
	v21 =	vld [tilespmem:s23+$0x16B20];
	v24 =	vadd.f32 v23, v23;
	v25 =	vsub.f32 v10, v18  }
0x211: {  	v14 =	vsub.f32 v14, v18;
	v18 =	vsub.f32 v12, v18;
	v19 =	vld [tilespmem:s23+$0x162A0];
	v10 =	vmul.f32 v23, v9  }
0x212: {  	v26 =	vld [tilespmem:s23+$0x16CA0];
	v12 =	vsub.f32 v15, v24;
	v31 =	vsub.f32 v17, v24  }
0x213: {  	v28 =	vld [tilespmem:s23+$0x16320];
	v10 =	vadd.f32 v22, v10;
	v22 =	vadd.f32 v11, v11  }
0x214: {  	v14 =	vadd.f32 v14, v23;
	v17 =	vld [tilespmem:s23+$0x166A0];
	v20 =	vsub.f32 v20, v24  }
0x215: {  	v29 =	vld [tilespmem:s23+$0x16E20];
	v30 =	vmul.f32 v10, v5;
	v12 =	vadd.f32 v21, v12;
	v21 =	vsub.f32 v15, v22  }
0x216: {  	v16 =	vsub.f32 v16, v22;
	v10 =	vand.u32 $0x7FFFFFFF, v14;
	v32 =	vld [tilespmem:s23+$0x16720];
	v33 =	vadd.f32 v19, v19  }
0x217: {  	v25 =	vadd.f32 v25, v11;
	v14 =	vld [tilespmem:s23+$0x16C20];
	v12 =	vand.u32 $0x7FFFFFFF, v12;
	v27 =	vsub.f32 v26, v22  }
0x218: {  	v35 =	vmul.f32 v11, v7;
	v21 =	vadd.f32 v21, v13;
	v26 =	vld [tilespmem:s23+$0x17020];
	v22 =	vsub.f32 v23, v33  }
0x219: {  	v36 =	vmul.f32 v19, v9;
	v24 =	vsub.f32 v28, v33;
	v34 =	vld [tilespmem:s23+$0x16A20];
	v37 =	vadd.f32 v17, v17  }
0x21a: {  	v20 =	vadd.f32 v20, v19;
	v38 =	vmul.f32 v17, v7;
	v28 =	vld [tilespmem:s23+$0x16420];
	v29 =	vadd.f32 v29, v22  }
0x21b: {  	v13 =	vand.u32 $0x7FFFFFFF, v25;
	v39 =	vsub.f32 v15, v37;
	v22 =	vsub.f32 v32, v37  }
0x21c: {  	v25 =	vadd.f32 v38, v36;
	v40 =	vld [tilespmem:s23+$0x16EA0];
	v32 =	vsub.f32 v14, v37;
	v14 =	vand.u32 $0x7FFFFFFF, v21  }
0x21d: {  	v18 =	vadd.f32 v18, v17;
	v15 =	vand.u32 $0x7FFFFFFF, v20;
	v21 =	vsub.f32 v17, v33  }
0x21e: {  	v33 =	vmul.f32 v25, v8;
	v26 =	vadd.f32 v26, v39;
	v38 =	vld [tilespmem:s23+$0x163A0];
	v36 =	vadd.f32 v32, v19  }
.Ltmp2:
0x21f: {  	v20 =	vand.u32 $0x7FFFFFFF, v29;
	v39 =	vadd.f32 v34, v21;
	v25 =	vld [tilespmem:s23+$0x16220];
	v37 =	vadd.f32 v28, v28;
	(pc) =	sbr.rel @p0 .LBB2_7-.Ltmp2, $4  }
0x220: {  	v18 =	vand.u32 $0x7FFFFFFF, v18;
	v33 =	vadd.f32 v30, v33;
	v21 =	vand.u32 $0x7FFFFFFF, v26;
	v32 =	vld [tilespmem:s23+$0x16AA0]  }
0x221: {  	v26 =	vmul.f32 v28, v9;
	v30 =	vsub.f32 v40, v37;
	v40 =	vsub.f32 v23, v37  }
0x222: {  	v34 =	vsub.f32 v11, v37;
	v23 =	vand.u32 $0x7FFFFFFF, v36;
	v36 =	vadd.f32 v31, v28;
	v29 =	vld [tilespmem:s23+$0x16620]  }
0x223: {  	s24 =	sadd.s32 $0x40, s24;
	v37 =	vadd.f32 v35, v26;
	v26 =	vand.u32 $0x7FFFFFFF, v39;
	v31 =	vld [tilespmem:s23+$0x161A0];
	v35 =	vadd.f32 v40, v38  }
0x224: {  	v33 =	vmul.f32 v33, v3;
	v39 =	vadd.f32 v25, v25;
	v27 =	vadd.f32 v27, v28  }
0x225: {  	v38 =	vld [tilespmem:s23+$0x16DA0];
	v46 =	vand.u32 $0x7FFFFFFF, v36;
	v24 =	vadd.f32 v24, v25;
	v30 =	vadd.f32 v30, v25  }
0x226: {  	v47 =	vld [tilespmem:s23+$0x16BA0];
	v43 =	vmul.f32 v25, v9;
	v37 =	vmul.f32 v37, v5;
	v32 =	vadd.f32 v32, v34  }
0x227: {  	v35 =	vand.u32 $0x7FFFFFFF, v35;
	v48 =	vsub.f32 v28, v39;
	v19 =	vsub.f32 v19, v39  }
0x228: {  	v42 =	vld [tilespmem:s23+$0x169A0];
	v27 =	vand.u32 $0x7FFFFFFF, v27;
	v41 =	vadd.f32 v29, v29;
	v39 =	vsub.f32 v29, v39  }
0x229: {  	v50 =	vld [tilespmem:s23+$0x16FA0];
	v24 =	vand.u32 $0x7FFFFFFF, v24;
	v22 =	vadd.f32 v22, v29;
	v16 =	vadd.f32 v16, v29  }
0x22a: {  	v40 =	vld [tilespmem:s23+$0x165A0];
	v51 =	vmul.f32 v29, v7;
	v19 =	vadd.f32 v19, v31;
	v28 =	vadd.f32 v38, v48  }
0x22b: {  	v30 =	vand.u32 $0x7FFFFFFF, v30;
	v17 =	vsub.f32 v17, v41;
	v36 =	vsub.f32 v47, v41  }
0x22c: {  	v49 =	vand.u32 $0x7FFFFFFF, v32;
	v11 =	vsub.f32 v11, v41;
	v38 =	vadd.f32 v51, v43  }
0x22d: {  	v52 =	vadd.f32 v42, v39;
	v22 =	vand.u32 $0x7FFFFFFF, v22;
	v53 =	vadd.f32 v36, v25  }
0x22e: {  	v16 =	vand.u32 $0x7FFFFFFF, v16;
	v19 =	vand.u32 $0x7FFFFFFF, v19;
	v11 =	vadd.f32 v50, v11  }
0x22f: {  	v17 =	vadd.f32 v17, v40;
	v29 =	vand.u32 $0x7FFFFFFF, v52;
	v25 =	vand.u32 $0x7FFFFFFF, v53  }
0x230: {  	v28 =	vand.u32 $0x7FFFFFFF, v28;
	v54 =	vmul.f32 v38, v8;
	v25 =	vmin.f32 v29, v25  }
0x231: {  	v11 =	vand.u32 $0x7FFFFFFF, v11;
	v17 =	vand.u32 $0x7FFFFFFF, v17;
	v25 =	vmin.f32 v25, v49  }
0x232: {  	v56 =	vadd.f32 v37, v54;
	v11 =	vmin.f32 v28, v11;
	v55 =	vmin.f32 v25, v26  }
0x233: {  	v17 =	vmin.f32 v19, v17;
	v11 =	vmin.f32 v11, v30;
	v19 =	vmin.f32 v55, v23  }
0x234: {  	v17 =	vmin.f32 v17, v35;
	v11 =	vmin.f32 v11, v20;
	v12 =	vmin.f32 v19, v12  }
0x235: {  	v17 =	vmin.f32 v17, v24;
	v11 =	vmin.f32 v11, v21;
	v12 =	vmin.f32 v12, v27  }
0x236: {  	v17 =	vmin.f32 v17, v22;
	v11 =	vmin.f32 v11, v15;
	v10 =	vmin.f32 v12, v10  }
0x237: {  	v57 =	vmin.f32 v17, v46;
	v11 =	vmin.f32 v11, v16;
	v10 =	vmul.f32 $5.000000000e-01, v10  }
0x238: {  	v58 =	vmul.f32 v56, v6;
	v12 =	vmin.f32 v57, v14;
	v11 =	vmin.f32 v11, v18  }
0x239: {  	v12 =	vmin.f32 v12, v13;
	v60 =	vmul.f32 $5.000000000e-01, v11;
	v59 =	vmul.f32 v10, v7  }
0x23a: {  	v61 =	vmul.f32 $5.000000000e-01, v12  }
0x23b: {  	v62 =	vadd.f32 v33, v58;
	v63 =	vmul.f32 v60, v5;
	v7 =	vmul.f32 v59, v9;
	_ =	sdelay $0x1  }
0x23c: {  	v3 =	vmul.f32 v61, v3;
	v5 =	vmul.f32 v63, v8;
	v7 =	vsub.f32 v62, v7  }
0x23d: {  	p0 =	seq.s32 s5, $0x3F  }
.Ltmp3:
0x23e: {  	v3 =	vmul.f32 v3, v6;
	v5 =	vsub.f32 v7, v5;
	(pc) =	sbr.rel @p0 .LBB2_11-.Ltmp3, $3  }
0x23f: {  	_ = 	snop  }
0x240: {  	v3 =	vsub.f32 v5, v3;
	_ =	sdelay $0x1  }
0x241: {  	[tilespmem:v4+s23+$0x0 ss:$0x1] =	vst.idx.msk $0xffff, v3;
	s23 =	simm.s32 $0x0  }
.LBB2_9:
0x242: {  	s24 =	sshra.s32 s23, $0x2  }
0x243: {  	s25 =	sadd.s32 s24, s11  }
0x244: {  	v3 =	vld [tilespmem:s25+$0x0]  }
0x245: {  	s25 =	sadd.s32 s24, s19  }
0x246: {  	v4 =	vld [tilespmem:s25+$0x0]  }
0x247: {  	s25 =	sadd.s32 s24, s20  }
0x248: {  	v5 =	vld [tilespmem:s25+$0x0]  }
0x249: {  	v6 =	vsub.f32 v3, v1;
	_ =	sdelay $0x1  }
0x24a: {  	v7 =	vsub.f32 v4, v1;
	v6 =	vmul.f32 v6, v2;
	_ =	sdelay $0x1  }
0x24b: {  	v8 =	vsub.f32 v5, v1;
	v7 =	vmul.f32 v7, v2;
	v6 =	vtrunc.f32 v6  }
0x24c: {  	v6 =	vcvt.f32.s32 v6  }
0x24d: {  	v8 =	vmul.f32 v8, v2;
	v7 =	vtrunc.f32 v7  }
0x24e: {  	v7 =	vcvt.f32.s32 v7;
	vm0 =	vgt.s32 v6, $0x2  }
0x24f: {  	v8 =	vtrunc.f32 v8;
	v6 =	vnsel vm0, $0x2, v6  }
0x250: {  	v8 =	vcvt.f32.s32 v8;
	vm13 =	vgt.s32 v7, $0x2;
	v9 =	vmin.u32 v6, $0x100  }
0x251: {  	v7 =	vnsel vm13, $0x2, v7;
	v10 =	vadd.s32 $0x1, v9  }
0x252: {  	vm14 =	vgt.s32 v8, $0x2;
	v11 =	vmin.u32 v7, $0x100  }
0x253: {  	v8 =	vnsel vm14, $0x2, v8;
	v12 =	vadd.s32 $0x1, v11  }
0x254: {  	v13 =	vmin.u32 v8, $0x100  }
0x255: {  	v15 =	vadd.s32 $0x1, v13;
	v14 =	vld.idx.msk [tilespmem:v9+s2+$0x0], $0xffff  }
0x256: {  	v10 =	vld.idx.msk [tilespmem:v10+s2+$0x0], $0xffff  }
0x257: {  	v16 =	vld.idx.msk [tilespmem:v11+s2+$0x0], $0xffff  }
0x258: {  	v12 =	vld.idx.msk [tilespmem:v12+s2+$0x0], $0xffff  }
0x259: {  	v17 =	vld.idx.msk [tilespmem:v13+s2+$0x0], $0xffff  }
0x25a: {  	v15 =	vld.idx.msk [tilespmem:v15+s2+$0x0], $0xffff;
	_ =	sdelay $0x2  }
0x25b: {  	v10 =	vsub.f32 v10, v14  }
0x25c: {  	v35 =	vsub.f32 v12, v16  }
0x25d: {  	(erf) = vrcp.f32 v10;
	v36 =	vsub.f32 v15, v17  }
0x25e: {  	(erf) = vrcp.f32 v35  }
0x25f: {  	(erf) = vrcp.f32 v36;
	_ =	sdelay $0x2  }
0x260: {  	s25 =	sadd.s32 s24, s21  }
0x261: {  	v37 =	vld [tilespmem:s25+$0x0];
	_ =	sdelay $0x1  }
0x262: {  	v3 =	vsub.f32 v3, v14  }
0x263: {  	v40 =	vadd.s32 $0xFFFFFFFF, v11;
	v9 =	vshll.u32 v9, $0x8;
	v4 =	vsub.f32 v4, v16;
	v38 =	vpop (erf)  }
0x264: {  	v41 =	vadd.s32 $0xFFFFFF00, v9;
	v5 =	vsub.f32 v5, v17;
	v3 =	vmul.f32 v38, v3;
	v39 =	vpop (erf)  }
0x265: {  	vm15 =	vge.f32 v37, $0.0e+00;
	v43 =	vadd.s32 v41, v40;
	v4 =	vmul.f32 v39, v4;
	v42 =	vpop (erf)  }
0x266: {  	v44 =	vsel vm15, $0x1000000, v0;
	v5 =	vmul.f32 v42, v5;
	[tilespmem:s24+$0x181A0] =	vst v3;
	v3 =	vshll.u32 v43, $0x8  }
0x267: {  	v45 =	vmin.u32 v7, $0xFF;
	v46 =	vadd.s32 $0xFFFFFFFE, v13;
	[tilespmem:s24+$0x18220] =	vst v4;
	v3 =	vadd.s32 v44, v3  }
0x268: {  	v48 =	vmin.u32 v8, $0xFF;
	v47 =	vadd.s32 $0xFFFFFFFF, v13;
	[tilespmem:s24+$0x182A0] =	vst v5;
	v49 =	vadd.s32 v46, v3  }
0x269: {  	v8 =	vmin.u32 v8, $0xFE;
	v50 =	vor.u32 v41, v45;
	v51 =	vadd.s32 v47, v3;
	[tilespmem:s24+$0x141A0] =	vst v49  }
0x26a: {  	v8 =	vadd.s32 $0x1, v8;
	v17 =	vshll.u32 v50, $0x8;
	v52 =	vor.u32 v48, v3;
	[tilespmem:s24+$0x14220] =	vst v51  }
0x26b: {  	v18 =	vmin.u32 v6, $0xFF;
	v17 =	vadd.s32 v17, v44;
	v3 =	vadd.s32 v8, v3;
	[tilespmem:s24+$0x142A0] =	vst v52  }
0x26c: {  	v53 =	vshll.u32 v18, $0x8;
	[tilespmem:s24+$0x14320] =	vst v3;
	v3 =	vadd.s32 v46, v17  }
0x26d: {  	v18 =	vadd.s32 v53, v40;
	[tilespmem:s24+$0x143A0] =	vst v3;
	v3 =	vadd.s32 v47, v17  }
0x26e: {  	v18 =	vshll.u32 v18, $0x8;
	[tilespmem:s24+$0x14420] =	vst v3;
	v3 =	vor.u32 v48, v17  }
0x26f: {  	v18 =	vadd.s32 v44, v18;
	[tilespmem:s24+$0x144A0] =	vst v3;
	v3 =	vadd.s32 v8, v17  }
0x270: {  	[tilespmem:s24+$0x14520] =	vst v3;
	v3 =	vadd.s32 v46, v18  }
0x271: {  	v54 =	vor.u32 v53, v45;
	[tilespmem:s24+$0x145A0] =	vst v3;
	v3 =	vadd.s32 v47, v18  }
0x272: {  	v17 =	vshll.u32 v54, $0x8;
	[tilespmem:s24+$0x14620] =	vst v3;
	v3 =	vor.u32 v48, v18  }
0x273: {  	v17 =	vor.u32 v17, v44;
	[tilespmem:s24+$0x146A0] =	vst v3;
	v3 =	vadd.s32 v8, v18  }
0x274: {  	v9 =	vadd.s32 $0xFFFFFE00, v9;
	[tilespmem:s24+$0x14720] =	vst v3;
	v3 =	vadd.s32 v46, v17  }
0x275: {  	v6 =	vmin.u32 v6, $0xFE;
	v55 =	vadd.s32 v9, v40;
	[tilespmem:s24+$0x147A0] =	vst v3;
	v3 =	vadd.s32 v47, v17  }
0x276: {  	v6 =	vshll.u32 v6, $0x8;
	v56 =	vshll.u32 v55, $0x8;
	[tilespmem:s24+$0x14820] =	vst v3;
	v3 =	vor.u32 v48, v17  }
0x277: {  	v9 =	vor.u32 v9, v45;
	v16 =	vadd.s32 v44, v56;
	[tilespmem:s24+$0x148A0] =	vst v3;
	v3 =	vadd.s32 v8, v17  }
0x278: {  	v6 =	vadd.s32 $0x100, v6;
	v57 =	vshll.u32 v9, $0x8;
	[tilespmem:s24+$0x14920] =	vst v3;
	v3 =	vadd.s32 v47, v16  }
0x279: {  	v58 =	vadd.s32 v6, v40;
	v8 =	vadd.s32 v57, v44;
	[tilespmem:s24+$0x149A0] =	vst v3;
	v3 =	vor.u32 v48, v16  }
0x27a: {  	v7 =	vmin.u32 v7, $0xFE;
	v9 =	vshll.u32 v58, $0x8;
	[tilespmem:s24+$0x14A20] =	vst v3;
	v3 =	vadd.s32 v47, v8  }
0x27b: {  	v6 =	vor.u32 v6, v45;
	v9 =	vadd.s32 v44, v9;
	[tilespmem:s24+$0x14AA0] =	vst v3;
	v3 =	vor.u32 v48, v8  }
0x27c: {  	v6 =	vshll.u32 v6, $0x8;
	v11 =	vadd.s32 $0xFFFFFFFE, v11;
	[tilespmem:s24+$0x14B20] =	vst v3;
	v3 =	vadd.s32 v47, v9  }
0x27d: {  	v6 =	vadd.s32 v6, v44;
	v59 =	vadd.s32 v41, v11;
	[tilespmem:s24+$0x14BA0] =	vst v3;
	v3 =	vor.u32 v48, v9  }
0x27e: {  	v7 =	vadd.s32 $0x1, v7;
	v8 =	vshll.u32 v59, $0x8;
	[tilespmem:s24+$0x14C20] =	vst v3;
	v3 =	vadd.s32 v47, v6  }
0x27f: {  	v60 =	vadd.s32 v41, v7;
	v8 =	vadd.s32 v44, v8;
	[tilespmem:s24+$0x14CA0] =	vst v3;
	v3 =	vor.u32 v48, v6  }
0x280: {  	v61 =	vshll.u32 v60, $0x8;
	[tilespmem:s24+$0x14D20] =	vst v3;
	v3 =	vadd.s32 v47, v8  }
0x281: {  	v62 =	vadd.s32 v53, v11;
	v6 =	vadd.s32 v44, v61;
	[tilespmem:s24+$0x14DA0] =	vst v3;
	v3 =	vor.u32 v48, v8  }
0x282: {  	v63 =	vshll.u32 v62, $0x8;
	[tilespmem:s24+$0x14E20] =	vst v3;
	v3 =	vadd.s32 v47, v6  }
0x283: {  	p0 =	sne.s32 s23, $0x1C0;
	v5 =	vadd.s32 v53, v7;
	v8 =	vadd.s32 v44, v63;
	[tilespmem:s24+$0x14EA0] =	vst v3;
	v3 =	vor.u32 v48, v6  }
.Ltmp4:
0x284: {  	v5 =	vshll.u32 v5, $0x8;
	[tilespmem:s24+$0x14F20] =	vst v3;
	v3 =	vadd.s32 v47, v8;
	(pc) =	sbr.rel @p0 .LBB2_9-.Ltmp4, $4  }
0x285: {  	v5 =	vadd.s32 v44, v5;
	[tilespmem:s24+$0x14FA0] =	vst v3;
	v3 =	vor.u32 v48, v8  }
0x286: {  	[tilespmem:s24+$0x15020] =	vst v3;
	v3 =	vadd.s32 v47, v5  }
0x287: {  	[tilespmem:s24+$0x150A0] =	vst v3;
	v3 =	vor.u32 v48, v5  }
0x288: {  	s23 =	sadd.s32 $0x40, s23;
	[tilespmem:s24+$0x15120] =	vst v3  }
0x289: {  	s23 =	simm.s32 $0x141A0;
	s24 =	simm.s32 $0x161A0  }
0x28a: {  	[tilespmem:s24], [sflag:$0x1] =	stream.indirect.gather [hbm4b:s3+s18], $0x1, s23, s18, $0xb8;
	[tilespmem:$0x185A0] =	vst v63  }
0x28b: {  	s25 =	simm.s32 $0x16220;
	s24 =	simm.s32 $0x14220  }
0x28c: {  	[tilespmem:s25], [sflag:$0x1] =	stream.indirect.gather [hbm4b:s3+s18], $0x1, s24, s18, $0xb8;
	[tilespmem:$0x185A0] =	vst v63  }
0x28d: {  	s24 =	simm.s32 $0x142A0;
	s25 =	simm.s32 $0x162A0  }
0x28e: {  	[tilespmem:s25], [sflag:$0x1] =	stream.indirect.gather [hbm4b:s3+s18], $0x1, s24, s18, $0xb8;
	[tilespmem:$0x185A0] =	vst v63  }
0x28f: {  	s24 =	simm.s32 $0x14320;
	s25 =	simm.s32 $0x16320  }
0x290: {  	[tilespmem:s25], [sflag:$0x1] =	stream.indirect.gather [hbm4b:s3+s18], $0x1, s24, s18, $0xb8;
	[tilespmem:$0x185A0] =	vst v63  }
0x291: {  	s24 =	simm.s32 $0x143A0;
	s25 =	simm.s32 $0x163A0  }
0x292: {  	[tilespmem:s25], [sflag:$0x1] =	stream.indirect.gather [hbm4b:s3+s18], $0x1, s24, s18, $0xb8;
	[tilespmem:$0x185A0] =	vst v63  }
0x293: {  	s24 =	simm.s32 $0x14420;
	s25 =	simm.s32 $0x16420  }
0x294: {  	[tilespmem:s25], [sflag:$0x1] =	stream.indirect.gather [hbm4b:s3+s18], $0x1, s24, s18, $0xb8;
	[tilespmem:$0x185A0] =	vst v63  }
0x295: {  	s24 =	simm.s32 $0x144A0;
	s25 =	simm.s32 $0x164A0  }
0x296: {  	[tilespmem:s25], [sflag:$0x1] =	stream.indirect.gather [hbm4b:s3+s18], $0x1, s24, s18, $0xb8;
	[tilespmem:$0x185A0] =	vst v63  }
0x297: {  	s24 =	simm.s32 $0x14520;
	s25 =	simm.s32 $0x16520  }
0x298: {  	[tilespmem:s25], [sflag:$0x1] =	stream.indirect.gather [hbm4b:s3+s18], $0x1, s24, s18, $0xb8;
	[tilespmem:$0x185A0] =	vst v63  }
0x299: {  	s24 =	simm.s32 $0x145A0;
	s25 =	simm.s32 $0x165A0  }
0x29a: {  	[tilespmem:s25], [sflag:$0x1] =	stream.indirect.gather [hbm4b:s3+s18], $0x1, s24, s18, $0xb8;
	[tilespmem:$0x185A0] =	vst v63  }
0x29b: {  	s24 =	simm.s32 $0x14620;
	s25 =	simm.s32 $0x16620  }
0x29c: {  	[tilespmem:s25], [sflag:$0x1] =	stream.indirect.gather [hbm4b:s3+s18], $0x1, s24, s18, $0xb8;
	[tilespmem:$0x185A0] =	vst v63  }
0x29d: {  	s24 =	simm.s32 $0x146A0;
	s25 =	simm.s32 $0x166A0  }
0x29e: {  	[tilespmem:s25], [sflag:$0x1] =	stream.indirect.gather [hbm4b:s3+s18], $0x1, s24, s18, $0xb8;
	[tilespmem:$0x185A0] =	vst v63  }
0x29f: {  	s24 =	simm.s32 $0x14720;
	s25 =	simm.s32 $0x16720  }
0x2a0: {  	[tilespmem:s25], [sflag:$0x1] =	stream.indirect.gather [hbm4b:s3+s18], $0x1, s24, s18, $0xb8;
	[tilespmem:$0x185A0] =	vst v63  }
0x2a1: {  	s24 =	simm.s32 $0x147A0;
	s25 =	simm.s32 $0x167A0  }
0x2a2: {  	[tilespmem:s25], [sflag:$0x1] =	stream.indirect.gather [hbm4b:s3+s18], $0x1, s24, s18, $0xb8;
	[tilespmem:$0x185A0] =	vst v63  }
0x2a3: {  	s24 =	simm.s32 $0x14820;
	s25 =	simm.s32 $0x16820  }
0x2a4: {  	[tilespmem:s25], [sflag:$0x1] =	stream.indirect.gather [hbm4b:s3+s18], $0x1, s24, s18, $0xb8;
	[tilespmem:$0x185A0] =	vst v63  }
0x2a5: {  	s24 =	simm.s32 $0x148A0;
	s25 =	simm.s32 $0x168A0  }
0x2a6: {  	[tilespmem:s25], [sflag:$0x1] =	stream.indirect.gather [hbm4b:s3+s18], $0x1, s24, s18, $0xb8;
	[tilespmem:$0x185A0] =	vst v63  }
0x2a7: {  	s24 =	simm.s32 $0x14920;
	s25 =	simm.s32 $0x16920  }
0x2a8: {  	[tilespmem:s25], [sflag:$0x1] =	stream.indirect.gather [hbm4b:s3+s18], $0x1, s24, s18, $0xb8;
	[tilespmem:$0x185A0] =	vst v63  }
0x2a9: {  	s24 =	simm.s32 $0x149A0;
	s25 =	simm.s32 $0x169A0  }
0x2aa: {  	[tilespmem:s25], [sflag:$0x1] =	stream.indirect.gather [hbm4b:s3+s18], $0x1, s24, s18, $0xb8;
	[tilespmem:$0x185A0] =	vst v63  }
0x2ab: {  	s24 =	simm.s32 $0x14A20;
	s25 =	simm.s32 $0x16A20  }
0x2ac: {  	[tilespmem:s25], [sflag:$0x1] =	stream.indirect.gather [hbm4b:s3+s18], $0x1, s24, s18, $0xb8;
	[tilespmem:$0x185A0] =	vst v63  }
0x2ad: {  	s24 =	simm.s32 $0x14AA0;
	s25 =	simm.s32 $0x16AA0  }
0x2ae: {  	[tilespmem:s25], [sflag:$0x1] =	stream.indirect.gather [hbm4b:s3+s18], $0x1, s24, s18, $0xb8;
	[tilespmem:$0x185A0] =	vst v63  }
0x2af: {  	s24 =	simm.s32 $0x14B20;
	s25 =	simm.s32 $0x16B20  }
0x2b0: {  	[tilespmem:s25], [sflag:$0x1] =	stream.indirect.gather [hbm4b:s3+s18], $0x1, s24, s18, $0xb8;
	[tilespmem:$0x185A0] =	vst v63  }
0x2b1: {  	s24 =	simm.s32 $0x14BA0;
	s25 =	simm.s32 $0x16BA0  }
0x2b2: {  	[tilespmem:s25], [sflag:$0x1] =	stream.indirect.gather [hbm4b:s3+s18], $0x1, s24, s18, $0xb8;
	[tilespmem:$0x185A0] =	vst v63  }
0x2b3: {  	s24 =	simm.s32 $0x14C20;
	s25 =	simm.s32 $0x16C20  }
0x2b4: {  	[tilespmem:s25], [sflag:$0x1] =	stream.indirect.gather [hbm4b:s3+s18], $0x1, s24, s18, $0xb8;
	[tilespmem:$0x185A0] =	vst v63  }
0x2b5: {  	s24 =	simm.s32 $0x14CA0;
	s25 =	simm.s32 $0x16CA0  }
0x2b6: {  	[tilespmem:s25], [sflag:$0x1] =	stream.indirect.gather [hbm4b:s3+s18], $0x1, s24, s18, $0xb8;
	[tilespmem:$0x185A0] =	vst v63  }
0x2b7: {  	s24 =	simm.s32 $0x14D20;
	s25 =	simm.s32 $0x16D20  }
0x2b8: {  	[tilespmem:s25], [sflag:$0x1] =	stream.indirect.gather [hbm4b:s3+s18], $0x1, s24, s18, $0xb8;
	[tilespmem:$0x185A0] =	vst v63  }
0x2b9: {  	s24 =	simm.s32 $0x14DA0;
	s25 =	simm.s32 $0x16DA0  }
0x2ba: {  	[tilespmem:s25], [sflag:$0x1] =	stream.indirect.gather [hbm4b:s3+s18], $0x1, s24, s18, $0xb8;
	[tilespmem:$0x185A0] =	vst v63  }
0x2bb: {  	s24 =	simm.s32 $0x14E20;
	s25 =	simm.s32 $0x16E20  }
0x2bc: {  	[tilespmem:s25], [sflag:$0x1] =	stream.indirect.gather [hbm4b:s3+s18], $0x1, s24, s18, $0xb8;
	[tilespmem:$0x185A0] =	vst v63  }
0x2bd: {  	s24 =	simm.s32 $0x14EA0;
	s25 =	simm.s32 $0x16EA0  }
0x2be: {  	[tilespmem:s25], [sflag:$0x1] =	stream.indirect.gather [hbm4b:s3+s18], $0x1, s24, s18, $0xb8;
	[tilespmem:$0x185A0] =	vst v63  }
0x2bf: {  	s24 =	simm.s32 $0x14F20;
	s25 =	simm.s32 $0x16F20  }
0x2c0: {  	[tilespmem:s25], [sflag:$0x1] =	stream.indirect.gather [hbm4b:s3+s18], $0x1, s24, s18, $0xb8;
	[tilespmem:$0x185A0] =	vst v63  }
0x2c1: {  	s24 =	simm.s32 $0x14FA0;
	s25 =	simm.s32 $0x16FA0  }
0x2c2: {  	[tilespmem:s25], [sflag:$0x1] =	stream.indirect.gather [hbm4b:s3+s18], $0x1, s24, s18, $0xb8;
	[tilespmem:$0x185A0] =	vst v63  }
0x2c3: {  	s24 =	simm.s32 $0x15020;
	s25 =	simm.s32 $0x17020  }
0x2c4: {  	[tilespmem:s25], [sflag:$0x1] =	stream.indirect.gather [hbm4b:s3+s18], $0x1, s24, s18, $0xb8;
	[tilespmem:$0x185A0] =	vst v63  }
0x2c5: {  	s24 =	simm.s32 $0x150A0;
	s25 =	simm.s32 $0x170A0  }
0x2c6: {  	[tilespmem:s25], [sflag:$0x1] =	stream.indirect.gather [hbm4b:s3+s18], $0x1, s24, s18, $0xb8;
	[tilespmem:$0x185A0] =	vst v63  }
0x2c7: {  	s24 =	simm.s32 $0x15120;
	s25 =	simm.s32 $0x17120  }
0x2c8: {  	[tilespmem:s25], [sflag:$0x1] =	stream.indirect.gather [hbm4b:s3+s18], $0x1, s24, s18, $0xb8;
	[tilespmem:$0x185A0] =	vst v63  }
.LBB2_11:
0x2c9: {  	_ =	swait.ge [sflag:s4], $0x80  }
0x2ca: {  	[sflag:s4] =	ssyncset.done $0x0  }
0x2cb: {  	[sflag:s4] =	ssyncadd.s32 $0xFFFFFF80  }
0x2cc: {  	_ =	swait.ge [sflag:s4], $0x80  }
0x2cd: {  	[sflag:s4] =	ssyncset.done $0x0  }
0x2ce: {  	[sflag:s4] =	ssyncadd.s32 $0xFFFFFF80  }
0x2cf: {  	_ =	swait.ge [sflag:s4], $0x80  }
0x2d0: {  	[sflag:s4] =	ssyncset.done $0x0  }
0x2d1: {  	[sflag:s4] =	ssyncadd.s32 $0xFFFFFF80  }
0x2d2: {  	_ =	swait.ge [sflag:s4], $0x80  }
0x2d3: {  	[sflag:s4] =	ssyncset.done $0x0  }
0x2d4: {  	[sflag:s4] =	ssyncadd.s32 $0xFFFFFF80  }
0x2d5: {  	_ =	swait.ge [sflag:s4], $0x80  }
0x2d6: {  	[sflag:s4] =	ssyncset.done $0x0  }
0x2d7: {  	[sflag:s4] =	ssyncadd.s32 $0xFFFFFF80  }
0x2d8: {  	_ =	swait.ge [sflag:s4], $0x80  }
0x2d9: {  	[sflag:s4] =	ssyncset.done $0x0  }
0x2da: {  	[sflag:s4] =	ssyncadd.s32 $0xFFFFFF80  }
0x2db: {  	_ =	swait.ge [sflag:s4], $0x80  }
0x2dc: {  	[sflag:s4] =	ssyncset.done $0x0  }
0x2dd: {  	[sflag:s4] =	ssyncadd.s32 $0xFFFFFF80  }
0x2de: {  	_ =	swait.ge [sflag:s4], $0x80  }
0x2df: {  	[sflag:s4] =	ssyncset.done $0x0  }
0x2e0: {  	[sflag:s4] =	ssyncadd.s32 $0xFFFFFF80  }
0x2e1: {  	_ =	swait.ge [sflag:s4], $0x80  }
0x2e2: {  	[sflag:s4] =	ssyncset.done $0x0  }
0x2e3: {  	[sflag:s4] =	ssyncadd.s32 $0xFFFFFF80  }
0x2e4: {  	_ =	swait.ge [sflag:s4], $0x80  }
0x2e5: {  	[sflag:s4] =	ssyncset.done $0x0  }
0x2e6: {  	[sflag:s4] =	ssyncadd.s32 $0xFFFFFF80  }
0x2e7: {  	_ =	swait.ge [sflag:s4], $0x80  }
0x2e8: {  	[sflag:s4] =	ssyncset.done $0x0  }
0x2e9: {  	[sflag:s4] =	ssyncadd.s32 $0xFFFFFF80  }
0x2ea: {  	_ =	swait.ge [sflag:s4], $0x80  }
0x2eb: {  	[sflag:s4] =	ssyncset.done $0x0  }
0x2ec: {  	[sflag:s4] =	ssyncadd.s32 $0xFFFFFF80  }
0x2ed: {  	_ =	swait.ge [sflag:s4], $0x80  }
0x2ee: {  	[sflag:s4] =	ssyncset.done $0x0  }
0x2ef: {  	[sflag:s4] =	ssyncadd.s32 $0xFFFFFF80  }
0x2f0: {  	_ =	swait.ge [sflag:s4], $0x80  }
0x2f1: {  	[sflag:s4] =	ssyncset.done $0x0  }
0x2f2: {  	[sflag:s4] =	ssyncadd.s32 $0xFFFFFF80  }
0x2f3: {  	_ =	swait.ge [sflag:s4], $0x80  }
0x2f4: {  	[sflag:s4] =	ssyncset.done $0x0  }
0x2f5: {  	[sflag:s4] =	ssyncadd.s32 $0xFFFFFF80  }
0x2f6: {  	_ =	swait.ge [sflag:s4], $0x80  }
0x2f7: {  	[sflag:s4] =	ssyncset.done $0x0  }
0x2f8: {  	[sflag:s4] =	ssyncadd.s32 $0xFFFFFF80  }
0x2f9: {  	_ =	swait.ge [sflag:s4], $0x80  }
0x2fa: {  	[sflag:s4] =	ssyncset.done $0x0  }
0x2fb: {  	[sflag:s4] =	ssyncadd.s32 $0xFFFFFF80  }
0x2fc: {  	_ =	swait.ge [sflag:s4], $0x80  }
0x2fd: {  	[sflag:s4] =	ssyncset.done $0x0  }
0x2fe: {  	[sflag:s4] =	ssyncadd.s32 $0xFFFFFF80  }
0x2ff: {  	_ =	swait.ge [sflag:s4], $0x80  }
0x300: {  	[sflag:s4] =	ssyncset.done $0x0  }
0x301: {  	[sflag:s4] =	ssyncadd.s32 $0xFFFFFF80  }
0x302: {  	_ =	swait.ge [sflag:s4], $0x80  }
0x303: {  	[sflag:s4] =	ssyncset.done $0x0  }
0x304: {  	[sflag:s4] =	ssyncadd.s32 $0xFFFFFF80  }
0x305: {  	_ =	swait.ge [sflag:s4], $0x80  }
0x306: {  	[sflag:s4] =	ssyncset.done $0x0  }
0x307: {  	[sflag:s4] =	ssyncadd.s32 $0xFFFFFF80  }
0x308: {  	_ =	swait.ge [sflag:s4], $0x80  }
0x309: {  	[sflag:s4] =	ssyncset.done $0x0  }
0x30a: {  	[sflag:s4] =	ssyncadd.s32 $0xFFFFFF80  }
0x30b: {  	_ =	swait.ge [sflag:s4], $0x80  }
0x30c: {  	[sflag:s4] =	ssyncset.done $0x0  }
0x30d: {  	[sflag:s4] =	ssyncadd.s32 $0xFFFFFF80  }
0x30e: {  	_ =	swait.ge [sflag:s4], $0x80  }
0x30f: {  	[sflag:s4] =	ssyncset.done $0x0  }
0x310: {  	[sflag:s4] =	ssyncadd.s32 $0xFFFFFF80  }
0x311: {  	_ =	swait.ge [sflag:s4], $0x80  }
0x312: {  	[sflag:s4] =	ssyncset.done $0x0  }
0x313: {  	[sflag:s4] =	ssyncadd.s32 $0xFFFFFF80  }
0x314: {  	_ =	swait.ge [sflag:s4], $0x80  }
0x315: {  	[sflag:s4] =	ssyncset.done $0x0  }
0x316: {  	[sflag:s4] =	ssyncadd.s32 $0xFFFFFF80  }
0x317: {  	_ =	swait.ge [sflag:s4], $0x80  }
0x318: {  	[sflag:s4] =	ssyncset.done $0x0  }
0x319: {  	[sflag:s4] =	ssyncadd.s32 $0xFFFFFF80  }
0x31a: {  	_ =	swait.ge [sflag:s4], $0x80  }
0x31b: {  	[sflag:s4] =	ssyncset.done $0x0  }
0x31c: {  	[sflag:s4] =	ssyncadd.s32 $0xFFFFFF80  }
0x31d: {  	_ =	swait.ge [sflag:s4], $0x80  }
0x31e: {  	[sflag:s4] =	ssyncset.done $0x0  }
0x31f: {  	[sflag:s4] =	ssyncadd.s32 $0xFFFFFF80  }
0x320: {  	_ =	swait.ge [sflag:s4], $0x80  }
0x321: {  	[sflag:s4] =	ssyncset.done $0x0  }
0x322: {  	[sflag:s4] =	ssyncadd.s32 $0xFFFFFF80  }
0x323: {  	_ =	swait.ge [sflag:s4], $0x80  }
0x324: {  	[sflag:s4] =	ssyncset.done $0x0  }
0x325: {  	[sflag:s4] =	ssyncadd.s32 $0xFFFFFF80  }
0x326: {  	_ =	swait.ge [sflag:s4], $0x80  }
0x327: {  	[sflag:s4] =	ssyncset.done $0x0  }
0x328: {  	s23 =	simm.s32 $0x0;
	[sflag:s4] =	ssyncadd.s32 $0xFFFFFF80  }
0x329: {  	v13 =	vld [tilespmem:s23+$0x177A0]  }
0x32a: {  	v3 =	vld [tilespmem:s23+$0x17920]  }
0x32b: {  	v4 =	vld [tilespmem:s23+$0x184A0]  }
0x32c: {  	v10 =	vld [tilespmem:s23+$0x18120]  }
0x32d: {  	v5 =	vld [tilespmem:s23+$0x18420]  }
0x32e: {  	v14 =	vld [tilespmem:s23+$0x178A0]  }
0x32f: {  	v7 =	vld [tilespmem:s23+$0x183A0]  }
0x330: {  	v23 =	vld [tilespmem:s23+$0x174A0]  }
0x331: {  	v19 =	vld [tilespmem:s23+$0x172A0]  }
0x332: {  	v12 =	vld [tilespmem:s23+$0x17D20]  }
0x333: {  	v16 =	vld [tilespmem:s23+$0x17520]  }
0x334: {  	v18 =	vld [tilespmem:s23+$0x17F20];
	v6 =	vsub.f32 $1.000000000e+00, v4;
	v17 =	vadd.f32 v14, v14  }
0x335: {  	v15 =	vld [tilespmem:s23+$0x180A0];
	v9 =	vsub.f32 $1.000000000e+00, v7;
	v8 =	vsub.f32 $1.000000000e+00, v5  }
0x336: {  	v11 =	vld [tilespmem:s23+$0x17820];
	v22 =	vadd.f32 v23, v23;
	v33 =	vadd.f32 v19, v19  }
0x337: {  	v20 =	vld [tilespmem:s23+$0x17B20];
	v21 =	vmul.f32 v14, v7;
	v24 =	vsub.f32 v3, v17;
	v12 =	vsub.f32 v12, v17  }
0x338: {  	v26 =	vld [tilespmem:s23+$0x17CA0];
	v3 =	vmul.f32 v23, v9;
	v25 =	vsub.f32 v10, v17;
	v10 =	vsub.f32 v14, v22  }
0x339: {  	v28 =	vld [tilespmem:s23+$0x17320];
	v31 =	vsub.f32 v16, v22;
	v18 =	vsub.f32 v18, v22  }
0x33a: {  	v17 =	vld [tilespmem:s23+$0x176A0];
	v34 =	vsub.f32 v23, v33;
	v36 =	vmul.f32 v19, v9;
	v16 =	vadd.f32 v21, v3  }
0x33b: {  	v22 =	vld [tilespmem:s23+$0x17E20];
	v21 =	vadd.f32 v11, v11;
	v3 =	vmov s22;
	v12 =	vadd.f32 v12, v23  }
0x33c: {  	v32 =	vld [tilespmem:s23+$0x17720];
	v20 =	vadd.f32 v20, v10;
	v18 =	vadd.f32 v18, v19;
	v29 =	vmul.f32 v16, v5  }
0x33d: {  	v30 =	vsub.f32 v14, v21;
	v16 =	vsub.f32 v15, v21;
	v10 =	vand.u32 $0x7FFFFFFF, v12;
	v15 =	vld [tilespmem:s23+$0x17C20]  }
0x33e: {  	v12 =	vand.u32 $0x7FFFFFFF, v20;
	v27 =	vsub.f32 v26, v21;
	v20 =	vadd.f32 v24, v11;
	v21 =	vld [tilespmem:s23+$0x18020]  }
0x33f: {  	v26 =	vmul.f32 v11, v7;
	v24 =	vsub.f32 v28, v33;
	v28 =	vld [tilespmem:s23+$0x17420];
	v37 =	vadd.f32 v17, v17  }
0x340: {  	v35 =	vld [tilespmem:s23+$0x17A20];
	v38 =	vmul.f32 v17, v7;
	v34 =	vadd.f32 v22, v34;
	v30 =	vadd.f32 v30, v13  }
0x341: {  	v13 =	vand.u32 $0x7FFFFFFF, v20;
	v39 =	vsub.f32 v14, v37;
	v22 =	vsub.f32 v32, v37  }
0x342: {  	v40 =	vld [tilespmem:s23+$0x17EA0];
	v20 =	vadd.f32 v38, v36;
	v14 =	vand.u32 $0x7FFFFFFF, v30;
	v30 =	vsub.f32 v17, v33  }
0x343: {  	v56 =	vsub.f32 v15, v37;
	v15 =	vand.u32 $0x7FFFFFFF, v18;
	v18 =	vadd.f32 v25, v17  }
0x344: {  	v57 =	vld [tilespmem:s23+$0x173A0];
	v58 =	vmul.f32 v20, v8;
	v21 =	vadd.f32 v21, v39;
	v60 =	vadd.f32 v28, v28  }
0x345: {  	v20 =	vand.u32 $0x7FFFFFFF, v34;
	v25 =	vld [tilespmem:s23+$0x17220];
	v36 =	vadd.f32 v31, v28;
	v61 =	vadd.f32 v35, v30  }
0x346: {  	v32 =	vld [tilespmem:s23+$0x17AA0];
	v62 =	vmul.f32 v28, v9;
	v59 =	vadd.f32 v56, v19;
	v33 =	vadd.f32 v29, v58  }
0x347: {  	v21 =	vand.u32 $0x7FFFFFFF, v21;
	v30 =	vsub.f32 v40, v60;
	v63 =	vsub.f32 v23, v60  }
0x348: {  	v18 =	vand.u32 $0x7FFFFFFF, v18;
	v29 =	vld [tilespmem:s23+$0x17620];
	v34 =	vsub.f32 v11, v60;
	v37 =	vadd.f32 v26, v62  }
0x349: {  	s24 =	simm.s32 $0x40;
	v31 =	vld [tilespmem:s23+$0x171A0];
	v26 =	vand.u32 $0x7FFFFFFF, v61;
	v23 =	vand.u32 $0x7FFFFFFF, v59;
	v35 =	vadd.f32 v63, v57  }
.LBB2_12:
0x34a: {  	p0 =	sne.s32 s24, $0x1C0;
	v38 =	vld [tilespmem:s23+$0x17DA0];
	v33 =	vmul.f32 v33, v4;
	v39 =	vadd.f32 v25, v25;
	v27 =	vadd.f32 v27, v28  }
0x34b: {  	v37 =	vmul.f32 v37, v5;
	v32 =	vadd.f32 v32, v34;
	v34 =	vand.u32 $0x7FFFFFFF, v36  }
0x34c: {  	v35 =	vand.u32 $0x7FFFFFFF, v35;
	v36 =	vld [tilespmem:s23+$0x17BA0];
	v28 =	vsub.f32 v28, v39;
	v19 =	vsub.f32 v19, v39  }
0x34d: {  	v24 =	vadd.f32 v24, v25;
	v27 =	vand.u32 $0x7FFFFFFF, v27;
	v40 =	vld [tilespmem:s23+$0x175A0];
	v41 =	vadd.f32 v29, v29  }
0x34e: {  	v30 =	vadd.f32 v30, v25;
	v42 =	vld [tilespmem:s23+$0x179A0];
	v19 =	vadd.f32 v19, v31;
	v31 =	vand.u32 $0x7FFFFFFF, v32  }
0x34f: {  	v43 =	vmul.f32 v25, v9;
	v32 =	vld [tilespmem:s23+$0x17FA0];
	v28 =	vadd.f32 v38, v28;
	v17 =	vsub.f32 v17, v41  }
0x350: {  	v39 =	vsub.f32 v29, v39;
	v38 =	vmul.f32 v29, v7;
	v11 =	vsub.f32 v11, v41  }
0x351: {  	v24 =	vand.u32 $0x7FFFFFFF, v24;
	v22 =	vadd.f32 v22, v29;
	v36 =	vsub.f32 v36, v41  }
0x352: {  	v16 =	vadd.f32 v16, v29;
	v19 =	vand.u32 $0x7FFFFFFF, v19;
	v38 =	vadd.f32 v38, v43  }
0x353: {  	v30 =	vand.u32 $0x7FFFFFFF, v30;
	v29 =	vadd.f32 v42, v39;
	v25 =	vadd.f32 v36, v25  }
0x354: {  	v28 =	vand.u32 $0x7FFFFFFF, v28;
	v17 =	vadd.f32 v17, v40;
	v11 =	vadd.f32 v32, v11  }
0x355: {  	v22 =	vand.u32 $0x7FFFFFFF, v22;
	v29 =	vand.u32 $0x7FFFFFFF, v29;
	v25 =	vand.u32 $0x7FFFFFFF, v25  }
0x356: {  	v16 =	vand.u32 $0x7FFFFFFF, v16;
	v32 =	vmul.f32 v38, v8;
	v25 =	vmin.f32 v29, v25  }
0x357: {  	v17 =	vand.u32 $0x7FFFFFFF, v17;
	v11 =	vand.u32 $0x7FFFFFFF, v11;
	v25 =	vmin.f32 v25, v31  }
0x358: {  	v17 =	vmin.f32 v19, v17;
	v11 =	vmin.f32 v28, v11;
	v19 =	vmin.f32 v25, v26  }
0x359: {  	v25 =	vadd.f32 v37, v32;
	v11 =	vmin.f32 v11, v30;
	v19 =	vmin.f32 v19, v23  }
0x35a: {  	v17 =	vmin.f32 v17, v35;
	v11 =	vmin.f32 v11, v20;
	v12 =	vmin.f32 v19, v12  }
0x35b: {  	v17 =	vmin.f32 v17, v24;
	v11 =	vmin.f32 v11, v21;
	v12 =	vmin.f32 v12, v27  }
0x35c: {  	v17 =	vmin.f32 v17, v22;
	v11 =	vmin.f32 v11, v15;
	v10 =	vmin.f32 v12, v10  }
0x35d: {  	v12 =	vmin.f32 v17, v34;
	v11 =	vmin.f32 v11, v16;
	v10 =	vmul.f32 $5.000000000e-01, v10  }
0x35e: {  	v15 =	vmul.f32 v25, v6;
	v12 =	vmin.f32 v12, v14;
	v11 =	vmin.f32 v11, v18  }
0x35f: {  	v12 =	vmin.f32 v12, v13;
	v7 =	vmul.f32 v10, v7;
	v10 =	vmul.f32 $5.000000000e-01, v11  }
0x360: {  	v11 =	vmul.f32 $5.000000000e-01, v12  }
0x361: {  	v12 =	vadd.f32 v33, v15;
	v7 =	vmul.f32 v7, v9;
	v5 =	vmul.f32 v10, v5;
	_ =	sdelay $0x1  }
0x362: {  	v4 =	vmul.f32 v11, v4;
	v7 =	vsub.f32 v12, v7;
	v5 =	vmul.f32 v5, v8;
	_ =	sdelay $0x1  }
0x363: {  	v4 =	vmul.f32 v4, v6;
	v5 =	vsub.f32 v7, v5;
	_ =	sdelay $0x1  }
0x364: {  	v4 =	vsub.f32 v5, v4;
	_ =	sdelay $0x1  }
0x365: {  	[tilespmem:v3+s23+$0x0 ss:$0x1] =	vst.idx.msk $0xffff, v4;
	s23 =	sshra.s32 s24, $0x2  }
0x366: {  	v13 =	vld [tilespmem:s23+$0x177A0]  }
0x367: {  	v10 =	vld [tilespmem:s23+$0x17920]  }
0x368: {  	v4 =	vld [tilespmem:s23+$0x184A0]  }
0x369: {  	v12 =	vld [tilespmem:s23+$0x18120]  }
0x36a: {  	v14 =	vld [tilespmem:s23+$0x17D20]  }
0x36b: {  	v5 =	vld [tilespmem:s23+$0x18420]  }
0x36c: {  	v15 =	vld [tilespmem:s23+$0x178A0]  }
0x36d: {  	v7 =	vld [tilespmem:s23+$0x183A0]  }
0x36e: {  	v23 =	vld [tilespmem:s23+$0x174A0]  }
0x36f: {  	v16 =	vld [tilespmem:s23+$0x180A0]  }
0x370: {  	v17 =	vld [tilespmem:s23+$0x17520]  }
0x371: {  	v6 =	vsub.f32 $1.000000000e+00, v4;
	v11 =	vld [tilespmem:s23+$0x17820];
	v18 =	vadd.f32 v15, v15  }
0x372: {  	v8 =	vsub.f32 $1.000000000e+00, v5;
	v20 =	vld [tilespmem:s23+$0x17F20];
	v9 =	vsub.f32 $1.000000000e+00, v7  }
0x373: {  	v22 =	vmul.f32 v15, v7;
	v21 =	vld [tilespmem:s23+$0x17B20];
	v24 =	vadd.f32 v23, v23;
	v25 =	vsub.f32 v10, v18  }
0x374: {  	v14 =	vsub.f32 v14, v18;
	v18 =	vsub.f32 v12, v18;
	v19 =	vld [tilespmem:s23+$0x172A0];
	v10 =	vmul.f32 v23, v9  }
0x375: {  	v26 =	vld [tilespmem:s23+$0x17CA0];
	v12 =	vsub.f32 v15, v24;
	v31 =	vsub.f32 v17, v24  }
0x376: {  	v28 =	vld [tilespmem:s23+$0x17320];
	v10 =	vadd.f32 v22, v10;
	v22 =	vadd.f32 v11, v11  }
0x377: {  	v14 =	vadd.f32 v14, v23;
	v17 =	vld [tilespmem:s23+$0x176A0];
	v20 =	vsub.f32 v20, v24  }
0x378: {  	v29 =	vld [tilespmem:s23+$0x17E20];
	v30 =	vmul.f32 v10, v5;
	v12 =	vadd.f32 v21, v12;
	v21 =	vsub.f32 v15, v22  }
0x379: {  	v16 =	vsub.f32 v16, v22;
	v10 =	vand.u32 $0x7FFFFFFF, v14;
	v32 =	vld [tilespmem:s23+$0x17720];
	v33 =	vadd.f32 v19, v19  }
0x37a: {  	v25 =	vadd.f32 v25, v11;
	v14 =	vld [tilespmem:s23+$0x17C20];
	v12 =	vand.u32 $0x7FFFFFFF, v12;
	v27 =	vsub.f32 v26, v22  }
0x37b: {  	v35 =	vmul.f32 v11, v7;
	v21 =	vadd.f32 v21, v13;
	v26 =	vld [tilespmem:s23+$0x18020];
	v22 =	vsub.f32 v23, v33  }
0x37c: {  	v36 =	vmul.f32 v19, v9;
	v24 =	vsub.f32 v28, v33;
	v34 =	vld [tilespmem:s23+$0x17A20];
	v37 =	vadd.f32 v17, v17  }
0x37d: {  	v20 =	vadd.f32 v20, v19;
	v38 =	vmul.f32 v17, v7;
	v28 =	vld [tilespmem:s23+$0x17420];
	v29 =	vadd.f32 v29, v22  }
0x37e: {  	v13 =	vand.u32 $0x7FFFFFFF, v25;
	v39 =	vsub.f32 v15, v37;
	v22 =	vsub.f32 v32, v37  }
0x37f: {  	v25 =	vadd.f32 v38, v36;
	v40 =	vld [tilespmem:s23+$0x17EA0];
	v32 =	vsub.f32 v14, v37;
	v14 =	vand.u32 $0x7FFFFFFF, v21  }
0x380: {  	v18 =	vadd.f32 v18, v17;
	v15 =	vand.u32 $0x7FFFFFFF, v20;
	v21 =	vsub.f32 v17, v33  }
0x381: {  	v33 =	vmul.f32 v25, v8;
	v26 =	vadd.f32 v26, v39;
	v38 =	vld [tilespmem:s23+$0x173A0];
	v36 =	vadd.f32 v32, v19  }
.Ltmp5:
0x382: {  	v20 =	vand.u32 $0x7FFFFFFF, v29;
	v39 =	vadd.f32 v34, v21;
	v25 =	vld [tilespmem:s23+$0x17220];
	v37 =	vadd.f32 v28, v28;
	(pc) =	sbr.rel @p0 .LBB2_12-.Ltmp5, $4  }
0x383: {  	v18 =	vand.u32 $0x7FFFFFFF, v18;
	v33 =	vadd.f32 v30, v33;
	v21 =	vand.u32 $0x7FFFFFFF, v26;
	v32 =	vld [tilespmem:s23+$0x17AA0]  }
0x384: {  	v26 =	vmul.f32 v28, v9;
	v30 =	vsub.f32 v40, v37;
	v40 =	vsub.f32 v23, v37  }
0x385: {  	v34 =	vsub.f32 v11, v37;
	v23 =	vand.u32 $0x7FFFFFFF, v36;
	v36 =	vadd.f32 v31, v28;
	v29 =	vld [tilespmem:s23+$0x17620]  }
0x386: {  	s24 =	sadd.s32 $0x40, s24;
	v37 =	vadd.f32 v35, v26;
	v26 =	vand.u32 $0x7FFFFFFF, v39;
	v31 =	vld [tilespmem:s23+$0x171A0];
	v35 =	vadd.f32 v40, v38  }
0x387: {  	v33 =	vmul.f32 v33, v4;
	v39 =	vadd.f32 v25, v25;
	v27 =	vadd.f32 v27, v28  }
0x388: {  	v38 =	vld [tilespmem:s23+$0x17DA0];
	v45 =	vand.u32 $0x7FFFFFFF, v36;
	v24 =	vadd.f32 v24, v25;
	v30 =	vadd.f32 v30, v25  }
0x389: {  	v46 =	vld [tilespmem:s23+$0x17BA0];
	v43 =	vmul.f32 v25, v9;
	v37 =	vmul.f32 v37, v5;
	v32 =	vadd.f32 v32, v34  }
0x38a: {  	v35 =	vand.u32 $0x7FFFFFFF, v35;
	v47 =	vsub.f32 v28, v39;
	v19 =	vsub.f32 v19, v39  }
0x38b: {  	v42 =	vld [tilespmem:s23+$0x179A0];
	v27 =	vand.u32 $0x7FFFFFFF, v27;
	v41 =	vadd.f32 v29, v29;
	v39 =	vsub.f32 v29, v39  }
0x38c: {  	v49 =	vld [tilespmem:s23+$0x17FA0];
	v24 =	vand.u32 $0x7FFFFFFF, v24;
	v22 =	vadd.f32 v22, v29;
	v16 =	vadd.f32 v16, v29  }
0x38d: {  	v40 =	vld [tilespmem:s23+$0x175A0];
	v50 =	vmul.f32 v29, v7;
	v19 =	vadd.f32 v19, v31;
	v28 =	vadd.f32 v38, v47  }
0x38e: {  	v30 =	vand.u32 $0x7FFFFFFF, v30;
	v17 =	vsub.f32 v17, v41;
	v36 =	vsub.f32 v46, v41  }
0x38f: {  	v48 =	vand.u32 $0x7FFFFFFF, v32;
	v11 =	vsub.f32 v11, v41;
	v38 =	vadd.f32 v50, v43  }
0x390: {  	v51 =	vadd.f32 v42, v39;
	v22 =	vand.u32 $0x7FFFFFFF, v22;
	v52 =	vadd.f32 v36, v25  }
0x391: {  	v16 =	vand.u32 $0x7FFFFFFF, v16;
	v19 =	vand.u32 $0x7FFFFFFF, v19;
	v11 =	vadd.f32 v49, v11  }
0x392: {  	v17 =	vadd.f32 v17, v40;
	v29 =	vand.u32 $0x7FFFFFFF, v51;
	v25 =	vand.u32 $0x7FFFFFFF, v52  }
0x393: {  	v28 =	vand.u32 $0x7FFFFFFF, v28;
	v53 =	vmul.f32 v38, v8;
	v25 =	vmin.f32 v29, v25  }
0x394: {  	v11 =	vand.u32 $0x7FFFFFFF, v11;
	v17 =	vand.u32 $0x7FFFFFFF, v17;
	v25 =	vmin.f32 v25, v48  }
0x395: {  	v55 =	vadd.f32 v37, v53;
	v11 =	vmin.f32 v28, v11;
	v54 =	vmin.f32 v25, v26  }
0x396: {  	v17 =	vmin.f32 v19, v17;
	v11 =	vmin.f32 v11, v30;
	v19 =	vmin.f32 v54, v23  }
0x397: {  	v17 =	vmin.f32 v17, v35;
	v11 =	vmin.f32 v11, v20;
	v12 =	vmin.f32 v19, v12  }
0x398: {  	v17 =	vmin.f32 v17, v24;
	v11 =	vmin.f32 v11, v21;
	v12 =	vmin.f32 v12, v27  }
0x399: {  	v17 =	vmin.f32 v17, v22;
	v11 =	vmin.f32 v11, v15;
	v10 =	vmin.f32 v12, v10  }
0x39a: {  	v56 =	vmin.f32 v17, v45;
	v11 =	vmin.f32 v11, v16;
	v10 =	vmul.f32 $5.000000000e-01, v10  }
0x39b: {  	v57 =	vmul.f32 v55, v6;
	v12 =	vmin.f32 v56, v14;
	v11 =	vmin.f32 v11, v18  }
0x39c: {  	v12 =	vmin.f32 v12, v13;
	v59 =	vmul.f32 $5.000000000e-01, v11;
	v58 =	vmul.f32 v10, v7  }
0x39d: {  	v60 =	vmul.f32 $5.000000000e-01, v12  }
0x39e: {  	v61 =	vadd.f32 v33, v57;
	v62 =	vmul.f32 v59, v5;
	v7 =	vmul.f32 v58, v9;
	_ =	sdelay $0x1  }
0x39f: {  	s5 =	sadd.s32 $0x1, s5;
	v63 =	vmul.f32 v60, v4;
	v5 =	vmul.f32 v62, v8;
	v7 =	vsub.f32 v61, v7  }
0x3a0: {  	p0 =	sne.s32 s5, $0x40  }
.Ltmp6:
0x3a1: {  	v4 =	vmul.f32 v63, v6;
	v5 =	vsub.f32 v7, v5;
	(pc) =	sbr.rel @p0 .LBB2_4-.Ltmp6, $4  }
0x3a2: {  	s6 =	sadd.s32 $0x100, s6  }
0x3a3: {  	s7 =	sadd.s32 $0x100, s7;
	s8 =	sadd.s32 $0x100, s8;
	s9 =	sadd.s32 $0x100, s9;
	v4 =	vsub.f32 v5, v4  }
0x3a4: {  	s10 =	sadd.s32 $0x100, s10;
	s11 =	sadd.s32 $0x100, s11;
	s19 =	sadd.s32 $0x100, s19  }
0x3a5: {  	s20 =	sadd.s32 $0x100, s20;
	s21 =	sadd.s32 $0x100, s21;
	s22 =	sadd.s32 $0x100, s22;
	[tilespmem:v3+s23+$0x0 ss:$0x1] =	vst.idx.msk $0xffff, v4  }
0x3a6: {  	s5 =	rddreg [dreg:$0xa];
	s6 =	simm.s32 $0x101A0  }
0x3a7: {  	[hbm4b:s5+s2] =	stream.linear.scatter [tilespmem:s6], [sflag:$0x3], $0x4000, $0x38;
	[tilespmem:$0x185A0] =	vst v63  }
0x3a8: {  	s6 =	simm.s32 $0x3  }
0x3a9: {  	_ =	swait.ge [sflag:s6], $0x4000  }
0x3aa: {  	s7 =	rddreg [dreg:$0xc]  }
0x3ab: {  	s25 =	rddreg [dreg:$0xb];
	s7 =	sadd.s32 $0x1, s7  }
0x3ac: {  	p0 =	sne.s32 s7, s25  }
.Ltmp7:
0x3ad: {  	_ = 	snop;
	(pc) =	sbr.rel @p0 .LBB2_1-.Ltmp7, $3  }
0x3ae: {  	_ =	sdelay $0x1  }
0x3af: {  	[sflag:s6] =	ssyncset.done $0x0  }
0x3b0: {  	[sflag:s6] =	ssyncadd.s32 $0xFFFFC000  }
0x3b1: {  	_ =	sfence.sel $0x180000  }
0x3b2: {  	[bflag:$0x0] =	sbarrier.arrive $0xFFFF  }
0x3b3: {  	_ =	strace $0x9000004D  }
0x3b4: {  	s0 =	stileid.u32;
	[bflag:$0x2] =	sbarrier.arrive $0xFFFF  }
0x3b5: {  	p0 =	sne.s32 s0, $0x0;
	s0 =	rddreg [dreg:$0x3]  }
0x3b6: {  	s0 =	sadd.s32 @!p0 $0x100000, s0  }
0x3b7: {  	[sflag:s0] =	ssyncadd.tile.s32 @!p0 $0x1;
	_ =	shalt  }
.Lfunc_end2:
_tile_overlayer_lowered:
.L_overlay_start_2:
0x3b8: {  	(tag) =	ssettag $0x2  }
0x3b9: {  	s0 =	rddreg [dreg:$0x0];
	s2 =	stileid.u32  }
0x3ba: {  	s1 =	rddreg [dreg:$0x1];
	p0 =	sne.s32 s2, $0x0  }
0x3bb: {  	s3 =	rddreg [dreg:$0x2];
	[bflag:$0x3] =	sbarrier.arrive $0xFFFF;
	s2 =	simm.s32 @!p0 $0x1C03  }
0x3bc: {  	[timem:s3], [sflag:s2] =	dma.local @!p0 [hbm:s0], s1  }
0x3bd: {  	s0 =	simm.s32 @!p0 $0x3  }
0x3be: {  	_ =	swait.ge @!p0 [sflag:s0], s1  }
0x3bf: {  	s1 =	ssub.s32 @!p0 $0x0, s1;
	[sflag:s0] =	ssyncset.done @!p0 $0x0  }
0x3c0: {  	[sflag:s0] =	ssyncadd.s32 @!p0 s1  }
0x3c1: {  	[bflag:$0x3] =	sbarrier.arrive $0xFFFF  }
0x3c2: {  	_ =	shalt  }

// kernel: sparse-core-data-format-call.1.cloned.1.call-start
scs
called_computation.1_lowered:
.L_overlay_start_0:
0x0: {  	s2 =	sld [smem:$0x3FD9]  }
0x1: {  	s3 =	sld [smem:$0x3FFE];
	_ =	sdelay $0x1  }
0x2: {  	s1 =	srdreg.scid  }
0x3: {  	s0 =	sand.u32 $0x1, s1  }
0x4: {  	s18 =	sshll.u32 s0, $0xA;
	s2 =	sadd.s32 s3, s2  }
0x5: {  	s2 =	sadd.s32 s2, s18  }
0x6: {  	[smem:$0x3FC4] =	sst s2  }
0x7: {  	_ = 	snop  }
0x8: {  	s2 =	sld [smem:$0x3FC6];
	(tm) =	ssettm $0x1  }
0x9: {  	s19 =	sld [smem:$0x3FFB];
	_ =	sdelay $0x3  }
0xa: {  	_ =	strace s19  }
0xb: {  	s3 =	sld [smem:$0x3FFC];
	_ =	sdelay $0x3  }
0xc: {  	_ =	strace s3  }
0xd: {  	s3 =	sld [smem:$0x3FFD];
	_ =	sdelay $0x3  }
0xe: {  	_ =	strace s3  }
0xf: {  	_ =	strace $0x8FFFFFFF  }
0x10: {  	s20 =	sld [smem:$0x3FDB];
	_ =	sdelay $0x1  }
0x11: {  	s4 =	simm.s32 $_scs_section_size  }
0x12: {  	s5 =	simm.s32 $_size__tile_overlayer_lowered;
	s6 =	simm.s32 $_tile_overlayer_lowered  }
0x13: {  	s23 =	simm.s32 $0x1BFF;
	s22 =	sshll.u32 s6, $0x1;
	s3 =	sadd.s32 s4, s20  }
0x14: {  	s7 =	simm.s32 $0x0;
	s21 =	sshll.u32 s5, $0x1;
	s5 =	sadd.s32 s22, s3  }
0x15: {  	[timem:s7], [sflag:s23] =	dma.local [hbm:s5], s21  }
0x16: {  	_ =	swait.ge [sflag:s23], s21  }
0x17: {  	s4 =	ssub.s32 $0x0, s21;
	[sflag:s23] =	ssyncset.done $0x0  }
0x18: {  	[sflag:s23] =	ssyncadd.s32 s4;
	_ =	sdelay $0x1  }
0x19: {  	s24 =	simm.s32 $0x1B8B  }
0x1a: {  	_ =	swait.ge [sflag:s24], $0x1  }
0x1b: {  	[sflag:s24] =	ssyncset.done $0x0  }
0x1c: {  	s26 =	simm.s32 $0x1B8E;
	s25 =	sld [smem:$0x3FFE];
	[sflag:s24] =	ssyncadd.s32 $0xFFFFFFFF  }
0x1d: {  	s27 =	simm.s32 $execute0_lowered;
	[smem:$0x3FD2] =	sst s26  }
0x1e: {  	s5 =	sshll.u32 s27, $0x1;
	_ =	strace $0x80000046;
	[dreg:$0x1] =	wrdreg $0xFFFFFFFF  }
0x1f: {  	s28 =	simm.s32 $_size_execute0_lowered;
	s3 =	sadd.s32 s3, s5;
	[dreg:$0x0] =	wrdreg $0x0  }
0x20: {  	s5 =	sshll.u32 s28, $0x1;
	[dreg:$0x2] =	wrdreg s3  }
0x21: {  	[dreg:$0x3] =	wrdreg s5  }
0x22: {  	[dreg:$0x4] =	wrdreg $0xC0  }
0x23: {  	_ =	task [dreg:s7], $0x5FFFF  }
0x24: {  	[dreg:$0x1] =	wrdreg $0xFFFFFFFF  }
0x25: {  	[dreg:$0x0] =	wrdreg $0x60  }
0x26: {  	[dreg:$0x2] =	wrdreg s2  }
0x27: {  	[dreg:$0x3] =	wrdreg s25  }
0x28: {  	[dreg:$0x4] =	wrdreg $0xA  }
0x29: {  	_ =	task.clear_ibuf [dreg:s7], $0x5FFFF;
	_ =	strace $0x90000046  }
0x2a: {  	s29 =	simm.s32 $0xA;
	_ =	strace $0x80000048  }
0x2b: {  	_ =	swait.ge [sflag:s29], $0x1  }
0x2c: {  	[sflag:s29] =	ssyncadd.s32 $0xFFFFFFFF  }
0x2d: {  	_ =	strace $0x90000048  }
0x2e: {  	_ =	sfence  }
0x2f: {  	s30 =	sld [smem:$0x0];
	_ =	sdelay $0x2  }
0x30: {  	s31 =	sshll.u32 s1, $0xD;
	s1 =	sshrl.u32 s1, $0x2  }
0x31: {  	s3 =	sand.u32 $0x4000, s31;
	s1 =	sadd.s32 s1, s30  }
0x32: {  	s0 =	sor.u32 s3, s0;
	s1 =	sshll.u32 s1, $0x11  }
0x33: {  	s0 =	sor.u32 s1, s0  }
0x34: {  	s0 =	sadd.s32 $0x8F2B, s0  }
0x35: {  	[sflag:s0] =	ssyncadd.remote.s32 $0x1  }
0x36: {  	_ =	sfence.sel $0xFFFF  }
0x37: {  	[dreg:$0x0] =	wrdreg $0xFFFFFFFF;
	(pc) =	sbr.abs _section_cstart, $3  }
0x38: {  	[dreg:$0x1] =	wrdreg $0xFFFFFFFF  }
0x39: {  	_ =	task.clear_ibuf [dreg:s7], $0x2FFFF;
	_ =	strace $0x9FFFFFFF  }
0x3a: {  	(tm) =	ssettm $0x7FFFFFFF  }
0x3b: {  	_ =	shalt  }
tec
execute0_lowered:
.L_overlay_start_1:
0x0: {  	(tag) =	ssettag $0x1  }
0x1: {  	s0 =	srdreg.scid  }
0x2: {  	s1 =	sshll.u32 s0, $0x4  }
0x3: {  	s2 =	rddreg [dreg:$0x0];
	s0 =	stileid.u32;
	s1 =	sand.u32 $0x10, s1  }
0x4: {  	s4 =	rddreg [dreg:$0x1];
	s7 =	simm.s32 $0x1;
	s1 =	sor.u32 s0, s1  }
0x5: {  	s8 =	simm.s32 $0x2;
	s9 =	simm.s32 $0x0;
	s3 =	sshll.u32 s1, $0x3  }
0x6: {  	s12 =	simm.s32 $0x0;
	s11 =	simm.s32 $0x0;
	s6 =	ssub.s32 $0x2000, s3  }
.Ltmp0:
0x7: {  	s4 =	sadd.s32 $0x1200, s4;
	s5 =	sand.u32 $0xF8, s6;
	(pc) =	sbr.rel .LBB1_1-.Ltmp0, $4  }
0x8: {  	s1 =	rddreg [dreg:$0x2];
	_ =	strace $0x80000047;
	p0 =	sne.s32 s5, $0x0  }
0x9: {  	s6 =	sshrl.u32 s6, $0x8;
	s5 =	simm.s32 $0x1;
	s7 =	simm.s32 @!p0 $0x0  }
0xa: {  	s10 =	smov.u32 s3;
	[sflag:s5] =	ssyncpa.u1 $0x0;
	s6 =	sadd.s32 s7, s6  }
0xb: {  	[sflag:s8] =	ssyncpa.u1 $0x0;
	s8 =	simm.s32 $0x0;
	s7 =	sadd.s32 $0x1, s6  }
.LBB1_9:
0xc: {  	s14 =	sadd.s32 $0x100, s10  }
0xd: {  	p1 =	sgt.s32 s14, $0x1FFF  }
0xe: {  	s14 =	smov.u32 @p1 s3;
	p1 =	sne.s32 s11, s7  }
.Ltmp1:
0xf: {  	p0 =	slt.u32 s11, $0x2;
	(pc) =	sbr.rel @!p1 .LBB1_10-.Ltmp1, $4  }
0x10: {  	s13 =	simm.s32 @!p0 $0x2  }
0x11: {  	s15 =	sadd.s32 $0x1, s11;
	_ =	swait.ge @!p0 [sflag:s13], $0x4000  }
0x12: {  	s12 =	smov.u32 s10;
	s9 =	sadd.s32 $0x4000, s9;
	[sflag:s13] =	ssyncset.done @!p0 $0x0  }
0x13: {  	s11 =	smov.u32 s15;
	s10 =	smov.u32 s14;
	[sflag:s13] =	ssyncadd.s32 @!p0 $0xFFFFC000  }
.LBB1_1:
0x14: {  	p0 =	sge.u32 s11, s6  }
0x15: {  	s13 =	sxor.u32 @!p0 $0xFFFFFFFF, s11  }
0x16: {  	s31 =	sadd.s32 $0xFFFFFFFF, s11;
	s14 =	sshll.u32 @!p0 s10, $0x8;
	s13 =	sshll.u32 @!p0 s13, $0xE  }
0x17: {  	s15 =	simm.s32 @!p0 $0x0;
	s14 =	sadd.s32 @!p0 s2, s14;
	s13 =	sand.u32 @!p0 $0x4000, s13  }
0x18: {  	[tilespmem:s13], [sflag:$0x1] =	stream.linear.gather @!p0 [hbm4b:s14+s15], $0x4000, $0x38;
	[tilespmem:$0x10000] =	vst v63  }
0x19: {  	p0 =	sge.u32 s31, s6  }
.Ltmp2:
0x1a: {  	_ = 	snop;
	(pc) =	sbr.rel @p0 .LBB1_9-.Ltmp2, $1  }
0x1b: {  	_ =	sdelay $0x3  }
0x1c: {  	s13 =	sshll.u32 s9, $0x2;
	_ =	swait.ge [sflag:s5], $0x4000;
	s14 =	sshll.u32 s11, $0xE  }
0x1d: {  	s16 =	simm.s32 $0x0;
	s17 =	simm.s32 $0x0;
	s15 =	sand.u32 $0x10000, s13  }
0x1e: {  	[sflag:s5] =	ssyncset.done $0x0;
	s31 =	sand.u32 $0x4000, s14;
	s14 =	sshrl.u32 s15, $0x2  }
0x1f: {  	[sflag:s5] =	ssyncadd.s32 $0xFFFFC000;
	s13 =	sor.u32 $0x8000, s31;
	s15 =	sor.u32 $0x8000, s14  }
.LBB1_3:
0x20: {  	s18 =	sshra.s32 s16, $0x2  }
0x21: {  	v0 =	vmov s18;
	_ =	sdelay $0x3  }
0x22: {  	p1 =	por $0x1, $0x1;
	s18 =	simm.s32 $0x0  }
.LBB1_4:
0x23: {  	_ = 	snop  }
0x24: {  	s19 =	sshll.u32 s18, $0xA  }
0x25: {  	s19 =	sand.u32 $0x3FFFFC00, s19  }
0x26: {  	s19 =	sadd.s32 s19, s14  }
0x27: {  	v5 =	vld.idx.msk [tilespmem:v0+s19+$0x70 ss:$0x1], $0xffff  }
0x28: {  	v6 =	vld.idx.msk [tilespmem:v0+s19+$0x10 ss:$0x1], $0xffff  }
0x29: {  	v7 =	vld.idx.msk [tilespmem:v0+s19+$0x20 ss:$0x1], $0xffff  }
0x2a: {  	s31 =	sshll.u32 s18, $0x7;
	v1 =	vld.idx.msk [tilespmem:v0+s19+$0x30 ss:$0x1], $0xffff  }
0x2b: {  	s18 =	sand.u32 $0x3FFFFF80, s31;
	v2 =	vld.idx.msk [tilespmem:v0+s19+$0x40 ss:$0x1], $0xffff  }
0x2c: {  	s18 =	sadd.s32 s18, s15;
	v3 =	vld.idx.msk [tilespmem:v0+s19+$0x50 ss:$0x1], $0xffff  }
0x2d: {  	v4 =	vld.idx.msk [tilespmem:v0+s19+$0x60 ss:$0x1], $0xffff;
	[tilespmem:v0+s18+$0x70 ss:$0x1] =	vst.idx.msk $0xffff, v5  }
0x2e: {  	v5 =	vld.idx.msk [tilespmem:v0+s19+$0x0 ss:$0x1], $0xffff;
	[tilespmem:v0+s18+$0x10 ss:$0x1] =	vst.idx.msk $0xffff, v6;
	s19 =	sadd.s32 $0x80, s19  }
0x2f: {  	p0 =	por p1, p1;
	s20 =	simm.s32 $0x6;
	[tilespmem:v0+s18+$0x20 ss:$0x1] =	vst.idx.msk $0xffff, v7;
	v6 =	vld.idx.msk [tilespmem:v0+s19+$0x70 ss:$0x1], $0xffff  }
.LBB1_5:
0x30: {  	p1 =	sne.s32 s20, $0x1;
	v7 =	vld.idx.msk [tilespmem:v0+s19+$0x10 ss:$0x1], $0xffff;
	[tilespmem:v0+s18+$0x30 ss:$0x1] =	vst.idx.msk $0xffff, v1  }
0x31: {  	v8 =	vld.idx.msk [tilespmem:v0+s19+$0x20 ss:$0x1], $0xffff;
	[tilespmem:v0+s18+$0x40 ss:$0x1] =	vst.idx.msk $0xffff, v2  }
0x32: {  	v1 =	vld.idx.msk [tilespmem:v0+s19+$0x30 ss:$0x1], $0xffff;
	[tilespmem:v0+s18+$0x50 ss:$0x1] =	vst.idx.msk $0xffff, v3  }
.Ltmp3:
0x33: {  	v2 =	vld.idx.msk [tilespmem:v0+s19+$0x40 ss:$0x1], $0xffff;
	[tilespmem:v0+s18+$0x60 ss:$0x1] =	vst.idx.msk $0xffff, v4;
	(pc) =	sbr.rel @p1 .LBB1_5-.Ltmp3, $4  }
0x34: {  	v3 =	vld.idx.msk [tilespmem:v0+s19+$0x50 ss:$0x1], $0xffff;
	[tilespmem:v0+s18+$0x0 ss:$0x1] =	vst.idx.msk $0xffff, v5;
	s18 =	sadd.s32 $0x100, s18  }
0x35: {  	v4 =	vld.idx.msk [tilespmem:v0+s19+$0x60 ss:$0x1], $0xffff;
	[tilespmem:v0+s18+$0x70 ss:$0x1] =	vst.idx.msk $0xffff, v6  }
0x36: {  	v5 =	vld.idx.msk [tilespmem:v0+s19+$0x0 ss:$0x1], $0xffff;
	[tilespmem:v0+s18+$0x10 ss:$0x1] =	vst.idx.msk $0xffff, v7;
	s19 =	sadd.s32 $0x80, s19  }
0x37: {  	s20 =	sadd.s32 $0xFFFFFFFF, s20;
	v6 =	vld.idx.msk [tilespmem:v0+s19+$0x70 ss:$0x1], $0xffff;
	[tilespmem:v0+s18+$0x20 ss:$0x1] =	vst.idx.msk $0xffff, v8  }
0x38: {  	_ =	sdelay $0x3  }
0x39: {  	[tilespmem:v0+s18+$0x30 ss:$0x1] =	vst.idx.msk $0xffff, v1  }
0x3a: {  	v1 =	vld.idx.msk [tilespmem:v0+s19+$0x10 ss:$0x1], $0xffff;
	[tilespmem:v0+s18+$0x40 ss:$0x1] =	vst.idx.msk $0xffff, v2  }
0x3b: {  	v2 =	vld.idx.msk [tilespmem:v0+s19+$0x20 ss:$0x1], $0xffff;
	[tilespmem:v0+s18+$0x50 ss:$0x1] =	vst.idx.msk $0xffff, v3  }
0x3c: {  	v61 =	vld.idx.msk [tilespmem:v0+s19+$0x40 ss:$0x1], $0xffff;
	[tilespmem:v0+s18+$0x60 ss:$0x1] =	vst.idx.msk $0xffff, v4  }
0x3d: {  	s31 =	sadd.s32 $0x100, s18;
	v62 =	vld.idx.msk [tilespmem:v0+s19+$0x50 ss:$0x1], $0xffff;
	[tilespmem:v0+s18+$0x0 ss:$0x1] =	vst.idx.msk $0xffff, v5  }
0x3e: {  	v63 =	vld.idx.msk [tilespmem:v0+s19+$0x60 ss:$0x1], $0xffff;
	[tilespmem:v0+s31+$0x70 ss:$0x1] =	vst.idx.msk $0xffff, v6  }
0x3f: {  	v3 =	vld.idx.msk [tilespmem:v0+s19+$0x30 ss:$0x1], $0xffff;
	[tilespmem:v0+s31+$0x10 ss:$0x1] =	vst.idx.msk $0xffff, v1  }
0x40: {  	v1 =	vld.idx.msk [tilespmem:v0+s19+$0x0 ss:$0x1], $0xffff;
	[tilespmem:v0+s31+$0x20 ss:$0x1] =	vst.idx.msk $0xffff, v2  }
.Ltmp4:
0x41: {  	[tilespmem:v0+s31+$0x40 ss:$0x1] =	vst.idx.msk $0xffff, v61;
	(pc) =	sbr.rel @p0 .LBB1_4-.Ltmp4, $4  }
0x42: {  	[tilespmem:v0+s31+$0x50 ss:$0x1] =	vst.idx.msk $0xffff, v62  }
0x43: {  	[tilespmem:v0+s31+$0x60 ss:$0x1] =	vst.idx.msk $0xffff, v63  }
0x44: {  	[tilespmem:v0+s31+$0x30 ss:$0x1] =	vst.idx.msk $0xffff, v3  }
0x45: {  	p1 =	por $0x0, $0x0;
	s18 =	simm.s32 $0x1;
	[tilespmem:v0+s31+$0x0 ss:$0x1] =	vst.idx.msk $0xffff, v1  }
0x46: {  	s17 =	sadd.s32 $0x1, s17  }
0x47: {  	p0 =	sne.s32 s17, $0x8  }
.Ltmp5:
0x48: {  	_ = 	snop;
	(pc) =	sbr.rel @p0 .LBB1_3-.Ltmp5, $2  }
0x49: {  	_ =	sdelay $0x2  }
0x4a: {  	s16 =	sadd.s32 $0x2000, s16  }
.Ltmp6:
0x4b: {  	(pc) =	sbr.rel .LBB1_9-.Ltmp6, $4  }
0x4c: {  	_ = 	snop  }
0x4d: {  	s12 =	sshll.u32 s12, $0x8  }
0x4e: {  	s12 =	sadd.s32 s4, s12  }
0x4f: {  	[hbm4b:s12+s8] =	stream.linear.scatter [tilespmem:s13], [sflag:$0x2], $0x4000, $0x38;
	[tilespmem:$0x10000] =	vst v63  }
.LBB1_10:
0x50: {  	_ =	sfence.sel $0x180000  }
0x51: {  	s2 =	simm.s32 $0x1;
	[bflag:$0x0] =	sbarrier.arrive $0xFFFF  }
0x52: {  	s31 =	simm.s32 $0x2;
	[sflag:s2] =	ssyncpa.u1 $0x1  }
0x53: {  	[sflag:s31] =	ssyncpa.u1 $0x1  }
0x54: {  	p0 =	sne.s32 s0, $0x0;
	_ =	strace $0x90000047  }
0x55: {  	s0 =	sadd.s32 @!p0 $0x100000, s1;
	[bflag:$0x2] =	sbarrier.arrive $0xFFFF  }
0x56: {  	[sflag:s0] =	ssyncadd.tile.s32 @!p0 $0x1;
	_ =	shalt  }
.Lfunc_end1:
_tile_overlayer_lowered:
.L_overlay_start_2:
0x57: {  	(tag) =	ssettag $0x2  }
0x58: {  	s0 =	rddreg [dreg:$0x0];
	s2 =	stileid.u32  }
0x59: {  	s1 =	rddreg [dreg:$0x1];
	p0 =	sne.s32 s2, $0x0  }
0x5a: {  	s3 =	rddreg [dreg:$0x2];
	[bflag:$0x3] =	sbarrier.arrive $0xFFFF;
	s2 =	simm.s32 @!p0 $0x1C01  }
0x5b: {  	[timem:s3], [sflag:s2] =	dma.local @!p0 [hbm:s0], s1  }
0x5c: {  	s0 =	simm.s32 @!p0 $0x1  }
0x5d: {  	_ =	swait.ge @!p0 [sflag:s0], s1  }
0x5e: {  	s1 =	ssub.s32 @!p0 $0x0, s1;
	[sflag:s0] =	ssyncset.done @!p0 $0x0  }
0x5f: {  	[sflag:s0] =	ssyncadd.s32 @!p0 s1  }
0x60: {  	[bflag:$0x3] =	sbarrier.arrive $0xFFFF  }
0x61: {  	_ =	shalt  }

// kernel: sparse-core-data-format-call.cloned.1.call-start
scs
called_computation_lowered:
.L_overlay_start_0:
0x0: {  	s2 =	sld [smem:$0x3FD9]  }
0x1: {  	s3 =	sld [smem:$0x3FFE];
	_ =	sdelay $0x1  }
0x2: {  	s1 =	srdreg.scid  }
0x3: {  	s0 =	sand.u32 $0x1, s1  }
0x4: {  	s18 =	sshll.u32 s0, $0xA;
	s2 =	sadd.s32 s3, s2  }
0x5: {  	s2 =	sadd.s32 s2, s18  }
0x6: {  	[smem:$0x3FC4] =	sst s2  }
0x7: {  	_ = 	snop  }
0x8: {  	s19 =	sld [smem:$0x3FC7];
	(tm) =	ssettm $0x1  }
0x9: {  	s20 =	sld [smem:$0x3FFB];
	_ =	sdelay $0x3  }
0xa: {  	_ =	strace s20  }
0xb: {  	s2 =	sld [smem:$0x3FFC];
	_ =	sdelay $0x3  }
0xc: {  	_ =	strace s2  }
0xd: {  	s2 =	sld [smem:$0x3FFD];
	_ =	sdelay $0x3  }
0xe: {  	_ =	strace s2  }
0xf: {  	_ =	strace $0x8FFFFFFF  }
0x10: {  	s21 =	sld [smem:$0x3FDB];
	_ =	sdelay $0x1  }
0x11: {  	s4 =	simm.s32 $_scs_section_size  }
0x12: {  	s5 =	simm.s32 $_size__tile_overlayer_lowered;
	s6 =	simm.s32 $_tile_overlayer_lowered  }
0x13: {  	s7 =	simm.s32 $0x1BFF;
	s22 =	sshll.u32 s6, $0x1;
	s4 =	sadd.s32 s4, s21  }
0x14: {  	s23 =	simm.s32 $0x0;
	s5 =	sshll.u32 s5, $0x1;
	s6 =	sadd.s32 s22, s4  }
0x15: {  	[timem:s23], [sflag:s7] =	dma.local [hbm:s6], s5  }
0x16: {  	_ =	swait.ge [sflag:s7], s5  }
0x17: {  	s5 =	ssub.s32 $0x0, s5;
	[sflag:s7] =	ssyncset.done $0x0  }
0x18: {  	[sflag:s7] =	ssyncadd.s32 s5;
	_ =	sdelay $0x1  }
0x19: {  	s24 =	simm.s32 $0x1B8B  }
0x1a: {  	_ =	swait.ge [sflag:s24], $0x1  }
0x1b: {  	[sflag:s24] =	ssyncset.done $0x0  }
0x1c: {  	[sflag:s24] =	ssyncadd.s32 $0xFFFFFFFF  }
0x1d: {  	s5 =	sld [smem:$0x0]  }
0x1e: {  	s6 =	sand.u32 $0xFFFFFFFE, s1  }
0x1f: {  	p0 =	sne.s32 s1, s6  }
0x20: {  	s6 =	sshll.u32 @p0 s6, $0xE  }
0x21: {  	s6 =	sadd.s32 @p0 $0x11B8D, s6;
	s7 =	sshll.u32 @p0 s5, $0x11  }
0x22: {  	s6 =	sor.u32 @p0 s7, s6  }
0x23: {  	[sflag:s6] =	ssyncadd.remote.s32 @p0 $0x1;
	_ =	sdelay $0x1  }
0x24: {  	s6 =	simm.s32 @p0 $0x1B8D  }
0x25: {  	_ =	swait.eq @p0 [sflag:s6], $0x1  }
0x26: {  	[sflag:s6] =	ssyncadd.s32 @p0 $0xFFFFFFFF  }
0x27: {  	s7 =	sshll.u32 @!p0 s1, $0xE  }
0x28: {  	s7 =	sor.u32 @!p0 $0x4000, s7;
	s6 =	simm.s32 @!p0 $0x1B8D  }
0x29: {  	s5 =	sshll.u32 @!p0 s5, $0x11;
	s7 =	sadd.s32 @!p0 $0x11B8D, s7;
	_ =	swait.eq @!p0 [sflag:s6], $0x1  }
0x2a: {  	s5 =	sor.u32 @!p0 s5, s7;
	[sflag:s6] =	ssyncadd.s32 @!p0 $0xFFFFFFFF  }
0x2b: {  	s26 =	simm.s32 $0x1B8E;
	s25 =	sld [smem:$0x3FFE];
	[sflag:s5] =	ssyncadd.remote.s32 @!p0 $0x1  }
0x2c: {  	s27 =	simm.s32 $execute0_lowered;
	[smem:$0x3FD2] =	sst s26  }
0x2d: {  	s6 =	sshll.u32 s27, $0x1;
	_ =	strace $0x80000049;
	[dreg:$0x1] =	wrdreg $0xFFFFFFFF  }
0x2e: {  	s28 =	simm.s32 $_size_execute0_lowered;
	s4 =	sadd.s32 s4, s6;
	[dreg:$0x0] =	wrdreg $0x0  }
0x2f: {  	s6 =	sshll.u32 s28, $0x1;
	[dreg:$0x2] =	wrdreg s4  }
0x30: {  	[dreg:$0x3] =	wrdreg s6  }
0x31: {  	[dreg:$0x4] =	wrdreg $0xC0  }
0x32: {  	_ =	task [dreg:s23], $0x5FFFF  }
0x33: {  	[dreg:$0x1] =	wrdreg $0xFFFFFFFF  }
0x34: {  	[dreg:$0x0] =	wrdreg $0x60  }
0x35: {  	[dreg:$0x2] =	wrdreg s19  }
0x36: {  	[dreg:$0x3] =	wrdreg s25  }
0x37: {  	[dreg:$0x4] =	wrdreg $0x9  }
0x38: {  	_ =	task.clear_ibuf [dreg:s23], $0x5FFFF;
	_ =	strace $0x90000049  }
0x39: {  	s29 =	simm.s32 $0x9;
	_ =	strace $0x8000004B  }
0x3a: {  	_ =	swait.ge [sflag:s29], $0x1  }
0x3b: {  	[sflag:s29] =	ssyncadd.s32 $0xFFFFFFFF  }
0x3c: {  	_ =	strace $0x9000004B  }
0x3d: {  	_ =	sfence  }
0x3e: {  	s30 =	sld [smem:$0x0];
	_ =	sdelay $0x2  }
0x3f: {  	s31 =	sshll.u32 s1, $0xD;
	s1 =	sshrl.u32 s1, $0x2  }
0x40: {  	s4 =	sand.u32 $0x4000, s31;
	s1 =	sadd.s32 s1, s30  }
0x41: {  	s0 =	sor.u32 s4, s0;
	s1 =	sshll.u32 s1, $0x11  }
0x42: {  	s0 =	sor.u32 s1, s0  }
0x43: {  	s0 =	sadd.s32 $0x8F2B, s0  }
0x44: {  	[sflag:s0] =	ssyncadd.remote.s32 $0x1  }
0x45: {  	_ =	sfence.sel $0xFFFF  }
0x46: {  	[dreg:$0x0] =	wrdreg $0xFFFFFFFF;
	(pc) =	sbr.abs _section_cstart, $3  }
0x47: {  	[dreg:$0x1] =	wrdreg $0xFFFFFFFF  }
0x48: {  	_ =	task.clear_ibuf [dreg:s23], $0x2FFFF;
	_ =	strace $0x9FFFFFFF  }
0x49: {  	(tm) =	ssettm $0x7FFFFFFF  }
tec
execute0_lowered:
.L_overlay_start_1:
0x0: {  	(tag) =	ssettag $0x1  }
0x1: {  	s0 =	srdreg.scid  }
0x2: {  	s1 =	sshll.u32 s0, $0x4  }
0x3: {  	s2 =	rddreg [dreg:$0x0];
	s0 =	stileid.u32;
	s1 =	sand.u32 $0x10, s1  }
0x4: {  	s4 =	rddreg [dreg:$0x1];
	s7 =	simm.s32 $0x1;
	s1 =	sor.u32 s0, s1  }
0x5: {  	s8 =	simm.s32 $0x2;
	s9 =	simm.s32 $0x0;
	s3 =	sshll.u32 s1, $0x3  }
0x6: {  	s12 =	simm.s32 $0x0;
	s11 =	simm.s32 $0x0;
	s6 =	ssub.s32 $0x2000, s3  }
.Ltmp0:
0x7: {  	s4 =	sadd.s32 $0x201200, s4;
	s5 =	sand.u32 $0xF8, s6;
	(pc) =	sbr.rel .LBB1_1-.Ltmp0, $4  }
0x8: {  	s1 =	rddreg [dreg:$0x2];
	_ =	strace $0x8000004A;
	p0 =	sne.s32 s5, $0x0  }
0x9: {  	s6 =	sshrl.u32 s6, $0x8;
	s5 =	simm.s32 $0x1;
	s7 =	simm.s32 @!p0 $0x0  }
0xa: {  	s10 =	smov.u32 s3;
	[sflag:s5] =	ssyncpa.u1 $0x0;
	s6 =	sadd.s32 s7, s6  }
0xb: {  	[sflag:s8] =	ssyncpa.u1 $0x0;
	s8 =	simm.s32 $0x0;
	s7 =	sadd.s32 $0x1, s6  }
.LBB1_9:
0xc: {  	s14 =	sadd.s32 $0x100, s10  }
0xd: {  	p1 =	sgt.s32 s14, $0x1FFF  }
0xe: {  	s14 =	smov.u32 @p1 s3;
	p1 =	sne.s32 s11, s7  }
.Ltmp1:
0xf: {  	p0 =	slt.u32 s11, $0x2;
	(pc) =	sbr.rel @!p1 .LBB1_10-.Ltmp1, $4  }
0x10: {  	s13 =	simm.s32 @!p0 $0x2  }
0x11: {  	s15 =	sadd.s32 $0x1, s11;
	_ =	swait.ge @!p0 [sflag:s13], $0x4000  }
0x12: {  	s12 =	smov.u32 s10;
	s9 =	sadd.s32 $0x4000, s9;
	[sflag:s13] =	ssyncset.done @!p0 $0x0  }
0x13: {  	s11 =	smov.u32 s15;
	s10 =	smov.u32 s14;
	[sflag:s13] =	ssyncadd.s32 @!p0 $0xFFFFC000  }
.LBB1_1:
0x14: {  	p0 =	sge.u32 s11, s6  }
0x15: {  	s13 =	sxor.u32 @!p0 $0xFFFFFFFF, s11  }
0x16: {  	s31 =	sadd.s32 $0xFFFFFFFF, s11;
	s14 =	sshll.u32 @!p0 s10, $0x8;
	s13 =	sshll.u32 @!p0 s13, $0xE  }
0x17: {  	s15 =	simm.s32 @!p0 $0x0;
	s14 =	sadd.s32 @!p0 s2, s14;
	s13 =	sand.u32 @!p0 $0x4000, s13  }
0x18: {  	[tilespmem:s13], [sflag:$0x1] =	stream.linear.gather @!p0 [hbm4b:s14+s15], $0x4000, $0x38;
	[tilespmem:$0x10000] =	vst v63  }
0x19: {  	p0 =	sge.u32 s31, s6  }
.Ltmp2:
0x1a: {  	_ = 	snop;
	(pc) =	sbr.rel @p0 .LBB1_9-.Ltmp2, $1  }
0x1b: {  	_ =	sdelay $0x3  }
0x1c: {  	s13 =	sshll.u32 s9, $0x2;
	_ =	swait.ge [sflag:s5], $0x4000;
	s14 =	sshll.u32 s11, $0xE  }
0x1d: {  	s16 =	simm.s32 $0x0;
	s17 =	simm.s32 $0x0;
	s15 =	sand.u32 $0x10000, s13  }
0x1e: {  	[sflag:s5] =	ssyncset.done $0x0;
	s31 =	sand.u32 $0x4000, s14;
	s14 =	sshrl.u32 s15, $0x2  }
0x1f: {  	[sflag:s5] =	ssyncadd.s32 $0xFFFFC000;
	s13 =	sor.u32 $0x8000, s31;
	s15 =	sor.u32 $0x8000, s14  }
.LBB1_3:
0x20: {  	s18 =	sshra.s32 s16, $0x2  }
0x21: {  	v0 =	vmov s18;
	_ =	sdelay $0x3  }
0x22: {  	p1 =	por $0x1, $0x1;
	s18 =	simm.s32 $0x0  }
.LBB1_4:
0x23: {  	_ = 	snop  }
0x24: {  	s19 =	sshll.u32 s18, $0xA  }
0x25: {  	s19 =	sand.u32 $0x3FFFFC00, s19  }
0x26: {  	s19 =	sadd.s32 s19, s14  }
0x27: {  	v5 =	vld.idx.msk [tilespmem:v0+s19+$0x70 ss:$0x1], $0xffff  }
0x28: {  	v6 =	vld.idx.msk [tilespmem:v0+s19+$0x10 ss:$0x1], $0xffff  }
0x29: {  	v7 =	vld.idx.msk [tilespmem:v0+s19+$0x20 ss:$0x1], $0xffff  }
0x2a: {  	s31 =	sshll.u32 s18, $0x7;
	v1 =	vld.idx.msk [tilespmem:v0+s19+$0x30 ss:$0x1], $0xffff  }
0x2b: {  	s18 =	sand.u32 $0x3FFFFF80, s31;
	v2 =	vld.idx.msk [tilespmem:v0+s19+$0x40 ss:$0x1], $0xffff  }
0x2c: {  	s18 =	sadd.s32 s18, s15;
	v3 =	vld.idx.msk [tilespmem:v0+s19+$0x50 ss:$0x1], $0xffff  }
0x2d: {  	v4 =	vld.idx.msk [tilespmem:v0+s19+$0x60 ss:$0x1], $0xffff;
	[tilespmem:v0+s18+$0x70 ss:$0x1] =	vst.idx.msk $0xffff, v5  }
0x2e: {  	v5 =	vld.idx.msk [tilespmem:v0+s19+$0x0 ss:$0x1], $0xffff;
	[tilespmem:v0+s18+$0x10 ss:$0x1] =	vst.idx.msk $0xffff, v6;
	s19 =	sadd.s32 $0x80, s19  }
0x2f: {  	p0 =	por p1, p1;
	s20 =	simm.s32 $0x6;
	[tilespmem:v0+s18+$0x20 ss:$0x1] =	vst.idx.msk $0xffff, v7;
	v6 =	vld.idx.msk [tilespmem:v0+s19+$0x70 ss:$0x1], $0xffff  }
.LBB1_5:
0x30: {  	p1 =	sne.s32 s20, $0x1;
	v7 =	vld.idx.msk [tilespmem:v0+s19+$0x10 ss:$0x1], $0xffff;
	[tilespmem:v0+s18+$0x30 ss:$0x1] =	vst.idx.msk $0xffff, v1  }
0x31: {  	v8 =	vld.idx.msk [tilespmem:v0+s19+$0x20 ss:$0x1], $0xffff;
	[tilespmem:v0+s18+$0x40 ss:$0x1] =	vst.idx.msk $0xffff, v2  }
0x32: {  	v1 =	vld.idx.msk [tilespmem:v0+s19+$0x30 ss:$0x1], $0xffff;
	[tilespmem:v0+s18+$0x50 ss:$0x1] =	vst.idx.msk $0xffff, v3  }
.Ltmp3:
0x33: {  	v2 =	vld.idx.msk [tilespmem:v0+s19+$0x40 ss:$0x1], $0xffff;
	[tilespmem:v0+s18+$0x60 ss:$0x1] =	vst.idx.msk $0xffff, v4;
	(pc) =	sbr.rel @p1 .LBB1_5-.Ltmp3, $4  }
0x34: {  	v3 =	vld.idx.msk [tilespmem:v0+s19+$0x50 ss:$0x1], $0xffff;
	[tilespmem:v0+s18+$0x0 ss:$0x1] =	vst.idx.msk $0xffff, v5;
	s18 =	sadd.s32 $0x100, s18  }
0x35: {  	v4 =	vld.idx.msk [tilespmem:v0+s19+$0x60 ss:$0x1], $0xffff;
	[tilespmem:v0+s18+$0x70 ss:$0x1] =	vst.idx.msk $0xffff, v6  }
0x36: {  	v5 =	vld.idx.msk [tilespmem:v0+s19+$0x0 ss:$0x1], $0xffff;
	[tilespmem:v0+s18+$0x10 ss:$0x1] =	vst.idx.msk $0xffff, v7;
	s19 =	sadd.s32 $0x80, s19  }
0x37: {  	s20 =	sadd.s32 $0xFFFFFFFF, s20;
	v6 =	vld.idx.msk [tilespmem:v0+s19+$0x70 ss:$0x1], $0xffff;
	[tilespmem:v0+s18+$0x20 ss:$0x1] =	vst.idx.msk $0xffff, v8  }
0x38: {  	_ =	sdelay $0x3  }
0x39: {  	[tilespmem:v0+s18+$0x30 ss:$0x1] =	vst.idx.msk $0xffff, v1  }
0x3a: {  	v1 =	vld.idx.msk [tilespmem:v0+s19+$0x10 ss:$0x1], $0xffff;
	[tilespmem:v0+s18+$0x40 ss:$0x1] =	vst.idx.msk $0xffff, v2  }
0x3b: {  	v2 =	vld.idx.msk [tilespmem:v0+s19+$0x20 ss:$0x1], $0xffff;
	[tilespmem:v0+s18+$0x50 ss:$0x1] =	vst.idx.msk $0xffff, v3  }
0x3c: {  	v61 =	vld.idx.msk [tilespmem:v0+s19+$0x40 ss:$0x1], $0xffff;
	[tilespmem:v0+s18+$0x60 ss:$0x1] =	vst.idx.msk $0xffff, v4  }
0x3d: {  	s31 =	sadd.s32 $0x100, s18;
	v62 =	vld.idx.msk [tilespmem:v0+s19+$0x50 ss:$0x1], $0xffff;
	[tilespmem:v0+s18+$0x0 ss:$0x1] =	vst.idx.msk $0xffff, v5  }
0x3e: {  	v63 =	vld.idx.msk [tilespmem:v0+s19+$0x60 ss:$0x1], $0xffff;
	[tilespmem:v0+s31+$0x70 ss:$0x1] =	vst.idx.msk $0xffff, v6  }
0x3f: {  	v3 =	vld.idx.msk [tilespmem:v0+s19+$0x30 ss:$0x1], $0xffff;
	[tilespmem:v0+s31+$0x10 ss:$0x1] =	vst.idx.msk $0xffff, v1  }
0x40: {  	v1 =	vld.idx.msk [tilespmem:v0+s19+$0x0 ss:$0x1], $0xffff;
	[tilespmem:v0+s31+$0x20 ss:$0x1] =	vst.idx.msk $0xffff, v2  }
.Ltmp4:
0x41: {  	[tilespmem:v0+s31+$0x40 ss:$0x1] =	vst.idx.msk $0xffff, v61;
	(pc) =	sbr.rel @p0 .LBB1_4-.Ltmp4, $4  }
0x42: {  	[tilespmem:v0+s31+$0x50 ss:$0x1] =	vst.idx.msk $0xffff, v62  }
0x43: {  	[tilespmem:v0+s31+$0x60 ss:$0x1] =	vst.idx.msk $0xffff, v63  }
0x44: {  	[tilespmem:v0+s31+$0x30 ss:$0x1] =	vst.idx.msk $0xffff, v3  }
0x45: {  	p1 =	por $0x0, $0x0;
	s18 =	simm.s32 $0x1;
	[tilespmem:v0+s31+$0x0 ss:$0x1] =	vst.idx.msk $0xffff, v1  }
0x46: {  	s17 =	sadd.s32 $0x1, s17  }
0x47: {  	p0 =	sne.s32 s17, $0x8  }
.Ltmp5:
0x48: {  	_ = 	snop;
	(pc) =	sbr.rel @p0 .LBB1_3-.Ltmp5, $2  }
0x49: {  	_ =	sdelay $0x2  }
0x4a: {  	s16 =	sadd.s32 $0x2000, s16  }
.Ltmp6:
0x4b: {  	(pc) =	sbr.rel .LBB1_9-.Ltmp6, $4  }
0x4c: {  	_ = 	snop  }
0x4d: {  	s12 =	sshll.u32 s12, $0x8  }
0x4e: {  	s12 =	sadd.s32 s4, s12  }
0x4f: {  	[hbm4b:s12+s8] =	stream.linear.scatter [tilespmem:s13], [sflag:$0x2], $0x4000, $0x38;
	[tilespmem:$0x10000] =	vst v63  }
.LBB1_10:
0x50: {  	_ =	sfence.sel $0x180000  }
0x51: {  	s2 =	simm.s32 $0x1;
	[bflag:$0x0] =	sbarrier.arrive $0xFFFF  }
0x52: {  	s31 =	simm.s32 $0x2;
	[sflag:s2] =	ssyncpa.u1 $0x1  }
0x53: {  	[sflag:s31] =	ssyncpa.u1 $0x1  }
0x54: {  	p0 =	sne.s32 s0, $0x0;
	_ =	strace $0x9000004A  }
0x55: {  	s0 =	sadd.s32 @!p0 $0x100000, s1;
	[bflag:$0x2] =	sbarrier.arrive $0xFFFF  }
0x56: {  	[sflag:s0] =	ssyncadd.tile.s32 @!p0 $0x1;
	_ =	shalt  }
.Lfunc_end1:
_tile_overlayer_lowered:
.L_overlay_start_2:
0x57: {  	(tag) =	ssettag $0x2  }
0x58: {  	s0 =	rddreg [dreg:$0x0];
	s2 =	stileid.u32  }
0x59: {  	s1 =	rddreg [dreg:$0x1];
	p0 =	sne.s32 s2, $0x0  }
0x5a: {  	s3 =	rddreg [dreg:$0x2];
	[bflag:$0x3] =	sbarrier.arrive $0xFFFF;
	s2 =	simm.s32 @!p0 $0x1C01  }
0x5b: {  	[timem:s3], [sflag:s2] =	dma.local @!p0 [hbm:s0], s1  }
0x5c: {  	s0 =	simm.s32 @!p0 $0x1  }
0x5d: {  	_ =	swait.ge @!p0 [sflag:s0], s1  }
0x5e: {  	s1 =	ssub.s32 @!p0 $0x0, s1;
	[sflag:s0] =	ssyncset.done @!p0 $0x0  }
0x5f: {  	[sflag:s0] =	ssyncadd.s32 @!p0 s1  }
0x60: {  	[bflag:$0x3] =	sbarrier.arrive $0xFFFF  }
0x61: {  	_ =	shalt  }

</sc_bundles>
